<compile_context>
chip_gen: v7x
topology: tpu7x:2x2x1
jax: 0.10.2.dev20260603
libtpu: 0.0.44.dev20260713+nightly
codegen_flags: <defaults>
</compile_context>

<pallas_src>
import functools
import jax
import jax.numpy as jnp
from jax import lax
from jax.experimental import pallas as pl
from jax.experimental.pallas import tpu as pltpu
from jax.experimental.pallas import tpu_sc as plsc

B = 8
N = 5000
NP = 5120
C = 80
K1 = 300
S1 = 384
K2 = 208
S2 = 224
F = C * S1
CONF_T = 0.01
IOU_T = 0.45
ONE_BITS = 0x3F800000


def _select_positions(sbits, k, n_idx):
    G, M = sbits.shape
    R = M // 128

    def vbody(_, carry):
        lo, hi = carry
        mid = (lo + hi + 1) // 2
        cnt = jnp.sum((sbits >= mid).astype(jnp.float32), axis=-1, keepdims=True)
        take = cnt >= float(k)
        return jnp.where(take, mid, lo), jnp.where(take, hi, mid - 1)

    lo0 = jnp.zeros((G, 1), jnp.int32)
    hi0 = jnp.full((G, 1), ONE_BITS, jnp.int32)
    tau, _ = lax.fori_loop(0, 31, vbody, (lo0, hi0))

    cnt_gt = jnp.sum((sbits > tau).astype(jnp.float32), axis=-1, keepdims=True)
    rem = float(k) - cnt_gt
    eq = sbits == tau
    idx = lax.broadcasted_iota(jnp.int32, (G, M), 1)

    def ibody(_, carry):
        lo, hi = carry
        mid = (lo + hi) // 2
        cnt = jnp.sum((eq & (idx < mid)).astype(jnp.float32), axis=-1,
                      keepdims=True)
        ge = cnt >= rem
        return jnp.where(ge, lo, mid + 1), jnp.where(ge, mid, hi)

    lo0 = jnp.zeros((G, 1), jnp.int32)
    hi0 = jnp.full((G, 1), n_idx, jnp.int32)
    _, m = lax.fori_loop(0, 15, ibody, (lo0, hi0))

    cand = (sbits > tau) | (eq & (idx < m))
    cf = cand.astype(jnp.float32).reshape(G * R, 128)
    tri_l = (lax.broadcasted_iota(jnp.int32, (128, 128), 0)
             < lax.broadcasted_iota(jnp.int32, (128, 128), 1)).astype(jnp.float32)
    within = jnp.dot(cf, tri_l, preferred_element_type=jnp.float32)
    rows = jnp.sum(cf.reshape(G, R, 128), axis=-1)
    tri_r = (lax.broadcasted_iota(jnp.int32, (R, R), 0)
             < lax.broadcasted_iota(jnp.int32, (R, R), 1)).astype(jnp.float32)
    carry = jnp.dot(rows, tri_r, preferred_element_type=jnp.float32)
    pos = within.reshape(G, R, 128) + carry[:, :, None]
    pos = pos.reshape(G, M).astype(jnp.int32)
    return jnp.where(cand, pos, -1)


def _tc_a_body(sb_ref, posn_ref):
    posn_ref[0] = _select_positions(sb_ref[0], K1, NP)


def _tc_c_body(sb_ref, posn_ref):
    posn_ref[0] = _select_positions(sb_ref[0], K2, F)


def _rank_and_sort(s, ii, chans):
    G, S = s.shape
    lt = lax.broadcasted_iota(jnp.int32, (G, S, S), 2)
    lu = None
    su, st = s[:, :, None], s[:, None, :]
    iu, it = ii[:, :, None], ii[:, None, :]
    del lu
    cmp = (su > st) | ((su == st) & (iu < it))
    rank = jnp.sum(cmp.astype(jnp.float32), axis=1).astype(jnp.int32)
    oh = (rank[:, :, None] == lt).astype(jnp.float32)
    outs = [jnp.sum(oh * v[:, :, None], axis=1) for v in [s] + chans]
    return outs[0], outs[1:]


def _tc_b_body(cs_ref, ci_ref, cb_ref, outs_ref, outb_ref, souti_ref,
               of_ref, va_ref):
    s = cs_ref[0]
    ii = ci_ref[0]
    bt = cb_ref[0]
    iif = ii.astype(jnp.float32)
    ss, sb = _rank_and_sort(s, ii, [iif] + [bt[:, j, :] for j in range(4)])
    souti_ref[0] = sb[0].astype(jnp.int32)
    sb = sb[1:]
    b0, b1, b2, b3 = sb
    y1 = jnp.minimum(b0, b2)
    x1 = jnp.minimum(b1, b3)
    y2 = jnp.maximum(b0, b2)
    x2 = jnp.maximum(b1, b3)
    area = (y2 - y1) * (x2 - x1)
    iy1 = jnp.maximum(y1[:, :, None], y1[:, None, :])
    ix1 = jnp.maximum(x1[:, :, None], x1[:, None, :])
    iy2 = jnp.minimum(y2[:, :, None], y2[:, None, :])
    ix2 = jnp.minimum(x2[:, :, None], x2[:, None, :])
    inter = jnp.maximum(iy2 - iy1, 0.0) * jnp.maximum(ix2 - ix1, 0.0)
    union = area[:, :, None] + area[:, None, :] - inter
    iou = inter / jnp.maximum(union, 1e-9)
    of_ref[...] = (iou > IOU_T).astype(jnp.float32)
    validf = (ss > CONF_T).astype(jnp.float32)
    va_ref[...] = jnp.broadcast_to(validf[:, :, None], validf.shape + (128,))
    lane = lax.broadcasted_iota(jnp.int32, ss.shape, 1)

    def body(t, keep):
        row = of_ref[:, pl.ds(t, 1), :][:, 0, :]
        sup = jnp.sum(keep * row, axis=1, keepdims=True)
        v_t = va_ref[:, pl.ds(t, 1), :][:, 0, :1]
        newk = jnp.where(sup > 0.0, 0.0, v_t)
        return keep + newk * (lane == t).astype(jnp.float32)

    keep = lax.fori_loop(0, K1 + 4, body, jnp.zeros_like(ss))
    outs_ref[0] = ss * keep
    for j in range(4):
        outb_ref[0, :, j, :] = sb[j] * keep


def _tc_d_body(cs_ref, ci_ref, cb_ref, out_ref):
    b = pl.program_id(0)
    s = cs_ref[0]
    ii = ci_ref[0]
    bt = cb_ref[0]
    iif = ii.astype(jnp.float32)
    ss, sc = _rank_and_sort(s, ii, [iif] + [bt[j][None, :] for j in range(4)])
    si = sc[0].astype(jnp.int32) - b * F
    cls = lax.div(si, S1)
    kept = ss > 0.0
    clsf = jnp.where(kept, cls, 0).astype(jnp.float32) + 1.0
    out_ref[0, 0, :] = clsf[0, :200]
    out_ref[0, 1, :] = ss[0, :200]
    for j in range(4):
        bx = jnp.where(kept, jnp.clip(sc[1 + j], 0.0, 1.0), 0.0)
        out_ref[0, 2 + j, :] = bx[0, :200]


def _sc_compact(posn, vals, oidx, boxes, n_rows, n_src, slots, per_worker,
                rows_per_batch, idx_base, n_chunks=1):
    srows = slots // 128
    mesh = plsc.VectorSubcoreMesh(core_axis_name="c", subcore_axis_name="s")
    n_work = (n_rows + per_worker - 1) // per_worker
    has_o = oidx is not None
    CL = n_src // n_chunks

    scratch = [
        pltpu.VMEM((CL,), jnp.int32),
        pltpu.VMEM((CL,), jnp.float32),
        pltpu.VMEM((srows, 128), jnp.float32),
        pltpu.VMEM((srows, 128), jnp.int32),
        pltpu.VMEM((NP, 4), jnp.float32),
        pltpu.VMEM((4, slots), jnp.float32),
    ]
    if has_o:
        scratch += [pltpu.VMEM((CL,), jnp.int32),
                    pltpu.VMEM((srows, 128), jnp.int32)]

    @functools.partial(
        pl.kernel, mesh=mesh,
        compiler_params=pltpu.CompilerParams(needs_layout_passes=False, use_tc_tiling_on_sc=False),
        out_type=(
            pltpu.HBM((n_rows, srows, 128), jnp.float32),
            pltpu.HBM((n_rows, srows, 128), jnp.int32),
            pltpu.HBM((n_rows, 4, slots), jnp.float32),
        ),
        scratch_types=scratch,
    )
    def k(posn_hbm, vals_hbm, *args):
        if has_o:
            (oidx_hbm, boxes_hbm, ov_hbm, oi_hbm, ob_hbm,
             pos_v, val_v, cs_v, ci_v, box_v, ob4_v, oid_v, co_v) = args
        else:
            (boxes_hbm, ov_hbm, oi_hbm, ob_hbm,
             pos_v, val_v, cs_v, ci_v, box_v, ob4_v) = args
        wid = lax.axis_index("s") * 2 + lax.axis_index("c")

        @pl.when(wid < n_work)
        def _():
            b0 = lax.div(wid * per_worker, rows_per_batch)
            pltpu.sync_copy(boxes_hbm.at[pl.ds(b0 * NP, NP)], box_v)

            def do_row(r, _):
                p = wid * per_worker + r

                @pl.when(p < n_rows)
                def _():
                    zf = jnp.zeros((16,), jnp.float32)
                    zi = jnp.zeros((16,), jnp.int32)
                    pad_lane = lax.iota(jnp.int32, 16)
                    for rr in range(srows):
                        for j in range(8):
                            cs_v[rr, pl.ds(j * 16, 16)] = zf
                            ci_v[rr, pl.ds(j * 16, 16)] = (
                                pad_lane + (4194304 + rr * 128 + j * 16))
                            if has_o:
                                co_v[rr, pl.ds(j * 16, 16)] = zi
                    base = lax.div(p, rows_per_batch) * idx_base
                    box_base = lax.div(p, rows_per_batch) * NP
                    lane = lax.iota(jnp.int32, 16)

                    for ch in range(n_chunks):
                        pltpu.sync_copy(posn_hbm.at[p, pl.ds(ch * CL, CL)],
                                        pos_v)
                        pltpu.sync_copy(vals_hbm.at[p, pl.ds(ch * CL, CL)],
                                        val_v)
                        if has_o:
                            pltpu.sync_copy(oidx_hbm.at[p, pl.ds(ch * CL, CL)],
                                            oid_v)
                        cbase = ch * CL + base

                        def scat(j, _):
                            pv = pos_v[pl.ds(j * 16, 16)]
                            sv = val_v[pl.ds(j * 16, 16)]
                            msk = pv >= 0
                            pvc = jnp.maximum(pv, 0)
                            prow = lax.shift_right_logical(pvc, 7)
                            pcol = pvc & 127
                            iv = lane + (j * 16 + cbase)
                            plsc.store_scatter(cs_v, [prow, pcol], sv,
                                               mask=msk)
                            plsc.store_scatter(ci_v, [prow, pcol], iv,
                                               mask=msk)
                            if has_o:
                                ov = oid_v[pl.ds(j * 16, 16)]
                                plsc.store_scatter(co_v, [prow, pcol], ov,
                                                   mask=msk)
                            return 0

                        lax.fori_loop(0, CL // 16, scat, 0)
                    src_v = co_v if has_o else ci_v
                    for j2 in range(slots // 16):
                        rr, off = j2 // 8, (j2 % 8) * 16
                        gid = src_v[rr, pl.ds(off, 16)]
                        loc = jnp.clip(gid - box_base, 0, NP - 1)
                        for cj in range(4):
                            g = plsc.load_gather(
                                box_v, [loc, jnp.full((16,), cj, jnp.int32)])
                            ob4_v[cj, pl.ds(j2 * 16, 16)] = g
                    pltpu.sync_copy(cs_v, ov_hbm.at[p])
                    pltpu.sync_copy(ci_v, oi_hbm.at[p])
                    pltpu.sync_copy(ob4_v, ob_hbm.at[p])
                return 0

            lax.fori_loop(0, per_worker, do_row, 0)

    if has_o:
        return k(posn, vals, oidx, boxes)
    return k(posn, vals, boxes)


def kernel(inputs):
    inputs = inputs.astype(jnp.float32)
    scores = jnp.transpose(inputs[:, :, 1:81], (0, 2, 1))
    scores = jnp.pad(scores, ((0, 0), (0, 0), (0, NP - N)),
                     constant_values=-1.0)
    boxes = inputs[:, :, 81:85]
    boxes_flat = jnp.pad(boxes, ((0, 0), (0, NP - N), (0, 0))
                         ).reshape(B * NP, 4)
    sbits = lax.bitcast_convert_type(scores, jnp.int32)

    posn = pl.pallas_call(
        _tc_a_body,
        grid=(B,),
        in_specs=[pl.BlockSpec((1, C, NP), lambda b: (b, 0, 0))],
        out_specs=pl.BlockSpec((1, C, NP), lambda b: (b, 0, 0)),
        out_shape=jax.ShapeDtypeStruct((B, C, NP), jnp.int32),
    )(sbits)

    cs, ci, cb = _sc_compact(
        posn.reshape(B * C, NP), scores.reshape(B * C, NP), None, boxes_flat,
        n_rows=B * C, n_src=NP, slots=S1, per_worker=20, rows_per_batch=C,
        idx_base=NP)

    cs = cs.reshape(B, C, S1)
    ci = ci.reshape(B, C, S1)
    cbT = cb.reshape(B, C, 4, S1)

    Cc = 8
    outs, outb, souti = pl.pallas_call(
        _tc_b_body,
        grid=(B, C // Cc),
        in_specs=[
            pl.BlockSpec((1, Cc, S1), lambda b, c: (b, c, 0)),
            pl.BlockSpec((1, Cc, S1), lambda b, c: (b, c, 0)),
            pl.BlockSpec((1, Cc, 4, S1), lambda b, c: (b, c, 0, 0)),
        ],
        out_specs=[
            pl.BlockSpec((1, Cc, S1), lambda b, c: (b, c, 0)),
            pl.BlockSpec((1, Cc, 4, S1), lambda b, c: (b, c, 0, 0)),
            pl.BlockSpec((1, Cc, S1), lambda b, c: (b, c, 0)),
        ],
        out_shape=[
            jax.ShapeDtypeStruct((B, C, S1), jnp.float32),
            jax.ShapeDtypeStruct((B, C, 4, S1), jnp.float32),
            jax.ShapeDtypeStruct((B, C, S1), jnp.int32),
        ],
        scratch_shapes=[
            pltpu.VMEM((Cc, S1, S1), jnp.float32),
            pltpu.VMEM((Cc, S1, 128), jnp.float32),
        ],
    )(cs, ci, cbT)

    flat_s = outs.reshape(B, F)
    flat_bits = lax.bitcast_convert_type(flat_s, jnp.int32)
    posn2 = pl.pallas_call(
        _tc_c_body,
        grid=(B,),
        in_specs=[pl.BlockSpec((1, 1, F), lambda b: (b, 0, 0))],
        out_specs=pl.BlockSpec((1, 1, F), lambda b: (b, 0, 0)),
        out_shape=jax.ShapeDtypeStruct((B, 1, F), jnp.int32),
    )(flat_bits.reshape(B, 1, F)).reshape(B, F)

    cs2, ci2, cb2 = _sc_compact(
        posn2, flat_s, souti.reshape(B, F), boxes_flat,
        n_rows=B, n_src=F, slots=S2 + 32, per_worker=1, rows_per_batch=1,
        idx_base=F, n_chunks=4)

    cs2 = cs2.reshape(B, S2 + 32)[:, :S2]
    ci2 = ci2.reshape(B, S2 + 32)[:, :S2]
    cb2T = cb2[:, :, :S2]

    out = pl.pallas_call(
        _tc_d_body,
        grid=(B,),
        in_specs=[
            pl.BlockSpec((1, 1, S2), lambda b: (b, 0, 0)),
            pl.BlockSpec((1, 1, S2), lambda b: (b, 0, 0)),
            pl.BlockSpec((1, 4, S2), lambda b: (b, 0, 0)),
        ],
        out_specs=pl.BlockSpec((1, 6, 200), lambda b: (b, 0, 0)),
        out_shape=jax.ShapeDtypeStruct((B, 6, 200), jnp.float32),
    )(cs2.reshape(B, 1, S2), ci2.reshape(B, 1, S2), cb2T)
    return jnp.transpose(out, (0, 2, 1))

# --- scband reference (transcript-rebuilt; emitter-appended) ---
"""Pipeline reference for scband-suppression-2834678415714 (READ-ONLY COPY).

The authoritative reference and input builder live on the scoring server;
editing this copy changes nothing except your own understanding.
"""

import jax, jax.numpy as jnp
import numpy as np

CONF_T = 0.01
IOU_T = 0.45
NNS_K = 300
TOTAL_K = 200
NUM_CLASSES = 80


def _pairwise_iou(boxes):
    # boxes: [K, 4] in (y1, x1, y2, x2); canonicalize like TF NMS does
    y1 = jnp.minimum(boxes[:, 0], boxes[:, 2])
    x1 = jnp.minimum(boxes[:, 1], boxes[:, 3])
    y2 = jnp.maximum(boxes[:, 0], boxes[:, 2])
    x2 = jnp.maximum(boxes[:, 1], boxes[:, 3])
    area = (y2 - y1) * (x2 - x1)
    inter_y1 = jnp.maximum(y1[:, None], y1[None, :])
    inter_x1 = jnp.maximum(x1[:, None], x1[None, :])
    inter_y2 = jnp.minimum(y2[:, None], y2[None, :])
    inter_x2 = jnp.minimum(x2[:, None], x2[None, :])
    ih = jnp.maximum(inter_y2 - inter_y1, 0.0)
    iw = jnp.maximum(inter_x2 - inter_x1, 0.0)
    inter = ih * iw
    union = area[:, None] + area[None, :] - inter
    return inter / jnp.maximum(union, 1e-9)


def _nms_single_class(boxes, scores):
    # boxes: [N, 4], scores: [N] -> up to NNS_K survivors (greedy, score-ordered)
    top_scores, idx = jax.lax.top_k(scores, NNS_K)
    cand_boxes = jnp.take(boxes, idx, axis=0)
    valid = top_scores > CONF_T
    iou = _pairwise_iou(cand_boxes)

    def body(keep, i):
        suppressed = jnp.any(keep & (iou[:, i] > IOU_T))
        keep = keep.at[i].set(valid[i] & jnp.logical_not(suppressed))
        return keep, None

    keep, _ = jax.lax.scan(body, jnp.zeros((NNS_K,), dtype=bool), jnp.arange(NNS_K))
    sel_scores = jnp.where(keep, top_scores, 0.0)
    sel_boxes = jnp.where(keep[:, None], cand_boxes, 0.0)
    return sel_boxes, sel_scores, keep


def _combined_nms(boxes, class_scores):
    # boxes: [N, 4] shared across classes (q=1), class_scores: [N, C]
    per_b, per_s, per_k = jax.vmap(_nms_single_class, in_axes=(None, 1))(boxes, class_scores)
    # per_b: [C, NNS_K, 4], per_s: [C, NNS_K], per_k: [C, NNS_K]
    cls_ids = jnp.broadcast_to(jnp.arange(NUM_CLASSES)[:, None], per_s.shape)
    cls_ids = jnp.where(per_k, cls_ids, 0)
    flat_s = per_s.reshape(-1)
    flat_b = per_b.reshape(-1, 4)
    flat_c = cls_ids.reshape(-1)
    top_s, top_i = jax.lax.top_k(flat_s, TOTAL_K)
    out_boxes = jnp.clip(jnp.take(flat_b, top_i, axis=0), 0.0, 1.0)  # clip_boxes=True default
    out_cls = jnp.take(flat_c, top_i, axis=0)
    return out_boxes, top_s, out_cls


def setup_inputs(seed: int = 0) -> dict:
    key = jax.random.key(seed)
    inputs = jax.random.uniform(key, (8, 5000, 85), dtype=jnp.float32)
    return {"inputs": inputs}


def reference(inputs):
    boxes = inputs[..., -4:]              # [B, N, 4]
    scores = inputs[:, :, 1:-4]           # [B, N, C]
    bboxes, sc, cl = jax.vmap(_combined_nms)(boxes, scores)
    cl = cl.astype(jnp.float32) + 1.0
    return jnp.concatenate([cl[..., None], sc[..., None], bboxes], axis=-1)

if __name__ == "__main__":
    import jax
    _d = setup_inputs()
    print(jax.jit(kernel)(*tuple(_d.values())))

</pallas_src>

<mosaic_0001>
#map = affine_map<(d0, d1) -> (0, 0)>
#map1 = affine_map<(d0, d1) -> (0, 0, 0)>
module attributes {stable_mosaic.version = 14 : i64} {
  func.func @k(%arg0: i32, %arg1: i32, %arg2: memref<640x5120xi32, #tpu.memory_space<hbm>>, %arg3: memref<640x5120xf32, #tpu.memory_space<hbm>>, %arg4: memref<40960x4xf32, #tpu.memory_space<hbm>>, %arg5: memref<640x3x128xf32, #tpu.memory_space<hbm>>, %arg6: memref<640x3x128xi32, #tpu.memory_space<hbm>>, %arg7: memref<640x4x384xf32, #tpu.memory_space<hbm>>, %arg8: memref<5120xi32, #tpu.memory_space<vmem>>, %arg9: memref<5120xf32, #tpu.memory_space<vmem>>, %arg10: memref<3x128xf32, #tpu.memory_space<vmem>>, %arg11: memref<3x128xi32, #tpu.memory_space<vmem>>, %arg12: memref<5120x4xf32, #tpu.memory_space<vmem>>, %arg13: memref<4x384xf32, #tpu.memory_space<vmem>>) attributes {dimension_semantics = [#tpu.dimension_semantics<core_parallel>, #tpu.dimension_semantics<subcore_parallel>], iteration_bounds = array<i64: 2, 16>, scalar_prefetch = 0 : i64, scratch_operands = 6 : i64, tpu.core_type = #tpu.core_type<sc_vector_subcore>, window_params = [{transform_indices = #map}, {transform_indices = #map}, {transform_indices = #map}, {transform_indices = #map1}, {transform_indices = #map1}, {transform_indices = #map1}]} {
    %mul3A = arith.constant 2 : i32
    %mul3A_0 = arith.muli %arg1, %mul3A : i32
    %add3A = arith.addi %mul3A_0, %arg0 : i32
    %lt3A = arith.constant 32 : i32
    %lt3A_1 = arith.cmpi slt, %add3A, %lt3A : i32
    %convert_element_type3A = arith.extui %lt3A_1 : i1 to i32
    %cond3A = arith.constant 0 : i32
    %cond3A_2 = arith.cmpi ne, %convert_element_type3A, %cond3A : i32
    scf.if %cond3A_2 {
      %mul3A_3 = arith.constant 20 : i32
      %mul3A_4 = arith.muli %add3A, %mul3A_3 : i32
      %div3A = arith.constant 80 : i32
      %div3A_5 = arith.divsi %mul3A_4, %div3A : i32
      %mul3A_6 = arith.constant 5120 : i32
      %mul3A_7 = arith.muli %div3A_5, %mul3A_6 : i32
      "tpu.region"() ({
        %run_scoped3A = tpu.sem_alloc : memref<!tpu.dma_semaphore, #tpu.memory_space<semaphore_mem>>
        %dma_start3A = arith.constant 0 : i32
        %dma_start3A_14 = tpu.memref_slice %arg4[%mul3A_7, %dma_start3A] : memref<40960x4xf32, #tpu.memory_space<hbm>> -> memref<5120x4xf32, #tpu.memory_space<hbm>>
        %dma_start3A_15 = arith.constant 0 : i32
        %dma_start3A_16 = tpu.memref_slice %arg4[%mul3A_7, %dma_start3A_15] : memref<40960x4xf32, #tpu.memory_space<hbm>> -> memref<5120x4xf32, #tpu.memory_space<hbm>>
        tpu.enqueue_dma source(%dma_start3A_16 : memref<5120x4xf32, #tpu.memory_space<hbm>>) target(%arg12 : memref<5120x4xf32, #tpu.memory_space<vmem>>) target_semaphore(%run_scoped3A : memref<!tpu.dma_semaphore, #tpu.memory_space<semaphore_mem>>)
        %dma_wait3A = arith.constant 0 : i32
        %dma_wait3A_17 = tpu.memref_slice %arg4[%mul3A_7, %dma_wait3A] : memref<40960x4xf32, #tpu.memory_space<hbm>> -> memref<5120x4xf32, #tpu.memory_space<hbm>>
        %dma_wait3A_18 = arith.constant 0 : i32
        %dma_wait3A_19 = tpu.memref_slice %arg4[%mul3A_7, %dma_wait3A_18] : memref<40960x4xf32, #tpu.memory_space<hbm>> -> memref<5120x4xf32, #tpu.memory_space<hbm>>
        tpu.wait_dma2 semaphore(%run_scoped3A : memref<!tpu.dma_semaphore, #tpu.memory_space<semaphore_mem>>) src(%dma_wait3A_19 : memref<5120x4xf32, #tpu.memory_space<hbm>>) dst(%arg12 : memref<5120x4xf32, #tpu.memory_space<vmem>>)
        tpu.yield
      }) : () -> ()
      %scan3A = arith.constant 0 : i32
      %scan3A_8 = arith.constant 0 : i32
      %scan3A_9 = arith.constant 20 : i32
      %scan3A_10 = arith.addi %scan3A_8, %scan3A_9 : i32
      %scan3A_11 = arith.constant 1 : i32
      %scan3A_12 = scf.for %scan3A_14 = %scan3A_8 to %scan3A_10 step %scan3A_11 iter_args(%scan3A_15 = %scan3A) -> (i32)  : i32 {
        %mul3A_16 = arith.constant 20 : i32
        %mul3A_17 = arith.muli %add3A, %mul3A_16 : i32
        %add3A_18 = arith.addi %mul3A_17, %scan3A_14 : i32
        %lt3A_19 = arith.constant 640 : i32
        %lt3A_20 = arith.cmpi slt, %add3A_18, %lt3A_19 : i32
        %convert_element_type3A_21 = arith.extui %lt3A_20 : i1 to i32
        %cond3A_22 = arith.constant 0 : i32
        %cond3A_23 = arith.cmpi ne, %convert_element_type3A_21, %cond3A_22 : i32
        scf.if %cond3A_23 {
          %broadcast_in_dim3A = arith.constant 0.000000e+00 : f32
          %broadcast_in_dim3A_25 = vector.broadcast %broadcast_in_dim3A : f32 to vector<16xf32>
          %broadcast_in_dim3A_26 = arith.constant 0 : i32
          %broadcast_in_dim3A_27 = vector.broadcast %broadcast_in_dim3A_26 : i32 to vector<16xi32>
          %iota3A = tpu.iota {dimensions = array<i32: 0>} : vector<16xi32>
          %swap3A = arith.constant 0 : i32
          %swap3A_28 = arith.index_cast %swap3A : i32 to index
          %swap3A_29 = arith.constant 0 : index
          %swap3A_30 = tpu.vector_load %arg10[%swap3A_28, %swap3A_29] {strides = array<i32>} : memref<3x128xf32, #tpu.memory_space<vmem>>, vector<16xf32>,
          tpu.vector_store %arg10[%swap3A_28, %swap3A_29], %broadcast_in_dim3A_25 {strides = array<i32>} : memref<3x128xf32, #tpu.memory_space<vmem>>, vector<16xf32>,
          %add3A_31 = arith.constant 4194304 : i32
          %add3A_32 = vector.broadcast %add3A_31 : i32 to vector<16xi32>
          %add3A_33 = arith.addi %iota3A, %add3A_32 : vector<16xi32>
          %swap3A_34 = arith.constant 0 : i32
          %swap3A_35 = arith.index_cast %swap3A_34 : i32 to index
          %swap3A_36 = arith.constant 0 : index
          %swap3A_37 = tpu.vector_load %arg11[%swap3A_35, %swap3A_36] {strides = array<i32>} : memref<3x128xi32, #tpu.memory_space<vmem>>, vector<16xi32>,
          tpu.vector_store %arg11[%swap3A_35, %swap3A_36], %add3A_33 {strides = array<i32>} : memref<3x128xi32, #tpu.memory_space<vmem>>, vector<16xi32>,
          %swap3A_38 = arith.constant 0 : i32
          %swap3A_39 = arith.index_cast %swap3A_38 : i32 to index
          %swap3A_40 = arith.constant 16 : index
          %swap3A_41 = tpu.vector_load %arg10[%swap3A_39, %swap3A_40] {strides = array<i32>} : memref<3x128xf32, #tpu.memory_space<vmem>>, vector<16xf32>,
          tpu.vector_store %arg10[%swap3A_39, %swap3A_40], %broadcast_in_dim3A_25 {strides = array<i32>} : memref<3x128xf32, #tpu.memory_space<vmem>>, vector<16xf32>,
          %add3A_42 = arith.constant 4194320 : i32
          %add3A_43 = vector.broadcast %add3A_42 : i32 to vector<16xi32>
          %add3A_44 = arith.addi %iota3A, %add3A_43 : vector<16xi32>
          %swap3A_45 = arith.constant 0 : i32
          %swap3A_46 = arith.index_cast %swap3A_45 : i32 to index
          %swap3A_47 = arith.constant 16 : index
          %swap3A_48 = tpu.vector_load %arg11[%swap3A_46, %swap3A_47] {strides = array<i32>} : memref<3x128xi32, #tpu.memory_space<vmem>>, vector<16xi32>,
          tpu.vector_store %arg11[%swap3A_46, %swap3A_47], %add3A_44 {strides = array<i32>} : memref<3x128xi32, #tpu.memory_space<vmem>>, vector<16xi32>,
          %swap3A_49 = arith.constant 0 : i32
          %swap3A_50 = arith.index_cast %swap3A_49 : i32 to index
          %swap3A_51 = arith.constant 32 : index
          %swap3A_52 = tpu.vector_load %arg10[%swap3A_50, %swap3A_51] {strides = array<i32>} : memref<3x128xf32, #tpu.memory_space<vmem>>, vector<16xf32>,
          tpu.vector_store %arg10[%swap3A_50, %swap3A_51], %broadcast_in_dim3A_25 {strides = array<i32>} : memref<3x128xf32, #tpu.memory_space<vmem>>, vector<16xf32>,
          %add3A_53 = arith.constant 4194336 : i32
          %add3A_54 = vector.broadcast %add3A_53 : i32 to vector<16xi32>
          %add3A_55 = arith.addi %iota3A, %add3A_54 : vector<16xi32>
          %swap3A_56 = arith.constant 0 : i32
          %swap3A_57 = arith.index_cast %swap3A_56 : i32 to index
          %swap3A_58 = arith.constant 32 : index
          %swap3A_59 = tpu.vector_load %arg11[%swap3A_57, %swap3A_58] {strides = array<i32>} : memref<3x128xi32, #tpu.memory_space<vmem>>, vector<16xi32>,
          tpu.vector_store %arg11[%swap3A_57, %swap3A_58], %add3A_55 {strides = array<i32>} : memref<3x128xi32, #tpu.memory_space<vmem>>, vector<16xi32>,
          %swap3A_60 = arith.constant 0 : i32
          %swap3A_61 = arith.index_cast %swap3A_60 : i32 to index
          %swap3A_62 = arith.constant 48 : index
          %swap3A_63 = tpu.vector_load %arg10[%swap3A_61, %swap3A_62] {strides = array<i32>} : memref<3x128xf32, #tpu.memory_space<vmem>>, vector<16xf32>,
          tpu.vector_store %arg10[%swap3A_61, %swap3A_62], %broadcast_in_dim3A_25 {strides = array<i32>} : memref<3x128xf32, #tpu.memory_space<vmem>>, vector<16xf32>,
          %add3A_64 = arith.constant 4194352 : i32
          %add3A_65 = vector.broadcast %add3A_64 : i32 to vector<16xi32>
          %add3A_66 = arith.addi %iota3A, %add3A_65 : vector<16xi32>
          %swap3A_67 = arith.constant 0 : i32
          %swap3A_68 = arith.index_cast %swap3A_67 : i32 to index
          %swap3A_69 = arith.constant 48 : index
          %swap3A_70 = tpu.vector_load %arg11[%swap3A_68, %swap3A_69] {strides = array<i32>} : memref<3x128xi32, #tpu.memory_space<vmem>>, vector<16xi32>,
          tpu.vector_store %arg11[%swap3A_68, %swap3A_69], %add3A_66 {strides = array<i32>} : memref<3x128xi32, #tpu.memory_space<vmem>>, vector<16xi32>,
          %swap3A_71 = arith.constant 0 : i32
          %swap3A_72 = arith.index_cast %swap3A_71 : i32 to index
          %swap3A_73 = arith.constant 64 : index
          %swap3A_74 = tpu.vector_load %arg10[%swap3A_72, %swap3A_73] {strides = array<i32>} : memref<3x128xf32, #tpu.memory_space<vmem>>, vector<16xf32>,
          tpu.vector_store %arg10[%swap3A_72, %swap3A_73], %broadcast_in_dim3A_25 {strides = array<i32>} : memref<3x128xf32, #tpu.memory_space<vmem>>, vector<16xf32>,
          %add3A_75 = arith.constant 4194368 : i32
          %add3A_76 = vector.broadcast %add3A_75 : i32 to vector<16xi32>
          %add3A_77 = arith.addi %iota3A, %add3A_76 : vector<16xi32>
          %swap3A_78 = arith.constant 0 : i32
          %swap3A_79 = arith.index_cast %swap3A_78 : i32 to index
          %swap3A_80 = arith.constant 64 : index
          %swap3A_81 = tpu.vector_load %arg11[%swap3A_79, %swap3A_80] {strides = array<i32>} : memref<3x128xi32, #tpu.memory_space<vmem>>, vector<16xi32>,
          tpu.vector_store %arg11[%swap3A_79, %swap3A_80], %add3A_77 {strides = array<i32>} : memref<3x128xi32, #tpu.memory_space<vmem>>, vector<16xi32>,
          %swap3A_82 = arith.constant 0 : i32
          %swap3A_83 = arith.index_cast %swap3A_82 : i32 to index
          %swap3A_84 = arith.constant 80 : index
          %swap3A_85 = tpu.vector_load %arg10[%swap3A_83, %swap3A_84] {strides = array<i32>} : memref<3x128xf32, #tpu.memory_space<vmem>>, vector<16xf32>,
          tpu.vector_store %arg10[%swap3A_83, %swap3A_84], %broadcast_in_dim3A_25 {strides = array<i32>} : memref<3x128xf32, #tpu.memory_space<vmem>>, vector<16xf32>,
          %add3A_86 = arith.constant 4194384 : i32
          %add3A_87 = vector.broadcast %add3A_86 : i32 to vector<16xi32>
          %add3A_88 = arith.addi %iota3A, %add3A_87 : vector<16xi32>
          %swap3A_89 = arith.constant 0 : i32
          %swap3A_90 = arith.index_cast %swap3A_89 : i32 to index
          %swap3A_91 = arith.constant 80 : index
          %swap3A_92 = tpu.vector_load %arg11[%swap3A_90, %swap3A_91] {strides = array<i32>} : memref<3x128xi32, #tpu.memory_space<vmem>>, vector<16xi32>,
          tpu.vector_store %arg11[%swap3A_90, %swap3A_91], %add3A_88 {strides = array<i32>} : memref<3x128xi32, #tpu.memory_space<vmem>>, vector<16xi32>,
          %swap3A_93 = arith.constant 0 : i32
          %swap3A_94 = arith.index_cast %swap3A_93 : i32 to index
          %swap3A_95 = arith.constant 96 : index
          %swap3A_96 = tpu.vector_load %arg10[%swap3A_94, %swap3A_95] {strides = array<i32>} : memref<3x128xf32, #tpu.memory_space<vmem>>, vector<16xf32>,
          tpu.vector_store %arg10[%swap3A_94, %swap3A_95], %broadcast_in_dim3A_25 {strides = array<i32>} : memref<3x128xf32, #tpu.memory_space<vmem>>, vector<16xf32>,
          %add3A_97 = arith.constant 4194400 : i32
          %add3A_98 = vector.broadcast %add3A_97 : i32 to vector<16xi32>
          %add3A_99 = arith.addi %iota3A, %add3A_98 : vector<16xi32>
          %swap3A_100 = arith.constant 0 : i32
          %swap3A_101 = arith.index_cast %swap3A_100 : i32 to index
          %swap3A_102 = arith.constant 96 : index
          %swap3A_103 = tpu.vector_load %arg11[%swap3A_101, %swap3A_102] {strides = array<i32>} : memref<3x128xi32, #tpu.memory_space<vmem>>, vector<16xi32>,
          tpu.vector_store %arg11[%swap3A_101, %swap3A_102], %add3A_99 {strides = array<i32>} : memref<3x128xi32, #tpu.memory_space<vmem>>, vector<16xi32>,
          %swap3A_104 = arith.constant 0 : i32
          %swap3A_105 = arith.index_cast %swap3A_104 : i32 to index
          %swap3A_106 = arith.constant 112 : index
          %swap3A_107 = tpu.vector_load %arg10[%swap3A_105, %swap3A_106] {strides = array<i32>} : memref<3x128xf32, #tpu.memory_space<vmem>>, vector<16xf32>,
          tpu.vector_store %arg10[%swap3A_105, %swap3A_106], %broadcast_in_dim3A_25 {strides = array<i32>} : memref<3x128xf32, #tpu.memory_space<vmem>>, vector<16xf32>,
          %add3A_108 = arith.constant 4194416 : i32
          %add3A_109 = vector.broadcast %add3A_108 : i32 to vector<16xi32>
          %add3A_110 = arith.addi %iota3A, %add3A_109 : vector<16xi32>
          %swap3A_111 = arith.constant 0 : i32
          %swap3A_112 = arith.index_cast %swap3A_111 : i32 to index
          %swap3A_113 = arith.constant 112 : index
          %swap3A_114 = tpu.vector_load %arg11[%swap3A_112, %swap3A_113] {strides = array<i32>} : memref<3x128xi32, #tpu.memory_space<vmem>>, vector<16xi32>,
          tpu.vector_store %arg11[%swap3A_112, %swap3A_113], %add3A_110 {strides = array<i32>} : memref<3x128xi32, #tpu.memory_space<vmem>>, vector<16xi32>,
          %swap3A_115 = arith.constant 1 : i32
          %swap3A_116 = arith.index_cast %swap3A_115 : i32 to index
          %swap3A_117 = arith.constant 0 : index
          %swap3A_118 = tpu.vector_load %arg10[%swap3A_116, %swap3A_117] {strides = array<i32>} : memref<3x128xf32, #tpu.memory_space<vmem>>, vector<16xf32>,
          tpu.vector_store %arg10[%swap3A_116, %swap3A_117], %broadcast_in_dim3A_25 {strides = array<i32>} : memref<3x128xf32, #tpu.memory_space<vmem>>, vector<16xf32>,
          %add3A_119 = arith.constant 4194432 : i32
          %add3A_120 = vector.broadcast %add3A_119 : i32 to vector<16xi32>
          %add3A_121 = arith.addi %iota3A, %add3A_120 : vector<16xi32>
          %swap3A_122 = arith.constant 1 : i32
          %swap3A_123 = arith.index_cast %swap3A_122 : i32 to index
          %swap3A_124 = arith.constant 0 : index
          %swap3A_125 = tpu.vector_load %arg11[%swap3A_123, %swap3A_124] {strides = array<i32>} : memref<3x128xi32, #tpu.memory_space<vmem>>, vector<16xi32>,
          tpu.vector_store %arg11[%swap3A_123, %swap3A_124], %add3A_121 {strides = array<i32>} : memref<3x128xi32, #tpu.memory_space<vmem>>, vector<16xi32>,
          %swap3A_126 = arith.constant 1 : i32
          %swap3A_127 = arith.index_cast %swap3A_126 : i32 to index
          %swap3A_128 = arith.constant 16 : index
          %swap3A_129 = tpu.vector_load %arg10[%swap3A_127, %swap3A_128] {strides = array<i32>} : memref<3x128xf32, #tpu.memory_space<vmem>>, vector<16xf32>,
          tpu.vector_store %arg10[%swap3A_127, %swap3A_128], %broadcast_in_dim3A_25 {strides = array<i32>} : memref<3x128xf32, #tpu.memory_space<vmem>>, vector<16xf32>,
          %add3A_130 = arith.constant 4194448 : i32
          %add3A_131 = vector.broadcast %add3A_130 : i32 to vector<16xi32>
          %add3A_132 = arith.addi %iota3A, %add3A_131 : vector<16xi32>
          %swap3A_133 = arith.constant 1 : i32
          %swap3A_134 = arith.index_cast %swap3A_133 : i32 to index
          %swap3A_135 = arith.constant 16 : index
          %swap3A_136 = tpu.vector_load %arg11[%swap3A_134, %swap3A_135] {strides = array<i32>} : memref<3x128xi32, #tpu.memory_space<vmem>>, vector<16xi32>,
          tpu.vector_store %arg11[%swap3A_134, %swap3A_135], %add3A_132 {strides = array<i32>} : memref<3x128xi32, #tpu.memory_space<vmem>>, vector<16xi32>,
          %swap3A_137 = arith.constant 1 : i32
          %swap3A_138 = arith.index_cast %swap3A_137 : i32 to index
          %swap3A_139 = arith.constant 32 : index
          %swap3A_140 = tpu.vector_load %arg10[%swap3A_138, %swap3A_139] {strides = array<i32>} : memref<3x128xf32, #tpu.memory_space<vmem>>, vector<16xf32>,
          tpu.vector_store %arg10[%swap3A_138, %swap3A_139], %broadcast_in_dim3A_25 {strides = array<i32>} : memref<3x128xf32, #tpu.memory_space<vmem>>, vector<16xf32>,
          %add3A_141 = arith.constant 4194464 : i32
          %add3A_142 = vector.broadcast %add3A_141 : i32 to vector<16xi32>
          %add3A_143 = arith.addi %iota3A, %add3A_142 : vector<16xi32>
          %swap3A_144 = arith.constant 1 : i32
          %swap3A_145 = arith.index_cast %swap3A_144 : i32 to index
          %swap3A_146 = arith.constant 32 : index
          %swap3A_147 = tpu.vector_load %arg11[%swap3A_145, %swap3A_146] {strides = array<i32>} : memref<3x128xi32, #tpu.memory_space<vmem>>, vector<16xi32>,
          tpu.vector_store %arg11[%swap3A_145, %swap3A_146], %add3A_143 {strides = array<i32>} : memref<3x128xi32, #tpu.memory_space<vmem>>, vector<16xi32>,
          %swap3A_148 = arith.constant 1 : i32
          %swap3A_149 = arith.index_cast %swap3A_148 : i32 to index
          %swap3A_150 = arith.constant 48 : index
          %swap3A_151 = tpu.vector_load %arg10[%swap3A_149, %swap3A_150] {strides = array<i32>} : memref<3x128xf32, #tpu.memory_space<vmem>>, vector<16xf32>,
          tpu.vector_store %arg10[%swap3A_149, %swap3A_150], %broadcast_in_dim3A_25 {strides = array<i32>} : memref<3x128xf32, #tpu.memory_space<vmem>>, vector<16xf32>,
          %add3A_152 = arith.constant 4194480 : i32
          %add3A_153 = vector.broadcast %add3A_152 : i32 to vector<16xi32>
          %add3A_154 = arith.addi %iota3A, %add3A_153 : vector<16xi32>
          %swap3A_155 = arith.constant 1 : i32
          %swap3A_156 = arith.index_cast %swap3A_155 : i32 to index
          %swap3A_157 = arith.constant 48 : index
          %swap3A_158 = tpu.vector_load %arg11[%swap3A_156, %swap3A_157] {strides = array<i32>} : memref<3x128xi32, #tpu.memory_space<vmem>>, vector<16xi32>,
          tpu.vector_store %arg11[%swap3A_156, %swap3A_157], %add3A_154 {strides = array<i32>} : memref<3x128xi32, #tpu.memory_space<vmem>>, vector<16xi32>,
          %swap3A_159 = arith.constant 1 : i32
          %swap3A_160 = arith.index_cast %swap3A_159 : i32 to index
          %swap3A_161 = arith.constant 64 : index
          %swap3A_162 = tpu.vector_load %arg10[%swap3A_160, %swap3A_161] {strides = array<i32>} : memref<3x128xf32, #tpu.memory_space<vmem>>, vector<16xf32>,
          tpu.vector_store %arg10[%swap3A_160, %swap3A_161], %broadcast_in_dim3A_25 {strides = array<i32>} : memref<3x128xf32, #tpu.memory_space<vmem>>, vector<16xf32>,
          %add3A_163 = arith.constant 4194496 : i32
          %add3A_164 = vector.broadcast %add3A_163 : i32 to vector<16xi32>
          %add3A_165 = arith.addi %iota3A, %add3A_164 : vector<16xi32>
          %swap3A_166 = arith.constant 1 : i32
          %swap3A_167 = arith.index_cast %swap3A_166 : i32 to index
          %swap3A_168 = arith.constant 64 : index
          %swap3A_169 = tpu.vector_load %arg11[%swap3A_167, %swap3A_168] {strides = array<i32>} : memref<3x128xi32, #tpu.memory_space<vmem>>, vector<16xi32>,
          tpu.vector_store %arg11[%swap3A_167, %swap3A_168], %add3A_165 {strides = array<i32>} : memref<3x128xi32, #tpu.memory_space<vmem>>, vector<16xi32>,
          %swap3A_170 = arith.constant 1 : i32
          %swap3A_171 = arith.index_cast %swap3A_170 : i32 to index
          %swap3A_172 = arith.constant 80 : index
          %swap3A_173 = tpu.vector_load %arg10[%swap3A_171, %swap3A_172] {strides = array<i32>} : memref<3x128xf32, #tpu.memory_space<vmem>>, vector<16xf32>,
          tpu.vector_store %arg10[%swap3A_171, %swap3A_172], %broadcast_in_dim3A_25 {strides = array<i32>} : memref<3x128xf32, #tpu.memory_space<vmem>>, vector<16xf32>,
          %add3A_174 = arith.constant 4194512 : i32
          %add3A_175 = vector.broadcast %add3A_174 : i32 to vector<16xi32>
          %add3A_176 = arith.addi %iota3A, %add3A_175 : vector<16xi32>
          %swap3A_177 = arith.constant 1 : i32
          %swap3A_178 = arith.index_cast %swap3A_177 : i32 to index
          %swap3A_179 = arith.constant 80 : index
          %swap3A_180 = tpu.vector_load %arg11[%swap3A_178, %swap3A_179] {strides = array<i32>} : memref<3x128xi32, #tpu.memory_space<vmem>>, vector<16xi32>,
          tpu.vector_store %arg11[%swap3A_178, %swap3A_179], %add3A_176 {strides = array<i32>} : memref<3x128xi32, #tpu.memory_space<vmem>>, vector<16xi32>,
          %swap3A_181 = arith.constant 1 : i32
          %swap3A_182 = arith.index_cast %swap3A_181 : i32 to index
          %swap3A_183 = arith.constant 96 : index
          %swap3A_184 = tpu.vector_load %arg10[%swap3A_182, %swap3A_183] {strides = array<i32>} : memref<3x128xf32, #tpu.memory_space<vmem>>, vector<16xf32>,
          tpu.vector_store %arg10[%swap3A_182, %swap3A_183], %broadcast_in_dim3A_25 {strides = array<i32>} : memref<3x128xf32, #tpu.memory_space<vmem>>, vector<16xf32>,
          %add3A_185 = arith.constant 4194528 : i32
          %add3A_186 = vector.broadcast %add3A_185 : i32 to vector<16xi32>
          %add3A_187 = arith.addi %iota3A, %add3A_186 : vector<16xi32>
          %swap3A_188 = arith.constant 1 : i32
          %swap3A_189 = arith.index_cast %swap3A_188 : i32 to index
          %swap3A_190 = arith.constant 96 : index
          %swap3A_191 = tpu.vector_load %arg11[%swap3A_189, %swap3A_190] {strides = array<i32>} : memref<3x128xi32, #tpu.memory_space<vmem>>, vector<16xi32>,
          tpu.vector_store %arg11[%swap3A_189, %swap3A_190], %add3A_187 {strides = array<i32>} : memref<3x128xi32, #tpu.memory_space<vmem>>, vector<16xi32>,
          %swap3A_192 = arith.constant 1 : i32
          %swap3A_193 = arith.index_cast %swap3A_192 : i32 to index
          %swap3A_194 = arith.constant 112 : index
          %swap3A_195 = tpu.vector_load %arg10[%swap3A_193, %swap3A_194] {strides = array<i32>} : memref<3x128xf32, #tpu.memory_space<vmem>>, vector<16xf32>,
          tpu.vector_store %arg10[%swap3A_193, %swap3A_194], %broadcast_in_dim3A_25 {strides = array<i32>} : memref<3x128xf32, #tpu.memory_space<vmem>>, vector<16xf32>,
          %add3A_196 = arith.constant 4194544 : i32
          %add3A_197 = vector.broadcast %add3A_196 : i32 to vector<16xi32>
          %add3A_198 = arith.addi %iota3A, %add3A_197 : vector<16xi32>
          %swap3A_199 = arith.constant 1 : i32
          %swap3A_200 = arith.index_cast %swap3A_199 : i32 to index
          %swap3A_201 = arith.constant 112 : index
          %swap3A_202 = tpu.vector_load %arg11[%swap3A_200, %swap3A_201] {strides = array<i32>} : memref<3x128xi32, #tpu.memory_space<vmem>>, vector<16xi32>,
          tpu.vector_store %arg11[%swap3A_200, %swap3A_201], %add3A_198 {strides = array<i32>} : memref<3x128xi32, #tpu.memory_space<vmem>>, vector<16xi32>,
          %swap3A_203 = arith.constant 2 : i32
          %swap3A_204 = arith.index_cast %swap3A_203 : i32 to index
          %swap3A_205 = arith.constant 0 : index
          %swap3A_206 = tpu.vector_load %arg10[%swap3A_204, %swap3A_205] {strides = array<i32>} : memref<3x128xf32, #tpu.memory_space<vmem>>, vector<16xf32>,
          tpu.vector_store %arg10[%swap3A_204, %swap3A_205], %broadcast_in_dim3A_25 {strides = array<i32>} : memref<3x128xf32, #tpu.memory_space<vmem>>, vector<16xf32>,
          %add3A_207 = arith.constant 4194560 : i32
          %add3A_208 = vector.broadcast %add3A_207 : i32 to vector<16xi32>
          %add3A_209 = arith.addi %iota3A, %add3A_208 : vector<16xi32>
          %swap3A_210 = arith.constant 2 : i32
          %swap3A_211 = arith.index_cast %swap3A_210 : i32 to index
          %swap3A_212 = arith.constant 0 : index
          %swap3A_213 = tpu.vector_load %arg11[%swap3A_211, %swap3A_212] {strides = array<i32>} : memref<3x128xi32, #tpu.memory_space<vmem>>, vector<16xi32>,
          tpu.vector_store %arg11[%swap3A_211, %swap3A_212], %add3A_209 {strides = array<i32>} : memref<3x128xi32, #tpu.memory_space<vmem>>, vector<16xi32>,
          %swap3A_214 = arith.constant 2 : i32
          %swap3A_215 = arith.index_cast %swap3A_214 : i32 to index
          %swap3A_216 = arith.constant 16 : index
          %swap3A_217 = tpu.vector_load %arg10[%swap3A_215, %swap3A_216] {strides = array<i32>} : memref<3x128xf32, #tpu.memory_space<vmem>>, vector<16xf32>,
          tpu.vector_store %arg10[%swap3A_215, %swap3A_216], %broadcast_in_dim3A_25 {strides = array<i32>} : memref<3x128xf32, #tpu.memory_space<vmem>>, vector<16xf32>,
          %add3A_218 = arith.constant 4194576 : i32
          %add3A_219 = vector.broadcast %add3A_218 : i32 to vector<16xi32>
          %add3A_220 = arith.addi %iota3A, %add3A_219 : vector<16xi32>
          %swap3A_221 = arith.constant 2 : i32
          %swap3A_222 = arith.index_cast %swap3A_221 : i32 to index
          %swap3A_223 = arith.constant 16 : index
          %swap3A_224 = tpu.vector_load %arg11[%swap3A_222, %swap3A_223] {strides = array<i32>} : memref<3x128xi32, #tpu.memory_space<vmem>>, vector<16xi32>,
          tpu.vector_store %arg11[%swap3A_222, %swap3A_223], %add3A_220 {strides = array<i32>} : memref<3x128xi32, #tpu.memory_space<vmem>>, vector<16xi32>,
          %swap3A_225 = arith.constant 2 : i32
          %swap3A_226 = arith.index_cast %swap3A_225 : i32 to index
          %swap3A_227 = arith.constant 32 : index
          %swap3A_228 = tpu.vector_load %arg10[%swap3A_226, %swap3A_227] {strides = array<i32>} : memref<3x128xf32, #tpu.memory_space<vmem>>, vector<16xf32>,
          tpu.vector_store %arg10[%swap3A_226, %swap3A_227], %broadcast_in_dim3A_25 {strides = array<i32>} : memref<3x128xf32, #tpu.memory_space<vmem>>, vector<16xf32>,
          %add3A_229 = arith.constant 4194592 : i32
          %add3A_230 = vector.broadcast %add3A_229 : i32 to vector<16xi32>
          %add3A_231 = arith.addi %iota3A, %add3A_230 : vector<16xi32>
          %swap3A_232 = arith.constant 2 : i32
          %swap3A_233 = arith.index_cast %swap3A_232 : i32 to index
          %swap3A_234 = arith.constant 32 : index
          %swap3A_235 = tpu.vector_load %arg11[%swap3A_233, %swap3A_234] {strides = array<i32>} : memref<3x128xi32, #tpu.memory_space<vmem>>, vector<16xi32>,
          tpu.vector_store %arg11[%swap3A_233, %swap3A_234], %add3A_231 {strides = array<i32>} : memref<3x128xi32, #tpu.memory_space<vmem>>, vector<16xi32>,
          %swap3A_236 = arith.constant 2 : i32
          %swap3A_237 = arith.index_cast %swap3A_236 : i32 to index
          %swap3A_238 = arith.constant 48 : index
          %swap3A_239 = tpu.vector_load %arg10[%swap3A_237, %swap3A_238] {strides = array<i32>} : memref<3x128xf32, #tpu.memory_space<vmem>>, vector<16xf32>,
          tpu.vector_store %arg10[%swap3A_237, %swap3A_238], %broadcast_in_dim3A_25 {strides = array<i32>} : memref<3x128xf32, #tpu.memory_space<vmem>>, vector<16xf32>,
          %add3A_240 = arith.constant 4194608 : i32
          %add3A_241 = vector.broadcast %add3A_240 : i32 to vector<16xi32>
          %add3A_242 = arith.addi %iota3A, %add3A_241 : vector<16xi32>
          %swap3A_243 = arith.constant 2 : i32
          %swap3A_244 = arith.index_cast %swap3A_243 : i32 to index
          %swap3A_245 = arith.constant 48 : index
          %swap3A_246 = tpu.vector_load %arg11[%swap3A_244, %swap3A_245] {strides = array<i32>} : memref<3x128xi32, #tpu.memory_space<vmem>>, vector<16xi32>,
          tpu.vector_store %arg11[%swap3A_244, %swap3A_245], %add3A_242 {strides = array<i32>} : memref<3x128xi32, #tpu.memory_space<vmem>>, vector<16xi32>,
          %swap3A_247 = arith.constant 2 : i32
          %swap3A_248 = arith.index_cast %swap3A_247 : i32 to index
          %swap3A_249 = arith.constant 64 : index
          %swap3A_250 = tpu.vector_load %arg10[%swap3A_248, %swap3A_249] {strides = array<i32>} : memref<3x128xf32, #tpu.memory_space<vmem>>, vector<16xf32>,
          tpu.vector_store %arg10[%swap3A_248, %swap3A_249], %broadcast_in_dim3A_25 {strides = array<i32>} : memref<3x128xf32, #tpu.memory_space<vmem>>, vector<16xf32>,
          %add3A_251 = arith.constant 4194624 : i32
          %add3A_252 = vector.broadcast %add3A_251 : i32 to vector<16xi32>
          %add3A_253 = arith.addi %iota3A, %add3A_252 : vector<16xi32>
          %swap3A_254 = arith.constant 2 : i32
          %swap3A_255 = arith.index_cast %swap3A_254 : i32 to index
          %swap3A_256 = arith.constant 64 : index
          %swap3A_257 = tpu.vector_load %arg11[%swap3A_255, %swap3A_256] {strides = array<i32>} : memref<3x128xi32, #tpu.memory_space<vmem>>, vector<16xi32>,
          tpu.vector_store %arg11[%swap3A_255, %swap3A_256], %add3A_253 {strides = array<i32>} : memref<3x128xi32, #tpu.memory_space<vmem>>, vector<16xi32>,
          %swap3A_258 = arith.constant 2 : i32
          %swap3A_259 = arith.index_cast %swap3A_258 : i32 to index
          %swap3A_260 = arith.constant 80 : index
          %swap3A_261 = tpu.vector_load %arg10[%swap3A_259, %swap3A_260] {strides = array<i32>} : memref<3x128xf32, #tpu.memory_space<vmem>>, vector<16xf32>,
          tpu.vector_store %arg10[%swap3A_259, %swap3A_260], %broadcast_in_dim3A_25 {strides = array<i32>} : memref<3x128xf32, #tpu.memory_space<vmem>>, vector<16xf32>,
          %add3A_262 = arith.constant 4194640 : i32
          %add3A_263 = vector.broadcast %add3A_262 : i32 to vector<16xi32>
          %add3A_264 = arith.addi %iota3A, %add3A_263 : vector<16xi32>
          %swap3A_265 = arith.constant 2 : i32
          %swap3A_266 = arith.index_cast %swap3A_265 : i32 to index
          %swap3A_267 = arith.constant 80 : index
          %swap3A_268 = tpu.vector_load %arg11[%swap3A_266, %swap3A_267] {strides = array<i32>} : memref<3x128xi32, #tpu.memory_space<vmem>>, vector<16xi32>,
          tpu.vector_store %arg11[%swap3A_266, %swap3A_267], %add3A_264 {strides = array<i32>} : memref<3x128xi32, #tpu.memory_space<vmem>>, vector<16xi32>,
          %swap3A_269 = arith.constant 2 : i32
          %swap3A_270 = arith.index_cast %swap3A_269 : i32 to index
          %swap3A_271 = arith.constant 96 : index
          %swap3A_272 = tpu.vector_load %arg10[%swap3A_270, %swap3A_271] {strides = array<i32>} : memref<3x128xf32, #tpu.memory_space<vmem>>, vector<16xf32>,
          tpu.vector_store %arg10[%swap3A_270, %swap3A_271], %broadcast_in_dim3A_25 {strides = array<i32>} : memref<3x128xf32, #tpu.memory_space<vmem>>, vector<16xf32>,
          %add3A_273 = arith.constant 4194656 : i32
          %add3A_274 = vector.broadcast %add3A_273 : i32 to vector<16xi32>
          %add3A_275 = arith.addi %iota3A, %add3A_274 : vector<16xi32>
          %swap3A_276 = arith.constant 2 : i32
          %swap3A_277 = arith.index_cast %swap3A_276 : i32 to index
          %swap3A_278 = arith.constant 96 : index
          %swap3A_279 = tpu.vector_load %arg11[%swap3A_277, %swap3A_278] {strides = array<i32>} : memref<3x128xi32, #tpu.memory_space<vmem>>, vector<16xi32>,
          tpu.vector_store %arg11[%swap3A_277, %swap3A_278], %add3A_275 {strides = array<i32>} : memref<3x128xi32, #tpu.memory_space<vmem>>, vector<16xi32>,
          %swap3A_280 = arith.constant 2 : i32
          %swap3A_281 = arith.index_cast %swap3A_280 : i32 to index
          %swap3A_282 = arith.constant 112 : index
          %swap3A_283 = tpu.vector_load %arg10[%swap3A_281, %swap3A_282] {strides = array<i32>} : memref<3x128xf32, #tpu.memory_space<vmem>>, vector<16xf32>,
          tpu.vector_store %arg10[%swap3A_281, %swap3A_282], %broadcast_in_dim3A_25 {strides = array<i32>} : memref<3x128xf32, #tpu.memory_space<vmem>>, vector<16xf32>,
          %add3A_284 = arith.constant 4194672 : i32
          %add3A_285 = vector.broadcast %add3A_284 : i32 to vector<16xi32>
          %add3A_286 = arith.addi %iota3A, %add3A_285 : vector<16xi32>
          %swap3A_287 = arith.constant 2 : i32
          %swap3A_288 = arith.index_cast %swap3A_287 : i32 to index
          %swap3A_289 = arith.constant 112 : index
          %swap3A_290 = tpu.vector_load %arg11[%swap3A_288, %swap3A_289] {strides = array<i32>} : memref<3x128xi32, #tpu.memory_space<vmem>>, vector<16xi32>,
          tpu.vector_store %arg11[%swap3A_288, %swap3A_289], %add3A_286 {strides = array<i32>} : memref<3x128xi32, #tpu.memory_space<vmem>>, vector<16xi32>,
          %div3A_291 = arith.constant 80 : i32
          %div3A_292 = arith.divsi %add3A_18, %div3A_291 : i32
          %mul3A_293 = arith.constant 5120 : i32
          %mul3A_294 = arith.muli %div3A_292, %mul3A_293 : i32
          %div3A_295 = arith.constant 80 : i32
          %div3A_296 = arith.divsi %add3A_18, %div3A_295 : i32
          %mul3A_297 = arith.constant 5120 : i32
          %mul3A_298 = arith.muli %div3A_296, %mul3A_297 : i32
          %iota3A_299 = tpu.iota {dimensions = array<i32: 0>} : vector<16xi32>
          "tpu.region"() ({
            %run_scoped3A = tpu.sem_alloc : memref<!tpu.dma_semaphore, #tpu.memory_space<semaphore_mem>>
            %dma_start3A = arith.constant 0 : i32
            %dma_start3A_1263 = tpu.memref_slice %arg2[%add3A_18, %dma_start3A] : memref<640x5120xi32, #tpu.memory_space<hbm>> -> memref<1x5120xi32, #tpu.memory_space<hbm>>
            %dma_start3A_1264 = tpu.memref_squeeze %dma_start3A_1263 : memref<1x5120xi32, #tpu.memory_space<hbm>> -> memref<5120xi32, #tpu.memory_space<hbm>>
            %dma_start3A_1265 = arith.constant 0 : i32
            %dma_start3A_1266 = tpu.memref_slice %arg2[%add3A_18, %dma_start3A_1265] : memref<640x5120xi32, #tpu.memory_space<hbm>> -> memref<1x5120xi32, #tpu.memory_space<hbm>>
            %dma_start3A_1267 = tpu.memref_squeeze %dma_start3A_1266 : memref<1x5120xi32, #tpu.memory_space<hbm>> -> memref<5120xi32, #tpu.memory_space<hbm>>
            tpu.enqueue_dma source(%dma_start3A_1267 : memref<5120xi32, #tpu.memory_space<hbm>>) target(%arg8 : memref<5120xi32, #tpu.memory_space<vmem>>) target_semaphore(%run_scoped3A : memref<!tpu.dma_semaphore, #tpu.memory_space<semaphore_mem>>)
            %dma_wait3A = arith.constant 0 : i32
            %dma_wait3A_1268 = tpu.memref_slice %arg2[%add3A_18, %dma_wait3A] : memref<640x5120xi32, #tpu.memory_space<hbm>> -> memref<1x5120xi32, #tpu.memory_space<hbm>>
            %dma_wait3A_1269 = tpu.memref_squeeze %dma_wait3A_1268 : memref<1x5120xi32, #tpu.memory_space<hbm>> -> memref<5120xi32, #tpu.memory_space<hbm>>
            %dma_wait3A_1270 = arith.constant 0 : i32
            %dma_wait3A_1271 = tpu.memref_slice %arg2[%add3A_18, %dma_wait3A_1270] : memref<640x5120xi32, #tpu.memory_space<hbm>> -> memref<1x5120xi32, #tpu.memory_space<hbm>>
            %dma_wait3A_1272 = tpu.memref_squeeze %dma_wait3A_1271 : memref<1x5120xi32, #tpu.memory_space<hbm>> -> memref<5120xi32, #tpu.memory_space<hbm>>
            tpu.wait_dma2 semaphore(%run_scoped3A : memref<!tpu.dma_semaphore, #tpu.memory_space<semaphore_mem>>) src(%dma_wait3A_1272 : memref<5120xi32, #tpu.memory_space<hbm>>) dst(%arg8 : memref<5120xi32, #tpu.memory_space<vmem>>)
            tpu.yield
          }) : () -> ()
          "tpu.region"() ({
            %run_scoped3A = tpu.sem_alloc : memref<!tpu.dma_semaphore, #tpu.memory_space<semaphore_mem>>
            %dma_start3A = arith.constant 0 : i32
            %dma_start3A_1263 = tpu.memref_slice %arg3[%add3A_18, %dma_start3A] : memref<640x5120xf32, #tpu.memory_space<hbm>> -> memref<1x5120xf32, #tpu.memory_space<hbm>>
            %dma_start3A_1264 = tpu.memref_squeeze %dma_start3A_1263 : memref<1x5120xf32, #tpu.memory_space<hbm>> -> memref<5120xf32, #tpu.memory_space<hbm>>
            %dma_start3A_1265 = arith.constant 0 : i32
            %dma_start3A_1266 = tpu.memref_slice %arg3[%add3A_18, %dma_start3A_1265] : memref<640x5120xf32, #tpu.memory_space<hbm>> -> memref<1x5120xf32, #tpu.memory_space<hbm>>
            %dma_start3A_1267 = tpu.memref_squeeze %dma_start3A_1266 : memref<1x5120xf32, #tpu.memory_space<hbm>> -> memref<5120xf32, #tpu.memory_space<hbm>>
            tpu.enqueue_dma source(%dma_start3A_1267 : memref<5120xf32, #tpu.memory_space<hbm>>) target(%arg9 : memref<5120xf32, #tpu.memory_space<vmem>>) target_semaphore(%run_scoped3A : memref<!tpu.dma_semaphore, #tpu.memory_space<semaphore_mem>>)
            %dma_wait3A = arith.constant 0 : i32
            %dma_wait3A_1268 = tpu.memref_slice %arg3[%add3A_18, %dma_wait3A] : memref<640x5120xf32, #tpu.memory_space<hbm>> -> memref<1x5120xf32, #tpu.memory_space<hbm>>
            %dma_wait3A_1269 = tpu.memref_squeeze %dma_wait3A_1268 : memref<1x5120xf32, #tpu.memory_space<hbm>> -> memref<5120xf32, #tpu.memory_space<hbm>>
            %dma_wait3A_1270 = arith.constant 0 : i32
            %dma_wait3A_1271 = tpu.memref_slice %arg3[%add3A_18, %dma_wait3A_1270] : memref<640x5120xf32, #tpu.memory_space<hbm>> -> memref<1x5120xf32, #tpu.memory_space<hbm>>
            %dma_wait3A_1272 = tpu.memref_squeeze %dma_wait3A_1271 : memref<1x5120xf32, #tpu.memory_space<hbm>> -> memref<5120xf32, #tpu.memory_space<hbm>>
            tpu.wait_dma2 semaphore(%run_scoped3A : memref<!tpu.dma_semaphore, #tpu.memory_space<semaphore_mem>>) src(%dma_wait3A_1272 : memref<5120xf32, #tpu.memory_space<hbm>>) dst(%arg9 : memref<5120xf32, #tpu.memory_space<vmem>>)
            tpu.yield
          }) : () -> ()
          %add3A_300 = arith.constant 0 : i32
          %add3A_301 = arith.addi %add3A_300, %mul3A_294 : i32
          %scan3A_302 = arith.constant 0 : i32
          %scan3A_303 = arith.constant 0 : i32
          %scan3A_304 = arith.constant 320 : i32
          %scan3A_305 = arith.addi %scan3A_303, %scan3A_304 : i32
          %scan3A_306 = arith.constant 1 : i32
          %scan3A_307 = scf.for %scan3A_1263 = %scan3A_303 to %scan3A_305 step %scan3A_306 iter_args(%scan3A_1264 = %scan3A_302) -> (i32)  : i32 {
            %mul3A_1265 = arith.constant 16 : i32
            %mul3A_1266 = arith.muli %scan3A_1263, %mul3A_1265 : i32
            %get3A_1267 = arith.index_cast %mul3A_1266 : i32 to index
            %get3A_1268 = tpu.vector_load %arg8[%get3A_1267] {strides = array<i32>} : memref<5120xi32, #tpu.memory_space<vmem>>, vector<16xi32>,
            %mul3A_1269 = arith.constant 16 : i32
            %mul3A_1270 = arith.muli %scan3A_1263, %mul3A_1269 : i32
            %get3A_1271 = arith.index_cast %mul3A_1270 : i32 to index
            %get3A_1272 = tpu.vector_load %arg9[%get3A_1271] {strides = array<i32>} : memref<5120xf32, #tpu.memory_space<vmem>>, vector<16xf32>,
            %ge3A = arith.constant 0 : i32
            %ge3A_1273 = vector.broadcast %ge3A : i32 to vector<16xi32>
            %ge3A_1274 = arith.cmpi sge, %get3A_1268, %ge3A_1273 : vector<16xi32>
            %max3A_1275 = arith.constant 0 : i32
            %max3A_1276 = vector.broadcast %max3A_1275 : i32 to vector<16xi32>
            %max3A_1277 = arith.maxsi %get3A_1268, %max3A_1276 : vector<16xi32>
            %shift_right_logical3A = arith.constant 7 : i32
            %shift_right_logical3A_1278 = vector.broadcast %shift_right_logical3A : i32 to vector<16xi32>
            %shift_right_logical3A_1279 = arith.shrui %max3A_1277, %shift_right_logical3A_1278 : vector<16xi32>
            %and3A = arith.constant 127 : i32
            %and3A_1280 = vector.broadcast %and3A : i32 to vector<16xi32>
            %and3A_1281 = arith.andi %max3A_1277, %and3A_1280 : vector<16xi32>
            %mul3A_1282 = arith.constant 16 : i32
            %mul3A_1283 = arith.muli %scan3A_1263, %mul3A_1282 : i32
            %add3A_1284 = arith.addi %mul3A_1283, %add3A_301 : i32
            %add3A_1285 = vector.broadcast %add3A_1284 : i32 to vector<16xi32>
            %add3A_1286 = arith.addi %iota3A_299, %add3A_1285 : vector<16xi32>
            tpu.vector_store_idx %arg10[%shift_right_logical3A_1279, %and3A_1281], %get3A_1272 masked %ge3A_1274 : memref<3x128xf32, #tpu.memory_space<vmem>>[vector<16xi32>, vector<16xi32>], vector<16xf32>, vector<16xi1>
            tpu.vector_store_idx %arg11[%shift_right_logical3A_1279, %and3A_1281], %add3A_1286 masked %ge3A_1274 : memref<3x128xi32, #tpu.memory_space<vmem>>[vector<16xi32>, vector<16xi32>], vector<16xi32>, vector<16xi1>
            %scan3A_1287 = arith.constant 0 : i32
            scf.yield %scan3A_1287 : i32
          }
          %scan3A_308 = arith.constant 320 : i32
          %get3A = arith.constant 0 : i32
          %get3A_309 = arith.index_cast %get3A : i32 to index
          %get3A_310 = arith.constant 0 : index
          %get3A_311 = tpu.vector_load %arg11[%get3A_309, %get3A_310] {strides = array<i32>} : memref<3x128xi32, #tpu.memory_space<vmem>>, vector<16xi32>,
          %sub3A = vector.broadcast %mul3A_298 : i32 to vector<16xi32>
          %sub3A_312 = arith.subi %get3A_311, %sub3A : vector<16xi32>
          %jit3A = arith.constant 0 : i32
          %jit3A_313 = arith.constant 5119 : i32
          %max3A = vector.broadcast %jit3A : i32 to vector<16xi32>
          %max3A_314 = arith.maxsi %max3A, %sub3A_312 : vector<16xi32>
          %min3A = vector.broadcast %jit3A_313 : i32 to vector<16xi32>
          %min3A_315 = arith.minsi %min3A, %max3A_314 : vector<16xi32>
          %broadcast_in_dim3A_316 = arith.constant 0 : i32
          %broadcast_in_dim3A_317 = vector.broadcast %broadcast_in_dim3A_316 : i32 to vector<16xi32>
          %gather3A = tpu.vector_load_idx %arg12[%min3A_315, %broadcast_in_dim3A_317] : memref<5120x4xf32, #tpu.memory_space<vmem>>[vector<16xi32>, vector<16xi32>], vector<16xf32>,
          %swap3A_318 = arith.constant 0 : i32
          %swap3A_319 = arith.index_cast %swap3A_318 : i32 to index
          %swap3A_320 = arith.constant 0 : index
          %swap3A_321 = tpu.vector_load %arg13[%swap3A_319, %swap3A_320] {strides = array<i32>} : memref<4x384xf32, #tpu.memory_space<vmem>>, vector<16xf32>,
          tpu.vector_store %arg13[%swap3A_319, %swap3A_320], %gather3A {strides = array<i32>} : memref<4x384xf32, #tpu.memory_space<vmem>>, vector<16xf32>,
          %broadcast_in_dim3A_322 = arith.constant 1 : i32
          %broadcast_in_dim3A_323 = vector.broadcast %broadcast_in_dim3A_322 : i32 to vector<16xi32>
          %gather3A_324 = tpu.vector_load_idx %arg12[%min3A_315, %broadcast_in_dim3A_323] : memref<5120x4xf32, #tpu.memory_space<vmem>>[vector<16xi32>, vector<16xi32>], vector<16xf32>,
          %swap3A_325 = arith.constant 1 : i32
          %swap3A_326 = arith.index_cast %swap3A_325 : i32 to index
          %swap3A_327 = arith.constant 0 : index
          %swap3A_328 = tpu.vector_load %arg13[%swap3A_326, %swap3A_327] {strides = array<i32>} : memref<4x384xf32, #tpu.memory_space<vmem>>, vector<16xf32>,
          tpu.vector_store %arg13[%swap3A_326, %swap3A_327], %gather3A_324 {strides = array<i32>} : memref<4x384xf32, #tpu.memory_space<vmem>>, vector<16xf32>,
          %broadcast_in_dim3A_329 = arith.constant 2 : i32
          %broadcast_in_dim3A_330 = vector.broadcast %broadcast_in_dim3A_329 : i32 to vector<16xi32>
          %gather3A_331 = tpu.vector_load_idx %arg12[%min3A_315, %broadcast_in_dim3A_330] : memref<5120x4xf32, #tpu.memory_space<vmem>>[vector<16xi32>, vector<16xi32>], vector<16xf32>,
          %swap3A_332 = arith.constant 2 : i32
          %swap3A_333 = arith.index_cast %swap3A_332 : i32 to index
          %swap3A_334 = arith.constant 0 : index
          %swap3A_335 = tpu.vector_load %arg13[%swap3A_333, %swap3A_334] {strides = array<i32>} : memref<4x384xf32, #tpu.memory_space<vmem>>, vector<16xf32>,
          tpu.vector_store %arg13[%swap3A_333, %swap3A_334], %gather3A_331 {strides = array<i32>} : memref<4x384xf32, #tpu.memory_space<vmem>>, vector<16xf32>,
          %broadcast_in_dim3A_336 = arith.constant 3 : i32
          %broadcast_in_dim3A_337 = vector.broadcast %broadcast_in_dim3A_336 : i32 to vector<16xi32>
          %gather3A_338 = tpu.vector_load_idx %arg12[%min3A_315, %broadcast_in_dim3A_337] : memref<5120x4xf32, #tpu.memory_space<vmem>>[vector<16xi32>, vector<16xi32>], vector<16xf32>,
          %swap3A_339 = arith.constant 3 : i32
          %swap3A_340 = arith.index_cast %swap3A_339 : i32 to index
          %swap3A_341 = arith.constant 0 : index
          %swap3A_342 = tpu.vector_load %arg13[%swap3A_340, %swap3A_341] {strides = array<i32>} : memref<4x384xf32, #tpu.memory_space<vmem>>, vector<16xf32>,
          tpu.vector_store %arg13[%swap3A_340, %swap3A_341], %gather3A_338 {strides = array<i32>} : memref<4x384xf32, #tpu.memory_space<vmem>>, vector<16xf32>,
          %get3A_343 = arith.constant 0 : i32
          %get3A_344 = arith.index_cast %get3A_343 : i32 to index
          %get3A_345 = arith.constant 16 : index
          %get3A_346 = tpu.vector_load %arg11[%get3A_344, %get3A_345] {strides = array<i32>} : memref<3x128xi32, #tpu.memory_space<vmem>>, vector<16xi32>,
          %sub3A_347 = vector.broadcast %mul3A_298 : i32 to vector<16xi32>
          %sub3A_348 = arith.subi %get3A_346, %sub3A_347 : vector<16xi32>
          %jit3A_349 = arith.constant 0 : i32
          %jit3A_350 = arith.constant 5119 : i32
          %max3A_351 = vector.broadcast %jit3A_349 : i32 to vector<16xi32>
          %max3A_352 = arith.maxsi %max3A_351, %sub3A_348 : vector<16xi32>
          %min3A_353 = vector.broadcast %jit3A_350 : i32 to vector<16xi32>
          %min3A_354 = arith.minsi %min3A_353, %max3A_352 : vector<16xi32>
          %broadcast_in_dim3A_355 = arith.constant 0 : i32
          %broadcast_in_dim3A_356 = vector.broadcast %broadcast_in_dim3A_355 : i32 to vector<16xi32>
          %gather3A_357 = tpu.vector_load_idx %arg12[%min3A_354, %broadcast_in_dim3A_356] : memref<5120x4xf32, #tpu.memory_space<vmem>>[vector<16xi32>, vector<16xi32>], vector<16xf32>,
          %swap3A_358 = arith.constant 0 : i32
          %swap3A_359 = arith.index_cast %swap3A_358 : i32 to index
          %swap3A_360 = arith.constant 16 : index
          %swap3A_361 = tpu.vector_load %arg13[%swap3A_359, %swap3A_360] {strides = array<i32>} : memref<4x384xf32, #tpu.memory_space<vmem>>, vector<16xf32>,
          tpu.vector_store %arg13[%swap3A_359, %swap3A_360], %gather3A_357 {strides = array<i32>} : memref<4x384xf32, #tpu.memory_space<vmem>>, vector<16xf32>,
          %broadcast_in_dim3A_362 = arith.constant 1 : i32
          %broadcast_in_dim3A_363 = vector.broadcast %broadcast_in_dim3A_362 : i32 to vector<16xi32>
          %gather3A_364 = tpu.vector_load_idx %arg12[%min3A_354, %broadcast_in_dim3A_363] : memref<5120x4xf32, #tpu.memory_space<vmem>>[vector<16xi32>, vector<16xi32>], vector<16xf32>,
          %swap3A_365 = arith.constant 1 : i32
          %swap3A_366 = arith.index_cast %swap3A_365 : i32 to index
          %swap3A_367 = arith.constant 16 : index
          %swap3A_368 = tpu.vector_load %arg13[%swap3A_366, %swap3A_367] {strides = array<i32>} : memref<4x384xf32, #tpu.memory_space<vmem>>, vector<16xf32>,
          tpu.vector_store %arg13[%swap3A_366, %swap3A_367], %gather3A_364 {strides = array<i32>} : memref<4x384xf32, #tpu.memory_space<vmem>>, vector<16xf32>,
          %broadcast_in_dim3A_369 = arith.constant 2 : i32
          %broadcast_in_dim3A_370 = vector.broadcast %broadcast_in_dim3A_369 : i32 to vector<16xi32>
          %gather3A_371 = tpu.vector_load_idx %arg12[%min3A_354, %broadcast_in_dim3A_370] : memref<5120x4xf32, #tpu.memory_space<vmem>>[vector<16xi32>, vector<16xi32>], vector<16xf32>,
          %swap3A_372 = arith.constant 2 : i32
          %swap3A_373 = arith.index_cast %swap3A_372 : i32 to index
          %swap3A_374 = arith.constant 16 : index
          %swap3A_375 = tpu.vector_load %arg13[%swap3A_373, %swap3A_374] {strides = array<i32>} : memref<4x384xf32, #tpu.memory_space<vmem>>, vector<16xf32>,
          tpu.vector_store %arg13[%swap3A_373, %swap3A_374], %gather3A_371 {strides = array<i32>} : memref<4x384xf32, #tpu.memory_space<vmem>>, vector<16xf32>,
          %broadcast_in_dim3A_376 = arith.constant 3 : i32
          %broadcast_in_dim3A_377 = vector.broadcast %broadcast_in_dim3A_376 : i32 to vector<16xi32>
          %gather3A_378 = tpu.vector_load_idx %arg12[%min3A_354, %broadcast_in_dim3A_377] : memref<5120x4xf32, #tpu.memory_space<vmem>>[vector<16xi32>, vector<16xi32>], vector<16xf32>,
          %swap3A_379 = arith.constant 3 : i32
          %swap3A_380 = arith.index_cast %swap3A_379 : i32 to index
          %swap3A_381 = arith.constant 16 : index
          %swap3A_382 = tpu.vector_load %arg13[%swap3A_380, %swap3A_381] {strides = array<i32>} : memref<4x384xf32, #tpu.memory_space<vmem>>, vector<16xf32>,
          tpu.vector_store %arg13[%swap3A_380, %swap3A_381], %gather3A_378 {strides = array<i32>} : memref<4x384xf32, #tpu.memory_space<vmem>>, vector<16xf32>,
          %get3A_383 = arith.constant 0 : i32
          %get3A_384 = arith.index_cast %get3A_383 : i32 to index
          %get3A_385 = arith.constant 32 : index
          %get3A_386 = tpu.vector_load %arg11[%get3A_384, %get3A_385] {strides = array<i32>} : memref<3x128xi32, #tpu.memory_space<vmem>>, vector<16xi32>,
          %sub3A_387 = vector.broadcast %mul3A_298 : i32 to vector<16xi32>
          %sub3A_388 = arith.subi %get3A_386, %sub3A_387 : vector<16xi32>
          %jit3A_389 = arith.constant 0 : i32
          %jit3A_390 = arith.constant 5119 : i32
          %max3A_391 = vector.broadcast %jit3A_389 : i32 to vector<16xi32>
          %max3A_392 = arith.maxsi %max3A_391, %sub3A_388 : vector<16xi32>
          %min3A_393 = vector.broadcast %jit3A_390 : i32 to vector<16xi32>
          %min3A_394 = arith.minsi %min3A_393, %max3A_392 : vector<16xi32>
          %broadcast_in_dim3A_395 = arith.constant 0 : i32
          %broadcast_in_dim3A_396 = vector.broadcast %broadcast_in_dim3A_395 : i32 to vector<16xi32>
          %gather3A_397 = tpu.vector_load_idx %arg12[%min3A_394, %broadcast_in_dim3A_396] : memref<5120x4xf32, #tpu.memory_space<vmem>>[vector<16xi32>, vector<16xi32>], vector<16xf32>,
          %swap3A_398 = arith.constant 0 : i32
          %swap3A_399 = arith.index_cast %swap3A_398 : i32 to index
          %swap3A_400 = arith.constant 32 : index
          %swap3A_401 = tpu.vector_load %arg13[%swap3A_399, %swap3A_400] {strides = array<i32>} : memref<4x384xf32, #tpu.memory_space<vmem>>, vector<16xf32>,
          tpu.vector_store %arg13[%swap3A_399, %swap3A_400], %gather3A_397 {strides = array<i32>} : memref<4x384xf32, #tpu.memory_space<vmem>>, vector<16xf32>,
          %broadcast_in_dim3A_402 = arith.constant 1 : i32
          %broadcast_in_dim3A_403 = vector.broadcast %broadcast_in_dim3A_402 : i32 to vector<16xi32>
          %gather3A_404 = tpu.vector_load_idx %arg12[%min3A_394, %broadcast_in_dim3A_403] : memref<5120x4xf32, #tpu.memory_space<vmem>>[vector<16xi32>, vector<16xi32>], vector<16xf32>,
          %swap3A_405 = arith.constant 1 : i32
          %swap3A_406 = arith.index_cast %swap3A_405 : i32 to index
          %swap3A_407 = arith.constant 32 : index
          %swap3A_408 = tpu.vector_load %arg13[%swap3A_406, %swap3A_407] {strides = array<i32>} : memref<4x384xf32, #tpu.memory_space<vmem>>, vector<16xf32>,
          tpu.vector_store %arg13[%swap3A_406, %swap3A_407], %gather3A_404 {strides = array<i32>} : memref<4x384xf32, #tpu.memory_space<vmem>>, vector<16xf32>,
          %broadcast_in_dim3A_409 = arith.constant 2 : i32
          %broadcast_in_dim3A_410 = vector.broadcast %broadcast_in_dim3A_409 : i32 to vector<16xi32>
          %gather3A_411 = tpu.vector_load_idx %arg12[%min3A_394, %broadcast_in_dim3A_410] : memref<5120x4xf32, #tpu.memory_space<vmem>>[vector<16xi32>, vector<16xi32>], vector<16xf32>,
          %swap3A_412 = arith.constant 2 : i32
          %swap3A_413 = arith.index_cast %swap3A_412 : i32 to index
          %swap3A_414 = arith.constant 32 : index
          %swap3A_415 = tpu.vector_load %arg13[%swap3A_413, %swap3A_414] {strides = array<i32>} : memref<4x384xf32, #tpu.memory_space<vmem>>, vector<16xf32>,
          tpu.vector_store %arg13[%swap3A_413, %swap3A_414], %gather3A_411 {strides = array<i32>} : memref<4x384xf32, #tpu.memory_space<vmem>>, vector<16xf32>,
          %broadcast_in_dim3A_416 = arith.constant 3 : i32
          %broadcast_in_dim3A_417 = vector.broadcast %broadcast_in_dim3A_416 : i32 to vector<16xi32>
          %gather3A_418 = tpu.vector_load_idx %arg12[%min3A_394, %broadcast_in_dim3A_417] : memref<5120x4xf32, #tpu.memory_space<vmem>>[vector<16xi32>, vector<16xi32>], vector<16xf32>,
          %swap3A_419 = arith.constant 3 : i32
          %swap3A_420 = arith.index_cast %swap3A_419 : i32 to index
          %swap3A_421 = arith.constant 32 : index
          %swap3A_422 = tpu.vector_load %arg13[%swap3A_420, %swap3A_421] {strides = array<i32>} : memref<4x384xf32, #tpu.memory_space<vmem>>, vector<16xf32>,
          tpu.vector_store %arg13[%swap3A_420, %swap3A_421], %gather3A_418 {strides = array<i32>} : memref<4x384xf32, #tpu.memory_space<vmem>>, vector<16xf32>,
          %get3A_423 = arith.constant 0 : i32
          %get3A_424 = arith.index_cast %get3A_423 : i32 to index
          %get3A_425 = arith.constant 48 : index
          %get3A_426 = tpu.vector_load %arg11[%get3A_424, %get3A_425] {strides = array<i32>} : memref<3x128xi32, #tpu.memory_space<vmem>>, vector<16xi32>,
          %sub3A_427 = vector.broadcast %mul3A_298 : i32 to vector<16xi32>
          %sub3A_428 = arith.subi %get3A_426, %sub3A_427 : vector<16xi32>
          %jit3A_429 = arith.constant 0 : i32
          %jit3A_430 = arith.constant 5119 : i32
          %max3A_431 = vector.broadcast %jit3A_429 : i32 to vector<16xi32>
          %max3A_432 = arith.maxsi %max3A_431, %sub3A_428 : vector<16xi32>
          %min3A_433 = vector.broadcast %jit3A_430 : i32 to vector<16xi32>
          %min3A_434 = arith.minsi %min3A_433, %max3A_432 : vector<16xi32>
          %broadcast_in_dim3A_435 = arith.constant 0 : i32
          %broadcast_in_dim3A_436 = vector.broadcast %broadcast_in_dim3A_435 : i32 to vector<16xi32>
          %gather3A_437 = tpu.vector_load_idx %arg12[%min3A_434, %broadcast_in_dim3A_436] : memref<5120x4xf32, #tpu.memory_space<vmem>>[vector<16xi32>, vector<16xi32>], vector<16xf32>,
          %swap3A_438 = arith.constant 0 : i32
          %swap3A_439 = arith.index_cast %swap3A_438 : i32 to index
          %swap3A_440 = arith.constant 48 : index
          %swap3A_441 = tpu.vector_load %arg13[%swap3A_439, %swap3A_440] {strides = array<i32>} : memref<4x384xf32, #tpu.memory_space<vmem>>, vector<16xf32>,
          tpu.vector_store %arg13[%swap3A_439, %swap3A_440], %gather3A_437 {strides = array<i32>} : memref<4x384xf32, #tpu.memory_space<vmem>>, vector<16xf32>,
          %broadcast_in_dim3A_442 = arith.constant 1 : i32
          %broadcast_in_dim3A_443 = vector.broadcast %broadcast_in_dim3A_442 : i32 to vector<16xi32>
          %gather3A_444 = tpu.vector_load_idx %arg12[%min3A_434, %broadcast_in_dim3A_443] : memref<5120x4xf32, #tpu.memory_space<vmem>>[vector<16xi32>, vector<16xi32>], vector<16xf32>,
          %swap3A_445 = arith.constant 1 : i32
          %swap3A_446 = arith.index_cast %swap3A_445 : i32 to index
          %swap3A_447 = arith.constant 48 : index
          %swap3A_448 = tpu.vector_load %arg13[%swap3A_446, %swap3A_447] {strides = array<i32>} : memref<4x384xf32, #tpu.memory_space<vmem>>, vector<16xf32>,
          tpu.vector_store %arg13[%swap3A_446, %swap3A_447], %gather3A_444 {strides = array<i32>} : memref<4x384xf32, #tpu.memory_space<vmem>>, vector<16xf32>,
          %broadcast_in_dim3A_449 = arith.constant 2 : i32
          %broadcast_in_dim3A_450 = vector.broadcast %broadcast_in_dim3A_449 : i32 to vector<16xi32>
          %gather3A_451 = tpu.vector_load_idx %arg12[%min3A_434, %broadcast_in_dim3A_450] : memref<5120x4xf32, #tpu.memory_space<vmem>>[vector<16xi32>, vector<16xi32>], vector<16xf32>,
          %swap3A_452 = arith.constant 2 : i32
          %swap3A_453 = arith.index_cast %swap3A_452 : i32 to index
          %swap3A_454 = arith.constant 48 : index
          %swap3A_455 = tpu.vector_load %arg13[%swap3A_453, %swap3A_454] {strides = array<i32>} : memref<4x384xf32, #tpu.memory_space<vmem>>, vector<16xf32>,
          tpu.vector_store %arg13[%swap3A_453, %swap3A_454], %gather3A_451 {strides = array<i32>} : memref<4x384xf32, #tpu.memory_space<vmem>>, vector<16xf32>,
          %broadcast_in_dim3A_456 = arith.constant 3 : i32
          %broadcast_in_dim3A_457 = vector.broadcast %broadcast_in_dim3A_456 : i32 to vector<16xi32>
          %gather3A_458 = tpu.vector_load_idx %arg12[%min3A_434, %broadcast_in_dim3A_457] : memref<5120x4xf32, #tpu.memory_space<vmem>>[vector<16xi32>, vector<16xi32>], vector<16xf32>,
          %swap3A_459 = arith.constant 3 : i32
          %swap3A_460 = arith.index_cast %swap3A_459 : i32 to index
          %swap3A_461 = arith.constant 48 : index
          %swap3A_462 = tpu.vector_load %arg13[%swap3A_460, %swap3A_461] {strides = array<i32>} : memref<4x384xf32, #tpu.memory_space<vmem>>, vector<16xf32>,
          tpu.vector_store %arg13[%swap3A_460, %swap3A_461], %gather3A_458 {strides = array<i32>} : memref<4x384xf32, #tpu.memory_space<vmem>>, vector<16xf32>,
          %get3A_463 = arith.constant 0 : i32
          %get3A_464 = arith.index_cast %get3A_463 : i32 to index
          %get3A_465 = arith.constant 64 : index
          %get3A_466 = tpu.vector_load %arg11[%get3A_464, %get3A_465] {strides = array<i32>} : memref<3x128xi32, #tpu.memory_space<vmem>>, vector<16xi32>,
          %sub3A_467 = vector.broadcast %mul3A_298 : i32 to vector<16xi32>
          %sub3A_468 = arith.subi %get3A_466, %sub3A_467 : vector<16xi32>
          %jit3A_469 = arith.constant 0 : i32
          %jit3A_470 = arith.constant 5119 : i32
          %max3A_471 = vector.broadcast %jit3A_469 : i32 to vector<16xi32>
          %max3A_472 = arith.maxsi %max3A_471, %sub3A_468 : vector<16xi32>
          %min3A_473 = vector.broadcast %jit3A_470 : i32 to vector<16xi32>
          %min3A_474 = arith.minsi %min3A_473, %max3A_472 : vector<16xi32>
          %broadcast_in_dim3A_475 = arith.constant 0 : i32
          %broadcast_in_dim3A_476 = vector.broadcast %broadcast_in_dim3A_475 : i32 to vector<16xi32>
          %gather3A_477 = tpu.vector_load_idx %arg12[%min3A_474, %broadcast_in_dim3A_476] : memref<5120x4xf32, #tpu.memory_space<vmem>>[vector<16xi32>, vector<16xi32>], vector<16xf32>,
          %swap3A_478 = arith.constant 0 : i32
          %swap3A_479 = arith.index_cast %swap3A_478 : i32 to index
          %swap3A_480 = arith.constant 64 : index
          %swap3A_481 = tpu.vector_load %arg13[%swap3A_479, %swap3A_480] {strides = array<i32>} : memref<4x384xf32, #tpu.memory_space<vmem>>, vector<16xf32>,
          tpu.vector_store %arg13[%swap3A_479, %swap3A_480], %gather3A_477 {strides = array<i32>} : memref<4x384xf32, #tpu.memory_space<vmem>>, vector<16xf32>,
          %broadcast_in_dim3A_482 = arith.constant 1 : i32
          %broadcast_in_dim3A_483 = vector.broadcast %broadcast_in_dim3A_482 : i32 to vector<16xi32>
          %gather3A_484 = tpu.vector_load_idx %arg12[%min3A_474, %broadcast_in_dim3A_483] : memref<5120x4xf32, #tpu.memory_space<vmem>>[vector<16xi32>, vector<16xi32>], vector<16xf32>,
          %swap3A_485 = arith.constant 1 : i32
          %swap3A_486 = arith.index_cast %swap3A_485 : i32 to index
          %swap3A_487 = arith.constant 64 : index
          %swap3A_488 = tpu.vector_load %arg13[%swap3A_486, %swap3A_487] {strides = array<i32>} : memref<4x384xf32, #tpu.memory_space<vmem>>, vector<16xf32>,
          tpu.vector_store %arg13[%swap3A_486, %swap3A_487], %gather3A_484 {strides = array<i32>} : memref<4x384xf32, #tpu.memory_space<vmem>>, vector<16xf32>,
          %broadcast_in_dim3A_489 = arith.constant 2 : i32
          %broadcast_in_dim3A_490 = vector.broadcast %broadcast_in_dim3A_489 : i32 to vector<16xi32>
          %gather3A_491 = tpu.vector_load_idx %arg12[%min3A_474, %broadcast_in_dim3A_490] : memref<5120x4xf32, #tpu.memory_space<vmem>>[vector<16xi32>, vector<16xi32>], vector<16xf32>,
          %swap3A_492 = arith.constant 2 : i32
          %swap3A_493 = arith.index_cast %swap3A_492 : i32 to index
          %swap3A_494 = arith.constant 64 : index
          %swap3A_495 = tpu.vector_load %arg13[%swap3A_493, %swap3A_494] {strides = array<i32>} : memref<4x384xf32, #tpu.memory_space<vmem>>, vector<16xf32>,
          tpu.vector_store %arg13[%swap3A_493, %swap3A_494], %gather3A_491 {strides = array<i32>} : memref<4x384xf32, #tpu.memory_space<vmem>>, vector<16xf32>,
          %broadcast_in_dim3A_496 = arith.constant 3 : i32
          %broadcast_in_dim3A_497 = vector.broadcast %broadcast_in_dim3A_496 : i32 to vector<16xi32>
          %gather3A_498 = tpu.vector_load_idx %arg12[%min3A_474, %broadcast_in_dim3A_497] : memref<5120x4xf32, #tpu.memory_space<vmem>>[vector<16xi32>, vector<16xi32>], vector<16xf32>,
          %swap3A_499 = arith.constant 3 : i32
          %swap3A_500 = arith.index_cast %swap3A_499 : i32 to index
          %swap3A_501 = arith.constant 64 : index
          %swap3A_502 = tpu.vector_load %arg13[%swap3A_500, %swap3A_501] {strides = array<i32>} : memref<4x384xf32, #tpu.memory_space<vmem>>, vector<16xf32>,
          tpu.vector_store %arg13[%swap3A_500, %swap3A_501], %gather3A_498 {strides = array<i32>} : memref<4x384xf32, #tpu.memory_space<vmem>>, vector<16xf32>,
          %get3A_503 = arith.constant 0 : i32
          %get3A_504 = arith.index_cast %get3A_503 : i32 to index
          %get3A_505 = arith.constant 80 : index
          %get3A_506 = tpu.vector_load %arg11[%get3A_504, %get3A_505] {strides = array<i32>} : memref<3x128xi32, #tpu.memory_space<vmem>>, vector<16xi32>,
          %sub3A_507 = vector.broadcast %mul3A_298 : i32 to vector<16xi32>
          %sub3A_508 = arith.subi %get3A_506, %sub3A_507 : vector<16xi32>
          %jit3A_509 = arith.constant 0 : i32
          %jit3A_510 = arith.constant 5119 : i32
          %max3A_511 = vector.broadcast %jit3A_509 : i32 to vector<16xi32>
          %max3A_512 = arith.maxsi %max3A_511, %sub3A_508 : vector<16xi32>
          %min3A_513 = vector.broadcast %jit3A_510 : i32 to vector<16xi32>
          %min3A_514 = arith.minsi %min3A_513, %max3A_512 : vector<16xi32>
          %broadcast_in_dim3A_515 = arith.constant 0 : i32
          %broadcast_in_dim3A_516 = vector.broadcast %broadcast_in_dim3A_515 : i32 to vector<16xi32>
          %gather3A_517 = tpu.vector_load_idx %arg12[%min3A_514, %broadcast_in_dim3A_516] : memref<5120x4xf32, #tpu.memory_space<vmem>>[vector<16xi32>, vector<16xi32>], vector<16xf32>,
          %swap3A_518 = arith.constant 0 : i32
          %swap3A_519 = arith.index_cast %swap3A_518 : i32 to index
          %swap3A_520 = arith.constant 80 : index
          %swap3A_521 = tpu.vector_load %arg13[%swap3A_519, %swap3A_520] {strides = array<i32>} : memref<4x384xf32, #tpu.memory_space<vmem>>, vector<16xf32>,
          tpu.vector_store %arg13[%swap3A_519, %swap3A_520], %gather3A_517 {strides = array<i32>} : memref<4x384xf32, #tpu.memory_space<vmem>>, vector<16xf32>,
          %broadcast_in_dim3A_522 = arith.constant 1 : i32
          %broadcast_in_dim3A_523 = vector.broadcast %broadcast_in_dim3A_522 : i32 to vector<16xi32>
          %gather3A_524 = tpu.vector_load_idx %arg12[%min3A_514, %broadcast_in_dim3A_523] : memref<5120x4xf32, #tpu.memory_space<vmem>>[vector<16xi32>, vector<16xi32>], vector<16xf32>,
          %swap3A_525 = arith.constant 1 : i32
          %swap3A_526 = arith.index_cast %swap3A_525 : i32 to index
          %swap3A_527 = arith.constant 80 : index
          %swap3A_528 = tpu.vector_load %arg13[%swap3A_526, %swap3A_527] {strides = array<i32>} : memref<4x384xf32, #tpu.memory_space<vmem>>, vector<16xf32>,
          tpu.vector_store %arg13[%swap3A_526, %swap3A_527], %gather3A_524 {strides = array<i32>} : memref<4x384xf32, #tpu.memory_space<vmem>>, vector<16xf32>,
          %broadcast_in_dim3A_529 = arith.constant 2 : i32
          %broadcast_in_dim3A_530 = vector.broadcast %broadcast_in_dim3A_529 : i32 to vector<16xi32>
          %gather3A_531 = tpu.vector_load_idx %arg12[%min3A_514, %broadcast_in_dim3A_530] : memref<5120x4xf32, #tpu.memory_space<vmem>>[vector<16xi32>, vector<16xi32>], vector<16xf32>,
          %swap3A_532 = arith.constant 2 : i32
          %swap3A_533 = arith.index_cast %swap3A_532 : i32 to index
          %swap3A_534 = arith.constant 80 : index
          %swap3A_535 = tpu.vector_load %arg13[%swap3A_533, %swap3A_534] {strides = array<i32>} : memref<4x384xf32, #tpu.memory_space<vmem>>, vector<16xf32>,
          tpu.vector_store %arg13[%swap3A_533, %swap3A_534], %gather3A_531 {strides = array<i32>} : memref<4x384xf32, #tpu.memory_space<vmem>>, vector<16xf32>,
          %broadcast_in_dim3A_536 = arith.constant 3 : i32
          %broadcast_in_dim3A_537 = vector.broadcast %broadcast_in_dim3A_536 : i32 to vector<16xi32>
          %gather3A_538 = tpu.vector_load_idx %arg12[%min3A_514, %broadcast_in_dim3A_537] : memref<5120x4xf32, #tpu.memory_space<vmem>>[vector<16xi32>, vector<16xi32>], vector<16xf32>,
          %swap3A_539 = arith.constant 3 : i32
          %swap3A_540 = arith.index_cast %swap3A_539 : i32 to index
          %swap3A_541 = arith.constant 80 : index
          %swap3A_542 = tpu.vector_load %arg13[%swap3A_540, %swap3A_541] {strides = array<i32>} : memref<4x384xf32, #tpu.memory_space<vmem>>, vector<16xf32>,
          tpu.vector_store %arg13[%swap3A_540, %swap3A_541], %gather3A_538 {strides = array<i32>} : memref<4x384xf32, #tpu.memory_space<vmem>>, vector<16xf32>,
          %get3A_543 = arith.constant 0 : i32
          %get3A_544 = arith.index_cast %get3A_543 : i32 to index
          %get3A_545 = arith.constant 96 : index
          %get3A_546 = tpu.vector_load %arg11[%get3A_544, %get3A_545] {strides = array<i32>} : memref<3x128xi32, #tpu.memory_space<vmem>>, vector<16xi32>,
          %sub3A_547 = vector.broadcast %mul3A_298 : i32 to vector<16xi32>
          %sub3A_548 = arith.subi %get3A_546, %sub3A_547 : vector<16xi32>
          %jit3A_549 = arith.constant 0 : i32
          %jit3A_550 = arith.constant 5119 : i32
          %max3A_551 = vector.broadcast %jit3A_549 : i32 to vector<16xi32>
          %max3A_552 = arith.maxsi %max3A_551, %sub3A_548 : vector<16xi32>
          %min3A_553 = vector.broadcast %jit3A_550 : i32 to vector<16xi32>
          %min3A_554 = arith.minsi %min3A_553, %max3A_552 : vector<16xi32>
          %broadcast_in_dim3A_555 = arith.constant 0 : i32
          %broadcast_in_dim3A_556 = vector.broadcast %broadcast_in_dim3A_555 : i32 to vector<16xi32>
          %gather3A_557 = tpu.vector_load_idx %arg12[%min3A_554, %broadcast_in_dim3A_556] : memref<5120x4xf32, #tpu.memory_space<vmem>>[vector<16xi32>, vector<16xi32>], vector<16xf32>,
          %swap3A_558 = arith.constant 0 : i32
          %swap3A_559 = arith.index_cast %swap3A_558 : i32 to index
          %swap3A_560 = arith.constant 96 : index
          %swap3A_561 = tpu.vector_load %arg13[%swap3A_559, %swap3A_560] {strides = array<i32>} : memref<4x384xf32, #tpu.memory_space<vmem>>, vector<16xf32>,
          tpu.vector_store %arg13[%swap3A_559, %swap3A_560], %gather3A_557 {strides = array<i32>} : memref<4x384xf32, #tpu.memory_space<vmem>>, vector<16xf32>,
          %broadcast_in_dim3A_562 = arith.constant 1 : i32
          %broadcast_in_dim3A_563 = vector.broadcast %broadcast_in_dim3A_562 : i32 to vector<16xi32>
          %gather3A_564 = tpu.vector_load_idx %arg12[%min3A_554, %broadcast_in_dim3A_563] : memref<5120x4xf32, #tpu.memory_space<vmem>>[vector<16xi32>, vector<16xi32>], vector<16xf32>,
          %swap3A_565 = arith.constant 1 : i32
          %swap3A_566 = arith.index_cast %swap3A_565 : i32 to index
          %swap3A_567 = arith.constant 96 : index
          %swap3A_568 = tpu.vector_load %arg13[%swap3A_566, %swap3A_567] {strides = array<i32>} : memref<4x384xf32, #tpu.memory_space<vmem>>, vector<16xf32>,
          tpu.vector_store %arg13[%swap3A_566, %swap3A_567], %gather3A_564 {strides = array<i32>} : memref<4x384xf32, #tpu.memory_space<vmem>>, vector<16xf32>,
          %broadcast_in_dim3A_569 = arith.constant 2 : i32
          %broadcast_in_dim3A_570 = vector.broadcast %broadcast_in_dim3A_569 : i32 to vector<16xi32>
          %gather3A_571 = tpu.vector_load_idx %arg12[%min3A_554, %broadcast_in_dim3A_570] : memref<5120x4xf32, #tpu.memory_space<vmem>>[vector<16xi32>, vector<16xi32>], vector<16xf32>,
          %swap3A_572 = arith.constant 2 : i32
          %swap3A_573 = arith.index_cast %swap3A_572 : i32 to index
          %swap3A_574 = arith.constant 96 : index
          %swap3A_575 = tpu.vector_load %arg13[%swap3A_573, %swap3A_574] {strides = array<i32>} : memref<4x384xf32, #tpu.memory_space<vmem>>, vector<16xf32>,
          tpu.vector_store %arg13[%swap3A_573, %swap3A_574], %gather3A_571 {strides = array<i32>} : memref<4x384xf32, #tpu.memory_space<vmem>>, vector<16xf32>,
          %broadcast_in_dim3A_576 = arith.constant 3 : i32
          %broadcast_in_dim3A_577 = vector.broadcast %broadcast_in_dim3A_576 : i32 to vector<16xi32>
          %gather3A_578 = tpu.vector_load_idx %arg12[%min3A_554, %broadcast_in_dim3A_577] : memref<5120x4xf32, #tpu.memory_space<vmem>>[vector<16xi32>, vector<16xi32>], vector<16xf32>,
          %swap3A_579 = arith.constant 3 : i32
          %swap3A_580 = arith.index_cast %swap3A_579 : i32 to index
          %swap3A_581 = arith.constant 96 : index
          %swap3A_582 = tpu.vector_load %arg13[%swap3A_580, %swap3A_581] {strides = array<i32>} : memref<4x384xf32, #tpu.memory_space<vmem>>, vector<16xf32>,
          tpu.vector_store %arg13[%swap3A_580, %swap3A_581], %gather3A_578 {strides = array<i32>} : memref<4x384xf32, #tpu.memory_space<vmem>>, vector<16xf32>,
          %get3A_583 = arith.constant 0 : i32
          %get3A_584 = arith.index_cast %get3A_583 : i32 to index
          %get3A_585 = arith.constant 112 : index
          %get3A_586 = tpu.vector_load %arg11[%get3A_584, %get3A_585] {strides = array<i32>} : memref<3x128xi32, #tpu.memory_space<vmem>>, vector<16xi32>,
          %sub3A_587 = vector.broadcast %mul3A_298 : i32 to vector<16xi32>
          %sub3A_588 = arith.subi %get3A_586, %sub3A_587 : vector<16xi32>
          %jit3A_589 = arith.constant 0 : i32
          %jit3A_590 = arith.constant 5119 : i32
          %max3A_591 = vector.broadcast %jit3A_589 : i32 to vector<16xi32>
          %max3A_592 = arith.maxsi %max3A_591, %sub3A_588 : vector<16xi32>
          %min3A_593 = vector.broadcast %jit3A_590 : i32 to vector<16xi32>
          %min3A_594 = arith.minsi %min3A_593, %max3A_592 : vector<16xi32>
          %broadcast_in_dim3A_595 = arith.constant 0 : i32
          %broadcast_in_dim3A_596 = vector.broadcast %broadcast_in_dim3A_595 : i32 to vector<16xi32>
          %gather3A_597 = tpu.vector_load_idx %arg12[%min3A_594, %broadcast_in_dim3A_596] : memref<5120x4xf32, #tpu.memory_space<vmem>>[vector<16xi32>, vector<16xi32>], vector<16xf32>,
          %swap3A_598 = arith.constant 0 : i32
          %swap3A_599 = arith.index_cast %swap3A_598 : i32 to index
          %swap3A_600 = arith.constant 112 : index
          %swap3A_601 = tpu.vector_load %arg13[%swap3A_599, %swap3A_600] {strides = array<i32>} : memref<4x384xf32, #tpu.memory_space<vmem>>, vector<16xf32>,
          tpu.vector_store %arg13[%swap3A_599, %swap3A_600], %gather3A_597 {strides = array<i32>} : memref<4x384xf32, #tpu.memory_space<vmem>>, vector<16xf32>,
          %broadcast_in_dim3A_602 = arith.constant 1 : i32
          %broadcast_in_dim3A_603 = vector.broadcast %broadcast_in_dim3A_602 : i32 to vector<16xi32>
          %gather3A_604 = tpu.vector_load_idx %arg12[%min3A_594, %broadcast_in_dim3A_603] : memref<5120x4xf32, #tpu.memory_space<vmem>>[vector<16xi32>, vector<16xi32>], vector<16xf32>,
          %swap3A_605 = arith.constant 1 : i32
          %swap3A_606 = arith.index_cast %swap3A_605 : i32 to index
          %swap3A_607 = arith.constant 112 : index
          %swap3A_608 = tpu.vector_load %arg13[%swap3A_606, %swap3A_607] {strides = array<i32>} : memref<4x384xf32, #tpu.memory_space<vmem>>, vector<16xf32>,
          tpu.vector_store %arg13[%swap3A_606, %swap3A_607], %gather3A_604 {strides = array<i32>} : memref<4x384xf32, #tpu.memory_space<vmem>>, vector<16xf32>,
          %broadcast_in_dim3A_609 = arith.constant 2 : i32
          %broadcast_in_dim3A_610 = vector.broadcast %broadcast_in_dim3A_609 : i32 to vector<16xi32>
          %gather3A_611 = tpu.vector_load_idx %arg12[%min3A_594, %broadcast_in_dim3A_610] : memref<5120x4xf32, #tpu.memory_space<vmem>>[vector<16xi32>, vector<16xi32>], vector<16xf32>,
          %swap3A_612 = arith.constant 2 : i32
          %swap3A_613 = arith.index_cast %swap3A_612 : i32 to index
          %swap3A_614 = arith.constant 112 : index
          %swap3A_615 = tpu.vector_load %arg13[%swap3A_613, %swap3A_614] {strides = array<i32>} : memref<4x384xf32, #tpu.memory_space<vmem>>, vector<16xf32>,
          tpu.vector_store %arg13[%swap3A_613, %swap3A_614], %gather3A_611 {strides = array<i32>} : memref<4x384xf32, #tpu.memory_space<vmem>>, vector<16xf32>,
          %broadcast_in_dim3A_616 = arith.constant 3 : i32
          %broadcast_in_dim3A_617 = vector.broadcast %broadcast_in_dim3A_616 : i32 to vector<16xi32>
          %gather3A_618 = tpu.vector_load_idx %arg12[%min3A_594, %broadcast_in_dim3A_617] : memref<5120x4xf32, #tpu.memory_space<vmem>>[vector<16xi32>, vector<16xi32>], vector<16xf32>,
          %swap3A_619 = arith.constant 3 : i32
          %swap3A_620 = arith.index_cast %swap3A_619 : i32 to index
          %swap3A_621 = arith.constant 112 : index
          %swap3A_622 = tpu.vector_load %arg13[%swap3A_620, %swap3A_621] {strides = array<i32>} : memref<4x384xf32, #tpu.memory_space<vmem>>, vector<16xf32>,
          tpu.vector_store %arg13[%swap3A_620, %swap3A_621], %gather3A_618 {strides = array<i32>} : memref<4x384xf32, #tpu.memory_space<vmem>>, vector<16xf32>,
          %get3A_623 = arith.constant 1 : i32
          %get3A_624 = arith.index_cast %get3A_623 : i32 to index
          %get3A_625 = arith.constant 0 : index
          %get3A_626 = tpu.vector_load %arg11[%get3A_624, %get3A_625] {strides = array<i32>} : memref<3x128xi32, #tpu.memory_space<vmem>>, vector<16xi32>,
          %sub3A_627 = vector.broadcast %mul3A_298 : i32 to vector<16xi32>
          %sub3A_628 = arith.subi %get3A_626, %sub3A_627 : vector<16xi32>
          %jit3A_629 = arith.constant 0 : i32
          %jit3A_630 = arith.constant 5119 : i32
          %max3A_631 = vector.broadcast %jit3A_629 : i32 to vector<16xi32>
          %max3A_632 = arith.maxsi %max3A_631, %sub3A_628 : vector<16xi32>
          %min3A_633 = vector.broadcast %jit3A_630 : i32 to vector<16xi32>
          %min3A_634 = arith.minsi %min3A_633, %max3A_632 : vector<16xi32>
          %broadcast_in_dim3A_635 = arith.constant 0 : i32
          %broadcast_in_dim3A_636 = vector.broadcast %broadcast_in_dim3A_635 : i32 to vector<16xi32>
          %gather3A_637 = tpu.vector_load_idx %arg12[%min3A_634, %broadcast_in_dim3A_636] : memref<5120x4xf32, #tpu.memory_space<vmem>>[vector<16xi32>, vector<16xi32>], vector<16xf32>,
          %swap3A_638 = arith.constant 0 : i32
          %swap3A_639 = arith.index_cast %swap3A_638 : i32 to index
          %swap3A_640 = arith.constant 128 : index
          %swap3A_641 = tpu.vector_load %arg13[%swap3A_639, %swap3A_640] {strides = array<i32>} : memref<4x384xf32, #tpu.memory_space<vmem>>, vector<16xf32>,
          tpu.vector_store %arg13[%swap3A_639, %swap3A_640], %gather3A_637 {strides = array<i32>} : memref<4x384xf32, #tpu.memory_space<vmem>>, vector<16xf32>,
          %broadcast_in_dim3A_642 = arith.constant 1 : i32
          %broadcast_in_dim3A_643 = vector.broadcast %broadcast_in_dim3A_642 : i32 to vector<16xi32>
          %gather3A_644 = tpu.vector_load_idx %arg12[%min3A_634, %broadcast_in_dim3A_643] : memref<5120x4xf32, #tpu.memory_space<vmem>>[vector<16xi32>, vector<16xi32>], vector<16xf32>,
          %swap3A_645 = arith.constant 1 : i32
          %swap3A_646 = arith.index_cast %swap3A_645 : i32 to index
          %swap3A_647 = arith.constant 128 : index
          %swap3A_648 = tpu.vector_load %arg13[%swap3A_646, %swap3A_647] {strides = array<i32>} : memref<4x384xf32, #tpu.memory_space<vmem>>, vector<16xf32>,
          tpu.vector_store %arg13[%swap3A_646, %swap3A_647], %gather3A_644 {strides = array<i32>} : memref<4x384xf32, #tpu.memory_space<vmem>>, vector<16xf32>,
          %broadcast_in_dim3A_649 = arith.constant 2 : i32
          %broadcast_in_dim3A_650 = vector.broadcast %broadcast_in_dim3A_649 : i32 to vector<16xi32>
          %gather3A_651 = tpu.vector_load_idx %arg12[%min3A_634, %broadcast_in_dim3A_650] : memref<5120x4xf32, #tpu.memory_space<vmem>>[vector<16xi32>, vector<16xi32>], vector<16xf32>,
          %swap3A_652 = arith.constant 2 : i32
          %swap3A_653 = arith.index_cast %swap3A_652 : i32 to index
          %swap3A_654 = arith.constant 128 : index
          %swap3A_655 = tpu.vector_load %arg13[%swap3A_653, %swap3A_654] {strides = array<i32>} : memref<4x384xf32, #tpu.memory_space<vmem>>, vector<16xf32>,
          tpu.vector_store %arg13[%swap3A_653, %swap3A_654], %gather3A_651 {strides = array<i32>} : memref<4x384xf32, #tpu.memory_space<vmem>>, vector<16xf32>,
          %broadcast_in_dim3A_656 = arith.constant 3 : i32
          %broadcast_in_dim3A_657 = vector.broadcast %broadcast_in_dim3A_656 : i32 to vector<16xi32>
          %gather3A_658 = tpu.vector_load_idx %arg12[%min3A_634, %broadcast_in_dim3A_657] : memref<5120x4xf32, #tpu.memory_space<vmem>>[vector<16xi32>, vector<16xi32>], vector<16xf32>,
          %swap3A_659 = arith.constant 3 : i32
          %swap3A_660 = arith.index_cast %swap3A_659 : i32 to index
          %swap3A_661 = arith.constant 128 : index
          %swap3A_662 = tpu.vector_load %arg13[%swap3A_660, %swap3A_661] {strides = array<i32>} : memref<4x384xf32, #tpu.memory_space<vmem>>, vector<16xf32>,
          tpu.vector_store %arg13[%swap3A_660, %swap3A_661], %gather3A_658 {strides = array<i32>} : memref<4x384xf32, #tpu.memory_space<vmem>>, vector<16xf32>,
          %get3A_663 = arith.constant 1 : i32
          %get3A_664 = arith.index_cast %get3A_663 : i32 to index
          %get3A_665 = arith.constant 16 : index
          %get3A_666 = tpu.vector_load %arg11[%get3A_664, %get3A_665] {strides = array<i32>} : memref<3x128xi32, #tpu.memory_space<vmem>>, vector<16xi32>,
          %sub3A_667 = vector.broadcast %mul3A_298 : i32 to vector<16xi32>
          %sub3A_668 = arith.subi %get3A_666, %sub3A_667 : vector<16xi32>
          %jit3A_669 = arith.constant 0 : i32
          %jit3A_670 = arith.constant 5119 : i32
          %max3A_671 = vector.broadcast %jit3A_669 : i32 to vector<16xi32>
          %max3A_672 = arith.maxsi %max3A_671, %sub3A_668 : vector<16xi32>
          %min3A_673 = vector.broadcast %jit3A_670 : i32 to vector<16xi32>
          %min3A_674 = arith.minsi %min3A_673, %max3A_672 : vector<16xi32>
          %broadcast_in_dim3A_675 = arith.constant 0 : i32
          %broadcast_in_dim3A_676 = vector.broadcast %broadcast_in_dim3A_675 : i32 to vector<16xi32>
          %gather3A_677 = tpu.vector_load_idx %arg12[%min3A_674, %broadcast_in_dim3A_676] : memref<5120x4xf32, #tpu.memory_space<vmem>>[vector<16xi32>, vector<16xi32>], vector<16xf32>,
          %swap3A_678 = arith.constant 0 : i32
          %swap3A_679 = arith.index_cast %swap3A_678 : i32 to index
          %swap3A_680 = arith.constant 144 : index
          %swap3A_681 = tpu.vector_load %arg13[%swap3A_679, %swap3A_680] {strides = array<i32>} : memref<4x384xf32, #tpu.memory_space<vmem>>, vector<16xf32>,
          tpu.vector_store %arg13[%swap3A_679, %swap3A_680], %gather3A_677 {strides = array<i32>} : memref<4x384xf32, #tpu.memory_space<vmem>>, vector<16xf32>,
          %broadcast_in_dim3A_682 = arith.constant 1 : i32
          %broadcast_in_dim3A_683 = vector.broadcast %broadcast_in_dim3A_682 : i32 to vector<16xi32>
          %gather3A_684 = tpu.vector_load_idx %arg12[%min3A_674, %broadcast_in_dim3A_683] : memref<5120x4xf32, #tpu.memory_space<vmem>>[vector<16xi32>, vector<16xi32>], vector<16xf32>,
          %swap3A_685 = arith.constant 1 : i32
          %swap3A_686 = arith.index_cast %swap3A_685 : i32 to index
          %swap3A_687 = arith.constant 144 : index
          %swap3A_688 = tpu.vector_load %arg13[%swap3A_686, %swap3A_687] {strides = array<i32>} : memref<4x384xf32, #tpu.memory_space<vmem>>, vector<16xf32>,
          tpu.vector_store %arg13[%swap3A_686, %swap3A_687], %gather3A_684 {strides = array<i32>} : memref<4x384xf32, #tpu.memory_space<vmem>>, vector<16xf32>,
          %broadcast_in_dim3A_689 = arith.constant 2 : i32
          %broadcast_in_dim3A_690 = vector.broadcast %broadcast_in_dim3A_689 : i32 to vector<16xi32>
          %gather3A_691 = tpu.vector_load_idx %arg12[%min3A_674, %broadcast_in_dim3A_690] : memref<5120x4xf32, #tpu.memory_space<vmem>>[vector<16xi32>, vector<16xi32>], vector<16xf32>,
          %swap3A_692 = arith.constant 2 : i32
          %swap3A_693 = arith.index_cast %swap3A_692 : i32 to index
          %swap3A_694 = arith.constant 144 : index
          %swap3A_695 = tpu.vector_load %arg13[%swap3A_693, %swap3A_694] {strides = array<i32>} : memref<4x384xf32, #tpu.memory_space<vmem>>, vector<16xf32>,
          tpu.vector_store %arg13[%swap3A_693, %swap3A_694], %gather3A_691 {strides = array<i32>} : memref<4x384xf32, #tpu.memory_space<vmem>>, vector<16xf32>,
          %broadcast_in_dim3A_696 = arith.constant 3 : i32
          %broadcast_in_dim3A_697 = vector.broadcast %broadcast_in_dim3A_696 : i32 to vector<16xi32>
          %gather3A_698 = tpu.vector_load_idx %arg12[%min3A_674, %broadcast_in_dim3A_697] : memref<5120x4xf32, #tpu.memory_space<vmem>>[vector<16xi32>, vector<16xi32>], vector<16xf32>,
          %swap3A_699 = arith.constant 3 : i32
          %swap3A_700 = arith.index_cast %swap3A_699 : i32 to index
          %swap3A_701 = arith.constant 144 : index
          %swap3A_702 = tpu.vector_load %arg13[%swap3A_700, %swap3A_701] {strides = array<i32>} : memref<4x384xf32, #tpu.memory_space<vmem>>, vector<16xf32>,
          tpu.vector_store %arg13[%swap3A_700, %swap3A_701], %gather3A_698 {strides = array<i32>} : memref<4x384xf32, #tpu.memory_space<vmem>>, vector<16xf32>,
          %get3A_703 = arith.constant 1 : i32
          %get3A_704 = arith.index_cast %get3A_703 : i32 to index
          %get3A_705 = arith.constant 32 : index
          %get3A_706 = tpu.vector_load %arg11[%get3A_704, %get3A_705] {strides = array<i32>} : memref<3x128xi32, #tpu.memory_space<vmem>>, vector<16xi32>,
          %sub3A_707 = vector.broadcast %mul3A_298 : i32 to vector<16xi32>
          %sub3A_708 = arith.subi %get3A_706, %sub3A_707 : vector<16xi32>
          %jit3A_709 = arith.constant 0 : i32
          %jit3A_710 = arith.constant 5119 : i32
          %max3A_711 = vector.broadcast %jit3A_709 : i32 to vector<16xi32>
          %max3A_712 = arith.maxsi %max3A_711, %sub3A_708 : vector<16xi32>
          %min3A_713 = vector.broadcast %jit3A_710 : i32 to vector<16xi32>
          %min3A_714 = arith.minsi %min3A_713, %max3A_712 : vector<16xi32>
          %broadcast_in_dim3A_715 = arith.constant 0 : i32
          %broadcast_in_dim3A_716 = vector.broadcast %broadcast_in_dim3A_715 : i32 to vector<16xi32>
          %gather3A_717 = tpu.vector_load_idx %arg12[%min3A_714, %broadcast_in_dim3A_716] : memref<5120x4xf32, #tpu.memory_space<vmem>>[vector<16xi32>, vector<16xi32>], vector<16xf32>,
          %swap3A_718 = arith.constant 0 : i32
          %swap3A_719 = arith.index_cast %swap3A_718 : i32 to index
          %swap3A_720 = arith.constant 160 : index
          %swap3A_721 = tpu.vector_load %arg13[%swap3A_719, %swap3A_720] {strides = array<i32>} : memref<4x384xf32, #tpu.memory_space<vmem>>, vector<16xf32>,
          tpu.vector_store %arg13[%swap3A_719, %swap3A_720], %gather3A_717 {strides = array<i32>} : memref<4x384xf32, #tpu.memory_space<vmem>>, vector<16xf32>,
          %broadcast_in_dim3A_722 = arith.constant 1 : i32
          %broadcast_in_dim3A_723 = vector.broadcast %broadcast_in_dim3A_722 : i32 to vector<16xi32>
          %gather3A_724 = tpu.vector_load_idx %arg12[%min3A_714, %broadcast_in_dim3A_723] : memref<5120x4xf32, #tpu.memory_space<vmem>>[vector<16xi32>, vector<16xi32>], vector<16xf32>,
          %swap3A_725 = arith.constant 1 : i32
          %swap3A_726 = arith.index_cast %swap3A_725 : i32 to index
          %swap3A_727 = arith.constant 160 : index
          %swap3A_728 = tpu.vector_load %arg13[%swap3A_726, %swap3A_727] {strides = array<i32>} : memref<4x384xf32, #tpu.memory_space<vmem>>, vector<16xf32>,
          tpu.vector_store %arg13[%swap3A_726, %swap3A_727], %gather3A_724 {strides = array<i32>} : memref<4x384xf32, #tpu.memory_space<vmem>>, vector<16xf32>,
          %broadcast_in_dim3A_729 = arith.constant 2 : i32
          %broadcast_in_dim3A_730 = vector.broadcast %broadcast_in_dim3A_729 : i32 to vector<16xi32>
          %gather3A_731 = tpu.vector_load_idx %arg12[%min3A_714, %broadcast_in_dim3A_730] : memref<5120x4xf32, #tpu.memory_space<vmem>>[vector<16xi32>, vector<16xi32>], vector<16xf32>,
          %swap3A_732 = arith.constant 2 : i32
          %swap3A_733 = arith.index_cast %swap3A_732 : i32 to index
          %swap3A_734 = arith.constant 160 : index
          %swap3A_735 = tpu.vector_load %arg13[%swap3A_733, %swap3A_734] {strides = array<i32>} : memref<4x384xf32, #tpu.memory_space<vmem>>, vector<16xf32>,
          tpu.vector_store %arg13[%swap3A_733, %swap3A_734], %gather3A_731 {strides = array<i32>} : memref<4x384xf32, #tpu.memory_space<vmem>>, vector<16xf32>,
          %broadcast_in_dim3A_736 = arith.constant 3 : i32
          %broadcast_in_dim3A_737 = vector.broadcast %broadcast_in_dim3A_736 : i32 to vector<16xi32>
          %gather3A_738 = tpu.vector_load_idx %arg12[%min3A_714, %broadcast_in_dim3A_737] : memref<5120x4xf32, #tpu.memory_space<vmem>>[vector<16xi32>, vector<16xi32>], vector<16xf32>,
          %swap3A_739 = arith.constant 3 : i32
          %swap3A_740 = arith.index_cast %swap3A_739 : i32 to index
          %swap3A_741 = arith.constant 160 : index
          %swap3A_742 = tpu.vector_load %arg13[%swap3A_740, %swap3A_741] {strides = array<i32>} : memref<4x384xf32, #tpu.memory_space<vmem>>, vector<16xf32>,
          tpu.vector_store %arg13[%swap3A_740, %swap3A_741], %gather3A_738 {strides = array<i32>} : memref<4x384xf32, #tpu.memory_space<vmem>>, vector<16xf32>,
          %get3A_743 = arith.constant 1 : i32
          %get3A_744 = arith.index_cast %get3A_743 : i32 to index
          %get3A_745 = arith.constant 48 : index
          %get3A_746 = tpu.vector_load %arg11[%get3A_744, %get3A_745] {strides = array<i32>} : memref<3x128xi32, #tpu.memory_space<vmem>>, vector<16xi32>,
          %sub3A_747 = vector.broadcast %mul3A_298 : i32 to vector<16xi32>
          %sub3A_748 = arith.subi %get3A_746, %sub3A_747 : vector<16xi32>
          %jit3A_749 = arith.constant 0 : i32
          %jit3A_750 = arith.constant 5119 : i32
          %max3A_751 = vector.broadcast %jit3A_749 : i32 to vector<16xi32>
          %max3A_752 = arith.maxsi %max3A_751, %sub3A_748 : vector<16xi32>
          %min3A_753 = vector.broadcast %jit3A_750 : i32 to vector<16xi32>
          %min3A_754 = arith.minsi %min3A_753, %max3A_752 : vector<16xi32>
          %broadcast_in_dim3A_755 = arith.constant 0 : i32
          %broadcast_in_dim3A_756 = vector.broadcast %broadcast_in_dim3A_755 : i32 to vector<16xi32>
          %gather3A_757 = tpu.vector_load_idx %arg12[%min3A_754, %broadcast_in_dim3A_756] : memref<5120x4xf32, #tpu.memory_space<vmem>>[vector<16xi32>, vector<16xi32>], vector<16xf32>,
          %swap3A_758 = arith.constant 0 : i32
          %swap3A_759 = arith.index_cast %swap3A_758 : i32 to index
          %swap3A_760 = arith.constant 176 : index
          %swap3A_761 = tpu.vector_load %arg13[%swap3A_759, %swap3A_760] {strides = array<i32>} : memref<4x384xf32, #tpu.memory_space<vmem>>, vector<16xf32>,
          tpu.vector_store %arg13[%swap3A_759, %swap3A_760], %gather3A_757 {strides = array<i32>} : memref<4x384xf32, #tpu.memory_space<vmem>>, vector<16xf32>,
          %broadcast_in_dim3A_762 = arith.constant 1 : i32
          %broadcast_in_dim3A_763 = vector.broadcast %broadcast_in_dim3A_762 : i32 to vector<16xi32>
          %gather3A_764 = tpu.vector_load_idx %arg12[%min3A_754, %broadcast_in_dim3A_763] : memref<5120x4xf32, #tpu.memory_space<vmem>>[vector<16xi32>, vector<16xi32>], vector<16xf32>,
          %swap3A_765 = arith.constant 1 : i32
          %swap3A_766 = arith.index_cast %swap3A_765 : i32 to index
          %swap3A_767 = arith.constant 176 : index
          %swap3A_768 = tpu.vector_load %arg13[%swap3A_766, %swap3A_767] {strides = array<i32>} : memref<4x384xf32, #tpu.memory_space<vmem>>, vector<16xf32>,
          tpu.vector_store %arg13[%swap3A_766, %swap3A_767], %gather3A_764 {strides = array<i32>} : memref<4x384xf32, #tpu.memory_space<vmem>>, vector<16xf32>,
          %broadcast_in_dim3A_769 = arith.constant 2 : i32
          %broadcast_in_dim3A_770 = vector.broadcast %broadcast_in_dim3A_769 : i32 to vector<16xi32>
          %gather3A_771 = tpu.vector_load_idx %arg12[%min3A_754, %broadcast_in_dim3A_770] : memref<5120x4xf32, #tpu.memory_space<vmem>>[vector<16xi32>, vector<16xi32>], vector<16xf32>,
          %swap3A_772 = arith.constant 2 : i32
          %swap3A_773 = arith.index_cast %swap3A_772 : i32 to index
          %swap3A_774 = arith.constant 176 : index
          %swap3A_775 = tpu.vector_load %arg13[%swap3A_773, %swap3A_774] {strides = array<i32>} : memref<4x384xf32, #tpu.memory_space<vmem>>, vector<16xf32>,
          tpu.vector_store %arg13[%swap3A_773, %swap3A_774], %gather3A_771 {strides = array<i32>} : memref<4x384xf32, #tpu.memory_space<vmem>>, vector<16xf32>,
          %broadcast_in_dim3A_776 = arith.constant 3 : i32
          %broadcast_in_dim3A_777 = vector.broadcast %broadcast_in_dim3A_776 : i32 to vector<16xi32>
          %gather3A_778 = tpu.vector_load_idx %arg12[%min3A_754, %broadcast_in_dim3A_777] : memref<5120x4xf32, #tpu.memory_space<vmem>>[vector<16xi32>, vector<16xi32>], vector<16xf32>,
          %swap3A_779 = arith.constant 3 : i32
          %swap3A_780 = arith.index_cast %swap3A_779 : i32 to index
          %swap3A_781 = arith.constant 176 : index
          %swap3A_782 = tpu.vector_load %arg13[%swap3A_780, %swap3A_781] {strides = array<i32>} : memref<4x384xf32, #tpu.memory_space<vmem>>, vector<16xf32>,
          tpu.vector_store %arg13[%swap3A_780, %swap3A_781], %gather3A_778 {strides = array<i32>} : memref<4x384xf32, #tpu.memory_space<vmem>>, vector<16xf32>,
          %get3A_783 = arith.constant 1 : i32
          %get3A_784 = arith.index_cast %get3A_783 : i32 to index
          %get3A_785 = arith.constant 64 : index
          %get3A_786 = tpu.vector_load %arg11[%get3A_784, %get3A_785] {strides = array<i32>} : memref<3x128xi32, #tpu.memory_space<vmem>>, vector<16xi32>,
          %sub3A_787 = vector.broadcast %mul3A_298 : i32 to vector<16xi32>
          %sub3A_788 = arith.subi %get3A_786, %sub3A_787 : vector<16xi32>
          %jit3A_789 = arith.constant 0 : i32
          %jit3A_790 = arith.constant 5119 : i32
          %max3A_791 = vector.broadcast %jit3A_789 : i32 to vector<16xi32>
          %max3A_792 = arith.maxsi %max3A_791, %sub3A_788 : vector<16xi32>
          %min3A_793 = vector.broadcast %jit3A_790 : i32 to vector<16xi32>
          %min3A_794 = arith.minsi %min3A_793, %max3A_792 : vector<16xi32>
          %broadcast_in_dim3A_795 = arith.constant 0 : i32
          %broadcast_in_dim3A_796 = vector.broadcast %broadcast_in_dim3A_795 : i32 to vector<16xi32>
          %gather3A_797 = tpu.vector_load_idx %arg12[%min3A_794, %broadcast_in_dim3A_796] : memref<5120x4xf32, #tpu.memory_space<vmem>>[vector<16xi32>, vector<16xi32>], vector<16xf32>,
          %swap3A_798 = arith.constant 0 : i32
          %swap3A_799 = arith.index_cast %swap3A_798 : i32 to index
          %swap3A_800 = arith.constant 192 : index
          %swap3A_801 = tpu.vector_load %arg13[%swap3A_799, %swap3A_800] {strides = array<i32>} : memref<4x384xf32, #tpu.memory_space<vmem>>, vector<16xf32>,
          tpu.vector_store %arg13[%swap3A_799, %swap3A_800], %gather3A_797 {strides = array<i32>} : memref<4x384xf32, #tpu.memory_space<vmem>>, vector<16xf32>,
          %broadcast_in_dim3A_802 = arith.constant 1 : i32
          %broadcast_in_dim3A_803 = vector.broadcast %broadcast_in_dim3A_802 : i32 to vector<16xi32>
          %gather3A_804 = tpu.vector_load_idx %arg12[%min3A_794, %broadcast_in_dim3A_803] : memref<5120x4xf32, #tpu.memory_space<vmem>>[vector<16xi32>, vector<16xi32>], vector<16xf32>,
          %swap3A_805 = arith.constant 1 : i32
          %swap3A_806 = arith.index_cast %swap3A_805 : i32 to index
          %swap3A_807 = arith.constant 192 : index
          %swap3A_808 = tpu.vector_load %arg13[%swap3A_806, %swap3A_807] {strides = array<i32>} : memref<4x384xf32, #tpu.memory_space<vmem>>, vector<16xf32>,
          tpu.vector_store %arg13[%swap3A_806, %swap3A_807], %gather3A_804 {strides = array<i32>} : memref<4x384xf32, #tpu.memory_space<vmem>>, vector<16xf32>,
          %broadcast_in_dim3A_809 = arith.constant 2 : i32
          %broadcast_in_dim3A_810 = vector.broadcast %broadcast_in_dim3A_809 : i32 to vector<16xi32>
          %gather3A_811 = tpu.vector_load_idx %arg12[%min3A_794, %broadcast_in_dim3A_810] : memref<5120x4xf32, #tpu.memory_space<vmem>>[vector<16xi32>, vector<16xi32>], vector<16xf32>,
          %swap3A_812 = arith.constant 2 : i32
          %swap3A_813 = arith.index_cast %swap3A_812 : i32 to index
          %swap3A_814 = arith.constant 192 : index
          %swap3A_815 = tpu.vector_load %arg13[%swap3A_813, %swap3A_814] {strides = array<i32>} : memref<4x384xf32, #tpu.memory_space<vmem>>, vector<16xf32>,
          tpu.vector_store %arg13[%swap3A_813, %swap3A_814], %gather3A_811 {strides = array<i32>} : memref<4x384xf32, #tpu.memory_space<vmem>>, vector<16xf32>,
          %broadcast_in_dim3A_816 = arith.constant 3 : i32
          %broadcast_in_dim3A_817 = vector.broadcast %broadcast_in_dim3A_816 : i32 to vector<16xi32>
          %gather3A_818 = tpu.vector_load_idx %arg12[%min3A_794, %broadcast_in_dim3A_817] : memref<5120x4xf32, #tpu.memory_space<vmem>>[vector<16xi32>, vector<16xi32>], vector<16xf32>,
          %swap3A_819 = arith.constant 3 : i32
          %swap3A_820 = arith.index_cast %swap3A_819 : i32 to index
          %swap3A_821 = arith.constant 192 : index
          %swap3A_822 = tpu.vector_load %arg13[%swap3A_820, %swap3A_821] {strides = array<i32>} : memref<4x384xf32, #tpu.memory_space<vmem>>, vector<16xf32>,
          tpu.vector_store %arg13[%swap3A_820, %swap3A_821], %gather3A_818 {strides = array<i32>} : memref<4x384xf32, #tpu.memory_space<vmem>>, vector<16xf32>,
          %get3A_823 = arith.constant 1 : i32
          %get3A_824 = arith.index_cast %get3A_823 : i32 to index
          %get3A_825 = arith.constant 80 : index
          %get3A_826 = tpu.vector_load %arg11[%get3A_824, %get3A_825] {strides = array<i32>} : memref<3x128xi32, #tpu.memory_space<vmem>>, vector<16xi32>,
          %sub3A_827 = vector.broadcast %mul3A_298 : i32 to vector<16xi32>
          %sub3A_828 = arith.subi %get3A_826, %sub3A_827 : vector<16xi32>
          %jit3A_829 = arith.constant 0 : i32
          %jit3A_830 = arith.constant 5119 : i32
          %max3A_831 = vector.broadcast %jit3A_829 : i32 to vector<16xi32>
          %max3A_832 = arith.maxsi %max3A_831, %sub3A_828 : vector<16xi32>
          %min3A_833 = vector.broadcast %jit3A_830 : i32 to vector<16xi32>
          %min3A_834 = arith.minsi %min3A_833, %max3A_832 : vector<16xi32>
          %broadcast_in_dim3A_835 = arith.constant 0 : i32
          %broadcast_in_dim3A_836 = vector.broadcast %broadcast_in_dim3A_835 : i32 to vector<16xi32>
          %gather3A_837 = tpu.vector_load_idx %arg12[%min3A_834, %broadcast_in_dim3A_836] : memref<5120x4xf32, #tpu.memory_space<vmem>>[vector<16xi32>, vector<16xi32>], vector<16xf32>,
          %swap3A_838 = arith.constant 0 : i32
          %swap3A_839 = arith.index_cast %swap3A_838 : i32 to index
          %swap3A_840 = arith.constant 208 : index
          %swap3A_841 = tpu.vector_load %arg13[%swap3A_839, %swap3A_840] {strides = array<i32>} : memref<4x384xf32, #tpu.memory_space<vmem>>, vector<16xf32>,
          tpu.vector_store %arg13[%swap3A_839, %swap3A_840], %gather3A_837 {strides = array<i32>} : memref<4x384xf32, #tpu.memory_space<vmem>>, vector<16xf32>,
          %broadcast_in_dim3A_842 = arith.constant 1 : i32
          %broadcast_in_dim3A_843 = vector.broadcast %broadcast_in_dim3A_842 : i32 to vector<16xi32>
          %gather3A_844 = tpu.vector_load_idx %arg12[%min3A_834, %broadcast_in_dim3A_843] : memref<5120x4xf32, #tpu.memory_space<vmem>>[vector<16xi32>, vector<16xi32>], vector<16xf32>,
          %swap3A_845 = arith.constant 1 : i32
          %swap3A_846 = arith.index_cast %swap3A_845 : i32 to index
          %swap3A_847 = arith.constant 208 : index
          %swap3A_848 = tpu.vector_load %arg13[%swap3A_846, %swap3A_847] {strides = array<i32>} : memref<4x384xf32, #tpu.memory_space<vmem>>, vector<16xf32>,
          tpu.vector_store %arg13[%swap3A_846, %swap3A_847], %gather3A_844 {strides = array<i32>} : memref<4x384xf32, #tpu.memory_space<vmem>>, vector<16xf32>,
          %broadcast_in_dim3A_849 = arith.constant 2 : i32
          %broadcast_in_dim3A_850 = vector.broadcast %broadcast_in_dim3A_849 : i32 to vector<16xi32>
          %gather3A_851 = tpu.vector_load_idx %arg12[%min3A_834, %broadcast_in_dim3A_850] : memref<5120x4xf32, #tpu.memory_space<vmem>>[vector<16xi32>, vector<16xi32>], vector<16xf32>,
          %swap3A_852 = arith.constant 2 : i32
          %swap3A_853 = arith.index_cast %swap3A_852 : i32 to index
          %swap3A_854 = arith.constant 208 : index
          %swap3A_855 = tpu.vector_load %arg13[%swap3A_853, %swap3A_854] {strides = array<i32>} : memref<4x384xf32, #tpu.memory_space<vmem>>, vector<16xf32>,
          tpu.vector_store %arg13[%swap3A_853, %swap3A_854], %gather3A_851 {strides = array<i32>} : memref<4x384xf32, #tpu.memory_space<vmem>>, vector<16xf32>,
          %broadcast_in_dim3A_856 = arith.constant 3 : i32
          %broadcast_in_dim3A_857 = vector.broadcast %broadcast_in_dim3A_856 : i32 to vector<16xi32>
          %gather3A_858 = tpu.vector_load_idx %arg12[%min3A_834, %broadcast_in_dim3A_857] : memref<5120x4xf32, #tpu.memory_space<vmem>>[vector<16xi32>, vector<16xi32>], vector<16xf32>,
          %swap3A_859 = arith.constant 3 : i32
          %swap3A_860 = arith.index_cast %swap3A_859 : i32 to index
          %swap3A_861 = arith.constant 208 : index
          %swap3A_862 = tpu.vector_load %arg13[%swap3A_860, %swap3A_861] {strides = array<i32>} : memref<4x384xf32, #tpu.memory_space<vmem>>, vector<16xf32>,
          tpu.vector_store %arg13[%swap3A_860, %swap3A_861], %gather3A_858 {strides = array<i32>} : memref<4x384xf32, #tpu.memory_space<vmem>>, vector<16xf32>,
          %get3A_863 = arith.constant 1 : i32
          %get3A_864 = arith.index_cast %get3A_863 : i32 to index
          %get3A_865 = arith.constant 96 : index
          %get3A_866 = tpu.vector_load %arg11[%get3A_864, %get3A_865] {strides = array<i32>} : memref<3x128xi32, #tpu.memory_space<vmem>>, vector<16xi32>,
          %sub3A_867 = vector.broadcast %mul3A_298 : i32 to vector<16xi32>
          %sub3A_868 = arith.subi %get3A_866, %sub3A_867 : vector<16xi32>
          %jit3A_869 = arith.constant 0 : i32
          %jit3A_870 = arith.constant 5119 : i32
          %max3A_871 = vector.broadcast %jit3A_869 : i32 to vector<16xi32>
          %max3A_872 = arith.maxsi %max3A_871, %sub3A_868 : vector<16xi32>
          %min3A_873 = vector.broadcast %jit3A_870 : i32 to vector<16xi32>
          %min3A_874 = arith.minsi %min3A_873, %max3A_872 : vector<16xi32>
          %broadcast_in_dim3A_875 = arith.constant 0 : i32
          %broadcast_in_dim3A_876 = vector.broadcast %broadcast_in_dim3A_875 : i32 to vector<16xi32>
          %gather3A_877 = tpu.vector_load_idx %arg12[%min3A_874, %broadcast_in_dim3A_876] : memref<5120x4xf32, #tpu.memory_space<vmem>>[vector<16xi32>, vector<16xi32>], vector<16xf32>,
          %swap3A_878 = arith.constant 0 : i32
          %swap3A_879 = arith.index_cast %swap3A_878 : i32 to index
          %swap3A_880 = arith.constant 224 : index
          %swap3A_881 = tpu.vector_load %arg13[%swap3A_879, %swap3A_880] {strides = array<i32>} : memref<4x384xf32, #tpu.memory_space<vmem>>, vector<16xf32>,
          tpu.vector_store %arg13[%swap3A_879, %swap3A_880], %gather3A_877 {strides = array<i32>} : memref<4x384xf32, #tpu.memory_space<vmem>>, vector<16xf32>,
          %broadcast_in_dim3A_882 = arith.constant 1 : i32
          %broadcast_in_dim3A_883 = vector.broadcast %broadcast_in_dim3A_882 : i32 to vector<16xi32>
          %gather3A_884 = tpu.vector_load_idx %arg12[%min3A_874, %broadcast_in_dim3A_883] : memref<5120x4xf32, #tpu.memory_space<vmem>>[vector<16xi32>, vector<16xi32>], vector<16xf32>,
          %swap3A_885 = arith.constant 1 : i32
          %swap3A_886 = arith.index_cast %swap3A_885 : i32 to index
          %swap3A_887 = arith.constant 224 : index
          %swap3A_888 = tpu.vector_load %arg13[%swap3A_886, %swap3A_887] {strides = array<i32>} : memref<4x384xf32, #tpu.memory_space<vmem>>, vector<16xf32>,
          tpu.vector_store %arg13[%swap3A_886, %swap3A_887], %gather3A_884 {strides = array<i32>} : memref<4x384xf32, #tpu.memory_space<vmem>>, vector<16xf32>,
          %broadcast_in_dim3A_889 = arith.constant 2 : i32
          %broadcast_in_dim3A_890 = vector.broadcast %broadcast_in_dim3A_889 : i32 to vector<16xi32>
          %gather3A_891 = tpu.vector_load_idx %arg12[%min3A_874, %broadcast_in_dim3A_890] : memref<5120x4xf32, #tpu.memory_space<vmem>>[vector<16xi32>, vector<16xi32>], vector<16xf32>,
          %swap3A_892 = arith.constant 2 : i32
          %swap3A_893 = arith.index_cast %swap3A_892 : i32 to index
          %swap3A_894 = arith.constant 224 : index
          %swap3A_895 = tpu.vector_load %arg13[%swap3A_893, %swap3A_894] {strides = array<i32>} : memref<4x384xf32, #tpu.memory_space<vmem>>, vector<16xf32>,
          tpu.vector_store %arg13[%swap3A_893, %swap3A_894], %gather3A_891 {strides = array<i32>} : memref<4x384xf32, #tpu.memory_space<vmem>>, vector<16xf32>,
          %broadcast_in_dim3A_896 = arith.constant 3 : i32
          %broadcast_in_dim3A_897 = vector.broadcast %broadcast_in_dim3A_896 : i32 to vector<16xi32>
          %gather3A_898 = tpu.vector_load_idx %arg12[%min3A_874, %broadcast_in_dim3A_897] : memref<5120x4xf32, #tpu.memory_space<vmem>>[vector<16xi32>, vector<16xi32>], vector<16xf32>,
          %swap3A_899 = arith.constant 3 : i32
          %swap3A_900 = arith.index_cast %swap3A_899 : i32 to index
          %swap3A_901 = arith.constant 224 : index
          %swap3A_902 = tpu.vector_load %arg13[%swap3A_900, %swap3A_901] {strides = array<i32>} : memref<4x384xf32, #tpu.memory_space<vmem>>, vector<16xf32>,
          tpu.vector_store %arg13[%swap3A_900, %swap3A_901], %gather3A_898 {strides = array<i32>} : memref<4x384xf32, #tpu.memory_space<vmem>>, vector<16xf32>,
          %get3A_903 = arith.constant 1 : i32
          %get3A_904 = arith.index_cast %get3A_903 : i32 to index
          %get3A_905 = arith.constant 112 : index
          %get3A_906 = tpu.vector_load %arg11[%get3A_904, %get3A_905] {strides = array<i32>} : memref<3x128xi32, #tpu.memory_space<vmem>>, vector<16xi32>,
          %sub3A_907 = vector.broadcast %mul3A_298 : i32 to vector<16xi32>
          %sub3A_908 = arith.subi %get3A_906, %sub3A_907 : vector<16xi32>
          %jit3A_909 = arith.constant 0 : i32
          %jit3A_910 = arith.constant 5119 : i32
          %max3A_911 = vector.broadcast %jit3A_909 : i32 to vector<16xi32>
          %max3A_912 = arith.maxsi %max3A_911, %sub3A_908 : vector<16xi32>
          %min3A_913 = vector.broadcast %jit3A_910 : i32 to vector<16xi32>
          %min3A_914 = arith.minsi %min3A_913, %max3A_912 : vector<16xi32>
          %broadcast_in_dim3A_915 = arith.constant 0 : i32
          %broadcast_in_dim3A_916 = vector.broadcast %broadcast_in_dim3A_915 : i32 to vector<16xi32>
          %gather3A_917 = tpu.vector_load_idx %arg12[%min3A_914, %broadcast_in_dim3A_916] : memref<5120x4xf32, #tpu.memory_space<vmem>>[vector<16xi32>, vector<16xi32>], vector<16xf32>,
          %swap3A_918 = arith.constant 0 : i32
          %swap3A_919 = arith.index_cast %swap3A_918 : i32 to index
          %swap3A_920 = arith.constant 240 : index
          %swap3A_921 = tpu.vector_load %arg13[%swap3A_919, %swap3A_920] {strides = array<i32>} : memref<4x384xf32, #tpu.memory_space<vmem>>, vector<16xf32>,
          tpu.vector_store %arg13[%swap3A_919, %swap3A_920], %gather3A_917 {strides = array<i32>} : memref<4x384xf32, #tpu.memory_space<vmem>>, vector<16xf32>,
          %broadcast_in_dim3A_922 = arith.constant 1 : i32
          %broadcast_in_dim3A_923 = vector.broadcast %broadcast_in_dim3A_922 : i32 to vector<16xi32>
          %gather3A_924 = tpu.vector_load_idx %arg12[%min3A_914, %broadcast_in_dim3A_923] : memref<5120x4xf32, #tpu.memory_space<vmem>>[vector<16xi32>, vector<16xi32>], vector<16xf32>,
          %swap3A_925 = arith.constant 1 : i32
          %swap3A_926 = arith.index_cast %swap3A_925 : i32 to index
          %swap3A_927 = arith.constant 240 : index
          %swap3A_928 = tpu.vector_load %arg13[%swap3A_926, %swap3A_927] {strides = array<i32>} : memref<4x384xf32, #tpu.memory_space<vmem>>, vector<16xf32>,
          tpu.vector_store %arg13[%swap3A_926, %swap3A_927], %gather3A_924 {strides = array<i32>} : memref<4x384xf32, #tpu.memory_space<vmem>>, vector<16xf32>,
          %broadcast_in_dim3A_929 = arith.constant 2 : i32
          %broadcast_in_dim3A_930 = vector.broadcast %broadcast_in_dim3A_929 : i32 to vector<16xi32>
          %gather3A_931 = tpu.vector_load_idx %arg12[%min3A_914, %broadcast_in_dim3A_930] : memref<5120x4xf32, #tpu.memory_space<vmem>>[vector<16xi32>, vector<16xi32>], vector<16xf32>,
          %swap3A_932 = arith.constant 2 : i32
          %swap3A_933 = arith.index_cast %swap3A_932 : i32 to index
          %swap3A_934 = arith.constant 240 : index
          %swap3A_935 = tpu.vector_load %arg13[%swap3A_933, %swap3A_934] {strides = array<i32>} : memref<4x384xf32, #tpu.memory_space<vmem>>, vector<16xf32>,
          tpu.vector_store %arg13[%swap3A_933, %swap3A_934], %gather3A_931 {strides = array<i32>} : memref<4x384xf32, #tpu.memory_space<vmem>>, vector<16xf32>,
          %broadcast_in_dim3A_936 = arith.constant 3 : i32
          %broadcast_in_dim3A_937 = vector.broadcast %broadcast_in_dim3A_936 : i32 to vector<16xi32>
          %gather3A_938 = tpu.vector_load_idx %arg12[%min3A_914, %broadcast_in_dim3A_937] : memref<5120x4xf32, #tpu.memory_space<vmem>>[vector<16xi32>, vector<16xi32>], vector<16xf32>,
          %swap3A_939 = arith.constant 3 : i32
          %swap3A_940 = arith.index_cast %swap3A_939 : i32 to index
          %swap3A_941 = arith.constant 240 : index
          %swap3A_942 = tpu.vector_load %arg13[%swap3A_940, %swap3A_941] {strides = array<i32>} : memref<4x384xf32, #tpu.memory_space<vmem>>, vector<16xf32>,
          tpu.vector_store %arg13[%swap3A_940, %swap3A_941], %gather3A_938 {strides = array<i32>} : memref<4x384xf32, #tpu.memory_space<vmem>>, vector<16xf32>,
          %get3A_943 = arith.constant 2 : i32
          %get3A_944 = arith.index_cast %get3A_943 : i32 to index
          %get3A_945 = arith.constant 0 : index
          %get3A_946 = tpu.vector_load %arg11[%get3A_944, %get3A_945] {strides = array<i32>} : memref<3x128xi32, #tpu.memory_space<vmem>>, vector<16xi32>,
          %sub3A_947 = vector.broadcast %mul3A_298 : i32 to vector<16xi32>
          %sub3A_948 = arith.subi %get3A_946, %sub3A_947 : vector<16xi32>
          %jit3A_949 = arith.constant 0 : i32
          %jit3A_950 = arith.constant 5119 : i32
          %max3A_951 = vector.broadcast %jit3A_949 : i32 to vector<16xi32>
          %max3A_952 = arith.maxsi %max3A_951, %sub3A_948 : vector<16xi32>
          %min3A_953 = vector.broadcast %jit3A_950 : i32 to vector<16xi32>
          %min3A_954 = arith.minsi %min3A_953, %max3A_952 : vector<16xi32>
          %broadcast_in_dim3A_955 = arith.constant 0 : i32
          %broadcast_in_dim3A_956 = vector.broadcast %broadcast_in_dim3A_955 : i32 to vector<16xi32>
          %gather3A_957 = tpu.vector_load_idx %arg12[%min3A_954, %broadcast_in_dim3A_956] : memref<5120x4xf32, #tpu.memory_space<vmem>>[vector<16xi32>, vector<16xi32>], vector<16xf32>,
          %swap3A_958 = arith.constant 0 : i32
          %swap3A_959 = arith.index_cast %swap3A_958 : i32 to index
          %swap3A_960 = arith.constant 256 : index
          %swap3A_961 = tpu.vector_load %arg13[%swap3A_959, %swap3A_960] {strides = array<i32>} : memref<4x384xf32, #tpu.memory_space<vmem>>, vector<16xf32>,
          tpu.vector_store %arg13[%swap3A_959, %swap3A_960], %gather3A_957 {strides = array<i32>} : memref<4x384xf32, #tpu.memory_space<vmem>>, vector<16xf32>,
          %broadcast_in_dim3A_962 = arith.constant 1 : i32
          %broadcast_in_dim3A_963 = vector.broadcast %broadcast_in_dim3A_962 : i32 to vector<16xi32>
          %gather3A_964 = tpu.vector_load_idx %arg12[%min3A_954, %broadcast_in_dim3A_963] : memref<5120x4xf32, #tpu.memory_space<vmem>>[vector<16xi32>, vector<16xi32>], vector<16xf32>,
          %swap3A_965 = arith.constant 1 : i32
          %swap3A_966 = arith.index_cast %swap3A_965 : i32 to index
          %swap3A_967 = arith.constant 256 : index
          %swap3A_968 = tpu.vector_load %arg13[%swap3A_966, %swap3A_967] {strides = array<i32>} : memref<4x384xf32, #tpu.memory_space<vmem>>, vector<16xf32>,
          tpu.vector_store %arg13[%swap3A_966, %swap3A_967], %gather3A_964 {strides = array<i32>} : memref<4x384xf32, #tpu.memory_space<vmem>>, vector<16xf32>,
          %broadcast_in_dim3A_969 = arith.constant 2 : i32
          %broadcast_in_dim3A_970 = vector.broadcast %broadcast_in_dim3A_969 : i32 to vector<16xi32>
          %gather3A_971 = tpu.vector_load_idx %arg12[%min3A_954, %broadcast_in_dim3A_970] : memref<5120x4xf32, #tpu.memory_space<vmem>>[vector<16xi32>, vector<16xi32>], vector<16xf32>,
          %swap3A_972 = arith.constant 2 : i32
          %swap3A_973 = arith.index_cast %swap3A_972 : i32 to index
          %swap3A_974 = arith.constant 256 : index
          %swap3A_975 = tpu.vector_load %arg13[%swap3A_973, %swap3A_974] {strides = array<i32>} : memref<4x384xf32, #tpu.memory_space<vmem>>, vector<16xf32>,
          tpu.vector_store %arg13[%swap3A_973, %swap3A_974], %gather3A_971 {strides = array<i32>} : memref<4x384xf32, #tpu.memory_space<vmem>>, vector<16xf32>,
          %broadcast_in_dim3A_976 = arith.constant 3 : i32
          %broadcast_in_dim3A_977 = vector.broadcast %broadcast_in_dim3A_976 : i32 to vector<16xi32>
          %gather3A_978 = tpu.vector_load_idx %arg12[%min3A_954, %broadcast_in_dim3A_977] : memref<5120x4xf32, #tpu.memory_space<vmem>>[vector<16xi32>, vector<16xi32>], vector<16xf32>,
          %swap3A_979 = arith.constant 3 : i32
          %swap3A_980 = arith.index_cast %swap3A_979 : i32 to index
          %swap3A_981 = arith.constant 256 : index
          %swap3A_982 = tpu.vector_load %arg13[%swap3A_980, %swap3A_981] {strides = array<i32>} : memref<4x384xf32, #tpu.memory_space<vmem>>, vector<16xf32>,
          tpu.vector_store %arg13[%swap3A_980, %swap3A_981], %gather3A_978 {strides = array<i32>} : memref<4x384xf32, #tpu.memory_space<vmem>>, vector<16xf32>,
          %get3A_983 = arith.constant 2 : i32
          %get3A_984 = arith.index_cast %get3A_983 : i32 to index
          %get3A_985 = arith.constant 16 : index
          %get3A_986 = tpu.vector_load %arg11[%get3A_984, %get3A_985] {strides = array<i32>} : memref<3x128xi32, #tpu.memory_space<vmem>>, vector<16xi32>,
          %sub3A_987 = vector.broadcast %mul3A_298 : i32 to vector<16xi32>
          %sub3A_988 = arith.subi %get3A_986, %sub3A_987 : vector<16xi32>
          %jit3A_989 = arith.constant 0 : i32
          %jit3A_990 = arith.constant 5119 : i32
          %max3A_991 = vector.broadcast %jit3A_989 : i32 to vector<16xi32>
          %max3A_992 = arith.maxsi %max3A_991, %sub3A_988 : vector<16xi32>
          %min3A_993 = vector.broadcast %jit3A_990 : i32 to vector<16xi32>
          %min3A_994 = arith.minsi %min3A_993, %max3A_992 : vector<16xi32>
          %broadcast_in_dim3A_995 = arith.constant 0 : i32
          %broadcast_in_dim3A_996 = vector.broadcast %broadcast_in_dim3A_995 : i32 to vector<16xi32>
          %gather3A_997 = tpu.vector_load_idx %arg12[%min3A_994, %broadcast_in_dim3A_996] : memref<5120x4xf32, #tpu.memory_space<vmem>>[vector<16xi32>, vector<16xi32>], vector<16xf32>,
          %swap3A_998 = arith.constant 0 : i32
          %swap3A_999 = arith.index_cast %swap3A_998 : i32 to index
          %swap3A_1000 = arith.constant 272 : index
          %swap3A_1001 = tpu.vector_load %arg13[%swap3A_999, %swap3A_1000] {strides = array<i32>} : memref<4x384xf32, #tpu.memory_space<vmem>>, vector<16xf32>,
          tpu.vector_store %arg13[%swap3A_999, %swap3A_1000], %gather3A_997 {strides = array<i32>} : memref<4x384xf32, #tpu.memory_space<vmem>>, vector<16xf32>,
          %broadcast_in_dim3A_1002 = arith.constant 1 : i32
          %broadcast_in_dim3A_1003 = vector.broadcast %broadcast_in_dim3A_1002 : i32 to vector<16xi32>
          %gather3A_1004 = tpu.vector_load_idx %arg12[%min3A_994, %broadcast_in_dim3A_1003] : memref<5120x4xf32, #tpu.memory_space<vmem>>[vector<16xi32>, vector<16xi32>], vector<16xf32>,
          %swap3A_1005 = arith.constant 1 : i32
          %swap3A_1006 = arith.index_cast %swap3A_1005 : i32 to index
          %swap3A_1007 = arith.constant 272 : index
          %swap3A_1008 = tpu.vector_load %arg13[%swap3A_1006, %swap3A_1007] {strides = array<i32>} : memref<4x384xf32, #tpu.memory_space<vmem>>, vector<16xf32>,
          tpu.vector_store %arg13[%swap3A_1006, %swap3A_1007], %gather3A_1004 {strides = array<i32>} : memref<4x384xf32, #tpu.memory_space<vmem>>, vector<16xf32>,
          %broadcast_in_dim3A_1009 = arith.constant 2 : i32
          %broadcast_in_dim3A_1010 = vector.broadcast %broadcast_in_dim3A_1009 : i32 to vector<16xi32>
          %gather3A_1011 = tpu.vector_load_idx %arg12[%min3A_994, %broadcast_in_dim3A_1010] : memref<5120x4xf32, #tpu.memory_space<vmem>>[vector<16xi32>, vector<16xi32>], vector<16xf32>,
          %swap3A_1012 = arith.constant 2 : i32
          %swap3A_1013 = arith.index_cast %swap3A_1012 : i32 to index
          %swap3A_1014 = arith.constant 272 : index
          %swap3A_1015 = tpu.vector_load %arg13[%swap3A_1013, %swap3A_1014] {strides = array<i32>} : memref<4x384xf32, #tpu.memory_space<vmem>>, vector<16xf32>,
          tpu.vector_store %arg13[%swap3A_1013, %swap3A_1014], %gather3A_1011 {strides = array<i32>} : memref<4x384xf32, #tpu.memory_space<vmem>>, vector<16xf32>,
          %broadcast_in_dim3A_1016 = arith.constant 3 : i32
          %broadcast_in_dim3A_1017 = vector.broadcast %broadcast_in_dim3A_1016 : i32 to vector<16xi32>
          %gather3A_1018 = tpu.vector_load_idx %arg12[%min3A_994, %broadcast_in_dim3A_1017] : memref<5120x4xf32, #tpu.memory_space<vmem>>[vector<16xi32>, vector<16xi32>], vector<16xf32>,
          %swap3A_1019 = arith.constant 3 : i32
          %swap3A_1020 = arith.index_cast %swap3A_1019 : i32 to index
          %swap3A_1021 = arith.constant 272 : index
          %swap3A_1022 = tpu.vector_load %arg13[%swap3A_1020, %swap3A_1021] {strides = array<i32>} : memref<4x384xf32, #tpu.memory_space<vmem>>, vector<16xf32>,
          tpu.vector_store %arg13[%swap3A_1020, %swap3A_1021], %gather3A_1018 {strides = array<i32>} : memref<4x384xf32, #tpu.memory_space<vmem>>, vector<16xf32>,
          %get3A_1023 = arith.constant 2 : i32
          %get3A_1024 = arith.index_cast %get3A_1023 : i32 to index
          %get3A_1025 = arith.constant 32 : index
          %get3A_1026 = tpu.vector_load %arg11[%get3A_1024, %get3A_1025] {strides = array<i32>} : memref<3x128xi32, #tpu.memory_space<vmem>>, vector<16xi32>,
          %sub3A_1027 = vector.broadcast %mul3A_298 : i32 to vector<16xi32>
          %sub3A_1028 = arith.subi %get3A_1026, %sub3A_1027 : vector<16xi32>
          %jit3A_1029 = arith.constant 0 : i32
          %jit3A_1030 = arith.constant 5119 : i32
          %max3A_1031 = vector.broadcast %jit3A_1029 : i32 to vector<16xi32>
          %max3A_1032 = arith.maxsi %max3A_1031, %sub3A_1028 : vector<16xi32>
          %min3A_1033 = vector.broadcast %jit3A_1030 : i32 to vector<16xi32>
          %min3A_1034 = arith.minsi %min3A_1033, %max3A_1032 : vector<16xi32>
          %broadcast_in_dim3A_1035 = arith.constant 0 : i32
          %broadcast_in_dim3A_1036 = vector.broadcast %broadcast_in_dim3A_1035 : i32 to vector<16xi32>
          %gather3A_1037 = tpu.vector_load_idx %arg12[%min3A_1034, %broadcast_in_dim3A_1036] : memref<5120x4xf32, #tpu.memory_space<vmem>>[vector<16xi32>, vector<16xi32>], vector<16xf32>,
          %swap3A_1038 = arith.constant 0 : i32
          %swap3A_1039 = arith.index_cast %swap3A_1038 : i32 to index
          %swap3A_1040 = arith.constant 288 : index
          %swap3A_1041 = tpu.vector_load %arg13[%swap3A_1039, %swap3A_1040] {strides = array<i32>} : memref<4x384xf32, #tpu.memory_space<vmem>>, vector<16xf32>,
          tpu.vector_store %arg13[%swap3A_1039, %swap3A_1040], %gather3A_1037 {strides = array<i32>} : memref<4x384xf32, #tpu.memory_space<vmem>>, vector<16xf32>,
          %broadcast_in_dim3A_1042 = arith.constant 1 : i32
          %broadcast_in_dim3A_1043 = vector.broadcast %broadcast_in_dim3A_1042 : i32 to vector<16xi32>
          %gather3A_1044 = tpu.vector_load_idx %arg12[%min3A_1034, %broadcast_in_dim3A_1043] : memref<5120x4xf32, #tpu.memory_space<vmem>>[vector<16xi32>, vector<16xi32>], vector<16xf32>,
          %swap3A_1045 = arith.constant 1 : i32
          %swap3A_1046 = arith.index_cast %swap3A_1045 : i32 to index
          %swap3A_1047 = arith.constant 288 : index
          %swap3A_1048 = tpu.vector_load %arg13[%swap3A_1046, %swap3A_1047] {strides = array<i32>} : memref<4x384xf32, #tpu.memory_space<vmem>>, vector<16xf32>,
          tpu.vector_store %arg13[%swap3A_1046, %swap3A_1047], %gather3A_1044 {strides = array<i32>} : memref<4x384xf32, #tpu.memory_space<vmem>>, vector<16xf32>,
          %broadcast_in_dim3A_1049 = arith.constant 2 : i32
          %broadcast_in_dim3A_1050 = vector.broadcast %broadcast_in_dim3A_1049 : i32 to vector<16xi32>
          %gather3A_1051 = tpu.vector_load_idx %arg12[%min3A_1034, %broadcast_in_dim3A_1050] : memref<5120x4xf32, #tpu.memory_space<vmem>>[vector<16xi32>, vector<16xi32>], vector<16xf32>,
          %swap3A_1052 = arith.constant 2 : i32
          %swap3A_1053 = arith.index_cast %swap3A_1052 : i32 to index
          %swap3A_1054 = arith.constant 288 : index
          %swap3A_1055 = tpu.vector_load %arg13[%swap3A_1053, %swap3A_1054] {strides = array<i32>} : memref<4x384xf32, #tpu.memory_space<vmem>>, vector<16xf32>,
          tpu.vector_store %arg13[%swap3A_1053, %swap3A_1054], %gather3A_1051 {strides = array<i32>} : memref<4x384xf32, #tpu.memory_space<vmem>>, vector<16xf32>,
          %broadcast_in_dim3A_1056 = arith.constant 3 : i32
          %broadcast_in_dim3A_1057 = vector.broadcast %broadcast_in_dim3A_1056 : i32 to vector<16xi32>
          %gather3A_1058 = tpu.vector_load_idx %arg12[%min3A_1034, %broadcast_in_dim3A_1057] : memref<5120x4xf32, #tpu.memory_space<vmem>>[vector<16xi32>, vector<16xi32>], vector<16xf32>,
          %swap3A_1059 = arith.constant 3 : i32
          %swap3A_1060 = arith.index_cast %swap3A_1059 : i32 to index
          %swap3A_1061 = arith.constant 288 : index
          %swap3A_1062 = tpu.vector_load %arg13[%swap3A_1060, %swap3A_1061] {strides = array<i32>} : memref<4x384xf32, #tpu.memory_space<vmem>>, vector<16xf32>,
          tpu.vector_store %arg13[%swap3A_1060, %swap3A_1061], %gather3A_1058 {strides = array<i32>} : memref<4x384xf32, #tpu.memory_space<vmem>>, vector<16xf32>,
          %get3A_1063 = arith.constant 2 : i32
          %get3A_1064 = arith.index_cast %get3A_1063 : i32 to index
          %get3A_1065 = arith.constant 48 : index
          %get3A_1066 = tpu.vector_load %arg11[%get3A_1064, %get3A_1065] {strides = array<i32>} : memref<3x128xi32, #tpu.memory_space<vmem>>, vector<16xi32>,
          %sub3A_1067 = vector.broadcast %mul3A_298 : i32 to vector<16xi32>
          %sub3A_1068 = arith.subi %get3A_1066, %sub3A_1067 : vector<16xi32>
          %jit3A_1069 = arith.constant 0 : i32
          %jit3A_1070 = arith.constant 5119 : i32
          %max3A_1071 = vector.broadcast %jit3A_1069 : i32 to vector<16xi32>
          %max3A_1072 = arith.maxsi %max3A_1071, %sub3A_1068 : vector<16xi32>
          %min3A_1073 = vector.broadcast %jit3A_1070 : i32 to vector<16xi32>
          %min3A_1074 = arith.minsi %min3A_1073, %max3A_1072 : vector<16xi32>
          %broadcast_in_dim3A_1075 = arith.constant 0 : i32
          %broadcast_in_dim3A_1076 = vector.broadcast %broadcast_in_dim3A_1075 : i32 to vector<16xi32>
          %gather3A_1077 = tpu.vector_load_idx %arg12[%min3A_1074, %broadcast_in_dim3A_1076] : memref<5120x4xf32, #tpu.memory_space<vmem>>[vector<16xi32>, vector<16xi32>], vector<16xf32>,
          %swap3A_1078 = arith.constant 0 : i32
          %swap3A_1079 = arith.index_cast %swap3A_1078 : i32 to index
          %swap3A_1080 = arith.constant 304 : index
          %swap3A_1081 = tpu.vector_load %arg13[%swap3A_1079, %swap3A_1080] {strides = array<i32>} : memref<4x384xf32, #tpu.memory_space<vmem>>, vector<16xf32>,
          tpu.vector_store %arg13[%swap3A_1079, %swap3A_1080], %gather3A_1077 {strides = array<i32>} : memref<4x384xf32, #tpu.memory_space<vmem>>, vector<16xf32>,
          %broadcast_in_dim3A_1082 = arith.constant 1 : i32
          %broadcast_in_dim3A_1083 = vector.broadcast %broadcast_in_dim3A_1082 : i32 to vector<16xi32>
          %gather3A_1084 = tpu.vector_load_idx %arg12[%min3A_1074, %broadcast_in_dim3A_1083] : memref<5120x4xf32, #tpu.memory_space<vmem>>[vector<16xi32>, vector<16xi32>], vector<16xf32>,
          %swap3A_1085 = arith.constant 1 : i32
          %swap3A_1086 = arith.index_cast %swap3A_1085 : i32 to index
          %swap3A_1087 = arith.constant 304 : index
          %swap3A_1088 = tpu.vector_load %arg13[%swap3A_1086, %swap3A_1087] {strides = array<i32>} : memref<4x384xf32, #tpu.memory_space<vmem>>, vector<16xf32>,
          tpu.vector_store %arg13[%swap3A_1086, %swap3A_1087], %gather3A_1084 {strides = array<i32>} : memref<4x384xf32, #tpu.memory_space<vmem>>, vector<16xf32>,
          %broadcast_in_dim3A_1089 = arith.constant 2 : i32
          %broadcast_in_dim3A_1090 = vector.broadcast %broadcast_in_dim3A_1089 : i32 to vector<16xi32>
          %gather3A_1091 = tpu.vector_load_idx %arg12[%min3A_1074, %broadcast_in_dim3A_1090] : memref<5120x4xf32, #tpu.memory_space<vmem>>[vector<16xi32>, vector<16xi32>], vector<16xf32>,
          %swap3A_1092 = arith.constant 2 : i32
          %swap3A_1093 = arith.index_cast %swap3A_1092 : i32 to index
          %swap3A_1094 = arith.constant 304 : index
          %swap3A_1095 = tpu.vector_load %arg13[%swap3A_1093, %swap3A_1094] {strides = array<i32>} : memref<4x384xf32, #tpu.memory_space<vmem>>, vector<16xf32>,
          tpu.vector_store %arg13[%swap3A_1093, %swap3A_1094], %gather3A_1091 {strides = array<i32>} : memref<4x384xf32, #tpu.memory_space<vmem>>, vector<16xf32>,
          %broadcast_in_dim3A_1096 = arith.constant 3 : i32
          %broadcast_in_dim3A_1097 = vector.broadcast %broadcast_in_dim3A_1096 : i32 to vector<16xi32>
          %gather3A_1098 = tpu.vector_load_idx %arg12[%min3A_1074, %broadcast_in_dim3A_1097] : memref<5120x4xf32, #tpu.memory_space<vmem>>[vector<16xi32>, vector<16xi32>], vector<16xf32>,
          %swap3A_1099 = arith.constant 3 : i32
          %swap3A_1100 = arith.index_cast %swap3A_1099 : i32 to index
          %swap3A_1101 = arith.constant 304 : index
          %swap3A_1102 = tpu.vector_load %arg13[%swap3A_1100, %swap3A_1101] {strides = array<i32>} : memref<4x384xf32, #tpu.memory_space<vmem>>, vector<16xf32>,
          tpu.vector_store %arg13[%swap3A_1100, %swap3A_1101], %gather3A_1098 {strides = array<i32>} : memref<4x384xf32, #tpu.memory_space<vmem>>, vector<16xf32>,
          %get3A_1103 = arith.constant 2 : i32
          %get3A_1104 = arith.index_cast %get3A_1103 : i32 to index
          %get3A_1105 = arith.constant 64 : index
          %get3A_1106 = tpu.vector_load %arg11[%get3A_1104, %get3A_1105] {strides = array<i32>} : memref<3x128xi32, #tpu.memory_space<vmem>>, vector<16xi32>,
          %sub3A_1107 = vector.broadcast %mul3A_298 : i32 to vector<16xi32>
          %sub3A_1108 = arith.subi %get3A_1106, %sub3A_1107 : vector<16xi32>
          %jit3A_1109 = arith.constant 0 : i32
          %jit3A_1110 = arith.constant 5119 : i32
          %max3A_1111 = vector.broadcast %jit3A_1109 : i32 to vector<16xi32>
          %max3A_1112 = arith.maxsi %max3A_1111, %sub3A_1108 : vector<16xi32>
          %min3A_1113 = vector.broadcast %jit3A_1110 : i32 to vector<16xi32>
          %min3A_1114 = arith.minsi %min3A_1113, %max3A_1112 : vector<16xi32>
          %broadcast_in_dim3A_1115 = arith.constant 0 : i32
          %broadcast_in_dim3A_1116 = vector.broadcast %broadcast_in_dim3A_1115 : i32 to vector<16xi32>
          %gather3A_1117 = tpu.vector_load_idx %arg12[%min3A_1114, %broadcast_in_dim3A_1116] : memref<5120x4xf32, #tpu.memory_space<vmem>>[vector<16xi32>, vector<16xi32>], vector<16xf32>,
          %swap3A_1118 = arith.constant 0 : i32
          %swap3A_1119 = arith.index_cast %swap3A_1118 : i32 to index
          %swap3A_1120 = arith.constant 320 : index
          %swap3A_1121 = tpu.vector_load %arg13[%swap3A_1119, %swap3A_1120] {strides = array<i32>} : memref<4x384xf32, #tpu.memory_space<vmem>>, vector<16xf32>,
          tpu.vector_store %arg13[%swap3A_1119, %swap3A_1120], %gather3A_1117 {strides = array<i32>} : memref<4x384xf32, #tpu.memory_space<vmem>>, vector<16xf32>,
          %broadcast_in_dim3A_1122 = arith.constant 1 : i32
          %broadcast_in_dim3A_1123 = vector.broadcast %broadcast_in_dim3A_1122 : i32 to vector<16xi32>
          %gather3A_1124 = tpu.vector_load_idx %arg12[%min3A_1114, %broadcast_in_dim3A_1123] : memref<5120x4xf32, #tpu.memory_space<vmem>>[vector<16xi32>, vector<16xi32>], vector<16xf32>,
          %swap3A_1125 = arith.constant 1 : i32
          %swap3A_1126 = arith.index_cast %swap3A_1125 : i32 to index
          %swap3A_1127 = arith.constant 320 : index
          %swap3A_1128 = tpu.vector_load %arg13[%swap3A_1126, %swap3A_1127] {strides = array<i32>} : memref<4x384xf32, #tpu.memory_space<vmem>>, vector<16xf32>,
          tpu.vector_store %arg13[%swap3A_1126, %swap3A_1127], %gather3A_1124 {strides = array<i32>} : memref<4x384xf32, #tpu.memory_space<vmem>>, vector<16xf32>,
          %broadcast_in_dim3A_1129 = arith.constant 2 : i32
          %broadcast_in_dim3A_1130 = vector.broadcast %broadcast_in_dim3A_1129 : i32 to vector<16xi32>
          %gather3A_1131 = tpu.vector_load_idx %arg12[%min3A_1114, %broadcast_in_dim3A_1130] : memref<5120x4xf32, #tpu.memory_space<vmem>>[vector<16xi32>, vector<16xi32>], vector<16xf32>,
          %swap3A_1132 = arith.constant 2 : i32
          %swap3A_1133 = arith.index_cast %swap3A_1132 : i32 to index
          %swap3A_1134 = arith.constant 320 : index
          %swap3A_1135 = tpu.vector_load %arg13[%swap3A_1133, %swap3A_1134] {strides = array<i32>} : memref<4x384xf32, #tpu.memory_space<vmem>>, vector<16xf32>,
          tpu.vector_store %arg13[%swap3A_1133, %swap3A_1134], %gather3A_1131 {strides = array<i32>} : memref<4x384xf32, #tpu.memory_space<vmem>>, vector<16xf32>,
          %broadcast_in_dim3A_1136 = arith.constant 3 : i32
          %broadcast_in_dim3A_1137 = vector.broadcast %broadcast_in_dim3A_1136 : i32 to vector<16xi32>
          %gather3A_1138 = tpu.vector_load_idx %arg12[%min3A_1114, %broadcast_in_dim3A_1137] : memref<5120x4xf32, #tpu.memory_space<vmem>>[vector<16xi32>, vector<16xi32>], vector<16xf32>,
          %swap3A_1139 = arith.constant 3 : i32
          %swap3A_1140 = arith.index_cast %swap3A_1139 : i32 to index
          %swap3A_1141 = arith.constant 320 : index
          %swap3A_1142 = tpu.vector_load %arg13[%swap3A_1140, %swap3A_1141] {strides = array<i32>} : memref<4x384xf32, #tpu.memory_space<vmem>>, vector<16xf32>,
          tpu.vector_store %arg13[%swap3A_1140, %swap3A_1141], %gather3A_1138 {strides = array<i32>} : memref<4x384xf32, #tpu.memory_space<vmem>>, vector<16xf32>,
          %get3A_1143 = arith.constant 2 : i32
          %get3A_1144 = arith.index_cast %get3A_1143 : i32 to index
          %get3A_1145 = arith.constant 80 : index
          %get3A_1146 = tpu.vector_load %arg11[%get3A_1144, %get3A_1145] {strides = array<i32>} : memref<3x128xi32, #tpu.memory_space<vmem>>, vector<16xi32>,
          %sub3A_1147 = vector.broadcast %mul3A_298 : i32 to vector<16xi32>
          %sub3A_1148 = arith.subi %get3A_1146, %sub3A_1147 : vector<16xi32>
          %jit3A_1149 = arith.constant 0 : i32
          %jit3A_1150 = arith.constant 5119 : i32
          %max3A_1151 = vector.broadcast %jit3A_1149 : i32 to vector<16xi32>
          %max3A_1152 = arith.maxsi %max3A_1151, %sub3A_1148 : vector<16xi32>
          %min3A_1153 = vector.broadcast %jit3A_1150 : i32 to vector<16xi32>
          %min3A_1154 = arith.minsi %min3A_1153, %max3A_1152 : vector<16xi32>
          %broadcast_in_dim3A_1155 = arith.constant 0 : i32
          %broadcast_in_dim3A_1156 = vector.broadcast %broadcast_in_dim3A_1155 : i32 to vector<16xi32>
          %gather3A_1157 = tpu.vector_load_idx %arg12[%min3A_1154, %broadcast_in_dim3A_1156] : memref<5120x4xf32, #tpu.memory_space<vmem>>[vector<16xi32>, vector<16xi32>], vector<16xf32>,
          %swap3A_1158 = arith.constant 0 : i32
          %swap3A_1159 = arith.index_cast %swap3A_1158 : i32 to index
          %swap3A_1160 = arith.constant 336 : index
          %swap3A_1161 = tpu.vector_load %arg13[%swap3A_1159, %swap3A_1160] {strides = array<i32>} : memref<4x384xf32, #tpu.memory_space<vmem>>, vector<16xf32>,
          tpu.vector_store %arg13[%swap3A_1159, %swap3A_1160], %gather3A_1157 {strides = array<i32>} : memref<4x384xf32, #tpu.memory_space<vmem>>, vector<16xf32>,
          %broadcast_in_dim3A_1162 = arith.constant 1 : i32
          %broadcast_in_dim3A_1163 = vector.broadcast %broadcast_in_dim3A_1162 : i32 to vector<16xi32>
          %gather3A_1164 = tpu.vector_load_idx %arg12[%min3A_1154, %broadcast_in_dim3A_1163] : memref<5120x4xf32, #tpu.memory_space<vmem>>[vector<16xi32>, vector<16xi32>], vector<16xf32>,
          %swap3A_1165 = arith.constant 1 : i32
          %swap3A_1166 = arith.index_cast %swap3A_1165 : i32 to index
          %swap3A_1167 = arith.constant 336 : index
          %swap3A_1168 = tpu.vector_load %arg13[%swap3A_1166, %swap3A_1167] {strides = array<i32>} : memref<4x384xf32, #tpu.memory_space<vmem>>, vector<16xf32>,
          tpu.vector_store %arg13[%swap3A_1166, %swap3A_1167], %gather3A_1164 {strides = array<i32>} : memref<4x384xf32, #tpu.memory_space<vmem>>, vector<16xf32>,
          %broadcast_in_dim3A_1169 = arith.constant 2 : i32
          %broadcast_in_dim3A_1170 = vector.broadcast %broadcast_in_dim3A_1169 : i32 to vector<16xi32>
          %gather3A_1171 = tpu.vector_load_idx %arg12[%min3A_1154, %broadcast_in_dim3A_1170] : memref<5120x4xf32, #tpu.memory_space<vmem>>[vector<16xi32>, vector<16xi32>], vector<16xf32>,
          %swap3A_1172 = arith.constant 2 : i32
          %swap3A_1173 = arith.index_cast %swap3A_1172 : i32 to index
          %swap3A_1174 = arith.constant 336 : index
          %swap3A_1175 = tpu.vector_load %arg13[%swap3A_1173, %swap3A_1174] {strides = array<i32>} : memref<4x384xf32, #tpu.memory_space<vmem>>, vector<16xf32>,
          tpu.vector_store %arg13[%swap3A_1173, %swap3A_1174], %gather3A_1171 {strides = array<i32>} : memref<4x384xf32, #tpu.memory_space<vmem>>, vector<16xf32>,
          %broadcast_in_dim3A_1176 = arith.constant 3 : i32
          %broadcast_in_dim3A_1177 = vector.broadcast %broadcast_in_dim3A_1176 : i32 to vector<16xi32>
          %gather3A_1178 = tpu.vector_load_idx %arg12[%min3A_1154, %broadcast_in_dim3A_1177] : memref<5120x4xf32, #tpu.memory_space<vmem>>[vector<16xi32>, vector<16xi32>], vector<16xf32>,
          %swap3A_1179 = arith.constant 3 : i32
          %swap3A_1180 = arith.index_cast %swap3A_1179 : i32 to index
          %swap3A_1181 = arith.constant 336 : index
          %swap3A_1182 = tpu.vector_load %arg13[%swap3A_1180, %swap3A_1181] {strides = array<i32>} : memref<4x384xf32, #tpu.memory_space<vmem>>, vector<16xf32>,
          tpu.vector_store %arg13[%swap3A_1180, %swap3A_1181], %gather3A_1178 {strides = array<i32>} : memref<4x384xf32, #tpu.memory_space<vmem>>, vector<16xf32>,
          %get3A_1183 = arith.constant 2 : i32
          %get3A_1184 = arith.index_cast %get3A_1183 : i32 to index
          %get3A_1185 = arith.constant 96 : index
          %get3A_1186 = tpu.vector_load %arg11[%get3A_1184, %get3A_1185] {strides = array<i32>} : memref<3x128xi32, #tpu.memory_space<vmem>>, vector<16xi32>,
          %sub3A_1187 = vector.broadcast %mul3A_298 : i32 to vector<16xi32>
          %sub3A_1188 = arith.subi %get3A_1186, %sub3A_1187 : vector<16xi32>
          %jit3A_1189 = arith.constant 0 : i32
          %jit3A_1190 = arith.constant 5119 : i32
          %max3A_1191 = vector.broadcast %jit3A_1189 : i32 to vector<16xi32>
          %max3A_1192 = arith.maxsi %max3A_1191, %sub3A_1188 : vector<16xi32>
          %min3A_1193 = vector.broadcast %jit3A_1190 : i32 to vector<16xi32>
          %min3A_1194 = arith.minsi %min3A_1193, %max3A_1192 : vector<16xi32>
          %broadcast_in_dim3A_1195 = arith.constant 0 : i32
          %broadcast_in_dim3A_1196 = vector.broadcast %broadcast_in_dim3A_1195 : i32 to vector<16xi32>
          %gather3A_1197 = tpu.vector_load_idx %arg12[%min3A_1194, %broadcast_in_dim3A_1196] : memref<5120x4xf32, #tpu.memory_space<vmem>>[vector<16xi32>, vector<16xi32>], vector<16xf32>,
          %swap3A_1198 = arith.constant 0 : i32
          %swap3A_1199 = arith.index_cast %swap3A_1198 : i32 to index
          %swap3A_1200 = arith.constant 352 : index
          %swap3A_1201 = tpu.vector_load %arg13[%swap3A_1199, %swap3A_1200] {strides = array<i32>} : memref<4x384xf32, #tpu.memory_space<vmem>>, vector<16xf32>,
          tpu.vector_store %arg13[%swap3A_1199, %swap3A_1200], %gather3A_1197 {strides = array<i32>} : memref<4x384xf32, #tpu.memory_space<vmem>>, vector<16xf32>,
          %broadcast_in_dim3A_1202 = arith.constant 1 : i32
          %broadcast_in_dim3A_1203 = vector.broadcast %broadcast_in_dim3A_1202 : i32 to vector<16xi32>
          %gather3A_1204 = tpu.vector_load_idx %arg12[%min3A_1194, %broadcast_in_dim3A_1203] : memref<5120x4xf32, #tpu.memory_space<vmem>>[vector<16xi32>, vector<16xi32>], vector<16xf32>,
          %swap3A_1205 = arith.constant 1 : i32
          %swap3A_1206 = arith.index_cast %swap3A_1205 : i32 to index
          %swap3A_1207 = arith.constant 352 : index
          %swap3A_1208 = tpu.vector_load %arg13[%swap3A_1206, %swap3A_1207] {strides = array<i32>} : memref<4x384xf32, #tpu.memory_space<vmem>>, vector<16xf32>,
          tpu.vector_store %arg13[%swap3A_1206, %swap3A_1207], %gather3A_1204 {strides = array<i32>} : memref<4x384xf32, #tpu.memory_space<vmem>>, vector<16xf32>,
          %broadcast_in_dim3A_1209 = arith.constant 2 : i32
          %broadcast_in_dim3A_1210 = vector.broadcast %broadcast_in_dim3A_1209 : i32 to vector<16xi32>
          %gather3A_1211 = tpu.vector_load_idx %arg12[%min3A_1194, %broadcast_in_dim3A_1210] : memref<5120x4xf32, #tpu.memory_space<vmem>>[vector<16xi32>, vector<16xi32>], vector<16xf32>,
          %swap3A_1212 = arith.constant 2 : i32
          %swap3A_1213 = arith.index_cast %swap3A_1212 : i32 to index
          %swap3A_1214 = arith.constant 352 : index
          %swap3A_1215 = tpu.vector_load %arg13[%swap3A_1213, %swap3A_1214] {strides = array<i32>} : memref<4x384xf32, #tpu.memory_space<vmem>>, vector<16xf32>,
          tpu.vector_store %arg13[%swap3A_1213, %swap3A_1214], %gather3A_1211 {strides = array<i32>} : memref<4x384xf32, #tpu.memory_space<vmem>>, vector<16xf32>,
          %broadcast_in_dim3A_1216 = arith.constant 3 : i32
          %broadcast_in_dim3A_1217 = vector.broadcast %broadcast_in_dim3A_1216 : i32 to vector<16xi32>
          %gather3A_1218 = tpu.vector_load_idx %arg12[%min3A_1194, %broadcast_in_dim3A_1217] : memref<5120x4xf32, #tpu.memory_space<vmem>>[vector<16xi32>, vector<16xi32>], vector<16xf32>,
          %swap3A_1219 = arith.constant 3 : i32
          %swap3A_1220 = arith.index_cast %swap3A_1219 : i32 to index
          %swap3A_1221 = arith.constant 352 : index
          %swap3A_1222 = tpu.vector_load %arg13[%swap3A_1220, %swap3A_1221] {strides = array<i32>} : memref<4x384xf32, #tpu.memory_space<vmem>>, vector<16xf32>,
          tpu.vector_store %arg13[%swap3A_1220, %swap3A_1221], %gather3A_1218 {strides = array<i32>} : memref<4x384xf32, #tpu.memory_space<vmem>>, vector<16xf32>,
          %get3A_1223 = arith.constant 2 : i32
          %get3A_1224 = arith.index_cast %get3A_1223 : i32 to index
          %get3A_1225 = arith.constant 112 : index
          %get3A_1226 = tpu.vector_load %arg11[%get3A_1224, %get3A_1225] {strides = array<i32>} : memref<3x128xi32, #tpu.memory_space<vmem>>, vector<16xi32>,
          %sub3A_1227 = vector.broadcast %mul3A_298 : i32 to vector<16xi32>
          %sub3A_1228 = arith.subi %get3A_1226, %sub3A_1227 : vector<16xi32>
          %jit3A_1229 = arith.constant 0 : i32
          %jit3A_1230 = arith.constant 5119 : i32
          %max3A_1231 = vector.broadcast %jit3A_1229 : i32 to vector<16xi32>
          %max3A_1232 = arith.maxsi %max3A_1231, %sub3A_1228 : vector<16xi32>
          %min3A_1233 = vector.broadcast %jit3A_1230 : i32 to vector<16xi32>
          %min3A_1234 = arith.minsi %min3A_1233, %max3A_1232 : vector<16xi32>
          %broadcast_in_dim3A_1235 = arith.constant 0 : i32
          %broadcast_in_dim3A_1236 = vector.broadcast %broadcast_in_dim3A_1235 : i32 to vector<16xi32>
          %gather3A_1237 = tpu.vector_load_idx %arg12[%min3A_1234, %broadcast_in_dim3A_1236] : memref<5120x4xf32, #tpu.memory_space<vmem>>[vector<16xi32>, vector<16xi32>], vector<16xf32>,
          %swap3A_1238 = arith.constant 0 : i32
          %swap3A_1239 = arith.index_cast %swap3A_1238 : i32 to index
          %swap3A_1240 = arith.constant 368 : index
          %swap3A_1241 = tpu.vector_load %arg13[%swap3A_1239, %swap3A_1240] {strides = array<i32>} : memref<4x384xf32, #tpu.memory_space<vmem>>, vector<16xf32>,
          tpu.vector_store %arg13[%swap3A_1239, %swap3A_1240], %gather3A_1237 {strides = array<i32>} : memref<4x384xf32, #tpu.memory_space<vmem>>, vector<16xf32>,
          %broadcast_in_dim3A_1242 = arith.constant 1 : i32
          %broadcast_in_dim3A_1243 = vector.broadcast %broadcast_in_dim3A_1242 : i32 to vector<16xi32>
          %gather3A_1244 = tpu.vector_load_idx %arg12[%min3A_1234, %broadcast_in_dim3A_1243] : memref<5120x4xf32, #tpu.memory_space<vmem>>[vector<16xi32>, vector<16xi32>], vector<16xf32>,
          %swap3A_1245 = arith.constant 1 : i32
          %swap3A_1246 = arith.index_cast %swap3A_1245 : i32 to index
          %swap3A_1247 = arith.constant 368 : index
          %swap3A_1248 = tpu.vector_load %arg13[%swap3A_1246, %swap3A_1247] {strides = array<i32>} : memref<4x384xf32, #tpu.memory_space<vmem>>, vector<16xf32>,
          tpu.vector_store %arg13[%swap3A_1246, %swap3A_1247], %gather3A_1244 {strides = array<i32>} : memref<4x384xf32, #tpu.memory_space<vmem>>, vector<16xf32>,
          %broadcast_in_dim3A_1249 = arith.constant 2 : i32
          %broadcast_in_dim3A_1250 = vector.broadcast %broadcast_in_dim3A_1249 : i32 to vector<16xi32>
          %gather3A_1251 = tpu.vector_load_idx %arg12[%min3A_1234, %broadcast_in_dim3A_1250] : memref<5120x4xf32, #tpu.memory_space<vmem>>[vector<16xi32>, vector<16xi32>], vector<16xf32>,
          %swap3A_1252 = arith.constant 2 : i32
          %swap3A_1253 = arith.index_cast %swap3A_1252 : i32 to index
          %swap3A_1254 = arith.constant 368 : index
          %swap3A_1255 = tpu.vector_load %arg13[%swap3A_1253, %swap3A_1254] {strides = array<i32>} : memref<4x384xf32, #tpu.memory_space<vmem>>, vector<16xf32>,
          tpu.vector_store %arg13[%swap3A_1253, %swap3A_1254], %gather3A_1251 {strides = array<i32>} : memref<4x384xf32, #tpu.memory_space<vmem>>, vector<16xf32>,
          %broadcast_in_dim3A_1256 = arith.constant 3 : i32
          %broadcast_in_dim3A_1257 = vector.broadcast %broadcast_in_dim3A_1256 : i32 to vector<16xi32>
          %gather3A_1258 = tpu.vector_load_idx %arg12[%min3A_1234, %broadcast_in_dim3A_1257] : memref<5120x4xf32, #tpu.memory_space<vmem>>[vector<16xi32>, vector<16xi32>], vector<16xf32>,
          %swap3A_1259 = arith.constant 3 : i32
          %swap3A_1260 = arith.index_cast %swap3A_1259 : i32 to index
          %swap3A_1261 = arith.constant 368 : index
          %swap3A_1262 = tpu.vector_load %arg13[%swap3A_1260, %swap3A_1261] {strides = array<i32>} : memref<4x384xf32, #tpu.memory_space<vmem>>, vector<16xf32>,
          tpu.vector_store %arg13[%swap3A_1260, %swap3A_1261], %gather3A_1258 {strides = array<i32>} : memref<4x384xf32, #tpu.memory_space<vmem>>, vector<16xf32>,
          "tpu.region"() ({
            %run_scoped3A = tpu.sem_alloc : memref<!tpu.dma_semaphore, #tpu.memory_space<semaphore_mem>>
            %dma_start3A = arith.constant 0 : i32
            %dma_start3A_1263 = arith.constant 0 : i32
            %dma_start3A_1264 = tpu.memref_slice %arg5[%add3A_18, %dma_start3A, %dma_start3A_1263] : memref<640x3x128xf32, #tpu.memory_space<hbm>> -> memref<1x3x128xf32, #tpu.memory_space<hbm>>
            %dma_start3A_1265 = tpu.memref_squeeze %dma_start3A_1264 : memref<1x3x128xf32, #tpu.memory_space<hbm>> -> memref<3x128xf32, #tpu.memory_space<hbm>>
            %dma_start3A_1266 = arith.constant 0 : i32
            %dma_start3A_1267 = arith.constant 0 : i32
            %dma_start3A_1268 = tpu.memref_slice %arg5[%add3A_18, %dma_start3A_1266, %dma_start3A_1267] : memref<640x3x128xf32, #tpu.memory_space<hbm>> -> memref<1x3x128xf32, #tpu.memory_space<hbm>>
            %dma_start3A_1269 = tpu.memref_squeeze %dma_start3A_1268 : memref<1x3x128xf32, #tpu.memory_space<hbm>> -> memref<3x128xf32, #tpu.memory_space<hbm>>
            tpu.enqueue_dma source(%arg10 : memref<3x128xf32, #tpu.memory_space<vmem>>) target(%dma_start3A_1269 : memref<3x128xf32, #tpu.memory_space<hbm>>) target_semaphore(%run_scoped3A : memref<!tpu.dma_semaphore, #tpu.memory_space<semaphore_mem>>)
            %dma_wait3A = arith.constant 0 : i32
            %dma_wait3A_1270 = arith.constant 0 : i32
            %dma_wait3A_1271 = tpu.memref_slice %arg5[%add3A_18, %dma_wait3A, %dma_wait3A_1270] : memref<640x3x128xf32, #tpu.memory_space<hbm>> -> memref<1x3x128xf32, #tpu.memory_space<hbm>>
            %dma_wait3A_1272 = tpu.memref_squeeze %dma_wait3A_1271 : memref<1x3x128xf32, #tpu.memory_space<hbm>> -> memref<3x128xf32, #tpu.memory_space<hbm>>
            %dma_wait3A_1273 = arith.constant 0 : i32
            %dma_wait3A_1274 = arith.constant 0 : i32
            %dma_wait3A_1275 = tpu.memref_slice %arg5[%add3A_18, %dma_wait3A_1273, %dma_wait3A_1274] : memref<640x3x128xf32, #tpu.memory_space<hbm>> -> memref<1x3x128xf32, #tpu.memory_space<hbm>>
            %dma_wait3A_1276 = tpu.memref_squeeze %dma_wait3A_1275 : memref<1x3x128xf32, #tpu.memory_space<hbm>> -> memref<3x128xf32, #tpu.memory_space<hbm>>
            tpu.wait_dma2 semaphore(%run_scoped3A : memref<!tpu.dma_semaphore, #tpu.memory_space<semaphore_mem>>) src(%arg10 : memref<3x128xf32, #tpu.memory_space<vmem>>) dst(%dma_wait3A_1276 : memref<3x128xf32, #tpu.memory_space<hbm>>)
            tpu.yield
          }) : () -> ()
          "tpu.region"() ({
            %run_scoped3A = tpu.sem_alloc : memref<!tpu.dma_semaphore, #tpu.memory_space<semaphore_mem>>
            %dma_start3A = arith.constant 0 : i32
            %dma_start3A_1263 = arith.constant 0 : i32
            %dma_start3A_1264 = tpu.memref_slice %arg6[%add3A_18, %dma_start3A, %dma_start3A_1263] : memref<640x3x128xi32, #tpu.memory_space<hbm>> -> memref<1x3x128xi32, #tpu.memory_space<hbm>>
            %dma_start3A_1265 = tpu.memref_squeeze %dma_start3A_1264 : memref<1x3x128xi32, #tpu.memory_space<hbm>> -> memref<3x128xi32, #tpu.memory_space<hbm>>
            %dma_start3A_1266 = arith.constant 0 : i32
            %dma_start3A_1267 = arith.constant 0 : i32
            %dma_start3A_1268 = tpu.memref_slice %arg6[%add3A_18, %dma_start3A_1266, %dma_start3A_1267] : memref<640x3x128xi32, #tpu.memory_space<hbm>> -> memref<1x3x128xi32, #tpu.memory_space<hbm>>
            %dma_start3A_1269 = tpu.memref_squeeze %dma_start3A_1268 : memref<1x3x128xi32, #tpu.memory_space<hbm>> -> memref<3x128xi32, #tpu.memory_space<hbm>>
            tpu.enqueue_dma source(%arg11 : memref<3x128xi32, #tpu.memory_space<vmem>>) target(%dma_start3A_1269 : memref<3x128xi32, #tpu.memory_space<hbm>>) target_semaphore(%run_scoped3A : memref<!tpu.dma_semaphore, #tpu.memory_space<semaphore_mem>>)
            %dma_wait3A = arith.constant 0 : i32
            %dma_wait3A_1270 = arith.constant 0 : i32
            %dma_wait3A_1271 = tpu.memref_slice %arg6[%add3A_18, %dma_wait3A, %dma_wait3A_1270] : memref<640x3x128xi32, #tpu.memory_space<hbm>> -> memref<1x3x128xi32, #tpu.memory_space<hbm>>
            %dma_wait3A_1272 = tpu.memref_squeeze %dma_wait3A_1271 : memref<1x3x128xi32, #tpu.memory_space<hbm>> -> memref<3x128xi32, #tpu.memory_space<hbm>>
            %dma_wait3A_1273 = arith.constant 0 : i32
            %dma_wait3A_1274 = arith.constant 0 : i32
            %dma_wait3A_1275 = tpu.memref_slice %arg6[%add3A_18, %dma_wait3A_1273, %dma_wait3A_1274] : memref<640x3x128xi32, #tpu.memory_space<hbm>> -> memref<1x3x128xi32, #tpu.memory_space<hbm>>
            %dma_wait3A_1276 = tpu.memref_squeeze %dma_wait3A_1275 : memref<1x3x128xi32, #tpu.memory_space<hbm>> -> memref<3x128xi32, #tpu.memory_space<hbm>>
            tpu.wait_dma2 semaphore(%run_scoped3A : memref<!tpu.dma_semaphore, #tpu.memory_space<semaphore_mem>>) src(%arg11 : memref<3x128xi32, #tpu.memory_space<vmem>>) dst(%dma_wait3A_1276 : memref<3x128xi32, #tpu.memory_space<hbm>>)
            tpu.yield
          }) : () -> ()
          "tpu.region"() ({
            %run_scoped3A = tpu.sem_alloc : memref<!tpu.dma_semaphore, #tpu.memory_space<semaphore_mem>>
            %dma_start3A = arith.constant 0 : i32
            %dma_start3A_1263 = arith.constant 0 : i32
            %dma_start3A_1264 = tpu.memref_slice %arg7[%add3A_18, %dma_start3A, %dma_start3A_1263] : memref<640x4x384xf32, #tpu.memory_space<hbm>> -> memref<1x4x384xf32, #tpu.memory_space<hbm>>
            %dma_start3A_1265 = tpu.memref_squeeze %dma_start3A_1264 : memref<1x4x384xf32, #tpu.memory_space<hbm>> -> memref<4x384xf32, #tpu.memory_space<hbm>>
            %dma_start3A_1266 = arith.constant 0 : i32
            %dma_start3A_1267 = arith.constant 0 : i32
            %dma_start3A_1268 = tpu.memref_slice %arg7[%add3A_18, %dma_start3A_1266, %dma_start3A_1267] : memref<640x4x384xf32, #tpu.memory_space<hbm>> -> memref<1x4x384xf32, #tpu.memory_space<hbm>>
            %dma_start3A_1269 = tpu.memref_squeeze %dma_start3A_1268 : memref<1x4x384xf32, #tpu.memory_space<hbm>> -> memref<4x384xf32, #tpu.memory_space<hbm>>
            tpu.enqueue_dma source(%arg13 : memref<4x384xf32, #tpu.memory_space<vmem>>) target(%dma_start3A_1269 : memref<4x384xf32, #tpu.memory_space<hbm>>) target_semaphore(%run_scoped3A : memref<!tpu.dma_semaphore, #tpu.memory_space<semaphore_mem>>)
            %dma_wait3A = arith.constant 0 : i32
            %dma_wait3A_1270 = arith.constant 0 : i32
            %dma_wait3A_1271 = tpu.memref_slice %arg7[%add3A_18, %dma_wait3A, %dma_wait3A_1270] : memref<640x4x384xf32, #tpu.memory_space<hbm>> -> memref<1x4x384xf32, #tpu.memory_space<hbm>>
            %dma_wait3A_1272 = tpu.memref_squeeze %dma_wait3A_1271 : memref<1x4x384xf32, #tpu.memory_space<hbm>> -> memref<4x384xf32, #tpu.memory_space<hbm>>
            %dma_wait3A_1273 = arith.constant 0 : i32
            %dma_wait3A_1274 = arith.constant 0 : i32
            %dma_wait3A_1275 = tpu.memref_slice %arg7[%add3A_18, %dma_wait3A_1273, %dma_wait3A_1274] : memref<640x4x384xf32, #tpu.memory_space<hbm>> -> memref<1x4x384xf32, #tpu.memory_space<hbm>>
            %dma_wait3A_1276 = tpu.memref_squeeze %dma_wait3A_1275 : memref<1x4x384xf32, #tpu.memory_space<hbm>> -> memref<4x384xf32, #tpu.memory_space<hbm>>
            tpu.wait_dma2 semaphore(%run_scoped3A : memref<!tpu.dma_semaphore, #tpu.memory_space<semaphore_mem>>) src(%arg13 : memref<4x384xf32, #tpu.memory_space<vmem>>) dst(%dma_wait3A_1276 : memref<4x384xf32, #tpu.memory_space<hbm>>)
            tpu.yield
          }) : () -> ()
        } else {
        }
        %scan3A_24 = arith.constant 0 : i32
        scf.yield %scan3A_24 : i32
      }
      %scan3A_13 = arith.constant 20 : i32
    } else {
    }
    return
  }
}

#map = affine_map<(d0, d1) -> (0, 0)>
#map1 = affine_map<(d0, d1) -> (0, 0, 0)>
module attributes {stable_mosaic.version = 14 : i64} {
  func.func @k(%arg0: i32, %arg1: i32, %arg2: memref<8x30720xi32, #tpu.memory_space<hbm>>, %arg3: memref<8x30720xf32, #tpu.memory_space<hbm>>, %arg4: memref<8x30720xi32, #tpu.memory_space<hbm>>, %arg5: memref<40960x4xf32, #tpu.memory_space<hbm>>, %arg6: memref<8x2x128xf32, #tpu.memory_space<hbm>>, %arg7: memref<8x2x128xi32, #tpu.memory_space<hbm>>, %arg8: memref<8x4x256xf32, #tpu.memory_space<hbm>>, %arg9: memref<7680xi32, #tpu.memory_space<vmem>>, %arg10: memref<7680xf32, #tpu.memory_space<vmem>>, %arg11: memref<2x128xf32, #tpu.memory_space<vmem>>, %arg12: memref<2x128xi32, #tpu.memory_space<vmem>>, %arg13: memref<5120x4xf32, #tpu.memory_space<vmem>>, %arg14: memref<4x256xf32, #tpu.memory_space<vmem>>, %arg15: memref<7680xi32, #tpu.memory_space<vmem>>, %arg16: memref<2x128xi32, #tpu.memory_space<vmem>>) attributes {dimension_semantics = [#tpu.dimension_semantics<core_parallel>, #tpu.dimension_semantics<subcore_parallel>], iteration_bounds = array<i64: 2, 16>, scalar_prefetch = 0 : i64, scratch_operands = 8 : i64, tpu.core_type = #tpu.core_type<sc_vector_subcore>, window_params = [{transform_indices = #map}, {transform_indices = #map}, {transform_indices = #map}, {transform_indices = #map}, {transform_indices = #map1}, {transform_indices = #map1}, {transform_indices = #map1}]} {
    %mul3A = arith.constant 2 : i32
    %mul3A_0 = arith.muli %arg1, %mul3A : i32
    %add3A = arith.addi %mul3A_0, %arg0 : i32
    %lt3A = arith.constant 8 : i32
    %lt3A_1 = arith.cmpi slt, %add3A, %lt3A : i32
    %convert_element_type3A = arith.extui %lt3A_1 : i1 to i32
    %cond3A = arith.constant 0 : i32
    %cond3A_2 = arith.cmpi ne, %convert_element_type3A, %cond3A : i32
    scf.if %cond3A_2 {
      %mul3A_3 = arith.constant 1 : i32
      %mul3A_4 = arith.muli %add3A, %mul3A_3 : i32
      %div3A = arith.constant 1 : i32
      %div3A_5 = arith.divsi %mul3A_4, %div3A : i32
      %mul3A_6 = arith.constant 5120 : i32
      %mul3A_7 = arith.muli %div3A_5, %mul3A_6 : i32
      "tpu.region"() ({
        %run_scoped3A = tpu.sem_alloc : memref<!tpu.dma_semaphore, #tpu.memory_space<semaphore_mem>>
        %dma_start3A = arith.constant 0 : i32
        %dma_start3A_19 = tpu.memref_slice %arg5[%mul3A_7, %dma_start3A] : memref<40960x4xf32, #tpu.memory_space<hbm>> -> memref<5120x4xf32, #tpu.memory_space<hbm>>
        %dma_start3A_20 = arith.constant 0 : i32
        %dma_start3A_21 = tpu.memref_slice %arg5[%mul3A_7, %dma_start3A_20] : memref<40960x4xf32, #tpu.memory_space<hbm>> -> memref<5120x4xf32, #tpu.memory_space<hbm>>
        tpu.enqueue_dma source(%dma_start3A_21 : memref<5120x4xf32, #tpu.memory_space<hbm>>) target(%arg13 : memref<5120x4xf32, #tpu.memory_space<vmem>>) target_semaphore(%run_scoped3A : memref<!tpu.dma_semaphore, #tpu.memory_space<semaphore_mem>>)
        %dma_wait3A = arith.constant 0 : i32
        %dma_wait3A_22 = tpu.memref_slice %arg5[%mul3A_7, %dma_wait3A] : memref<40960x4xf32, #tpu.memory_space<hbm>> -> memref<5120x4xf32, #tpu.memory_space<hbm>>
        %dma_wait3A_23 = arith.constant 0 : i32
        %dma_wait3A_24 = tpu.memref_slice %arg5[%mul3A_7, %dma_wait3A_23] : memref<40960x4xf32, #tpu.memory_space<hbm>> -> memref<5120x4xf32, #tpu.memory_space<hbm>>
        tpu.wait_dma2 semaphore(%run_scoped3A : memref<!tpu.dma_semaphore, #tpu.memory_space<semaphore_mem>>) src(%dma_wait3A_24 : memref<5120x4xf32, #tpu.memory_space<hbm>>) dst(%arg13 : memref<5120x4xf32, #tpu.memory_space<vmem>>)
        tpu.yield
      }) : () -> ()
      %scan3A = arith.constant 0 : i32
      %scan3A_8 = arith.constant 0 : i32
      %mul3A_9 = arith.constant 1 : i32
      %mul3A_10 = arith.muli %add3A, %mul3A_9 : i32
      %add3A_11 = arith.addi %mul3A_10, %scan3A_8 : i32
      %lt3A_12 = arith.constant 8 : i32
      %lt3A_13 = arith.cmpi slt, %add3A_11, %lt3A_12 : i32
      %convert_element_type3A_14 = arith.extui %lt3A_13 : i1 to i32
      %cond3A_15 = arith.constant 0 : i32
      %cond3A_16 = arith.cmpi ne, %convert_element_type3A_14, %cond3A_15 : i32
      scf.if %cond3A_16 {
        %broadcast_in_dim3A = arith.constant 0.000000e+00 : f32
        %broadcast_in_dim3A_19 = vector.broadcast %broadcast_in_dim3A : f32 to vector<16xf32>
        %broadcast_in_dim3A_20 = arith.constant 0 : i32
        %broadcast_in_dim3A_21 = vector.broadcast %broadcast_in_dim3A_20 : i32 to vector<16xi32>
        %iota3A = tpu.iota {dimensions = array<i32: 0>} : vector<16xi32>
        %swap3A = arith.constant 0 : i32
        %swap3A_22 = arith.index_cast %swap3A : i32 to index
        %swap3A_23 = arith.constant 0 : index
        %swap3A_24 = tpu.vector_load %arg11[%swap3A_22, %swap3A_23] {strides = array<i32>} : memref<2x128xf32, #tpu.memory_space<vmem>>, vector<16xf32>,
        tpu.vector_store %arg11[%swap3A_22, %swap3A_23], %broadcast_in_dim3A_19 {strides = array<i32>} : memref<2x128xf32, #tpu.memory_space<vmem>>, vector<16xf32>,
        %add3A_25 = arith.constant 4194304 : i32
        %add3A_26 = vector.broadcast %add3A_25 : i32 to vector<16xi32>
        %add3A_27 = arith.addi %iota3A, %add3A_26 : vector<16xi32>
        %swap3A_28 = arith.constant 0 : i32
        %swap3A_29 = arith.index_cast %swap3A_28 : i32 to index
        %swap3A_30 = arith.constant 0 : index
        %swap3A_31 = tpu.vector_load %arg12[%swap3A_29, %swap3A_30] {strides = array<i32>} : memref<2x128xi32, #tpu.memory_space<vmem>>, vector<16xi32>,
        tpu.vector_store %arg12[%swap3A_29, %swap3A_30], %add3A_27 {strides = array<i32>} : memref<2x128xi32, #tpu.memory_space<vmem>>, vector<16xi32>,
        %swap3A_32 = arith.constant 0 : i32
        %swap3A_33 = arith.index_cast %swap3A_32 : i32 to index
        %swap3A_34 = arith.constant 0 : index
        %swap3A_35 = tpu.vector_load %arg16[%swap3A_33, %swap3A_34] {strides = array<i32>} : memref<2x128xi32, #tpu.memory_space<vmem>>, vector<16xi32>,
        tpu.vector_store %arg16[%swap3A_33, %swap3A_34], %broadcast_in_dim3A_21 {strides = array<i32>} : memref<2x128xi32, #tpu.memory_space<vmem>>, vector<16xi32>,
        %swap3A_36 = arith.constant 0 : i32
        %swap3A_37 = arith.index_cast %swap3A_36 : i32 to index
        %swap3A_38 = arith.constant 16 : index
        %swap3A_39 = tpu.vector_load %arg11[%swap3A_37, %swap3A_38] {strides = array<i32>} : memref<2x128xf32, #tpu.memory_space<vmem>>, vector<16xf32>,
        tpu.vector_store %arg11[%swap3A_37, %swap3A_38], %broadcast_in_dim3A_19 {strides = array<i32>} : memref<2x128xf32, #tpu.memory_space<vmem>>, vector<16xf32>,
        %add3A_40 = arith.constant 4194320 : i32
        %add3A_41 = vector.broadcast %add3A_40 : i32 to vector<16xi32>
        %add3A_42 = arith.addi %iota3A, %add3A_41 : vector<16xi32>
        %swap3A_43 = arith.constant 0 : i32
        %swap3A_44 = arith.index_cast %swap3A_43 : i32 to index
        %swap3A_45 = arith.constant 16 : index
        %swap3A_46 = tpu.vector_load %arg12[%swap3A_44, %swap3A_45] {strides = array<i32>} : memref<2x128xi32, #tpu.memory_space<vmem>>, vector<16xi32>,
        tpu.vector_store %arg12[%swap3A_44, %swap3A_45], %add3A_42 {strides = array<i32>} : memref<2x128xi32, #tpu.memory_space<vmem>>, vector<16xi32>,
        %swap3A_47 = arith.constant 0 : i32
        %swap3A_48 = arith.index_cast %swap3A_47 : i32 to index
        %swap3A_49 = arith.constant 16 : index
        %swap3A_50 = tpu.vector_load %arg16[%swap3A_48, %swap3A_49] {strides = array<i32>} : memref<2x128xi32, #tpu.memory_space<vmem>>, vector<16xi32>,
        tpu.vector_store %arg16[%swap3A_48, %swap3A_49], %broadcast_in_dim3A_21 {strides = array<i32>} : memref<2x128xi32, #tpu.memory_space<vmem>>, vector<16xi32>,
        %swap3A_51 = arith.constant 0 : i32
        %swap3A_52 = arith.index_cast %swap3A_51 : i32 to index
        %swap3A_53 = arith.constant 32 : index
        %swap3A_54 = tpu.vector_load %arg11[%swap3A_52, %swap3A_53] {strides = array<i32>} : memref<2x128xf32, #tpu.memory_space<vmem>>, vector<16xf32>,
        tpu.vector_store %arg11[%swap3A_52, %swap3A_53], %broadcast_in_dim3A_19 {strides = array<i32>} : memref<2x128xf32, #tpu.memory_space<vmem>>, vector<16xf32>,
        %add3A_55 = arith.constant 4194336 : i32
        %add3A_56 = vector.broadcast %add3A_55 : i32 to vector<16xi32>
        %add3A_57 = arith.addi %iota3A, %add3A_56 : vector<16xi32>
        %swap3A_58 = arith.constant 0 : i32
        %swap3A_59 = arith.index_cast %swap3A_58 : i32 to index
        %swap3A_60 = arith.constant 32 : index
        %swap3A_61 = tpu.vector_load %arg12[%swap3A_59, %swap3A_60] {strides = array<i32>} : memref<2x128xi32, #tpu.memory_space<vmem>>, vector<16xi32>,
        tpu.vector_store %arg12[%swap3A_59, %swap3A_60], %add3A_57 {strides = array<i32>} : memref<2x128xi32, #tpu.memory_space<vmem>>, vector<16xi32>,
        %swap3A_62 = arith.constant 0 : i32
        %swap3A_63 = arith.index_cast %swap3A_62 : i32 to index
        %swap3A_64 = arith.constant 32 : index
        %swap3A_65 = tpu.vector_load %arg16[%swap3A_63, %swap3A_64] {strides = array<i32>} : memref<2x128xi32, #tpu.memory_space<vmem>>, vector<16xi32>,
        tpu.vector_store %arg16[%swap3A_63, %swap3A_64], %broadcast_in_dim3A_21 {strides = array<i32>} : memref<2x128xi32, #tpu.memory_space<vmem>>, vector<16xi32>,
        %swap3A_66 = arith.constant 0 : i32
        %swap3A_67 = arith.index_cast %swap3A_66 : i32 to index
        %swap3A_68 = arith.constant 48 : index
        %swap3A_69 = tpu.vector_load %arg11[%swap3A_67, %swap3A_68] {strides = array<i32>} : memref<2x128xf32, #tpu.memory_space<vmem>>, vector<16xf32>,
        tpu.vector_store %arg11[%swap3A_67, %swap3A_68], %broadcast_in_dim3A_19 {strides = array<i32>} : memref<2x128xf32, #tpu.memory_space<vmem>>, vector<16xf32>,
        %add3A_70 = arith.constant 4194352 : i32
        %add3A_71 = vector.broadcast %add3A_70 : i32 to vector<16xi32>
        %add3A_72 = arith.addi %iota3A, %add3A_71 : vector<16xi32>
        %swap3A_73 = arith.constant 0 : i32
        %swap3A_74 = arith.index_cast %swap3A_73 : i32 to index
        %swap3A_75 = arith.constant 48 : index
        %swap3A_76 = tpu.vector_load %arg12[%swap3A_74, %swap3A_75] {strides = array<i32>} : memref<2x128xi32, #tpu.memory_space<vmem>>, vector<16xi32>,
        tpu.vector_store %arg12[%swap3A_74, %swap3A_75], %add3A_72 {strides = array<i32>} : memref<2x128xi32, #tpu.memory_space<vmem>>, vector<16xi32>,
        %swap3A_77 = arith.constant 0 : i32
        %swap3A_78 = arith.index_cast %swap3A_77 : i32 to index
        %swap3A_79 = arith.constant 48 : index
        %swap3A_80 = tpu.vector_load %arg16[%swap3A_78, %swap3A_79] {strides = array<i32>} : memref<2x128xi32, #tpu.memory_space<vmem>>, vector<16xi32>,
        tpu.vector_store %arg16[%swap3A_78, %swap3A_79], %broadcast_in_dim3A_21 {strides = array<i32>} : memref<2x128xi32, #tpu.memory_space<vmem>>, vector<16xi32>,
        %swap3A_81 = arith.constant 0 : i32
        %swap3A_82 = arith.index_cast %swap3A_81 : i32 to index
        %swap3A_83 = arith.constant 64 : index
        %swap3A_84 = tpu.vector_load %arg11[%swap3A_82, %swap3A_83] {strides = array<i32>} : memref<2x128xf32, #tpu.memory_space<vmem>>, vector<16xf32>,
        tpu.vector_store %arg11[%swap3A_82, %swap3A_83], %broadcast_in_dim3A_19 {strides = array<i32>} : memref<2x128xf32, #tpu.memory_space<vmem>>, vector<16xf32>,
        %add3A_85 = arith.constant 4194368 : i32
        %add3A_86 = vector.broadcast %add3A_85 : i32 to vector<16xi32>
        %add3A_87 = arith.addi %iota3A, %add3A_86 : vector<16xi32>
        %swap3A_88 = arith.constant 0 : i32
        %swap3A_89 = arith.index_cast %swap3A_88 : i32 to index
        %swap3A_90 = arith.constant 64 : index
        %swap3A_91 = tpu.vector_load %arg12[%swap3A_89, %swap3A_90] {strides = array<i32>} : memref<2x128xi32, #tpu.memory_space<vmem>>, vector<16xi32>,
        tpu.vector_store %arg12[%swap3A_89, %swap3A_90], %add3A_87 {strides = array<i32>} : memref<2x128xi32, #tpu.memory_space<vmem>>, vector<16xi32>,
        %swap3A_92 = arith.constant 0 : i32
        %swap3A_93 = arith.index_cast %swap3A_92 : i32 to index
        %swap3A_94 = arith.constant 64 : index
        %swap3A_95 = tpu.vector_load %arg16[%swap3A_93, %swap3A_94] {strides = array<i32>} : memref<2x128xi32, #tpu.memory_space<vmem>>, vector<16xi32>,
        tpu.vector_store %arg16[%swap3A_93, %swap3A_94], %broadcast_in_dim3A_21 {strides = array<i32>} : memref<2x128xi32, #tpu.memory_space<vmem>>, vector<16xi32>,
        %swap3A_96 = arith.constant 0 : i32
        %swap3A_97 = arith.index_cast %swap3A_96 : i32 to index
        %swap3A_98 = arith.constant 80 : index
        %swap3A_99 = tpu.vector_load %arg11[%swap3A_97, %swap3A_98] {strides = array<i32>} : memref<2x128xf32, #tpu.memory_space<vmem>>, vector<16xf32>,
        tpu.vector_store %arg11[%swap3A_97, %swap3A_98], %broadcast_in_dim3A_19 {strides = array<i32>} : memref<2x128xf32, #tpu.memory_space<vmem>>, vector<16xf32>,
        %add3A_100 = arith.constant 4194384 : i32
        %add3A_101 = vector.broadcast %add3A_100 : i32 to vector<16xi32>
        %add3A_102 = arith.addi %iota3A, %add3A_101 : vector<16xi32>
        %swap3A_103 = arith.constant 0 : i32
        %swap3A_104 = arith.index_cast %swap3A_103 : i32 to index
        %swap3A_105 = arith.constant 80 : index
        %swap3A_106 = tpu.vector_load %arg12[%swap3A_104, %swap3A_105] {strides = array<i32>} : memref<2x128xi32, #tpu.memory_space<vmem>>, vector<16xi32>,
        tpu.vector_store %arg12[%swap3A_104, %swap3A_105], %add3A_102 {strides = array<i32>} : memref<2x128xi32, #tpu.memory_space<vmem>>, vector<16xi32>,
        %swap3A_107 = arith.constant 0 : i32
        %swap3A_108 = arith.index_cast %swap3A_107 : i32 to index
        %swap3A_109 = arith.constant 80 : index
        %swap3A_110 = tpu.vector_load %arg16[%swap3A_108, %swap3A_109] {strides = array<i32>} : memref<2x128xi32, #tpu.memory_space<vmem>>, vector<16xi32>,
        tpu.vector_store %arg16[%swap3A_108, %swap3A_109], %broadcast_in_dim3A_21 {strides = array<i32>} : memref<2x128xi32, #tpu.memory_space<vmem>>, vector<16xi32>,
        %swap3A_111 = arith.constant 0 : i32
        %swap3A_112 = arith.index_cast %swap3A_111 : i32 to index
        %swap3A_113 = arith.constant 96 : index
        %swap3A_114 = tpu.vector_load %arg11[%swap3A_112, %swap3A_113] {strides = array<i32>} : memref<2x128xf32, #tpu.memory_space<vmem>>, vector<16xf32>,
        tpu.vector_store %arg11[%swap3A_112, %swap3A_113], %broadcast_in_dim3A_19 {strides = array<i32>} : memref<2x128xf32, #tpu.memory_space<vmem>>, vector<16xf32>,
        %add3A_115 = arith.constant 4194400 : i32
        %add3A_116 = vector.broadcast %add3A_115 : i32 to vector<16xi32>
        %add3A_117 = arith.addi %iota3A, %add3A_116 : vector<16xi32>
        %swap3A_118 = arith.constant 0 : i32
        %swap3A_119 = arith.index_cast %swap3A_118 : i32 to index
        %swap3A_120 = arith.constant 96 : index
        %swap3A_121 = tpu.vector_load %arg12[%swap3A_119, %swap3A_120] {strides = array<i32>} : memref<2x128xi32, #tpu.memory_space<vmem>>, vector<16xi32>,
        tpu.vector_store %arg12[%swap3A_119, %swap3A_120], %add3A_117 {strides = array<i32>} : memref<2x128xi32, #tpu.memory_space<vmem>>, vector<16xi32>,
        %swap3A_122 = arith.constant 0 : i32
        %swap3A_123 = arith.index_cast %swap3A_122 : i32 to index
        %swap3A_124 = arith.constant 96 : index
        %swap3A_125 = tpu.vector_load %arg16[%swap3A_123, %swap3A_124] {strides = array<i32>} : memref<2x128xi32, #tpu.memory_space<vmem>>, vector<16xi32>,
        tpu.vector_store %arg16[%swap3A_123, %swap3A_124], %broadcast_in_dim3A_21 {strides = array<i32>} : memref<2x128xi32, #tpu.memory_space<vmem>>, vector<16xi32>,
        %swap3A_126 = arith.constant 0 : i32
        %swap3A_127 = arith.index_cast %swap3A_126 : i32 to index
        %swap3A_128 = arith.constant 112 : index
        %swap3A_129 = tpu.vector_load %arg11[%swap3A_127, %swap3A_128] {strides = array<i32>} : memref<2x128xf32, #tpu.memory_space<vmem>>, vector<16xf32>,
        tpu.vector_store %arg11[%swap3A_127, %swap3A_128], %broadcast_in_dim3A_19 {strides = array<i32>} : memref<2x128xf32, #tpu.memory_space<vmem>>, vector<16xf32>,
        %add3A_130 = arith.constant 4194416 : i32
        %add3A_131 = vector.broadcast %add3A_130 : i32 to vector<16xi32>
        %add3A_132 = arith.addi %iota3A, %add3A_131 : vector<16xi32>
        %swap3A_133 = arith.constant 0 : i32
        %swap3A_134 = arith.index_cast %swap3A_133 : i32 to index
        %swap3A_135 = arith.constant 112 : index
        %swap3A_136 = tpu.vector_load %arg12[%swap3A_134, %swap3A_135] {strides = array<i32>} : memref<2x128xi32, #tpu.memory_space<vmem>>, vector<16xi32>,
        tpu.vector_store %arg12[%swap3A_134, %swap3A_135], %add3A_132 {strides = array<i32>} : memref<2x128xi32, #tpu.memory_space<vmem>>, vector<16xi32>,
        %swap3A_137 = arith.constant 0 : i32
        %swap3A_138 = arith.index_cast %swap3A_137 : i32 to index
        %swap3A_139 = arith.constant 112 : index
        %swap3A_140 = tpu.vector_load %arg16[%swap3A_138, %swap3A_139] {strides = array<i32>} : memref<2x128xi32, #tpu.memory_space<vmem>>, vector<16xi32>,
        tpu.vector_store %arg16[%swap3A_138, %swap3A_139], %broadcast_in_dim3A_21 {strides = array<i32>} : memref<2x128xi32, #tpu.memory_space<vmem>>, vector<16xi32>,
        %swap3A_141 = arith.constant 1 : i32
        %swap3A_142 = arith.index_cast %swap3A_141 : i32 to index
        %swap3A_143 = arith.constant 0 : index
        %swap3A_144 = tpu.vector_load %arg11[%swap3A_142, %swap3A_143] {strides = array<i32>} : memref<2x128xf32, #tpu.memory_space<vmem>>, vector<16xf32>,
        tpu.vector_store %arg11[%swap3A_142, %swap3A_143], %broadcast_in_dim3A_19 {strides = array<i32>} : memref<2x128xf32, #tpu.memory_space<vmem>>, vector<16xf32>,
        %add3A_145 = arith.constant 4194432 : i32
        %add3A_146 = vector.broadcast %add3A_145 : i32 to vector<16xi32>
        %add3A_147 = arith.addi %iota3A, %add3A_146 : vector<16xi32>
        %swap3A_148 = arith.constant 1 : i32
        %swap3A_149 = arith.index_cast %swap3A_148 : i32 to index
        %swap3A_150 = arith.constant 0 : index
        %swap3A_151 = tpu.vector_load %arg12[%swap3A_149, %swap3A_150] {strides = array<i32>} : memref<2x128xi32, #tpu.memory_space<vmem>>, vector<16xi32>,
        tpu.vector_store %arg12[%swap3A_149, %swap3A_150], %add3A_147 {strides = array<i32>} : memref<2x128xi32, #tpu.memory_space<vmem>>, vector<16xi32>,
        %swap3A_152 = arith.constant 1 : i32
        %swap3A_153 = arith.index_cast %swap3A_152 : i32 to index
        %swap3A_154 = arith.constant 0 : index
        %swap3A_155 = tpu.vector_load %arg16[%swap3A_153, %swap3A_154] {strides = array<i32>} : memref<2x128xi32, #tpu.memory_space<vmem>>, vector<16xi32>,
        tpu.vector_store %arg16[%swap3A_153, %swap3A_154], %broadcast_in_dim3A_21 {strides = array<i32>} : memref<2x128xi32, #tpu.memory_space<vmem>>, vector<16xi32>,
        %swap3A_156 = arith.constant 1 : i32
        %swap3A_157 = arith.index_cast %swap3A_156 : i32 to index
        %swap3A_158 = arith.constant 16 : index
        %swap3A_159 = tpu.vector_load %arg11[%swap3A_157, %swap3A_158] {strides = array<i32>} : memref<2x128xf32, #tpu.memory_space<vmem>>, vector<16xf32>,
        tpu.vector_store %arg11[%swap3A_157, %swap3A_158], %broadcast_in_dim3A_19 {strides = array<i32>} : memref<2x128xf32, #tpu.memory_space<vmem>>, vector<16xf32>,
        %add3A_160 = arith.constant 4194448 : i32
        %add3A_161 = vector.broadcast %add3A_160 : i32 to vector<16xi32>
        %add3A_162 = arith.addi %iota3A, %add3A_161 : vector<16xi32>
        %swap3A_163 = arith.constant 1 : i32
        %swap3A_164 = arith.index_cast %swap3A_163 : i32 to index
        %swap3A_165 = arith.constant 16 : index
        %swap3A_166 = tpu.vector_load %arg12[%swap3A_164, %swap3A_165] {strides = array<i32>} : memref<2x128xi32, #tpu.memory_space<vmem>>, vector<16xi32>,
        tpu.vector_store %arg12[%swap3A_164, %swap3A_165], %add3A_162 {strides = array<i32>} : memref<2x128xi32, #tpu.memory_space<vmem>>, vector<16xi32>,
        %swap3A_167 = arith.constant 1 : i32
        %swap3A_168 = arith.index_cast %swap3A_167 : i32 to index
        %swap3A_169 = arith.constant 16 : index
        %swap3A_170 = tpu.vector_load %arg16[%swap3A_168, %swap3A_169] {strides = array<i32>} : memref<2x128xi32, #tpu.memory_space<vmem>>, vector<16xi32>,
        tpu.vector_store %arg16[%swap3A_168, %swap3A_169], %broadcast_in_dim3A_21 {strides = array<i32>} : memref<2x128xi32, #tpu.memory_space<vmem>>, vector<16xi32>,
        %swap3A_171 = arith.constant 1 : i32
        %swap3A_172 = arith.index_cast %swap3A_171 : i32 to index
        %swap3A_173 = arith.constant 32 : index
        %swap3A_174 = tpu.vector_load %arg11[%swap3A_172, %swap3A_173] {strides = array<i32>} : memref<2x128xf32, #tpu.memory_space<vmem>>, vector<16xf32>,
        tpu.vector_store %arg11[%swap3A_172, %swap3A_173], %broadcast_in_dim3A_19 {strides = array<i32>} : memref<2x128xf32, #tpu.memory_space<vmem>>, vector<16xf32>,
        %add3A_175 = arith.constant 4194464 : i32
        %add3A_176 = vector.broadcast %add3A_175 : i32 to vector<16xi32>
        %add3A_177 = arith.addi %iota3A, %add3A_176 : vector<16xi32>
        %swap3A_178 = arith.constant 1 : i32
        %swap3A_179 = arith.index_cast %swap3A_178 : i32 to index
        %swap3A_180 = arith.constant 32 : index
        %swap3A_181 = tpu.vector_load %arg12[%swap3A_179, %swap3A_180] {strides = array<i32>} : memref<2x128xi32, #tpu.memory_space<vmem>>, vector<16xi32>,
        tpu.vector_store %arg12[%swap3A_179, %swap3A_180], %add3A_177 {strides = array<i32>} : memref<2x128xi32, #tpu.memory_space<vmem>>, vector<16xi32>,
        %swap3A_182 = arith.constant 1 : i32
        %swap3A_183 = arith.index_cast %swap3A_182 : i32 to index
        %swap3A_184 = arith.constant 32 : index
        %swap3A_185 = tpu.vector_load %arg16[%swap3A_183, %swap3A_184] {strides = array<i32>} : memref<2x128xi32, #tpu.memory_space<vmem>>, vector<16xi32>,
        tpu.vector_store %arg16[%swap3A_183, %swap3A_184], %broadcast_in_dim3A_21 {strides = array<i32>} : memref<2x128xi32, #tpu.memory_space<vmem>>, vector<16xi32>,
        %swap3A_186 = arith.constant 1 : i32
        %swap3A_187 = arith.index_cast %swap3A_186 : i32 to index
        %swap3A_188 = arith.constant 48 : index
        %swap3A_189 = tpu.vector_load %arg11[%swap3A_187, %swap3A_188] {strides = array<i32>} : memref<2x128xf32, #tpu.memory_space<vmem>>, vector<16xf32>,
        tpu.vector_store %arg11[%swap3A_187, %swap3A_188], %broadcast_in_dim3A_19 {strides = array<i32>} : memref<2x128xf32, #tpu.memory_space<vmem>>, vector<16xf32>,
        %add3A_190 = arith.constant 4194480 : i32
        %add3A_191 = vector.broadcast %add3A_190 : i32 to vector<16xi32>
        %add3A_192 = arith.addi %iota3A, %add3A_191 : vector<16xi32>
        %swap3A_193 = arith.constant 1 : i32
        %swap3A_194 = arith.index_cast %swap3A_193 : i32 to index
        %swap3A_195 = arith.constant 48 : index
        %swap3A_196 = tpu.vector_load %arg12[%swap3A_194, %swap3A_195] {strides = array<i32>} : memref<2x128xi32, #tpu.memory_space<vmem>>, vector<16xi32>,
        tpu.vector_store %arg12[%swap3A_194, %swap3A_195], %add3A_192 {strides = array<i32>} : memref<2x128xi32, #tpu.memory_space<vmem>>, vector<16xi32>,
        %swap3A_197 = arith.constant 1 : i32
        %swap3A_198 = arith.index_cast %swap3A_197 : i32 to index
        %swap3A_199 = arith.constant 48 : index
        %swap3A_200 = tpu.vector_load %arg16[%swap3A_198, %swap3A_199] {strides = array<i32>} : memref<2x128xi32, #tpu.memory_space<vmem>>, vector<16xi32>,
        tpu.vector_store %arg16[%swap3A_198, %swap3A_199], %broadcast_in_dim3A_21 {strides = array<i32>} : memref<2x128xi32, #tpu.memory_space<vmem>>, vector<16xi32>,
        %swap3A_201 = arith.constant 1 : i32
        %swap3A_202 = arith.index_cast %swap3A_201 : i32 to index
        %swap3A_203 = arith.constant 64 : index
        %swap3A_204 = tpu.vector_load %arg11[%swap3A_202, %swap3A_203] {strides = array<i32>} : memref<2x128xf32, #tpu.memory_space<vmem>>, vector<16xf32>,
        tpu.vector_store %arg11[%swap3A_202, %swap3A_203], %broadcast_in_dim3A_19 {strides = array<i32>} : memref<2x128xf32, #tpu.memory_space<vmem>>, vector<16xf32>,
        %add3A_205 = arith.constant 4194496 : i32
        %add3A_206 = vector.broadcast %add3A_205 : i32 to vector<16xi32>
        %add3A_207 = arith.addi %iota3A, %add3A_206 : vector<16xi32>
        %swap3A_208 = arith.constant 1 : i32
        %swap3A_209 = arith.index_cast %swap3A_208 : i32 to index
        %swap3A_210 = arith.constant 64 : index
        %swap3A_211 = tpu.vector_load %arg12[%swap3A_209, %swap3A_210] {strides = array<i32>} : memref<2x128xi32, #tpu.memory_space<vmem>>, vector<16xi32>,
        tpu.vector_store %arg12[%swap3A_209, %swap3A_210], %add3A_207 {strides = array<i32>} : memref<2x128xi32, #tpu.memory_space<vmem>>, vector<16xi32>,
        %swap3A_212 = arith.constant 1 : i32
        %swap3A_213 = arith.index_cast %swap3A_212 : i32 to index
        %swap3A_214 = arith.constant 64 : index
        %swap3A_215 = tpu.vector_load %arg16[%swap3A_213, %swap3A_214] {strides = array<i32>} : memref<2x128xi32, #tpu.memory_space<vmem>>, vector<16xi32>,
        tpu.vector_store %arg16[%swap3A_213, %swap3A_214], %broadcast_in_dim3A_21 {strides = array<i32>} : memref<2x128xi32, #tpu.memory_space<vmem>>, vector<16xi32>,
        %swap3A_216 = arith.constant 1 : i32
        %swap3A_217 = arith.index_cast %swap3A_216 : i32 to index
        %swap3A_218 = arith.constant 80 : index
        %swap3A_219 = tpu.vector_load %arg11[%swap3A_217, %swap3A_218] {strides = array<i32>} : memref<2x128xf32, #tpu.memory_space<vmem>>, vector<16xf32>,
        tpu.vector_store %arg11[%swap3A_217, %swap3A_218], %broadcast_in_dim3A_19 {strides = array<i32>} : memref<2x128xf32, #tpu.memory_space<vmem>>, vector<16xf32>,
        %add3A_220 = arith.constant 4194512 : i32
        %add3A_221 = vector.broadcast %add3A_220 : i32 to vector<16xi32>
        %add3A_222 = arith.addi %iota3A, %add3A_221 : vector<16xi32>
        %swap3A_223 = arith.constant 1 : i32
        %swap3A_224 = arith.index_cast %swap3A_223 : i32 to index
        %swap3A_225 = arith.constant 80 : index
        %swap3A_226 = tpu.vector_load %arg12[%swap3A_224, %swap3A_225] {strides = array<i32>} : memref<2x128xi32, #tpu.memory_space<vmem>>, vector<16xi32>,
        tpu.vector_store %arg12[%swap3A_224, %swap3A_225], %add3A_222 {strides = array<i32>} : memref<2x128xi32, #tpu.memory_space<vmem>>, vector<16xi32>,
        %swap3A_227 = arith.constant 1 : i32
        %swap3A_228 = arith.index_cast %swap3A_227 : i32 to index
        %swap3A_229 = arith.constant 80 : index
        %swap3A_230 = tpu.vector_load %arg16[%swap3A_228, %swap3A_229] {strides = array<i32>} : memref<2x128xi32, #tpu.memory_space<vmem>>, vector<16xi32>,
        tpu.vector_store %arg16[%swap3A_228, %swap3A_229], %broadcast_in_dim3A_21 {strides = array<i32>} : memref<2x128xi32, #tpu.memory_space<vmem>>, vector<16xi32>,
        %swap3A_231 = arith.constant 1 : i32
        %swap3A_232 = arith.index_cast %swap3A_231 : i32 to index
        %swap3A_233 = arith.constant 96 : index
        %swap3A_234 = tpu.vector_load %arg11[%swap3A_232, %swap3A_233] {strides = array<i32>} : memref<2x128xf32, #tpu.memory_space<vmem>>, vector<16xf32>,
        tpu.vector_store %arg11[%swap3A_232, %swap3A_233], %broadcast_in_dim3A_19 {strides = array<i32>} : memref<2x128xf32, #tpu.memory_space<vmem>>, vector<16xf32>,
        %add3A_235 = arith.constant 4194528 : i32
        %add3A_236 = vector.broadcast %add3A_235 : i32 to vector<16xi32>
        %add3A_237 = arith.addi %iota3A, %add3A_236 : vector<16xi32>
        %swap3A_238 = arith.constant 1 : i32
        %swap3A_239 = arith.index_cast %swap3A_238 : i32 to index
        %swap3A_240 = arith.constant 96 : index
        %swap3A_241 = tpu.vector_load %arg12[%swap3A_239, %swap3A_240] {strides = array<i32>} : memref<2x128xi32, #tpu.memory_space<vmem>>, vector<16xi32>,
        tpu.vector_store %arg12[%swap3A_239, %swap3A_240], %add3A_237 {strides = array<i32>} : memref<2x128xi32, #tpu.memory_space<vmem>>, vector<16xi32>,
        %swap3A_242 = arith.constant 1 : i32
        %swap3A_243 = arith.index_cast %swap3A_242 : i32 to index
        %swap3A_244 = arith.constant 96 : index
        %swap3A_245 = tpu.vector_load %arg16[%swap3A_243, %swap3A_244] {strides = array<i32>} : memref<2x128xi32, #tpu.memory_space<vmem>>, vector<16xi32>,
        tpu.vector_store %arg16[%swap3A_243, %swap3A_244], %broadcast_in_dim3A_21 {strides = array<i32>} : memref<2x128xi32, #tpu.memory_space<vmem>>, vector<16xi32>,
        %swap3A_246 = arith.constant 1 : i32
        %swap3A_247 = arith.index_cast %swap3A_246 : i32 to index
        %swap3A_248 = arith.constant 112 : index
        %swap3A_249 = tpu.vector_load %arg11[%swap3A_247, %swap3A_248] {strides = array<i32>} : memref<2x128xf32, #tpu.memory_space<vmem>>, vector<16xf32>,
        tpu.vector_store %arg11[%swap3A_247, %swap3A_248], %broadcast_in_dim3A_19 {strides = array<i32>} : memref<2x128xf32, #tpu.memory_space<vmem>>, vector<16xf32>,
        %add3A_250 = arith.constant 4194544 : i32
        %add3A_251 = vector.broadcast %add3A_250 : i32 to vector<16xi32>
        %add3A_252 = arith.addi %iota3A, %add3A_251 : vector<16xi32>
        %swap3A_253 = arith.constant 1 : i32
        %swap3A_254 = arith.index_cast %swap3A_253 : i32 to index
        %swap3A_255 = arith.constant 112 : index
        %swap3A_256 = tpu.vector_load %arg12[%swap3A_254, %swap3A_255] {strides = array<i32>} : memref<2x128xi32, #tpu.memory_space<vmem>>, vector<16xi32>,
        tpu.vector_store %arg12[%swap3A_254, %swap3A_255], %add3A_252 {strides = array<i32>} : memref<2x128xi32, #tpu.memory_space<vmem>>, vector<16xi32>,
        %swap3A_257 = arith.constant 1 : i32
        %swap3A_258 = arith.index_cast %swap3A_257 : i32 to index
        %swap3A_259 = arith.constant 112 : index
        %swap3A_260 = tpu.vector_load %arg16[%swap3A_258, %swap3A_259] {strides = array<i32>} : memref<2x128xi32, #tpu.memory_space<vmem>>, vector<16xi32>,
        tpu.vector_store %arg16[%swap3A_258, %swap3A_259], %broadcast_in_dim3A_21 {strides = array<i32>} : memref<2x128xi32, #tpu.memory_space<vmem>>, vector<16xi32>,
        %div3A_261 = arith.constant 1 : i32
        %div3A_262 = arith.divsi %add3A_11, %div3A_261 : i32
        %mul3A_263 = arith.constant 30720 : i32
        %mul3A_264 = arith.muli %div3A_262, %mul3A_263 : i32
        %div3A_265 = arith.constant 1 : i32
        %div3A_266 = arith.divsi %add3A_11, %div3A_265 : i32
        %mul3A_267 = arith.constant 5120 : i32
        %mul3A_268 = arith.muli %div3A_266, %mul3A_267 : i32
        %iota3A_269 = tpu.iota {dimensions = array<i32: 0>} : vector<16xi32>
        "tpu.region"() ({
          %run_scoped3A = tpu.sem_alloc : memref<!tpu.dma_semaphore, #tpu.memory_space<semaphore_mem>>
          %dma_start3A = arith.constant 0 : i32
          %dma_start3A_940 = tpu.memref_slice %arg2[%add3A_11, %dma_start3A] : memref<8x30720xi32, #tpu.memory_space<hbm>> -> memref<1x7680xi32, #tpu.memory_space<hbm>>
          %dma_start3A_941 = tpu.memref_squeeze %dma_start3A_940 : memref<1x7680xi32, #tpu.memory_space<hbm>> -> memref<7680xi32, #tpu.memory_space<hbm>>
          %dma_start3A_942 = arith.constant 0 : i32
          %dma_start3A_943 = tpu.memref_slice %arg2[%add3A_11, %dma_start3A_942] : memref<8x30720xi32, #tpu.memory_space<hbm>> -> memref<1x7680xi32, #tpu.memory_space<hbm>>
          %dma_start3A_944 = tpu.memref_squeeze %dma_start3A_943 : memref<1x7680xi32, #tpu.memory_space<hbm>> -> memref<7680xi32, #tpu.memory_space<hbm>>
          tpu.enqueue_dma source(%dma_start3A_944 : memref<7680xi32, #tpu.memory_space<hbm>>) target(%arg9 : memref<7680xi32, #tpu.memory_space<vmem>>) target_semaphore(%run_scoped3A : memref<!tpu.dma_semaphore, #tpu.memory_space<semaphore_mem>>)
          %dma_wait3A = arith.constant 0 : i32
          %dma_wait3A_945 = tpu.memref_slice %arg2[%add3A_11, %dma_wait3A] : memref<8x30720xi32, #tpu.memory_space<hbm>> -> memref<1x7680xi32, #tpu.memory_space<hbm>>
          %dma_wait3A_946 = tpu.memref_squeeze %dma_wait3A_945 : memref<1x7680xi32, #tpu.memory_space<hbm>> -> memref<7680xi32, #tpu.memory_space<hbm>>
          %dma_wait3A_947 = arith.constant 0 : i32
          %dma_wait3A_948 = tpu.memref_slice %arg2[%add3A_11, %dma_wait3A_947] : memref<8x30720xi32, #tpu.memory_space<hbm>> -> memref<1x7680xi32, #tpu.memory_space<hbm>>
          %dma_wait3A_949 = tpu.memref_squeeze %dma_wait3A_948 : memref<1x7680xi32, #tpu.memory_space<hbm>> -> memref<7680xi32, #tpu.memory_space<hbm>>
          tpu.wait_dma2 semaphore(%run_scoped3A : memref<!tpu.dma_semaphore, #tpu.memory_space<semaphore_mem>>) src(%dma_wait3A_949 : memref<7680xi32, #tpu.memory_space<hbm>>) dst(%arg9 : memref<7680xi32, #tpu.memory_space<vmem>>)
          tpu.yield
        }) : () -> ()
        "tpu.region"() ({
          %run_scoped3A = tpu.sem_alloc : memref<!tpu.dma_semaphore, #tpu.memory_space<semaphore_mem>>
          %dma_start3A = arith.constant 0 : i32
          %dma_start3A_940 = tpu.memref_slice %arg3[%add3A_11, %dma_start3A] : memref<8x30720xf32, #tpu.memory_space<hbm>> -> memref<1x7680xf32, #tpu.memory_space<hbm>>
          %dma_start3A_941 = tpu.memref_squeeze %dma_start3A_940 : memref<1x7680xf32, #tpu.memory_space<hbm>> -> memref<7680xf32, #tpu.memory_space<hbm>>
          %dma_start3A_942 = arith.constant 0 : i32
          %dma_start3A_943 = tpu.memref_slice %arg3[%add3A_11, %dma_start3A_942] : memref<8x30720xf32, #tpu.memory_space<hbm>> -> memref<1x7680xf32, #tpu.memory_space<hbm>>
          %dma_start3A_944 = tpu.memref_squeeze %dma_start3A_943 : memref<1x7680xf32, #tpu.memory_space<hbm>> -> memref<7680xf32, #tpu.memory_space<hbm>>
          tpu.enqueue_dma source(%dma_start3A_944 : memref<7680xf32, #tpu.memory_space<hbm>>) target(%arg10 : memref<7680xf32, #tpu.memory_space<vmem>>) target_semaphore(%run_scoped3A : memref<!tpu.dma_semaphore, #tpu.memory_space<semaphore_mem>>)
          %dma_wait3A = arith.constant 0 : i32
          %dma_wait3A_945 = tpu.memref_slice %arg3[%add3A_11, %dma_wait3A] : memref<8x30720xf32, #tpu.memory_space<hbm>> -> memref<1x7680xf32, #tpu.memory_space<hbm>>
          %dma_wait3A_946 = tpu.memref_squeeze %dma_wait3A_945 : memref<1x7680xf32, #tpu.memory_space<hbm>> -> memref<7680xf32, #tpu.memory_space<hbm>>
          %dma_wait3A_947 = arith.constant 0 : i32
          %dma_wait3A_948 = tpu.memref_slice %arg3[%add3A_11, %dma_wait3A_947] : memref<8x30720xf32, #tpu.memory_space<hbm>> -> memref<1x7680xf32, #tpu.memory_space<hbm>>
          %dma_wait3A_949 = tpu.memref_squeeze %dma_wait3A_948 : memref<1x7680xf32, #tpu.memory_space<hbm>> -> memref<7680xf32, #tpu.memory_space<hbm>>
          tpu.wait_dma2 semaphore(%run_scoped3A : memref<!tpu.dma_semaphore, #tpu.memory_space<semaphore_mem>>) src(%dma_wait3A_949 : memref<7680xf32, #tpu.memory_space<hbm>>) dst(%arg10 : memref<7680xf32, #tpu.memory_space<vmem>>)
          tpu.yield
        }) : () -> ()
        "tpu.region"() ({
          %run_scoped3A = tpu.sem_alloc : memref<!tpu.dma_semaphore, #tpu.memory_space<semaphore_mem>>
          %dma_start3A = arith.constant 0 : i32
          %dma_start3A_940 = tpu.memref_slice %arg4[%add3A_11, %dma_start3A] : memref<8x30720xi32, #tpu.memory_space<hbm>> -> memref<1x7680xi32, #tpu.memory_space<hbm>>
          %dma_start3A_941 = tpu.memref_squeeze %dma_start3A_940 : memref<1x7680xi32, #tpu.memory_space<hbm>> -> memref<7680xi32, #tpu.memory_space<hbm>>
          %dma_start3A_942 = arith.constant 0 : i32
          %dma_start3A_943 = tpu.memref_slice %arg4[%add3A_11, %dma_start3A_942] : memref<8x30720xi32, #tpu.memory_space<hbm>> -> memref<1x7680xi32, #tpu.memory_space<hbm>>
          %dma_start3A_944 = tpu.memref_squeeze %dma_start3A_943 : memref<1x7680xi32, #tpu.memory_space<hbm>> -> memref<7680xi32, #tpu.memory_space<hbm>>
          tpu.enqueue_dma source(%dma_start3A_944 : memref<7680xi32, #tpu.memory_space<hbm>>) target(%arg15 : memref<7680xi32, #tpu.memory_space<vmem>>) target_semaphore(%run_scoped3A : memref<!tpu.dma_semaphore, #tpu.memory_space<semaphore_mem>>)
          %dma_wait3A = arith.constant 0 : i32
          %dma_wait3A_945 = tpu.memref_slice %arg4[%add3A_11, %dma_wait3A] : memref<8x30720xi32, #tpu.memory_space<hbm>> -> memref<1x7680xi32, #tpu.memory_space<hbm>>
          %dma_wait3A_946 = tpu.memref_squeeze %dma_wait3A_945 : memref<1x7680xi32, #tpu.memory_space<hbm>> -> memref<7680xi32, #tpu.memory_space<hbm>>
          %dma_wait3A_947 = arith.constant 0 : i32
          %dma_wait3A_948 = tpu.memref_slice %arg4[%add3A_11, %dma_wait3A_947] : memref<8x30720xi32, #tpu.memory_space<hbm>> -> memref<1x7680xi32, #tpu.memory_space<hbm>>
          %dma_wait3A_949 = tpu.memref_squeeze %dma_wait3A_948 : memref<1x7680xi32, #tpu.memory_space<hbm>> -> memref<7680xi32, #tpu.memory_space<hbm>>
          tpu.wait_dma2 semaphore(%run_scoped3A : memref<!tpu.dma_semaphore, #tpu.memory_space<semaphore_mem>>) src(%dma_wait3A_949 : memref<7680xi32, #tpu.memory_space<hbm>>) dst(%arg15 : memref<7680xi32, #tpu.memory_space<vmem>>)
          tpu.yield
        }) : () -> ()
        %add3A_270 = arith.constant 0 : i32
        %add3A_271 = arith.addi %add3A_270, %mul3A_264 : i32
        %scan3A_272 = arith.constant 0 : i32
        %scan3A_273 = arith.constant 0 : i32
        %scan3A_274 = arith.constant 480 : i32
        %scan3A_275 = arith.addi %scan3A_273, %scan3A_274 : i32
        %scan3A_276 = arith.constant 1 : i32
        %scan3A_277 = scf.for %scan3A_940 = %scan3A_273 to %scan3A_275 step %scan3A_276 iter_args(%scan3A_941 = %scan3A_272) -> (i32)  : i32 {
          %mul3A_942 = arith.constant 16 : i32
          %mul3A_943 = arith.muli %scan3A_940, %mul3A_942 : i32
          %get3A_944 = arith.index_cast %mul3A_943 : i32 to index
          %get3A_945 = tpu.vector_load %arg9[%get3A_944] {strides = array<i32>} : memref<7680xi32, #tpu.memory_space<vmem>>, vector<16xi32>,
          %mul3A_946 = arith.constant 16 : i32
          %mul3A_947 = arith.muli %scan3A_940, %mul3A_946 : i32
          %get3A_948 = arith.index_cast %mul3A_947 : i32 to index
          %get3A_949 = tpu.vector_load %arg10[%get3A_948] {strides = array<i32>} : memref<7680xf32, #tpu.memory_space<vmem>>, vector<16xf32>,
          %ge3A = arith.constant 0 : i32
          %ge3A_950 = vector.broadcast %ge3A : i32 to vector<16xi32>
          %ge3A_951 = arith.cmpi sge, %get3A_945, %ge3A_950 : vector<16xi32>
          %max3A_952 = arith.constant 0 : i32
          %max3A_953 = vector.broadcast %max3A_952 : i32 to vector<16xi32>
          %max3A_954 = arith.maxsi %get3A_945, %max3A_953 : vector<16xi32>
          %shift_right_logical3A = arith.constant 7 : i32
          %shift_right_logical3A_955 = vector.broadcast %shift_right_logical3A : i32 to vector<16xi32>
          %shift_right_logical3A_956 = arith.shrui %max3A_954, %shift_right_logical3A_955 : vector<16xi32>
          %and3A = arith.constant 127 : i32
          %and3A_957 = vector.broadcast %and3A : i32 to vector<16xi32>
          %and3A_958 = arith.andi %max3A_954, %and3A_957 : vector<16xi32>
          %mul3A_959 = arith.constant 16 : i32
          %mul3A_960 = arith.muli %scan3A_940, %mul3A_959 : i32
          %add3A_961 = arith.addi %mul3A_960, %add3A_271 : i32
          %add3A_962 = vector.broadcast %add3A_961 : i32 to vector<16xi32>
          %add3A_963 = arith.addi %iota3A_269, %add3A_962 : vector<16xi32>
          tpu.vector_store_idx %arg11[%shift_right_logical3A_956, %and3A_958], %get3A_949 masked %ge3A_951 : memref<2x128xf32, #tpu.memory_space<vmem>>[vector<16xi32>, vector<16xi32>], vector<16xf32>, vector<16xi1>
          tpu.vector_store_idx %arg12[%shift_right_logical3A_956, %and3A_958], %add3A_963 masked %ge3A_951 : memref<2x128xi32, #tpu.memory_space<vmem>>[vector<16xi32>, vector<16xi32>], vector<16xi32>, vector<16xi1>
          %mul3A_964 = arith.constant 16 : i32
          %mul3A_965 = arith.muli %scan3A_940, %mul3A_964 : i32
          %get3A_966 = arith.index_cast %mul3A_965 : i32 to index
          %get3A_967 = tpu.vector_load %arg15[%get3A_966] {strides = array<i32>} : memref<7680xi32, #tpu.memory_space<vmem>>, vector<16xi32>,
          tpu.vector_store_idx %arg16[%shift_right_logical3A_956, %and3A_958], %get3A_967 masked %ge3A_951 : memref<2x128xi32, #tpu.memory_space<vmem>>[vector<16xi32>, vector<16xi32>], vector<16xi32>, vector<16xi1>
          %scan3A_968 = arith.constant 0 : i32
          scf.yield %scan3A_968 : i32
        }
        %scan3A_278 = arith.constant 480 : i32
        "tpu.region"() ({
          %run_scoped3A = tpu.sem_alloc : memref<!tpu.dma_semaphore, #tpu.memory_space<semaphore_mem>>
          %dma_start3A = arith.constant 7680 : i32
          %dma_start3A_940 = tpu.memref_slice %arg2[%add3A_11, %dma_start3A] : memref<8x30720xi32, #tpu.memory_space<hbm>> -> memref<1x7680xi32, #tpu.memory_space<hbm>>
          %dma_start3A_941 = tpu.memref_squeeze %dma_start3A_940 : memref<1x7680xi32, #tpu.memory_space<hbm>> -> memref<7680xi32, #tpu.memory_space<hbm>>
          %dma_start3A_942 = arith.constant 7680 : i32
          %dma_start3A_943 = tpu.memref_slice %arg2[%add3A_11, %dma_start3A_942] : memref<8x30720xi32, #tpu.memory_space<hbm>> -> memref<1x7680xi32, #tpu.memory_space<hbm>>
          %dma_start3A_944 = tpu.memref_squeeze %dma_start3A_943 : memref<1x7680xi32, #tpu.memory_space<hbm>> -> memref<7680xi32, #tpu.memory_space<hbm>>
          tpu.enqueue_dma source(%dma_start3A_944 : memref<7680xi32, #tpu.memory_space<hbm>>) target(%arg9 : memref<7680xi32, #tpu.memory_space<vmem>>) target_semaphore(%run_scoped3A : memref<!tpu.dma_semaphore, #tpu.memory_space<semaphore_mem>>)
          %dma_wait3A = arith.constant 7680 : i32
          %dma_wait3A_945 = tpu.memref_slice %arg2[%add3A_11, %dma_wait3A] : memref<8x30720xi32, #tpu.memory_space<hbm>> -> memref<1x7680xi32, #tpu.memory_space<hbm>>
          %dma_wait3A_946 = tpu.memref_squeeze %dma_wait3A_945 : memref<1x7680xi32, #tpu.memory_space<hbm>> -> memref<7680xi32, #tpu.memory_space<hbm>>
          %dma_wait3A_947 = arith.constant 7680 : i32
          %dma_wait3A_948 = tpu.memref_slice %arg2[%add3A_11, %dma_wait3A_947] : memref<8x30720xi32, #tpu.memory_space<hbm>> -> memref<1x7680xi32, #tpu.memory_space<hbm>>
          %dma_wait3A_949 = tpu.memref_squeeze %dma_wait3A_948 : memref<1x7680xi32, #tpu.memory_space<hbm>> -> memref<7680xi32, #tpu.memory_space<hbm>>
          tpu.wait_dma2 semaphore(%run_scoped3A : memref<!tpu.dma_semaphore, #tpu.memory_space<semaphore_mem>>) src(%dma_wait3A_949 : memref<7680xi32, #tpu.memory_space<hbm>>) dst(%arg9 : memref<7680xi32, #tpu.memory_space<vmem>>)
          tpu.yield
        }) : () -> ()
        "tpu.region"() ({
          %run_scoped3A = tpu.sem_alloc : memref<!tpu.dma_semaphore, #tpu.memory_space<semaphore_mem>>
          %dma_start3A = arith.constant 7680 : i32
          %dma_start3A_940 = tpu.memref_slice %arg3[%add3A_11, %dma_start3A] : memref<8x30720xf32, #tpu.memory_space<hbm>> -> memref<1x7680xf32, #tpu.memory_space<hbm>>
          %dma_start3A_941 = tpu.memref_squeeze %dma_start3A_940 : memref<1x7680xf32, #tpu.memory_space<hbm>> -> memref<7680xf32, #tpu.memory_space<hbm>>
          %dma_start3A_942 = arith.constant 7680 : i32
          %dma_start3A_943 = tpu.memref_slice %arg3[%add3A_11, %dma_start3A_942] : memref<8x30720xf32, #tpu.memory_space<hbm>> -> memref<1x7680xf32, #tpu.memory_space<hbm>>
          %dma_start3A_944 = tpu.memref_squeeze %dma_start3A_943 : memref<1x7680xf32, #tpu.memory_space<hbm>> -> memref<7680xf32, #tpu.memory_space<hbm>>
          tpu.enqueue_dma source(%dma_start3A_944 : memref<7680xf32, #tpu.memory_space<hbm>>) target(%arg10 : memref<7680xf32, #tpu.memory_space<vmem>>) target_semaphore(%run_scoped3A : memref<!tpu.dma_semaphore, #tpu.memory_space<semaphore_mem>>)
          %dma_wait3A = arith.constant 7680 : i32
          %dma_wait3A_945 = tpu.memref_slice %arg3[%add3A_11, %dma_wait3A] : memref<8x30720xf32, #tpu.memory_space<hbm>> -> memref<1x7680xf32, #tpu.memory_space<hbm>>
          %dma_wait3A_946 = tpu.memref_squeeze %dma_wait3A_945 : memref<1x7680xf32, #tpu.memory_space<hbm>> -> memref<7680xf32, #tpu.memory_space<hbm>>
          %dma_wait3A_947 = arith.constant 7680 : i32
          %dma_wait3A_948 = tpu.memref_slice %arg3[%add3A_11, %dma_wait3A_947] : memref<8x30720xf32, #tpu.memory_space<hbm>> -> memref<1x7680xf32, #tpu.memory_space<hbm>>
          %dma_wait3A_949 = tpu.memref_squeeze %dma_wait3A_948 : memref<1x7680xf32, #tpu.memory_space<hbm>> -> memref<7680xf32, #tpu.memory_space<hbm>>
          tpu.wait_dma2 semaphore(%run_scoped3A : memref<!tpu.dma_semaphore, #tpu.memory_space<semaphore_mem>>) src(%dma_wait3A_949 : memref<7680xf32, #tpu.memory_space<hbm>>) dst(%arg10 : memref<7680xf32, #tpu.memory_space<vmem>>)
          tpu.yield
        }) : () -> ()
        "tpu.region"() ({
          %run_scoped3A = tpu.sem_alloc : memref<!tpu.dma_semaphore, #tpu.memory_space<semaphore_mem>>
          %dma_start3A = arith.constant 7680 : i32
          %dma_start3A_940 = tpu.memref_slice %arg4[%add3A_11, %dma_start3A] : memref<8x30720xi32, #tpu.memory_space<hbm>> -> memref<1x7680xi32, #tpu.memory_space<hbm>>
          %dma_start3A_941 = tpu.memref_squeeze %dma_start3A_940 : memref<1x7680xi32, #tpu.memory_space<hbm>> -> memref<7680xi32, #tpu.memory_space<hbm>>
          %dma_start3A_942 = arith.constant 7680 : i32
          %dma_start3A_943 = tpu.memref_slice %arg4[%add3A_11, %dma_start3A_942] : memref<8x30720xi32, #tpu.memory_space<hbm>> -> memref<1x7680xi32, #tpu.memory_space<hbm>>
          %dma_start3A_944 = tpu.memref_squeeze %dma_start3A_943 : memref<1x7680xi32, #tpu.memory_space<hbm>> -> memref<7680xi32, #tpu.memory_space<hbm>>
          tpu.enqueue_dma source(%dma_start3A_944 : memref<7680xi32, #tpu.memory_space<hbm>>) target(%arg15 : memref<7680xi32, #tpu.memory_space<vmem>>) target_semaphore(%run_scoped3A : memref<!tpu.dma_semaphore, #tpu.memory_space<semaphore_mem>>)
          %dma_wait3A = arith.constant 7680 : i32
          %dma_wait3A_945 = tpu.memref_slice %arg4[%add3A_11, %dma_wait3A] : memref<8x30720xi32, #tpu.memory_space<hbm>> -> memref<1x7680xi32, #tpu.memory_space<hbm>>
          %dma_wait3A_946 = tpu.memref_squeeze %dma_wait3A_945 : memref<1x7680xi32, #tpu.memory_space<hbm>> -> memref<7680xi32, #tpu.memory_space<hbm>>
          %dma_wait3A_947 = arith.constant 7680 : i32
          %dma_wait3A_948 = tpu.memref_slice %arg4[%add3A_11, %dma_wait3A_947] : memref<8x30720xi32, #tpu.memory_space<hbm>> -> memref<1x7680xi32, #tpu.memory_space<hbm>>
          %dma_wait3A_949 = tpu.memref_squeeze %dma_wait3A_948 : memref<1x7680xi32, #tpu.memory_space<hbm>> -> memref<7680xi32, #tpu.memory_space<hbm>>
          tpu.wait_dma2 semaphore(%run_scoped3A : memref<!tpu.dma_semaphore, #tpu.memory_space<semaphore_mem>>) src(%dma_wait3A_949 : memref<7680xi32, #tpu.memory_space<hbm>>) dst(%arg15 : memref<7680xi32, #tpu.memory_space<vmem>>)
          tpu.yield
        }) : () -> ()
        %add3A_279 = arith.constant 7680 : i32
        %add3A_280 = arith.addi %add3A_279, %mul3A_264 : i32
        %scan3A_281 = arith.constant 0 : i32
        %scan3A_282 = arith.constant 0 : i32
        %scan3A_283 = arith.constant 480 : i32
        %scan3A_284 = arith.addi %scan3A_282, %scan3A_283 : i32
        %scan3A_285 = arith.constant 1 : i32
        %scan3A_286 = scf.for %scan3A_940 = %scan3A_282 to %scan3A_284 step %scan3A_285 iter_args(%scan3A_941 = %scan3A_281) -> (i32)  : i32 {
          %mul3A_942 = arith.constant 16 : i32
          %mul3A_943 = arith.muli %scan3A_940, %mul3A_942 : i32
          %get3A_944 = arith.index_cast %mul3A_943 : i32 to index
          %get3A_945 = tpu.vector_load %arg9[%get3A_944] {strides = array<i32>} : memref<7680xi32, #tpu.memory_space<vmem>>, vector<16xi32>,
          %mul3A_946 = arith.constant 16 : i32
          %mul3A_947 = arith.muli %scan3A_940, %mul3A_946 : i32
          %get3A_948 = arith.index_cast %mul3A_947 : i32 to index
          %get3A_949 = tpu.vector_load %arg10[%get3A_948] {strides = array<i32>} : memref<7680xf32, #tpu.memory_space<vmem>>, vector<16xf32>,
          %ge3A = arith.constant 0 : i32
          %ge3A_950 = vector.broadcast %ge3A : i32 to vector<16xi32>
          %ge3A_951 = arith.cmpi sge, %get3A_945, %ge3A_950 : vector<16xi32>
          %max3A_952 = arith.constant 0 : i32
          %max3A_953 = vector.broadcast %max3A_952 : i32 to vector<16xi32>
          %max3A_954 = arith.maxsi %get3A_945, %max3A_953 : vector<16xi32>
          %shift_right_logical3A = arith.constant 7 : i32
          %shift_right_logical3A_955 = vector.broadcast %shift_right_logical3A : i32 to vector<16xi32>
          %shift_right_logical3A_956 = arith.shrui %max3A_954, %shift_right_logical3A_955 : vector<16xi32>
          %and3A = arith.constant 127 : i32
          %and3A_957 = vector.broadcast %and3A : i32 to vector<16xi32>
          %and3A_958 = arith.andi %max3A_954, %and3A_957 : vector<16xi32>
          %mul3A_959 = arith.constant 16 : i32
          %mul3A_960 = arith.muli %scan3A_940, %mul3A_959 : i32
          %add3A_961 = arith.addi %mul3A_960, %add3A_280 : i32
          %add3A_962 = vector.broadcast %add3A_961 : i32 to vector<16xi32>
          %add3A_963 = arith.addi %iota3A_269, %add3A_962 : vector<16xi32>
          tpu.vector_store_idx %arg11[%shift_right_logical3A_956, %and3A_958], %get3A_949 masked %ge3A_951 : memref<2x128xf32, #tpu.memory_space<vmem>>[vector<16xi32>, vector<16xi32>], vector<16xf32>, vector<16xi1>
          tpu.vector_store_idx %arg12[%shift_right_logical3A_956, %and3A_958], %add3A_963 masked %ge3A_951 : memref<2x128xi32, #tpu.memory_space<vmem>>[vector<16xi32>, vector<16xi32>], vector<16xi32>, vector<16xi1>
          %mul3A_964 = arith.constant 16 : i32
          %mul3A_965 = arith.muli %scan3A_940, %mul3A_964 : i32
          %get3A_966 = arith.index_cast %mul3A_965 : i32 to index
          %get3A_967 = tpu.vector_load %arg15[%get3A_966] {strides = array<i32>} : memref<7680xi32, #tpu.memory_space<vmem>>, vector<16xi32>,
          tpu.vector_store_idx %arg16[%shift_right_logical3A_956, %and3A_958], %get3A_967 masked %ge3A_951 : memref<2x128xi32, #tpu.memory_space<vmem>>[vector<16xi32>, vector<16xi32>], vector<16xi32>, vector<16xi1>
          %scan3A_968 = arith.constant 0 : i32
          scf.yield %scan3A_968 : i32
        }
        %scan3A_287 = arith.constant 480 : i32
        "tpu.region"() ({
          %run_scoped3A = tpu.sem_alloc : memref<!tpu.dma_semaphore, #tpu.memory_space<semaphore_mem>>
          %dma_start3A = arith.constant 15360 : i32
          %dma_start3A_940 = tpu.memref_slice %arg2[%add3A_11, %dma_start3A] : memref<8x30720xi32, #tpu.memory_space<hbm>> -> memref<1x7680xi32, #tpu.memory_space<hbm>>
          %dma_start3A_941 = tpu.memref_squeeze %dma_start3A_940 : memref<1x7680xi32, #tpu.memory_space<hbm>> -> memref<7680xi32, #tpu.memory_space<hbm>>
          %dma_start3A_942 = arith.constant 15360 : i32
          %dma_start3A_943 = tpu.memref_slice %arg2[%add3A_11, %dma_start3A_942] : memref<8x30720xi32, #tpu.memory_space<hbm>> -> memref<1x7680xi32, #tpu.memory_space<hbm>>
          %dma_start3A_944 = tpu.memref_squeeze %dma_start3A_943 : memref<1x7680xi32, #tpu.memory_space<hbm>> -> memref<7680xi32, #tpu.memory_space<hbm>>
          tpu.enqueue_dma source(%dma_start3A_944 : memref<7680xi32, #tpu.memory_space<hbm>>) target(%arg9 : memref<7680xi32, #tpu.memory_space<vmem>>) target_semaphore(%run_scoped3A : memref<!tpu.dma_semaphore, #tpu.memory_space<semaphore_mem>>)
          %dma_wait3A = arith.constant 15360 : i32
          %dma_wait3A_945 = tpu.memref_slice %arg2[%add3A_11, %dma_wait3A] : memref<8x30720xi32, #tpu.memory_space<hbm>> -> memref<1x7680xi32, #tpu.memory_space<hbm>>
          %dma_wait3A_946 = tpu.memref_squeeze %dma_wait3A_945 : memref<1x7680xi32, #tpu.memory_space<hbm>> -> memref<7680xi32, #tpu.memory_space<hbm>>
          %dma_wait3A_947 = arith.constant 15360 : i32
          %dma_wait3A_948 = tpu.memref_slice %arg2[%add3A_11, %dma_wait3A_947] : memref<8x30720xi32, #tpu.memory_space<hbm>> -> memref<1x7680xi32, #tpu.memory_space<hbm>>
          %dma_wait3A_949 = tpu.memref_squeeze %dma_wait3A_948 : memref<1x7680xi32, #tpu.memory_space<hbm>> -> memref<7680xi32, #tpu.memory_space<hbm>>
          tpu.wait_dma2 semaphore(%run_scoped3A : memref<!tpu.dma_semaphore, #tpu.memory_space<semaphore_mem>>) src(%dma_wait3A_949 : memref<7680xi32, #tpu.memory_space<hbm>>) dst(%arg9 : memref<7680xi32, #tpu.memory_space<vmem>>)
          tpu.yield
        }) : () -> ()
        "tpu.region"() ({
          %run_scoped3A = tpu.sem_alloc : memref<!tpu.dma_semaphore, #tpu.memory_space<semaphore_mem>>
          %dma_start3A = arith.constant 15360 : i32
          %dma_start3A_940 = tpu.memref_slice %arg3[%add3A_11, %dma_start3A] : memref<8x30720xf32, #tpu.memory_space<hbm>> -> memref<1x7680xf32, #tpu.memory_space<hbm>>
          %dma_start3A_941 = tpu.memref_squeeze %dma_start3A_940 : memref<1x7680xf32, #tpu.memory_space<hbm>> -> memref<7680xf32, #tpu.memory_space<hbm>>
          %dma_start3A_942 = arith.constant 15360 : i32
          %dma_start3A_943 = tpu.memref_slice %arg3[%add3A_11, %dma_start3A_942] : memref<8x30720xf32, #tpu.memory_space<hbm>> -> memref<1x7680xf32, #tpu.memory_space<hbm>>
          %dma_start3A_944 = tpu.memref_squeeze %dma_start3A_943 : memref<1x7680xf32, #tpu.memory_space<hbm>> -> memref<7680xf32, #tpu.memory_space<hbm>>
          tpu.enqueue_dma source(%dma_start3A_944 : memref<7680xf32, #tpu.memory_space<hbm>>) target(%arg10 : memref<7680xf32, #tpu.memory_space<vmem>>) target_semaphore(%run_scoped3A : memref<!tpu.dma_semaphore, #tpu.memory_space<semaphore_mem>>)
          %dma_wait3A = arith.constant 15360 : i32
          %dma_wait3A_945 = tpu.memref_slice %arg3[%add3A_11, %dma_wait3A] : memref<8x30720xf32, #tpu.memory_space<hbm>> -> memref<1x7680xf32, #tpu.memory_space<hbm>>
          %dma_wait3A_946 = tpu.memref_squeeze %dma_wait3A_945 : memref<1x7680xf32, #tpu.memory_space<hbm>> -> memref<7680xf32, #tpu.memory_space<hbm>>
          %dma_wait3A_947 = arith.constant 15360 : i32
          %dma_wait3A_948 = tpu.memref_slice %arg3[%add3A_11, %dma_wait3A_947] : memref<8x30720xf32, #tpu.memory_space<hbm>> -> memref<1x7680xf32, #tpu.memory_space<hbm>>
          %dma_wait3A_949 = tpu.memref_squeeze %dma_wait3A_948 : memref<1x7680xf32, #tpu.memory_space<hbm>> -> memref<7680xf32, #tpu.memory_space<hbm>>
          tpu.wait_dma2 semaphore(%run_scoped3A : memref<!tpu.dma_semaphore, #tpu.memory_space<semaphore_mem>>) src(%dma_wait3A_949 : memref<7680xf32, #tpu.memory_space<hbm>>) dst(%arg10 : memref<7680xf32, #tpu.memory_space<vmem>>)
          tpu.yield
        }) : () -> ()
        "tpu.region"() ({
          %run_scoped3A = tpu.sem_alloc : memref<!tpu.dma_semaphore, #tpu.memory_space<semaphore_mem>>
          %dma_start3A = arith.constant 15360 : i32
          %dma_start3A_940 = tpu.memref_slice %arg4[%add3A_11, %dma_start3A] : memref<8x30720xi32, #tpu.memory_space<hbm>> -> memref<1x7680xi32, #tpu.memory_space<hbm>>
          %dma_start3A_941 = tpu.memref_squeeze %dma_start3A_940 : memref<1x7680xi32, #tpu.memory_space<hbm>> -> memref<7680xi32, #tpu.memory_space<hbm>>
          %dma_start3A_942 = arith.constant 15360 : i32
          %dma_start3A_943 = tpu.memref_slice %arg4[%add3A_11, %dma_start3A_942] : memref<8x30720xi32, #tpu.memory_space<hbm>> -> memref<1x7680xi32, #tpu.memory_space<hbm>>
          %dma_start3A_944 = tpu.memref_squeeze %dma_start3A_943 : memref<1x7680xi32, #tpu.memory_space<hbm>> -> memref<7680xi32, #tpu.memory_space<hbm>>
          tpu.enqueue_dma source(%dma_start3A_944 : memref<7680xi32, #tpu.memory_space<hbm>>) target(%arg15 : memref<7680xi32, #tpu.memory_space<vmem>>) target_semaphore(%run_scoped3A : memref<!tpu.dma_semaphore, #tpu.memory_space<semaphore_mem>>)
          %dma_wait3A = arith.constant 15360 : i32
          %dma_wait3A_945 = tpu.memref_slice %arg4[%add3A_11, %dma_wait3A] : memref<8x30720xi32, #tpu.memory_space<hbm>> -> memref<1x7680xi32, #tpu.memory_space<hbm>>
          %dma_wait3A_946 = tpu.memref_squeeze %dma_wait3A_945 : memref<1x7680xi32, #tpu.memory_space<hbm>> -> memref<7680xi32, #tpu.memory_space<hbm>>
          %dma_wait3A_947 = arith.constant 15360 : i32
          %dma_wait3A_948 = tpu.memref_slice %arg4[%add3A_11, %dma_wait3A_947] : memref<8x30720xi32, #tpu.memory_space<hbm>> -> memref<1x7680xi32, #tpu.memory_space<hbm>>
          %dma_wait3A_949 = tpu.memref_squeeze %dma_wait3A_948 : memref<1x7680xi32, #tpu.memory_space<hbm>> -> memref<7680xi32, #tpu.memory_space<hbm>>
          tpu.wait_dma2 semaphore(%run_scoped3A : memref<!tpu.dma_semaphore, #tpu.memory_space<semaphore_mem>>) src(%dma_wait3A_949 : memref<7680xi32, #tpu.memory_space<hbm>>) dst(%arg15 : memref<7680xi32, #tpu.memory_space<vmem>>)
          tpu.yield
        }) : () -> ()
        %add3A_288 = arith.constant 15360 : i32
        %add3A_289 = arith.addi %add3A_288, %mul3A_264 : i32
        %scan3A_290 = arith.constant 0 : i32
        %scan3A_291 = arith.constant 0 : i32
        %scan3A_292 = arith.constant 480 : i32
        %scan3A_293 = arith.addi %scan3A_291, %scan3A_292 : i32
        %scan3A_294 = arith.constant 1 : i32
        %scan3A_295 = scf.for %scan3A_940 = %scan3A_291 to %scan3A_293 step %scan3A_294 iter_args(%scan3A_941 = %scan3A_290) -> (i32)  : i32 {
          %mul3A_942 = arith.constant 16 : i32
          %mul3A_943 = arith.muli %scan3A_940, %mul3A_942 : i32
          %get3A_944 = arith.index_cast %mul3A_943 : i32 to index
          %get3A_945 = tpu.vector_load %arg9[%get3A_944] {strides = array<i32>} : memref<7680xi32, #tpu.memory_space<vmem>>, vector<16xi32>,
          %mul3A_946 = arith.constant 16 : i32
          %mul3A_947 = arith.muli %scan3A_940, %mul3A_946 : i32
          %get3A_948 = arith.index_cast %mul3A_947 : i32 to index
          %get3A_949 = tpu.vector_load %arg10[%get3A_948] {strides = array<i32>} : memref<7680xf32, #tpu.memory_space<vmem>>, vector<16xf32>,
          %ge3A = arith.constant 0 : i32
          %ge3A_950 = vector.broadcast %ge3A : i32 to vector<16xi32>
          %ge3A_951 = arith.cmpi sge, %get3A_945, %ge3A_950 : vector<16xi32>
          %max3A_952 = arith.constant 0 : i32
          %max3A_953 = vector.broadcast %max3A_952 : i32 to vector<16xi32>
          %max3A_954 = arith.maxsi %get3A_945, %max3A_953 : vector<16xi32>
          %shift_right_logical3A = arith.constant 7 : i32
          %shift_right_logical3A_955 = vector.broadcast %shift_right_logical3A : i32 to vector<16xi32>
          %shift_right_logical3A_956 = arith.shrui %max3A_954, %shift_right_logical3A_955 : vector<16xi32>
          %and3A = arith.constant 127 : i32
          %and3A_957 = vector.broadcast %and3A : i32 to vector<16xi32>
          %and3A_958 = arith.andi %max3A_954, %and3A_957 : vector<16xi32>
          %mul3A_959 = arith.constant 16 : i32
          %mul3A_960 = arith.muli %scan3A_940, %mul3A_959 : i32
          %add3A_961 = arith.addi %mul3A_960, %add3A_289 : i32
          %add3A_962 = vector.broadcast %add3A_961 : i32 to vector<16xi32>
          %add3A_963 = arith.addi %iota3A_269, %add3A_962 : vector<16xi32>
          tpu.vector_store_idx %arg11[%shift_right_logical3A_956, %and3A_958], %get3A_949 masked %ge3A_951 : memref<2x128xf32, #tpu.memory_space<vmem>>[vector<16xi32>, vector<16xi32>], vector<16xf32>, vector<16xi1>
          tpu.vector_store_idx %arg12[%shift_right_logical3A_956, %and3A_958], %add3A_963 masked %ge3A_951 : memref<2x128xi32, #tpu.memory_space<vmem>>[vector<16xi32>, vector<16xi32>], vector<16xi32>, vector<16xi1>
          %mul3A_964 = arith.constant 16 : i32
          %mul3A_965 = arith.muli %scan3A_940, %mul3A_964 : i32
          %get3A_966 = arith.index_cast %mul3A_965 : i32 to index
          %get3A_967 = tpu.vector_load %arg15[%get3A_966] {strides = array<i32>} : memref<7680xi32, #tpu.memory_space<vmem>>, vector<16xi32>,
          tpu.vector_store_idx %arg16[%shift_right_logical3A_956, %and3A_958], %get3A_967 masked %ge3A_951 : memref<2x128xi32, #tpu.memory_space<vmem>>[vector<16xi32>, vector<16xi32>], vector<16xi32>, vector<16xi1>
          %scan3A_968 = arith.constant 0 : i32
          scf.yield %scan3A_968 : i32
        }
        %scan3A_296 = arith.constant 480 : i32
        "tpu.region"() ({
          %run_scoped3A = tpu.sem_alloc : memref<!tpu.dma_semaphore, #tpu.memory_space<semaphore_mem>>
          %dma_start3A = arith.constant 23040 : i32
          %dma_start3A_940 = tpu.memref_slice %arg2[%add3A_11, %dma_start3A] : memref<8x30720xi32, #tpu.memory_space<hbm>> -> memref<1x7680xi32, #tpu.memory_space<hbm>>
          %dma_start3A_941 = tpu.memref_squeeze %dma_start3A_940 : memref<1x7680xi32, #tpu.memory_space<hbm>> -> memref<7680xi32, #tpu.memory_space<hbm>>
          %dma_start3A_942 = arith.constant 23040 : i32
          %dma_start3A_943 = tpu.memref_slice %arg2[%add3A_11, %dma_start3A_942] : memref<8x30720xi32, #tpu.memory_space<hbm>> -> memref<1x7680xi32, #tpu.memory_space<hbm>>
          %dma_start3A_944 = tpu.memref_squeeze %dma_start3A_943 : memref<1x7680xi32, #tpu.memory_space<hbm>> -> memref<7680xi32, #tpu.memory_space<hbm>>
          tpu.enqueue_dma source(%dma_start3A_944 : memref<7680xi32, #tpu.memory_space<hbm>>) target(%arg9 : memref<7680xi32, #tpu.memory_space<vmem>>) target_semaphore(%run_scoped3A : memref<!tpu.dma_semaphore, #tpu.memory_space<semaphore_mem>>)
          %dma_wait3A = arith.constant 23040 : i32
          %dma_wait3A_945 = tpu.memref_slice %arg2[%add3A_11, %dma_wait3A] : memref<8x30720xi32, #tpu.memory_space<hbm>> -> memref<1x7680xi32, #tpu.memory_space<hbm>>
          %dma_wait3A_946 = tpu.memref_squeeze %dma_wait3A_945 : memref<1x7680xi32, #tpu.memory_space<hbm>> -> memref<7680xi32, #tpu.memory_space<hbm>>
          %dma_wait3A_947 = arith.constant 23040 : i32
          %dma_wait3A_948 = tpu.memref_slice %arg2[%add3A_11, %dma_wait3A_947] : memref<8x30720xi32, #tpu.memory_space<hbm>> -> memref<1x7680xi32, #tpu.memory_space<hbm>>
          %dma_wait3A_949 = tpu.memref_squeeze %dma_wait3A_948 : memref<1x7680xi32, #tpu.memory_space<hbm>> -> memref<7680xi32, #tpu.memory_space<hbm>>
          tpu.wait_dma2 semaphore(%run_scoped3A : memref<!tpu.dma_semaphore, #tpu.memory_space<semaphore_mem>>) src(%dma_wait3A_949 : memref<7680xi32, #tpu.memory_space<hbm>>) dst(%arg9 : memref<7680xi32, #tpu.memory_space<vmem>>)
          tpu.yield
        }) : () -> ()
        "tpu.region"() ({
          %run_scoped3A = tpu.sem_alloc : memref<!tpu.dma_semaphore, #tpu.memory_space<semaphore_mem>>
          %dma_start3A = arith.constant 23040 : i32
          %dma_start3A_940 = tpu.memref_slice %arg3[%add3A_11, %dma_start3A] : memref<8x30720xf32, #tpu.memory_space<hbm>> -> memref<1x7680xf32, #tpu.memory_space<hbm>>
          %dma_start3A_941 = tpu.memref_squeeze %dma_start3A_940 : memref<1x7680xf32, #tpu.memory_space<hbm>> -> memref<7680xf32, #tpu.memory_space<hbm>>
          %dma_start3A_942 = arith.constant 23040 : i32
          %dma_start3A_943 = tpu.memref_slice %arg3[%add3A_11, %dma_start3A_942] : memref<8x30720xf32, #tpu.memory_space<hbm>> -> memref<1x7680xf32, #tpu.memory_space<hbm>>
          %dma_start3A_944 = tpu.memref_squeeze %dma_start3A_943 : memref<1x7680xf32, #tpu.memory_space<hbm>> -> memref<7680xf32, #tpu.memory_space<hbm>>
          tpu.enqueue_dma source(%dma_start3A_944 : memref<7680xf32, #tpu.memory_space<hbm>>) target(%arg10 : memref<7680xf32, #tpu.memory_space<vmem>>) target_semaphore(%run_scoped3A : memref<!tpu.dma_semaphore, #tpu.memory_space<semaphore_mem>>)
          %dma_wait3A = arith.constant 23040 : i32
          %dma_wait3A_945 = tpu.memref_slice %arg3[%add3A_11, %dma_wait3A] : memref<8x30720xf32, #tpu.memory_space<hbm>> -> memref<1x7680xf32, #tpu.memory_space<hbm>>
          %dma_wait3A_946 = tpu.memref_squeeze %dma_wait3A_945 : memref<1x7680xf32, #tpu.memory_space<hbm>> -> memref<7680xf32, #tpu.memory_space<hbm>>
          %dma_wait3A_947 = arith.constant 23040 : i32
          %dma_wait3A_948 = tpu.memref_slice %arg3[%add3A_11, %dma_wait3A_947] : memref<8x30720xf32, #tpu.memory_space<hbm>> -> memref<1x7680xf32, #tpu.memory_space<hbm>>
          %dma_wait3A_949 = tpu.memref_squeeze %dma_wait3A_948 : memref<1x7680xf32, #tpu.memory_space<hbm>> -> memref<7680xf32, #tpu.memory_space<hbm>>
          tpu.wait_dma2 semaphore(%run_scoped3A : memref<!tpu.dma_semaphore, #tpu.memory_space<semaphore_mem>>) src(%dma_wait3A_949 : memref<7680xf32, #tpu.memory_space<hbm>>) dst(%arg10 : memref<7680xf32, #tpu.memory_space<vmem>>)
          tpu.yield
        }) : () -> ()
        "tpu.region"() ({
          %run_scoped3A = tpu.sem_alloc : memref<!tpu.dma_semaphore, #tpu.memory_space<semaphore_mem>>
          %dma_start3A = arith.constant 23040 : i32
          %dma_start3A_940 = tpu.memref_slice %arg4[%add3A_11, %dma_start3A] : memref<8x30720xi32, #tpu.memory_space<hbm>> -> memref<1x7680xi32, #tpu.memory_space<hbm>>
          %dma_start3A_941 = tpu.memref_squeeze %dma_start3A_940 : memref<1x7680xi32, #tpu.memory_space<hbm>> -> memref<7680xi32, #tpu.memory_space<hbm>>
          %dma_start3A_942 = arith.constant 23040 : i32
          %dma_start3A_943 = tpu.memref_slice %arg4[%add3A_11, %dma_start3A_942] : memref<8x30720xi32, #tpu.memory_space<hbm>> -> memref<1x7680xi32, #tpu.memory_space<hbm>>
          %dma_start3A_944 = tpu.memref_squeeze %dma_start3A_943 : memref<1x7680xi32, #tpu.memory_space<hbm>> -> memref<7680xi32, #tpu.memory_space<hbm>>
          tpu.enqueue_dma source(%dma_start3A_944 : memref<7680xi32, #tpu.memory_space<hbm>>) target(%arg15 : memref<7680xi32, #tpu.memory_space<vmem>>) target_semaphore(%run_scoped3A : memref<!tpu.dma_semaphore, #tpu.memory_space<semaphore_mem>>)
          %dma_wait3A = arith.constant 23040 : i32
          %dma_wait3A_945 = tpu.memref_slice %arg4[%add3A_11, %dma_wait3A] : memref<8x30720xi32, #tpu.memory_space<hbm>> -> memref<1x7680xi32, #tpu.memory_space<hbm>>
          %dma_wait3A_946 = tpu.memref_squeeze %dma_wait3A_945 : memref<1x7680xi32, #tpu.memory_space<hbm>> -> memref<7680xi32, #tpu.memory_space<hbm>>
          %dma_wait3A_947 = arith.constant 23040 : i32
          %dma_wait3A_948 = tpu.memref_slice %arg4[%add3A_11, %dma_wait3A_947] : memref<8x30720xi32, #tpu.memory_space<hbm>> -> memref<1x7680xi32, #tpu.memory_space<hbm>>
          %dma_wait3A_949 = tpu.memref_squeeze %dma_wait3A_948 : memref<1x7680xi32, #tpu.memory_space<hbm>> -> memref<7680xi32, #tpu.memory_space<hbm>>
          tpu.wait_dma2 semaphore(%run_scoped3A : memref<!tpu.dma_semaphore, #tpu.memory_space<semaphore_mem>>) src(%dma_wait3A_949 : memref<7680xi32, #tpu.memory_space<hbm>>) dst(%arg15 : memref<7680xi32, #tpu.memory_space<vmem>>)
          tpu.yield
        }) : () -> ()
        %add3A_297 = arith.constant 23040 : i32
        %add3A_298 = arith.addi %add3A_297, %mul3A_264 : i32
        %scan3A_299 = arith.constant 0 : i32
        %scan3A_300 = arith.constant 0 : i32
        %scan3A_301 = arith.constant 480 : i32
        %scan3A_302 = arith.addi %scan3A_300, %scan3A_301 : i32
        %scan3A_303 = arith.constant 1 : i32
        %scan3A_304 = scf.for %scan3A_940 = %scan3A_300 to %scan3A_302 step %scan3A_303 iter_args(%scan3A_941 = %scan3A_299) -> (i32)  : i32 {
          %mul3A_942 = arith.constant 16 : i32
          %mul3A_943 = arith.muli %scan3A_940, %mul3A_942 : i32
          %get3A_944 = arith.index_cast %mul3A_943 : i32 to index
          %get3A_945 = tpu.vector_load %arg9[%get3A_944] {strides = array<i32>} : memref<7680xi32, #tpu.memory_space<vmem>>, vector<16xi32>,
          %mul3A_946 = arith.constant 16 : i32
          %mul3A_947 = arith.muli %scan3A_940, %mul3A_946 : i32
          %get3A_948 = arith.index_cast %mul3A_947 : i32 to index
          %get3A_949 = tpu.vector_load %arg10[%get3A_948] {strides = array<i32>} : memref<7680xf32, #tpu.memory_space<vmem>>, vector<16xf32>,
          %ge3A = arith.constant 0 : i32
          %ge3A_950 = vector.broadcast %ge3A : i32 to vector<16xi32>
          %ge3A_951 = arith.cmpi sge, %get3A_945, %ge3A_950 : vector<16xi32>
          %max3A_952 = arith.constant 0 : i32
          %max3A_953 = vector.broadcast %max3A_952 : i32 to vector<16xi32>
          %max3A_954 = arith.maxsi %get3A_945, %max3A_953 : vector<16xi32>
          %shift_right_logical3A = arith.constant 7 : i32
          %shift_right_logical3A_955 = vector.broadcast %shift_right_logical3A : i32 to vector<16xi32>
          %shift_right_logical3A_956 = arith.shrui %max3A_954, %shift_right_logical3A_955 : vector<16xi32>
          %and3A = arith.constant 127 : i32
          %and3A_957 = vector.broadcast %and3A : i32 to vector<16xi32>
          %and3A_958 = arith.andi %max3A_954, %and3A_957 : vector<16xi32>
          %mul3A_959 = arith.constant 16 : i32
          %mul3A_960 = arith.muli %scan3A_940, %mul3A_959 : i32
          %add3A_961 = arith.addi %mul3A_960, %add3A_298 : i32
          %add3A_962 = vector.broadcast %add3A_961 : i32 to vector<16xi32>
          %add3A_963 = arith.addi %iota3A_269, %add3A_962 : vector<16xi32>
          tpu.vector_store_idx %arg11[%shift_right_logical3A_956, %and3A_958], %get3A_949 masked %ge3A_951 : memref<2x128xf32, #tpu.memory_space<vmem>>[vector<16xi32>, vector<16xi32>], vector<16xf32>, vector<16xi1>
          tpu.vector_store_idx %arg12[%shift_right_logical3A_956, %and3A_958], %add3A_963 masked %ge3A_951 : memref<2x128xi32, #tpu.memory_space<vmem>>[vector<16xi32>, vector<16xi32>], vector<16xi32>, vector<16xi1>
          %mul3A_964 = arith.constant 16 : i32
          %mul3A_965 = arith.muli %scan3A_940, %mul3A_964 : i32
          %get3A_966 = arith.index_cast %mul3A_965 : i32 to index
          %get3A_967 = tpu.vector_load %arg15[%get3A_966] {strides = array<i32>} : memref<7680xi32, #tpu.memory_space<vmem>>, vector<16xi32>,
          tpu.vector_store_idx %arg16[%shift_right_logical3A_956, %and3A_958], %get3A_967 masked %ge3A_951 : memref<2x128xi32, #tpu.memory_space<vmem>>[vector<16xi32>, vector<16xi32>], vector<16xi32>, vector<16xi1>
          %scan3A_968 = arith.constant 0 : i32
          scf.yield %scan3A_968 : i32
        }
        %scan3A_305 = arith.constant 480 : i32
        %get3A = arith.constant 0 : i32
        %get3A_306 = arith.index_cast %get3A : i32 to index
        %get3A_307 = arith.constant 0 : index
        %get3A_308 = tpu.vector_load %arg16[%get3A_306, %get3A_307] {strides = array<i32>} : memref<2x128xi32, #tpu.memory_space<vmem>>, vector<16xi32>,
        %sub3A = vector.broadcast %mul3A_268 : i32 to vector<16xi32>
        %sub3A_309 = arith.subi %get3A_308, %sub3A : vector<16xi32>
        %jit3A = arith.constant 0 : i32
        %jit3A_310 = arith.constant 5119 : i32
        %max3A = vector.broadcast %jit3A : i32 to vector<16xi32>
        %max3A_311 = arith.maxsi %max3A, %sub3A_309 : vector<16xi32>
        %min3A = vector.broadcast %jit3A_310 : i32 to vector<16xi32>
        %min3A_312 = arith.minsi %min3A, %max3A_311 : vector<16xi32>
        %broadcast_in_dim3A_313 = arith.constant 0 : i32
        %broadcast_in_dim3A_314 = vector.broadcast %broadcast_in_dim3A_313 : i32 to vector<16xi32>
        %gather3A = tpu.vector_load_idx %arg13[%min3A_312, %broadcast_in_dim3A_314] : memref<5120x4xf32, #tpu.memory_space<vmem>>[vector<16xi32>, vector<16xi32>], vector<16xf32>,
        %swap3A_315 = arith.constant 0 : i32
        %swap3A_316 = arith.index_cast %swap3A_315 : i32 to index
        %swap3A_317 = arith.constant 0 : index
        %swap3A_318 = tpu.vector_load %arg14[%swap3A_316, %swap3A_317] {strides = array<i32>} : memref<4x256xf32, #tpu.memory_space<vmem>>, vector<16xf32>,
        tpu.vector_store %arg14[%swap3A_316, %swap3A_317], %gather3A {strides = array<i32>} : memref<4x256xf32, #tpu.memory_space<vmem>>, vector<16xf32>,
        %broadcast_in_dim3A_319 = arith.constant 1 : i32
        %broadcast_in_dim3A_320 = vector.broadcast %broadcast_in_dim3A_319 : i32 to vector<16xi32>
        %gather3A_321 = tpu.vector_load_idx %arg13[%min3A_312, %broadcast_in_dim3A_320] : memref<5120x4xf32, #tpu.memory_space<vmem>>[vector<16xi32>, vector<16xi32>], vector<16xf32>,
        %swap3A_322 = arith.constant 1 : i32
        %swap3A_323 = arith.index_cast %swap3A_322 : i32 to index
        %swap3A_324 = arith.constant 0 : index
        %swap3A_325 = tpu.vector_load %arg14[%swap3A_323, %swap3A_324] {strides = array<i32>} : memref<4x256xf32, #tpu.memory_space<vmem>>, vector<16xf32>,
        tpu.vector_store %arg14[%swap3A_323, %swap3A_324], %gather3A_321 {strides = array<i32>} : memref<4x256xf32, #tpu.memory_space<vmem>>, vector<16xf32>,
        %broadcast_in_dim3A_326 = arith.constant 2 : i32
        %broadcast_in_dim3A_327 = vector.broadcast %broadcast_in_dim3A_326 : i32 to vector<16xi32>
        %gather3A_328 = tpu.vector_load_idx %arg13[%min3A_312, %broadcast_in_dim3A_327] : memref<5120x4xf32, #tpu.memory_space<vmem>>[vector<16xi32>, vector<16xi32>], vector<16xf32>,
        %swap3A_329 = arith.constant 2 : i32
        %swap3A_330 = arith.index_cast %swap3A_329 : i32 to index
        %swap3A_331 = arith.constant 0 : index
        %swap3A_332 = tpu.vector_load %arg14[%swap3A_330, %swap3A_331] {strides = array<i32>} : memref<4x256xf32, #tpu.memory_space<vmem>>, vector<16xf32>,
        tpu.vector_store %arg14[%swap3A_330, %swap3A_331], %gather3A_328 {strides = array<i32>} : memref<4x256xf32, #tpu.memory_space<vmem>>, vector<16xf32>,
        %broadcast_in_dim3A_333 = arith.constant 3 : i32
        %broadcast_in_dim3A_334 = vector.broadcast %broadcast_in_dim3A_333 : i32 to vector<16xi32>
        %gather3A_335 = tpu.vector_load_idx %arg13[%min3A_312, %broadcast_in_dim3A_334] : memref<5120x4xf32, #tpu.memory_space<vmem>>[vector<16xi32>, vector<16xi32>], vector<16xf32>,
        %swap3A_336 = arith.constant 3 : i32
        %swap3A_337 = arith.index_cast %swap3A_336 : i32 to index
        %swap3A_338 = arith.constant 0 : index
        %swap3A_339 = tpu.vector_load %arg14[%swap3A_337, %swap3A_338] {strides = array<i32>} : memref<4x256xf32, #tpu.memory_space<vmem>>, vector<16xf32>,
        tpu.vector_store %arg14[%swap3A_337, %swap3A_338], %gather3A_335 {strides = array<i32>} : memref<4x256xf32, #tpu.memory_space<vmem>>, vector<16xf32>,
        %get3A_340 = arith.constant 0 : i32
        %get3A_341 = arith.index_cast %get3A_340 : i32 to index
        %get3A_342 = arith.constant 16 : index
        %get3A_343 = tpu.vector_load %arg16[%get3A_341, %get3A_342] {strides = array<i32>} : memref<2x128xi32, #tpu.memory_space<vmem>>, vector<16xi32>,
        %sub3A_344 = vector.broadcast %mul3A_268 : i32 to vector<16xi32>
        %sub3A_345 = arith.subi %get3A_343, %sub3A_344 : vector<16xi32>
        %jit3A_346 = arith.constant 0 : i32
        %jit3A_347 = arith.constant 5119 : i32
        %max3A_348 = vector.broadcast %jit3A_346 : i32 to vector<16xi32>
        %max3A_349 = arith.maxsi %max3A_348, %sub3A_345 : vector<16xi32>
        %min3A_350 = vector.broadcast %jit3A_347 : i32 to vector<16xi32>
        %min3A_351 = arith.minsi %min3A_350, %max3A_349 : vector<16xi32>
        %broadcast_in_dim3A_352 = arith.constant 0 : i32
        %broadcast_in_dim3A_353 = vector.broadcast %broadcast_in_dim3A_352 : i32 to vector<16xi32>
        %gather3A_354 = tpu.vector_load_idx %arg13[%min3A_351, %broadcast_in_dim3A_353] : memref<5120x4xf32, #tpu.memory_space<vmem>>[vector<16xi32>, vector<16xi32>], vector<16xf32>,
        %swap3A_355 = arith.constant 0 : i32
        %swap3A_356 = arith.index_cast %swap3A_355 : i32 to index
        %swap3A_357 = arith.constant 16 : index
        %swap3A_358 = tpu.vector_load %arg14[%swap3A_356, %swap3A_357] {strides = array<i32>} : memref<4x256xf32, #tpu.memory_space<vmem>>, vector<16xf32>,
        tpu.vector_store %arg14[%swap3A_356, %swap3A_357], %gather3A_354 {strides = array<i32>} : memref<4x256xf32, #tpu.memory_space<vmem>>, vector<16xf32>,
        %broadcast_in_dim3A_359 = arith.constant 1 : i32
        %broadcast_in_dim3A_360 = vector.broadcast %broadcast_in_dim3A_359 : i32 to vector<16xi32>
        %gather3A_361 = tpu.vector_load_idx %arg13[%min3A_351, %broadcast_in_dim3A_360] : memref<5120x4xf32, #tpu.memory_space<vmem>>[vector<16xi32>, vector<16xi32>], vector<16xf32>,
        %swap3A_362 = arith.constant 1 : i32
        %swap3A_363 = arith.index_cast %swap3A_362 : i32 to index
        %swap3A_364 = arith.constant 16 : index
        %swap3A_365 = tpu.vector_load %arg14[%swap3A_363, %swap3A_364] {strides = array<i32>} : memref<4x256xf32, #tpu.memory_space<vmem>>, vector<16xf32>,
        tpu.vector_store %arg14[%swap3A_363, %swap3A_364], %gather3A_361 {strides = array<i32>} : memref<4x256xf32, #tpu.memory_space<vmem>>, vector<16xf32>,
        %broadcast_in_dim3A_366 = arith.constant 2 : i32
        %broadcast_in_dim3A_367 = vector.broadcast %broadcast_in_dim3A_366 : i32 to vector<16xi32>
        %gather3A_368 = tpu.vector_load_idx %arg13[%min3A_351, %broadcast_in_dim3A_367] : memref<5120x4xf32, #tpu.memory_space<vmem>>[vector<16xi32>, vector<16xi32>], vector<16xf32>,
        %swap3A_369 = arith.constant 2 : i32
        %swap3A_370 = arith.index_cast %swap3A_369 : i32 to index
        %swap3A_371 = arith.constant 16 : index
        %swap3A_372 = tpu.vector_load %arg14[%swap3A_370, %swap3A_371] {strides = array<i32>} : memref<4x256xf32, #tpu.memory_space<vmem>>, vector<16xf32>,
        tpu.vector_store %arg14[%swap3A_370, %swap3A_371], %gather3A_368 {strides = array<i32>} : memref<4x256xf32, #tpu.memory_space<vmem>>, vector<16xf32>,
        %broadcast_in_dim3A_373 = arith.constant 3 : i32
        %broadcast_in_dim3A_374 = vector.broadcast %broadcast_in_dim3A_373 : i32 to vector<16xi32>
        %gather3A_375 = tpu.vector_load_idx %arg13[%min3A_351, %broadcast_in_dim3A_374] : memref<5120x4xf32, #tpu.memory_space<vmem>>[vector<16xi32>, vector<16xi32>], vector<16xf32>,
        %swap3A_376 = arith.constant 3 : i32
        %swap3A_377 = arith.index_cast %swap3A_376 : i32 to index
        %swap3A_378 = arith.constant 16 : index
        %swap3A_379 = tpu.vector_load %arg14[%swap3A_377, %swap3A_378] {strides = array<i32>} : memref<4x256xf32, #tpu.memory_space<vmem>>, vector<16xf32>,
        tpu.vector_store %arg14[%swap3A_377, %swap3A_378], %gather3A_375 {strides = array<i32>} : memref<4x256xf32, #tpu.memory_space<vmem>>, vector<16xf32>,
        %get3A_380 = arith.constant 0 : i32
        %get3A_381 = arith.index_cast %get3A_380 : i32 to index
        %get3A_382 = arith.constant 32 : index
        %get3A_383 = tpu.vector_load %arg16[%get3A_381, %get3A_382] {strides = array<i32>} : memref<2x128xi32, #tpu.memory_space<vmem>>, vector<16xi32>,
        %sub3A_384 = vector.broadcast %mul3A_268 : i32 to vector<16xi32>
        %sub3A_385 = arith.subi %get3A_383, %sub3A_384 : vector<16xi32>
        %jit3A_386 = arith.constant 0 : i32
        %jit3A_387 = arith.constant 5119 : i32
        %max3A_388 = vector.broadcast %jit3A_386 : i32 to vector<16xi32>
        %max3A_389 = arith.maxsi %max3A_388, %sub3A_385 : vector<16xi32>
        %min3A_390 = vector.broadcast %jit3A_387 : i32 to vector<16xi32>
        %min3A_391 = arith.minsi %min3A_390, %max3A_389 : vector<16xi32>
        %broadcast_in_dim3A_392 = arith.constant 0 : i32
        %broadcast_in_dim3A_393 = vector.broadcast %broadcast_in_dim3A_392 : i32 to vector<16xi32>
        %gather3A_394 = tpu.vector_load_idx %arg13[%min3A_391, %broadcast_in_dim3A_393] : memref<5120x4xf32, #tpu.memory_space<vmem>>[vector<16xi32>, vector<16xi32>], vector<16xf32>,
        %swap3A_395 = arith.constant 0 : i32
        %swap3A_396 = arith.index_cast %swap3A_395 : i32 to index
        %swap3A_397 = arith.constant 32 : index
        %swap3A_398 = tpu.vector_load %arg14[%swap3A_396, %swap3A_397] {strides = array<i32>} : memref<4x256xf32, #tpu.memory_space<vmem>>, vector<16xf32>,
        tpu.vector_store %arg14[%swap3A_396, %swap3A_397], %gather3A_394 {strides = array<i32>} : memref<4x256xf32, #tpu.memory_space<vmem>>, vector<16xf32>,
        %broadcast_in_dim3A_399 = arith.constant 1 : i32
        %broadcast_in_dim3A_400 = vector.broadcast %broadcast_in_dim3A_399 : i32 to vector<16xi32>
        %gather3A_401 = tpu.vector_load_idx %arg13[%min3A_391, %broadcast_in_dim3A_400] : memref<5120x4xf32, #tpu.memory_space<vmem>>[vector<16xi32>, vector<16xi32>], vector<16xf32>,
        %swap3A_402 = arith.constant 1 : i32
        %swap3A_403 = arith.index_cast %swap3A_402 : i32 to index
        %swap3A_404 = arith.constant 32 : index
        %swap3A_405 = tpu.vector_load %arg14[%swap3A_403, %swap3A_404] {strides = array<i32>} : memref<4x256xf32, #tpu.memory_space<vmem>>, vector<16xf32>,
        tpu.vector_store %arg14[%swap3A_403, %swap3A_404], %gather3A_401 {strides = array<i32>} : memref<4x256xf32, #tpu.memory_space<vmem>>, vector<16xf32>,
        %broadcast_in_dim3A_406 = arith.constant 2 : i32
        %broadcast_in_dim3A_407 = vector.broadcast %broadcast_in_dim3A_406 : i32 to vector<16xi32>
        %gather3A_408 = tpu.vector_load_idx %arg13[%min3A_391, %broadcast_in_dim3A_407] : memref<5120x4xf32, #tpu.memory_space<vmem>>[vector<16xi32>, vector<16xi32>], vector<16xf32>,
        %swap3A_409 = arith.constant 2 : i32
        %swap3A_410 = arith.index_cast %swap3A_409 : i32 to index
        %swap3A_411 = arith.constant 32 : index
        %swap3A_412 = tpu.vector_load %arg14[%swap3A_410, %swap3A_411] {strides = array<i32>} : memref<4x256xf32, #tpu.memory_space<vmem>>, vector<16xf32>,
        tpu.vector_store %arg14[%swap3A_410, %swap3A_411], %gather3A_408 {strides = array<i32>} : memref<4x256xf32, #tpu.memory_space<vmem>>, vector<16xf32>,
        %broadcast_in_dim3A_413 = arith.constant 3 : i32
        %broadcast_in_dim3A_414 = vector.broadcast %broadcast_in_dim3A_413 : i32 to vector<16xi32>
        %gather3A_415 = tpu.vector_load_idx %arg13[%min3A_391, %broadcast_in_dim3A_414] : memref<5120x4xf32, #tpu.memory_space<vmem>>[vector<16xi32>, vector<16xi32>], vector<16xf32>,
        %swap3A_416 = arith.constant 3 : i32
        %swap3A_417 = arith.index_cast %swap3A_416 : i32 to index
        %swap3A_418 = arith.constant 32 : index
        %swap3A_419 = tpu.vector_load %arg14[%swap3A_417, %swap3A_418] {strides = array<i32>} : memref<4x256xf32, #tpu.memory_space<vmem>>, vector<16xf32>,
        tpu.vector_store %arg14[%swap3A_417, %swap3A_418], %gather3A_415 {strides = array<i32>} : memref<4x256xf32, #tpu.memory_space<vmem>>, vector<16xf32>,
        %get3A_420 = arith.constant 0 : i32
        %get3A_421 = arith.index_cast %get3A_420 : i32 to index
        %get3A_422 = arith.constant 48 : index
        %get3A_423 = tpu.vector_load %arg16[%get3A_421, %get3A_422] {strides = array<i32>} : memref<2x128xi32, #tpu.memory_space<vmem>>, vector<16xi32>,
        %sub3A_424 = vector.broadcast %mul3A_268 : i32 to vector<16xi32>
        %sub3A_425 = arith.subi %get3A_423, %sub3A_424 : vector<16xi32>
        %jit3A_426 = arith.constant 0 : i32
        %jit3A_427 = arith.constant 5119 : i32
        %max3A_428 = vector.broadcast %jit3A_426 : i32 to vector<16xi32>
        %max3A_429 = arith.maxsi %max3A_428, %sub3A_425 : vector<16xi32>
        %min3A_430 = vector.broadcast %jit3A_427 : i32 to vector<16xi32>
        %min3A_431 = arith.minsi %min3A_430, %max3A_429 : vector<16xi32>
        %broadcast_in_dim3A_432 = arith.constant 0 : i32
        %broadcast_in_dim3A_433 = vector.broadcast %broadcast_in_dim3A_432 : i32 to vector<16xi32>
        %gather3A_434 = tpu.vector_load_idx %arg13[%min3A_431, %broadcast_in_dim3A_433] : memref<5120x4xf32, #tpu.memory_space<vmem>>[vector<16xi32>, vector<16xi32>], vector<16xf32>,
        %swap3A_435 = arith.constant 0 : i32
        %swap3A_436 = arith.index_cast %swap3A_435 : i32 to index
        %swap3A_437 = arith.constant 48 : index
        %swap3A_438 = tpu.vector_load %arg14[%swap3A_436, %swap3A_437] {strides = array<i32>} : memref<4x256xf32, #tpu.memory_space<vmem>>, vector<16xf32>,
        tpu.vector_store %arg14[%swap3A_436, %swap3A_437], %gather3A_434 {strides = array<i32>} : memref<4x256xf32, #tpu.memory_space<vmem>>, vector<16xf32>,
        %broadcast_in_dim3A_439 = arith.constant 1 : i32
        %broadcast_in_dim3A_440 = vector.broadcast %broadcast_in_dim3A_439 : i32 to vector<16xi32>
        %gather3A_441 = tpu.vector_load_idx %arg13[%min3A_431, %broadcast_in_dim3A_440] : memref<5120x4xf32, #tpu.memory_space<vmem>>[vector<16xi32>, vector<16xi32>], vector<16xf32>,
        %swap3A_442 = arith.constant 1 : i32
        %swap3A_443 = arith.index_cast %swap3A_442 : i32 to index
        %swap3A_444 = arith.constant 48 : index
        %swap3A_445 = tpu.vector_load %arg14[%swap3A_443, %swap3A_444] {strides = array<i32>} : memref<4x256xf32, #tpu.memory_space<vmem>>, vector<16xf32>,
        tpu.vector_store %arg14[%swap3A_443, %swap3A_444], %gather3A_441 {strides = array<i32>} : memref<4x256xf32, #tpu.memory_space<vmem>>, vector<16xf32>,
        %broadcast_in_dim3A_446 = arith.constant 2 : i32
        %broadcast_in_dim3A_447 = vector.broadcast %broadcast_in_dim3A_446 : i32 to vector<16xi32>
        %gather3A_448 = tpu.vector_load_idx %arg13[%min3A_431, %broadcast_in_dim3A_447] : memref<5120x4xf32, #tpu.memory_space<vmem>>[vector<16xi32>, vector<16xi32>], vector<16xf32>,
        %swap3A_449 = arith.constant 2 : i32
        %swap3A_450 = arith.index_cast %swap3A_449 : i32 to index
        %swap3A_451 = arith.constant 48 : index
        %swap3A_452 = tpu.vector_load %arg14[%swap3A_450, %swap3A_451] {strides = array<i32>} : memref<4x256xf32, #tpu.memory_space<vmem>>, vector<16xf32>,
        tpu.vector_store %arg14[%swap3A_450, %swap3A_451], %gather3A_448 {strides = array<i32>} : memref<4x256xf32, #tpu.memory_space<vmem>>, vector<16xf32>,
        %broadcast_in_dim3A_453 = arith.constant 3 : i32
        %broadcast_in_dim3A_454 = vector.broadcast %broadcast_in_dim3A_453 : i32 to vector<16xi32>
        %gather3A_455 = tpu.vector_load_idx %arg13[%min3A_431, %broadcast_in_dim3A_454] : memref<5120x4xf32, #tpu.memory_space<vmem>>[vector<16xi32>, vector<16xi32>], vector<16xf32>,
        %swap3A_456 = arith.constant 3 : i32
        %swap3A_457 = arith.index_cast %swap3A_456 : i32 to index
        %swap3A_458 = arith.constant 48 : index
        %swap3A_459 = tpu.vector_load %arg14[%swap3A_457, %swap3A_458] {strides = array<i32>} : memref<4x256xf32, #tpu.memory_space<vmem>>, vector<16xf32>,
        tpu.vector_store %arg14[%swap3A_457, %swap3A_458], %gather3A_455 {strides = array<i32>} : memref<4x256xf32, #tpu.memory_space<vmem>>, vector<16xf32>,
        %get3A_460 = arith.constant 0 : i32
        %get3A_461 = arith.index_cast %get3A_460 : i32 to index
        %get3A_462 = arith.constant 64 : index
        %get3A_463 = tpu.vector_load %arg16[%get3A_461, %get3A_462] {strides = array<i32>} : memref<2x128xi32, #tpu.memory_space<vmem>>, vector<16xi32>,
        %sub3A_464 = vector.broadcast %mul3A_268 : i32 to vector<16xi32>
        %sub3A_465 = arith.subi %get3A_463, %sub3A_464 : vector<16xi32>
        %jit3A_466 = arith.constant 0 : i32
        %jit3A_467 = arith.constant 5119 : i32
        %max3A_468 = vector.broadcast %jit3A_466 : i32 to vector<16xi32>
        %max3A_469 = arith.maxsi %max3A_468, %sub3A_465 : vector<16xi32>
        %min3A_470 = vector.broadcast %jit3A_467 : i32 to vector<16xi32>
        %min3A_471 = arith.minsi %min3A_470, %max3A_469 : vector<16xi32>
        %broadcast_in_dim3A_472 = arith.constant 0 : i32
        %broadcast_in_dim3A_473 = vector.broadcast %broadcast_in_dim3A_472 : i32 to vector<16xi32>
        %gather3A_474 = tpu.vector_load_idx %arg13[%min3A_471, %broadcast_in_dim3A_473] : memref<5120x4xf32, #tpu.memory_space<vmem>>[vector<16xi32>, vector<16xi32>], vector<16xf32>,
        %swap3A_475 = arith.constant 0 : i32
        %swap3A_476 = arith.index_cast %swap3A_475 : i32 to index
        %swap3A_477 = arith.constant 64 : index
        %swap3A_478 = tpu.vector_load %arg14[%swap3A_476, %swap3A_477] {strides = array<i32>} : memref<4x256xf32, #tpu.memory_space<vmem>>, vector<16xf32>,
        tpu.vector_store %arg14[%swap3A_476, %swap3A_477], %gather3A_474 {strides = array<i32>} : memref<4x256xf32, #tpu.memory_space<vmem>>, vector<16xf32>,
        %broadcast_in_dim3A_479 = arith.constant 1 : i32
        %broadcast_in_dim3A_480 = vector.broadcast %broadcast_in_dim3A_479 : i32 to vector<16xi32>
        %gather3A_481 = tpu.vector_load_idx %arg13[%min3A_471, %broadcast_in_dim3A_480] : memref<5120x4xf32, #tpu.memory_space<vmem>>[vector<16xi32>, vector<16xi32>], vector<16xf32>,
        %swap3A_482 = arith.constant 1 : i32
        %swap3A_483 = arith.index_cast %swap3A_482 : i32 to index
        %swap3A_484 = arith.constant 64 : index
        %swap3A_485 = tpu.vector_load %arg14[%swap3A_483, %swap3A_484] {strides = array<i32>} : memref<4x256xf32, #tpu.memory_space<vmem>>, vector<16xf32>,
        tpu.vector_store %arg14[%swap3A_483, %swap3A_484], %gather3A_481 {strides = array<i32>} : memref<4x256xf32, #tpu.memory_space<vmem>>, vector<16xf32>,
        %broadcast_in_dim3A_486 = arith.constant 2 : i32
        %broadcast_in_dim3A_487 = vector.broadcast %broadcast_in_dim3A_486 : i32 to vector<16xi32>
        %gather3A_488 = tpu.vector_load_idx %arg13[%min3A_471, %broadcast_in_dim3A_487] : memref<5120x4xf32, #tpu.memory_space<vmem>>[vector<16xi32>, vector<16xi32>], vector<16xf32>,
        %swap3A_489 = arith.constant 2 : i32
        %swap3A_490 = arith.index_cast %swap3A_489 : i32 to index
        %swap3A_491 = arith.constant 64 : index
        %swap3A_492 = tpu.vector_load %arg14[%swap3A_490, %swap3A_491] {strides = array<i32>} : memref<4x256xf32, #tpu.memory_space<vmem>>, vector<16xf32>,
        tpu.vector_store %arg14[%swap3A_490, %swap3A_491], %gather3A_488 {strides = array<i32>} : memref<4x256xf32, #tpu.memory_space<vmem>>, vector<16xf32>,
        %broadcast_in_dim3A_493 = arith.constant 3 : i32
        %broadcast_in_dim3A_494 = vector.broadcast %broadcast_in_dim3A_493 : i32 to vector<16xi32>
        %gather3A_495 = tpu.vector_load_idx %arg13[%min3A_471, %broadcast_in_dim3A_494] : memref<5120x4xf32, #tpu.memory_space<vmem>>[vector<16xi32>, vector<16xi32>], vector<16xf32>,
        %swap3A_496 = arith.constant 3 : i32
        %swap3A_497 = arith.index_cast %swap3A_496 : i32 to index
        %swap3A_498 = arith.constant 64 : index
        %swap3A_499 = tpu.vector_load %arg14[%swap3A_497, %swap3A_498] {strides = array<i32>} : memref<4x256xf32, #tpu.memory_space<vmem>>, vector<16xf32>,
        tpu.vector_store %arg14[%swap3A_497, %swap3A_498], %gather3A_495 {strides = array<i32>} : memref<4x256xf32, #tpu.memory_space<vmem>>, vector<16xf32>,
        %get3A_500 = arith.constant 0 : i32
        %get3A_501 = arith.index_cast %get3A_500 : i32 to index
        %get3A_502 = arith.constant 80 : index
        %get3A_503 = tpu.vector_load %arg16[%get3A_501, %get3A_502] {strides = array<i32>} : memref<2x128xi32, #tpu.memory_space<vmem>>, vector<16xi32>,
        %sub3A_504 = vector.broadcast %mul3A_268 : i32 to vector<16xi32>
        %sub3A_505 = arith.subi %get3A_503, %sub3A_504 : vector<16xi32>
        %jit3A_506 = arith.constant 0 : i32
        %jit3A_507 = arith.constant 5119 : i32
        %max3A_508 = vector.broadcast %jit3A_506 : i32 to vector<16xi32>
        %max3A_509 = arith.maxsi %max3A_508, %sub3A_505 : vector<16xi32>
        %min3A_510 = vector.broadcast %jit3A_507 : i32 to vector<16xi32>
        %min3A_511 = arith.minsi %min3A_510, %max3A_509 : vector<16xi32>
        %broadcast_in_dim3A_512 = arith.constant 0 : i32
        %broadcast_in_dim3A_513 = vector.broadcast %broadcast_in_dim3A_512 : i32 to vector<16xi32>
        %gather3A_514 = tpu.vector_load_idx %arg13[%min3A_511, %broadcast_in_dim3A_513] : memref<5120x4xf32, #tpu.memory_space<vmem>>[vector<16xi32>, vector<16xi32>], vector<16xf32>,
        %swap3A_515 = arith.constant 0 : i32
        %swap3A_516 = arith.index_cast %swap3A_515 : i32 to index
        %swap3A_517 = arith.constant 80 : index
        %swap3A_518 = tpu.vector_load %arg14[%swap3A_516, %swap3A_517] {strides = array<i32>} : memref<4x256xf32, #tpu.memory_space<vmem>>, vector<16xf32>,
        tpu.vector_store %arg14[%swap3A_516, %swap3A_517], %gather3A_514 {strides = array<i32>} : memref<4x256xf32, #tpu.memory_space<vmem>>, vector<16xf32>,
        %broadcast_in_dim3A_519 = arith.constant 1 : i32
        %broadcast_in_dim3A_520 = vector.broadcast %broadcast_in_dim3A_519 : i32 to vector<16xi32>
        %gather3A_521 = tpu.vector_load_idx %arg13[%min3A_511, %broadcast_in_dim3A_520] : memref<5120x4xf32, #tpu.memory_space<vmem>>[vector<16xi32>, vector<16xi32>], vector<16xf32>,
        %swap3A_522 = arith.constant 1 : i32
        %swap3A_523 = arith.index_cast %swap3A_522 : i32 to index
        %swap3A_524 = arith.constant 80 : index
        %swap3A_525 = tpu.vector_load %arg14[%swap3A_523, %swap3A_524] {strides = array<i32>} : memref<4x256xf32, #tpu.memory_space<vmem>>, vector<16xf32>,
        tpu.vector_store %arg14[%swap3A_523, %swap3A_524], %gather3A_521 {strides = array<i32>} : memref<4x256xf32, #tpu.memory_space<vmem>>, vector<16xf32>,
        %broadcast_in_dim3A_526 = arith.constant 2 : i32
        %broadcast_in_dim3A_527 = vector.broadcast %broadcast_in_dim3A_526 : i32 to vector<16xi32>
        %gather3A_528 = tpu.vector_load_idx %arg13[%min3A_511, %broadcast_in_dim3A_527] : memref<5120x4xf32, #tpu.memory_space<vmem>>[vector<16xi32>, vector<16xi32>], vector<16xf32>,
        %swap3A_529 = arith.constant 2 : i32
        %swap3A_530 = arith.index_cast %swap3A_529 : i32 to index
        %swap3A_531 = arith.constant 80 : index
        %swap3A_532 = tpu.vector_load %arg14[%swap3A_530, %swap3A_531] {strides = array<i32>} : memref<4x256xf32, #tpu.memory_space<vmem>>, vector<16xf32>,
        tpu.vector_store %arg14[%swap3A_530, %swap3A_531], %gather3A_528 {strides = array<i32>} : memref<4x256xf32, #tpu.memory_space<vmem>>, vector<16xf32>,
        %broadcast_in_dim3A_533 = arith.constant 3 : i32
        %broadcast_in_dim3A_534 = vector.broadcast %broadcast_in_dim3A_533 : i32 to vector<16xi32>
        %gather3A_535 = tpu.vector_load_idx %arg13[%min3A_511, %broadcast_in_dim3A_534] : memref<5120x4xf32, #tpu.memory_space<vmem>>[vector<16xi32>, vector<16xi32>], vector<16xf32>,
        %swap3A_536 = arith.constant 3 : i32
        %swap3A_537 = arith.index_cast %swap3A_536 : i32 to index
        %swap3A_538 = arith.constant 80 : index
        %swap3A_539 = tpu.vector_load %arg14[%swap3A_537, %swap3A_538] {strides = array<i32>} : memref<4x256xf32, #tpu.memory_space<vmem>>, vector<16xf32>,
        tpu.vector_store %arg14[%swap3A_537, %swap3A_538], %gather3A_535 {strides = array<i32>} : memref<4x256xf32, #tpu.memory_space<vmem>>, vector<16xf32>,
        %get3A_540 = arith.constant 0 : i32
        %get3A_541 = arith.index_cast %get3A_540 : i32 to index
        %get3A_542 = arith.constant 96 : index
        %get3A_543 = tpu.vector_load %arg16[%get3A_541, %get3A_542] {strides = array<i32>} : memref<2x128xi32, #tpu.memory_space<vmem>>, vector<16xi32>,
        %sub3A_544 = vector.broadcast %mul3A_268 : i32 to vector<16xi32>
        %sub3A_545 = arith.subi %get3A_543, %sub3A_544 : vector<16xi32>
        %jit3A_546 = arith.constant 0 : i32
        %jit3A_547 = arith.constant 5119 : i32
        %max3A_548 = vector.broadcast %jit3A_546 : i32 to vector<16xi32>
        %max3A_549 = arith.maxsi %max3A_548, %sub3A_545 : vector<16xi32>
        %min3A_550 = vector.broadcast %jit3A_547 : i32 to vector<16xi32>
        %min3A_551 = arith.minsi %min3A_550, %max3A_549 : vector<16xi32>
        %broadcast_in_dim3A_552 = arith.constant 0 : i32
        %broadcast_in_dim3A_553 = vector.broadcast %broadcast_in_dim3A_552 : i32 to vector<16xi32>
        %gather3A_554 = tpu.vector_load_idx %arg13[%min3A_551, %broadcast_in_dim3A_553] : memref<5120x4xf32, #tpu.memory_space<vmem>>[vector<16xi32>, vector<16xi32>], vector<16xf32>,
        %swap3A_555 = arith.constant 0 : i32
        %swap3A_556 = arith.index_cast %swap3A_555 : i32 to index
        %swap3A_557 = arith.constant 96 : index
        %swap3A_558 = tpu.vector_load %arg14[%swap3A_556, %swap3A_557] {strides = array<i32>} : memref<4x256xf32, #tpu.memory_space<vmem>>, vector<16xf32>,
        tpu.vector_store %arg14[%swap3A_556, %swap3A_557], %gather3A_554 {strides = array<i32>} : memref<4x256xf32, #tpu.memory_space<vmem>>, vector<16xf32>,
        %broadcast_in_dim3A_559 = arith.constant 1 : i32
        %broadcast_in_dim3A_560 = vector.broadcast %broadcast_in_dim3A_559 : i32 to vector<16xi32>
        %gather3A_561 = tpu.vector_load_idx %arg13[%min3A_551, %broadcast_in_dim3A_560] : memref<5120x4xf32, #tpu.memory_space<vmem>>[vector<16xi32>, vector<16xi32>], vector<16xf32>,
        %swap3A_562 = arith.constant 1 : i32
        %swap3A_563 = arith.index_cast %swap3A_562 : i32 to index
        %swap3A_564 = arith.constant 96 : index
        %swap3A_565 = tpu.vector_load %arg14[%swap3A_563, %swap3A_564] {strides = array<i32>} : memref<4x256xf32, #tpu.memory_space<vmem>>, vector<16xf32>,
        tpu.vector_store %arg14[%swap3A_563, %swap3A_564], %gather3A_561 {strides = array<i32>} : memref<4x256xf32, #tpu.memory_space<vmem>>, vector<16xf32>,
        %broadcast_in_dim3A_566 = arith.constant 2 : i32
        %broadcast_in_dim3A_567 = vector.broadcast %broadcast_in_dim3A_566 : i32 to vector<16xi32>
        %gather3A_568 = tpu.vector_load_idx %arg13[%min3A_551, %broadcast_in_dim3A_567] : memref<5120x4xf32, #tpu.memory_space<vmem>>[vector<16xi32>, vector<16xi32>], vector<16xf32>,
        %swap3A_569 = arith.constant 2 : i32
        %swap3A_570 = arith.index_cast %swap3A_569 : i32 to index
        %swap3A_571 = arith.constant 96 : index
        %swap3A_572 = tpu.vector_load %arg14[%swap3A_570, %swap3A_571] {strides = array<i32>} : memref<4x256xf32, #tpu.memory_space<vmem>>, vector<16xf32>,
        tpu.vector_store %arg14[%swap3A_570, %swap3A_571], %gather3A_568 {strides = array<i32>} : memref<4x256xf32, #tpu.memory_space<vmem>>, vector<16xf32>,
        %broadcast_in_dim3A_573 = arith.constant 3 : i32
        %broadcast_in_dim3A_574 = vector.broadcast %broadcast_in_dim3A_573 : i32 to vector<16xi32>
        %gather3A_575 = tpu.vector_load_idx %arg13[%min3A_551, %broadcast_in_dim3A_574] : memref<5120x4xf32, #tpu.memory_space<vmem>>[vector<16xi32>, vector<16xi32>], vector<16xf32>,
        %swap3A_576 = arith.constant 3 : i32
        %swap3A_577 = arith.index_cast %swap3A_576 : i32 to index
        %swap3A_578 = arith.constant 96 : index
        %swap3A_579 = tpu.vector_load %arg14[%swap3A_577, %swap3A_578] {strides = array<i32>} : memref<4x256xf32, #tpu.memory_space<vmem>>, vector<16xf32>,
        tpu.vector_store %arg14[%swap3A_577, %swap3A_578], %gather3A_575 {strides = array<i32>} : memref<4x256xf32, #tpu.memory_space<vmem>>, vector<16xf32>,
        %get3A_580 = arith.constant 0 : i32
        %get3A_581 = arith.index_cast %get3A_580 : i32 to index
        %get3A_582 = arith.constant 112 : index
        %get3A_583 = tpu.vector_load %arg16[%get3A_581, %get3A_582] {strides = array<i32>} : memref<2x128xi32, #tpu.memory_space<vmem>>, vector<16xi32>,
        %sub3A_584 = vector.broadcast %mul3A_268 : i32 to vector<16xi32>
        %sub3A_585 = arith.subi %get3A_583, %sub3A_584 : vector<16xi32>
        %jit3A_586 = arith.constant 0 : i32
        %jit3A_587 = arith.constant 5119 : i32
        %max3A_588 = vector.broadcast %jit3A_586 : i32 to vector<16xi32>
        %max3A_589 = arith.maxsi %max3A_588, %sub3A_585 : vector<16xi32>
        %min3A_590 = vector.broadcast %jit3A_587 : i32 to vector<16xi32>
        %min3A_591 = arith.minsi %min3A_590, %max3A_589 : vector<16xi32>
        %broadcast_in_dim3A_592 = arith.constant 0 : i32
        %broadcast_in_dim3A_593 = vector.broadcast %broadcast_in_dim3A_592 : i32 to vector<16xi32>
        %gather3A_594 = tpu.vector_load_idx %arg13[%min3A_591, %broadcast_in_dim3A_593] : memref<5120x4xf32, #tpu.memory_space<vmem>>[vector<16xi32>, vector<16xi32>], vector<16xf32>,
        %swap3A_595 = arith.constant 0 : i32
        %swap3A_596 = arith.index_cast %swap3A_595 : i32 to index
        %swap3A_597 = arith.constant 112 : index
        %swap3A_598 = tpu.vector_load %arg14[%swap3A_596, %swap3A_597] {strides = array<i32>} : memref<4x256xf32, #tpu.memory_space<vmem>>, vector<16xf32>,
        tpu.vector_store %arg14[%swap3A_596, %swap3A_597], %gather3A_594 {strides = array<i32>} : memref<4x256xf32, #tpu.memory_space<vmem>>, vector<16xf32>,
        %broadcast_in_dim3A_599 = arith.constant 1 : i32
        %broadcast_in_dim3A_600 = vector.broadcast %broadcast_in_dim3A_599 : i32 to vector<16xi32>
        %gather3A_601 = tpu.vector_load_idx %arg13[%min3A_591, %broadcast_in_dim3A_600] : memref<5120x4xf32, #tpu.memory_space<vmem>>[vector<16xi32>, vector<16xi32>], vector<16xf32>,
        %swap3A_602 = arith.constant 1 : i32
        %swap3A_603 = arith.index_cast %swap3A_602 : i32 to index
        %swap3A_604 = arith.constant 112 : index
        %swap3A_605 = tpu.vector_load %arg14[%swap3A_603, %swap3A_604] {strides = array<i32>} : memref<4x256xf32, #tpu.memory_space<vmem>>, vector<16xf32>,
        tpu.vector_store %arg14[%swap3A_603, %swap3A_604], %gather3A_601 {strides = array<i32>} : memref<4x256xf32, #tpu.memory_space<vmem>>, vector<16xf32>,
        %broadcast_in_dim3A_606 = arith.constant 2 : i32
        %broadcast_in_dim3A_607 = vector.broadcast %broadcast_in_dim3A_606 : i32 to vector<16xi32>
        %gather3A_608 = tpu.vector_load_idx %arg13[%min3A_591, %broadcast_in_dim3A_607] : memref<5120x4xf32, #tpu.memory_space<vmem>>[vector<16xi32>, vector<16xi32>], vector<16xf32>,
        %swap3A_609 = arith.constant 2 : i32
        %swap3A_610 = arith.index_cast %swap3A_609 : i32 to index
        %swap3A_611 = arith.constant 112 : index
        %swap3A_612 = tpu.vector_load %arg14[%swap3A_610, %swap3A_611] {strides = array<i32>} : memref<4x256xf32, #tpu.memory_space<vmem>>, vector<16xf32>,
        tpu.vector_store %arg14[%swap3A_610, %swap3A_611], %gather3A_608 {strides = array<i32>} : memref<4x256xf32, #tpu.memory_space<vmem>>, vector<16xf32>,
        %broadcast_in_dim3A_613 = arith.constant 3 : i32
        %broadcast_in_dim3A_614 = vector.broadcast %broadcast_in_dim3A_613 : i32 to vector<16xi32>
        %gather3A_615 = tpu.vector_load_idx %arg13[%min3A_591, %broadcast_in_dim3A_614] : memref<5120x4xf32, #tpu.memory_space<vmem>>[vector<16xi32>, vector<16xi32>], vector<16xf32>,
        %swap3A_616 = arith.constant 3 : i32
        %swap3A_617 = arith.index_cast %swap3A_616 : i32 to index
        %swap3A_618 = arith.constant 112 : index
        %swap3A_619 = tpu.vector_load %arg14[%swap3A_617, %swap3A_618] {strides = array<i32>} : memref<4x256xf32, #tpu.memory_space<vmem>>, vector<16xf32>,
        tpu.vector_store %arg14[%swap3A_617, %swap3A_618], %gather3A_615 {strides = array<i32>} : memref<4x256xf32, #tpu.memory_space<vmem>>, vector<16xf32>,
        %get3A_620 = arith.constant 1 : i32
        %get3A_621 = arith.index_cast %get3A_620 : i32 to index
        %get3A_622 = arith.constant 0 : index
        %get3A_623 = tpu.vector_load %arg16[%get3A_621, %get3A_622] {strides = array<i32>} : memref<2x128xi32, #tpu.memory_space<vmem>>, vector<16xi32>,
        %sub3A_624 = vector.broadcast %mul3A_268 : i32 to vector<16xi32>
        %sub3A_625 = arith.subi %get3A_623, %sub3A_624 : vector<16xi32>
        %jit3A_626 = arith.constant 0 : i32
        %jit3A_627 = arith.constant 5119 : i32
        %max3A_628 = vector.broadcast %jit3A_626 : i32 to vector<16xi32>
        %max3A_629 = arith.maxsi %max3A_628, %sub3A_625 : vector<16xi32>
        %min3A_630 = vector.broadcast %jit3A_627 : i32 to vector<16xi32>
        %min3A_631 = arith.minsi %min3A_630, %max3A_629 : vector<16xi32>
        %broadcast_in_dim3A_632 = arith.constant 0 : i32
        %broadcast_in_dim3A_633 = vector.broadcast %broadcast_in_dim3A_632 : i32 to vector<16xi32>
        %gather3A_634 = tpu.vector_load_idx %arg13[%min3A_631, %broadcast_in_dim3A_633] : memref<5120x4xf32, #tpu.memory_space<vmem>>[vector<16xi32>, vector<16xi32>], vector<16xf32>,
        %swap3A_635 = arith.constant 0 : i32
        %swap3A_636 = arith.index_cast %swap3A_635 : i32 to index
        %swap3A_637 = arith.constant 128 : index
        %swap3A_638 = tpu.vector_load %arg14[%swap3A_636, %swap3A_637] {strides = array<i32>} : memref<4x256xf32, #tpu.memory_space<vmem>>, vector<16xf32>,
        tpu.vector_store %arg14[%swap3A_636, %swap3A_637], %gather3A_634 {strides = array<i32>} : memref<4x256xf32, #tpu.memory_space<vmem>>, vector<16xf32>,
        %broadcast_in_dim3A_639 = arith.constant 1 : i32
        %broadcast_in_dim3A_640 = vector.broadcast %broadcast_in_dim3A_639 : i32 to vector<16xi32>
        %gather3A_641 = tpu.vector_load_idx %arg13[%min3A_631, %broadcast_in_dim3A_640] : memref<5120x4xf32, #tpu.memory_space<vmem>>[vector<16xi32>, vector<16xi32>], vector<16xf32>,
        %swap3A_642 = arith.constant 1 : i32
        %swap3A_643 = arith.index_cast %swap3A_642 : i32 to index
        %swap3A_644 = arith.constant 128 : index
        %swap3A_645 = tpu.vector_load %arg14[%swap3A_643, %swap3A_644] {strides = array<i32>} : memref<4x256xf32, #tpu.memory_space<vmem>>, vector<16xf32>,
        tpu.vector_store %arg14[%swap3A_643, %swap3A_644], %gather3A_641 {strides = array<i32>} : memref<4x256xf32, #tpu.memory_space<vmem>>, vector<16xf32>,
        %broadcast_in_dim3A_646 = arith.constant 2 : i32
        %broadcast_in_dim3A_647 = vector.broadcast %broadcast_in_dim3A_646 : i32 to vector<16xi32>
        %gather3A_648 = tpu.vector_load_idx %arg13[%min3A_631, %broadcast_in_dim3A_647] : memref<5120x4xf32, #tpu.memory_space<vmem>>[vector<16xi32>, vector<16xi32>], vector<16xf32>,
        %swap3A_649 = arith.constant 2 : i32
        %swap3A_650 = arith.index_cast %swap3A_649 : i32 to index
        %swap3A_651 = arith.constant 128 : index
        %swap3A_652 = tpu.vector_load %arg14[%swap3A_650, %swap3A_651] {strides = array<i32>} : memref<4x256xf32, #tpu.memory_space<vmem>>, vector<16xf32>,
        tpu.vector_store %arg14[%swap3A_650, %swap3A_651], %gather3A_648 {strides = array<i32>} : memref<4x256xf32, #tpu.memory_space<vmem>>, vector<16xf32>,
        %broadcast_in_dim3A_653 = arith.constant 3 : i32
        %broadcast_in_dim3A_654 = vector.broadcast %broadcast_in_dim3A_653 : i32 to vector<16xi32>
        %gather3A_655 = tpu.vector_load_idx %arg13[%min3A_631, %broadcast_in_dim3A_654] : memref<5120x4xf32, #tpu.memory_space<vmem>>[vector<16xi32>, vector<16xi32>], vector<16xf32>,
        %swap3A_656 = arith.constant 3 : i32
        %swap3A_657 = arith.index_cast %swap3A_656 : i32 to index
        %swap3A_658 = arith.constant 128 : index
        %swap3A_659 = tpu.vector_load %arg14[%swap3A_657, %swap3A_658] {strides = array<i32>} : memref<4x256xf32, #tpu.memory_space<vmem>>, vector<16xf32>,
        tpu.vector_store %arg14[%swap3A_657, %swap3A_658], %gather3A_655 {strides = array<i32>} : memref<4x256xf32, #tpu.memory_space<vmem>>, vector<16xf32>,
        %get3A_660 = arith.constant 1 : i32
        %get3A_661 = arith.index_cast %get3A_660 : i32 to index
        %get3A_662 = arith.constant 16 : index
        %get3A_663 = tpu.vector_load %arg16[%get3A_661, %get3A_662] {strides = array<i32>} : memref<2x128xi32, #tpu.memory_space<vmem>>, vector<16xi32>,
        %sub3A_664 = vector.broadcast %mul3A_268 : i32 to vector<16xi32>
        %sub3A_665 = arith.subi %get3A_663, %sub3A_664 : vector<16xi32>
        %jit3A_666 = arith.constant 0 : i32
        %jit3A_667 = arith.constant 5119 : i32
        %max3A_668 = vector.broadcast %jit3A_666 : i32 to vector<16xi32>
        %max3A_669 = arith.maxsi %max3A_668, %sub3A_665 : vector<16xi32>
        %min3A_670 = vector.broadcast %jit3A_667 : i32 to vector<16xi32>
        %min3A_671 = arith.minsi %min3A_670, %max3A_669 : vector<16xi32>
        %broadcast_in_dim3A_672 = arith.constant 0 : i32
        %broadcast_in_dim3A_673 = vector.broadcast %broadcast_in_dim3A_672 : i32 to vector<16xi32>
        %gather3A_674 = tpu.vector_load_idx %arg13[%min3A_671, %broadcast_in_dim3A_673] : memref<5120x4xf32, #tpu.memory_space<vmem>>[vector<16xi32>, vector<16xi32>], vector<16xf32>,
        %swap3A_675 = arith.constant 0 : i32
        %swap3A_676 = arith.index_cast %swap3A_675 : i32 to index
        %swap3A_677 = arith.constant 144 : index
        %swap3A_678 = tpu.vector_load %arg14[%swap3A_676, %swap3A_677] {strides = array<i32>} : memref<4x256xf32, #tpu.memory_space<vmem>>, vector<16xf32>,
        tpu.vector_store %arg14[%swap3A_676, %swap3A_677], %gather3A_674 {strides = array<i32>} : memref<4x256xf32, #tpu.memory_space<vmem>>, vector<16xf32>,
        %broadcast_in_dim3A_679 = arith.constant 1 : i32
        %broadcast_in_dim3A_680 = vector.broadcast %broadcast_in_dim3A_679 : i32 to vector<16xi32>
        %gather3A_681 = tpu.vector_load_idx %arg13[%min3A_671, %broadcast_in_dim3A_680] : memref<5120x4xf32, #tpu.memory_space<vmem>>[vector<16xi32>, vector<16xi32>], vector<16xf32>,
        %swap3A_682 = arith.constant 1 : i32
        %swap3A_683 = arith.index_cast %swap3A_682 : i32 to index
        %swap3A_684 = arith.constant 144 : index
        %swap3A_685 = tpu.vector_load %arg14[%swap3A_683, %swap3A_684] {strides = array<i32>} : memref<4x256xf32, #tpu.memory_space<vmem>>, vector<16xf32>,
        tpu.vector_store %arg14[%swap3A_683, %swap3A_684], %gather3A_681 {strides = array<i32>} : memref<4x256xf32, #tpu.memory_space<vmem>>, vector<16xf32>,
        %broadcast_in_dim3A_686 = arith.constant 2 : i32
        %broadcast_in_dim3A_687 = vector.broadcast %broadcast_in_dim3A_686 : i32 to vector<16xi32>
        %gather3A_688 = tpu.vector_load_idx %arg13[%min3A_671, %broadcast_in_dim3A_687] : memref<5120x4xf32, #tpu.memory_space<vmem>>[vector<16xi32>, vector<16xi32>], vector<16xf32>,
        %swap3A_689 = arith.constant 2 : i32
        %swap3A_690 = arith.index_cast %swap3A_689 : i32 to index
        %swap3A_691 = arith.constant 144 : index
        %swap3A_692 = tpu.vector_load %arg14[%swap3A_690, %swap3A_691] {strides = array<i32>} : memref<4x256xf32, #tpu.memory_space<vmem>>, vector<16xf32>,
        tpu.vector_store %arg14[%swap3A_690, %swap3A_691], %gather3A_688 {strides = array<i32>} : memref<4x256xf32, #tpu.memory_space<vmem>>, vector<16xf32>,
        %broadcast_in_dim3A_693 = arith.constant 3 : i32
        %broadcast_in_dim3A_694 = vector.broadcast %broadcast_in_dim3A_693 : i32 to vector<16xi32>
        %gather3A_695 = tpu.vector_load_idx %arg13[%min3A_671, %broadcast_in_dim3A_694] : memref<5120x4xf32, #tpu.memory_space<vmem>>[vector<16xi32>, vector<16xi32>], vector<16xf32>,
        %swap3A_696 = arith.constant 3 : i32
        %swap3A_697 = arith.index_cast %swap3A_696 : i32 to index
        %swap3A_698 = arith.constant 144 : index
        %swap3A_699 = tpu.vector_load %arg14[%swap3A_697, %swap3A_698] {strides = array<i32>} : memref<4x256xf32, #tpu.memory_space<vmem>>, vector<16xf32>,
        tpu.vector_store %arg14[%swap3A_697, %swap3A_698], %gather3A_695 {strides = array<i32>} : memref<4x256xf32, #tpu.memory_space<vmem>>, vector<16xf32>,
        %get3A_700 = arith.constant 1 : i32
        %get3A_701 = arith.index_cast %get3A_700 : i32 to index
        %get3A_702 = arith.constant 32 : index
        %get3A_703 = tpu.vector_load %arg16[%get3A_701, %get3A_702] {strides = array<i32>} : memref<2x128xi32, #tpu.memory_space<vmem>>, vector<16xi32>,
        %sub3A_704 = vector.broadcast %mul3A_268 : i32 to vector<16xi32>
        %sub3A_705 = arith.subi %get3A_703, %sub3A_704 : vector<16xi32>
        %jit3A_706 = arith.constant 0 : i32
        %jit3A_707 = arith.constant 5119 : i32
        %max3A_708 = vector.broadcast %jit3A_706 : i32 to vector<16xi32>
        %max3A_709 = arith.maxsi %max3A_708, %sub3A_705 : vector<16xi32>
        %min3A_710 = vector.broadcast %jit3A_707 : i32 to vector<16xi32>
        %min3A_711 = arith.minsi %min3A_710, %max3A_709 : vector<16xi32>
        %broadcast_in_dim3A_712 = arith.constant 0 : i32
        %broadcast_in_dim3A_713 = vector.broadcast %broadcast_in_dim3A_712 : i32 to vector<16xi32>
        %gather3A_714 = tpu.vector_load_idx %arg13[%min3A_711, %broadcast_in_dim3A_713] : memref<5120x4xf32, #tpu.memory_space<vmem>>[vector<16xi32>, vector<16xi32>], vector<16xf32>,
        %swap3A_715 = arith.constant 0 : i32
        %swap3A_716 = arith.index_cast %swap3A_715 : i32 to index
        %swap3A_717 = arith.constant 160 : index
        %swap3A_718 = tpu.vector_load %arg14[%swap3A_716, %swap3A_717] {strides = array<i32>} : memref<4x256xf32, #tpu.memory_space<vmem>>, vector<16xf32>,
        tpu.vector_store %arg14[%swap3A_716, %swap3A_717], %gather3A_714 {strides = array<i32>} : memref<4x256xf32, #tpu.memory_space<vmem>>, vector<16xf32>,
        %broadcast_in_dim3A_719 = arith.constant 1 : i32
        %broadcast_in_dim3A_720 = vector.broadcast %broadcast_in_dim3A_719 : i32 to vector<16xi32>
        %gather3A_721 = tpu.vector_load_idx %arg13[%min3A_711, %broadcast_in_dim3A_720] : memref<5120x4xf32, #tpu.memory_space<vmem>>[vector<16xi32>, vector<16xi32>], vector<16xf32>,
        %swap3A_722 = arith.constant 1 : i32
        %swap3A_723 = arith.index_cast %swap3A_722 : i32 to index
        %swap3A_724 = arith.constant 160 : index
        %swap3A_725 = tpu.vector_load %arg14[%swap3A_723, %swap3A_724] {strides = array<i32>} : memref<4x256xf32, #tpu.memory_space<vmem>>, vector<16xf32>,
        tpu.vector_store %arg14[%swap3A_723, %swap3A_724], %gather3A_721 {strides = array<i32>} : memref<4x256xf32, #tpu.memory_space<vmem>>, vector<16xf32>,
        %broadcast_in_dim3A_726 = arith.constant 2 : i32
        %broadcast_in_dim3A_727 = vector.broadcast %broadcast_in_dim3A_726 : i32 to vector<16xi32>
        %gather3A_728 = tpu.vector_load_idx %arg13[%min3A_711, %broadcast_in_dim3A_727] : memref<5120x4xf32, #tpu.memory_space<vmem>>[vector<16xi32>, vector<16xi32>], vector<16xf32>,
        %swap3A_729 = arith.constant 2 : i32
        %swap3A_730 = arith.index_cast %swap3A_729 : i32 to index
        %swap3A_731 = arith.constant 160 : index
        %swap3A_732 = tpu.vector_load %arg14[%swap3A_730, %swap3A_731] {strides = array<i32>} : memref<4x256xf32, #tpu.memory_space<vmem>>, vector<16xf32>,
        tpu.vector_store %arg14[%swap3A_730, %swap3A_731], %gather3A_728 {strides = array<i32>} : memref<4x256xf32, #tpu.memory_space<vmem>>, vector<16xf32>,
        %broadcast_in_dim3A_733 = arith.constant 3 : i32
        %broadcast_in_dim3A_734 = vector.broadcast %broadcast_in_dim3A_733 : i32 to vector<16xi32>
        %gather3A_735 = tpu.vector_load_idx %arg13[%min3A_711, %broadcast_in_dim3A_734] : memref<5120x4xf32, #tpu.memory_space<vmem>>[vector<16xi32>, vector<16xi32>], vector<16xf32>,
        %swap3A_736 = arith.constant 3 : i32
        %swap3A_737 = arith.index_cast %swap3A_736 : i32 to index
        %swap3A_738 = arith.constant 160 : index
        %swap3A_739 = tpu.vector_load %arg14[%swap3A_737, %swap3A_738] {strides = array<i32>} : memref<4x256xf32, #tpu.memory_space<vmem>>, vector<16xf32>,
        tpu.vector_store %arg14[%swap3A_737, %swap3A_738], %gather3A_735 {strides = array<i32>} : memref<4x256xf32, #tpu.memory_space<vmem>>, vector<16xf32>,
        %get3A_740 = arith.constant 1 : i32
        %get3A_741 = arith.index_cast %get3A_740 : i32 to index
        %get3A_742 = arith.constant 48 : index
        %get3A_743 = tpu.vector_load %arg16[%get3A_741, %get3A_742] {strides = array<i32>} : memref<2x128xi32, #tpu.memory_space<vmem>>, vector<16xi32>,
        %sub3A_744 = vector.broadcast %mul3A_268 : i32 to vector<16xi32>
        %sub3A_745 = arith.subi %get3A_743, %sub3A_744 : vector<16xi32>
        %jit3A_746 = arith.constant 0 : i32
        %jit3A_747 = arith.constant 5119 : i32
        %max3A_748 = vector.broadcast %jit3A_746 : i32 to vector<16xi32>
        %max3A_749 = arith.maxsi %max3A_748, %sub3A_745 : vector<16xi32>
        %min3A_750 = vector.broadcast %jit3A_747 : i32 to vector<16xi32>
        %min3A_751 = arith.minsi %min3A_750, %max3A_749 : vector<16xi32>
        %broadcast_in_dim3A_752 = arith.constant 0 : i32
        %broadcast_in_dim3A_753 = vector.broadcast %broadcast_in_dim3A_752 : i32 to vector<16xi32>
        %gather3A_754 = tpu.vector_load_idx %arg13[%min3A_751, %broadcast_in_dim3A_753] : memref<5120x4xf32, #tpu.memory_space<vmem>>[vector<16xi32>, vector<16xi32>], vector<16xf32>,
        %swap3A_755 = arith.constant 0 : i32
        %swap3A_756 = arith.index_cast %swap3A_755 : i32 to index
        %swap3A_757 = arith.constant 176 : index
        %swap3A_758 = tpu.vector_load %arg14[%swap3A_756, %swap3A_757] {strides = array<i32>} : memref<4x256xf32, #tpu.memory_space<vmem>>, vector<16xf32>,
        tpu.vector_store %arg14[%swap3A_756, %swap3A_757], %gather3A_754 {strides = array<i32>} : memref<4x256xf32, #tpu.memory_space<vmem>>, vector<16xf32>,
        %broadcast_in_dim3A_759 = arith.constant 1 : i32
        %broadcast_in_dim3A_760 = vector.broadcast %broadcast_in_dim3A_759 : i32 to vector<16xi32>
        %gather3A_761 = tpu.vector_load_idx %arg13[%min3A_751, %broadcast_in_dim3A_760] : memref<5120x4xf32, #tpu.memory_space<vmem>>[vector<16xi32>, vector<16xi32>], vector<16xf32>,
        %swap3A_762 = arith.constant 1 : i32
        %swap3A_763 = arith.index_cast %swap3A_762 : i32 to index
        %swap3A_764 = arith.constant 176 : index
        %swap3A_765 = tpu.vector_load %arg14[%swap3A_763, %swap3A_764] {strides = array<i32>} : memref<4x256xf32, #tpu.memory_space<vmem>>, vector<16xf32>,
        tpu.vector_store %arg14[%swap3A_763, %swap3A_764], %gather3A_761 {strides = array<i32>} : memref<4x256xf32, #tpu.memory_space<vmem>>, vector<16xf32>,
        %broadcast_in_dim3A_766 = arith.constant 2 : i32
        %broadcast_in_dim3A_767 = vector.broadcast %broadcast_in_dim3A_766 : i32 to vector<16xi32>
        %gather3A_768 = tpu.vector_load_idx %arg13[%min3A_751, %broadcast_in_dim3A_767] : memref<5120x4xf32, #tpu.memory_space<vmem>>[vector<16xi32>, vector<16xi32>], vector<16xf32>,
        %swap3A_769 = arith.constant 2 : i32
        %swap3A_770 = arith.index_cast %swap3A_769 : i32 to index
        %swap3A_771 = arith.constant 176 : index
        %swap3A_772 = tpu.vector_load %arg14[%swap3A_770, %swap3A_771] {strides = array<i32>} : memref<4x256xf32, #tpu.memory_space<vmem>>, vector<16xf32>,
        tpu.vector_store %arg14[%swap3A_770, %swap3A_771], %gather3A_768 {strides = array<i32>} : memref<4x256xf32, #tpu.memory_space<vmem>>, vector<16xf32>,
        %broadcast_in_dim3A_773 = arith.constant 3 : i32
        %broadcast_in_dim3A_774 = vector.broadcast %broadcast_in_dim3A_773 : i32 to vector<16xi32>
        %gather3A_775 = tpu.vector_load_idx %arg13[%min3A_751, %broadcast_in_dim3A_774] : memref<5120x4xf32, #tpu.memory_space<vmem>>[vector<16xi32>, vector<16xi32>], vector<16xf32>,
        %swap3A_776 = arith.constant 3 : i32
        %swap3A_777 = arith.index_cast %swap3A_776 : i32 to index
        %swap3A_778 = arith.constant 176 : index
        %swap3A_779 = tpu.vector_load %arg14[%swap3A_777, %swap3A_778] {strides = array<i32>} : memref<4x256xf32, #tpu.memory_space<vmem>>, vector<16xf32>,
        tpu.vector_store %arg14[%swap3A_777, %swap3A_778], %gather3A_775 {strides = array<i32>} : memref<4x256xf32, #tpu.memory_space<vmem>>, vector<16xf32>,
        %get3A_780 = arith.constant 1 : i32
        %get3A_781 = arith.index_cast %get3A_780 : i32 to index
        %get3A_782 = arith.constant 64 : index
        %get3A_783 = tpu.vector_load %arg16[%get3A_781, %get3A_782] {strides = array<i32>} : memref<2x128xi32, #tpu.memory_space<vmem>>, vector<16xi32>,
        %sub3A_784 = vector.broadcast %mul3A_268 : i32 to vector<16xi32>
        %sub3A_785 = arith.subi %get3A_783, %sub3A_784 : vector<16xi32>
        %jit3A_786 = arith.constant 0 : i32
        %jit3A_787 = arith.constant 5119 : i32
        %max3A_788 = vector.broadcast %jit3A_786 : i32 to vector<16xi32>
        %max3A_789 = arith.maxsi %max3A_788, %sub3A_785 : vector<16xi32>
        %min3A_790 = vector.broadcast %jit3A_787 : i32 to vector<16xi32>
        %min3A_791 = arith.minsi %min3A_790, %max3A_789 : vector<16xi32>
        %broadcast_in_dim3A_792 = arith.constant 0 : i32
        %broadcast_in_dim3A_793 = vector.broadcast %broadcast_in_dim3A_792 : i32 to vector<16xi32>
        %gather3A_794 = tpu.vector_load_idx %arg13[%min3A_791, %broadcast_in_dim3A_793] : memref<5120x4xf32, #tpu.memory_space<vmem>>[vector<16xi32>, vector<16xi32>], vector<16xf32>,
        %swap3A_795 = arith.constant 0 : i32
        %swap3A_796 = arith.index_cast %swap3A_795 : i32 to index
        %swap3A_797 = arith.constant 192 : index
        %swap3A_798 = tpu.vector_load %arg14[%swap3A_796, %swap3A_797] {strides = array<i32>} : memref<4x256xf32, #tpu.memory_space<vmem>>, vector<16xf32>,
        tpu.vector_store %arg14[%swap3A_796, %swap3A_797], %gather3A_794 {strides = array<i32>} : memref<4x256xf32, #tpu.memory_space<vmem>>, vector<16xf32>,
        %broadcast_in_dim3A_799 = arith.constant 1 : i32
        %broadcast_in_dim3A_800 = vector.broadcast %broadcast_in_dim3A_799 : i32 to vector<16xi32>
        %gather3A_801 = tpu.vector_load_idx %arg13[%min3A_791, %broadcast_in_dim3A_800] : memref<5120x4xf32, #tpu.memory_space<vmem>>[vector<16xi32>, vector<16xi32>], vector<16xf32>,
        %swap3A_802 = arith.constant 1 : i32
        %swap3A_803 = arith.index_cast %swap3A_802 : i32 to index
        %swap3A_804 = arith.constant 192 : index
        %swap3A_805 = tpu.vector_load %arg14[%swap3A_803, %swap3A_804] {strides = array<i32>} : memref<4x256xf32, #tpu.memory_space<vmem>>, vector<16xf32>,
        tpu.vector_store %arg14[%swap3A_803, %swap3A_804], %gather3A_801 {strides = array<i32>} : memref<4x256xf32, #tpu.memory_space<vmem>>, vector<16xf32>,
        %broadcast_in_dim3A_806 = arith.constant 2 : i32
        %broadcast_in_dim3A_807 = vector.broadcast %broadcast_in_dim3A_806 : i32 to vector<16xi32>
        %gather3A_808 = tpu.vector_load_idx %arg13[%min3A_791, %broadcast_in_dim3A_807] : memref<5120x4xf32, #tpu.memory_space<vmem>>[vector<16xi32>, vector<16xi32>], vector<16xf32>,
        %swap3A_809 = arith.constant 2 : i32
        %swap3A_810 = arith.index_cast %swap3A_809 : i32 to index
        %swap3A_811 = arith.constant 192 : index
        %swap3A_812 = tpu.vector_load %arg14[%swap3A_810, %swap3A_811] {strides = array<i32>} : memref<4x256xf32, #tpu.memory_space<vmem>>, vector<16xf32>,
        tpu.vector_store %arg14[%swap3A_810, %swap3A_811], %gather3A_808 {strides = array<i32>} : memref<4x256xf32, #tpu.memory_space<vmem>>, vector<16xf32>,
        %broadcast_in_dim3A_813 = arith.constant 3 : i32
        %broadcast_in_dim3A_814 = vector.broadcast %broadcast_in_dim3A_813 : i32 to vector<16xi32>
        %gather3A_815 = tpu.vector_load_idx %arg13[%min3A_791, %broadcast_in_dim3A_814] : memref<5120x4xf32, #tpu.memory_space<vmem>>[vector<16xi32>, vector<16xi32>], vector<16xf32>,
        %swap3A_816 = arith.constant 3 : i32
        %swap3A_817 = arith.index_cast %swap3A_816 : i32 to index
        %swap3A_818 = arith.constant 192 : index
        %swap3A_819 = tpu.vector_load %arg14[%swap3A_817, %swap3A_818] {strides = array<i32>} : memref<4x256xf32, #tpu.memory_space<vmem>>, vector<16xf32>,
        tpu.vector_store %arg14[%swap3A_817, %swap3A_818], %gather3A_815 {strides = array<i32>} : memref<4x256xf32, #tpu.memory_space<vmem>>, vector<16xf32>,
        %get3A_820 = arith.constant 1 : i32
        %get3A_821 = arith.index_cast %get3A_820 : i32 to index
        %get3A_822 = arith.constant 80 : index
        %get3A_823 = tpu.vector_load %arg16[%get3A_821, %get3A_822] {strides = array<i32>} : memref<2x128xi32, #tpu.memory_space<vmem>>, vector<16xi32>,
        %sub3A_824 = vector.broadcast %mul3A_268 : i32 to vector<16xi32>
        %sub3A_825 = arith.subi %get3A_823, %sub3A_824 : vector<16xi32>
        %jit3A_826 = arith.constant 0 : i32
        %jit3A_827 = arith.constant 5119 : i32
        %max3A_828 = vector.broadcast %jit3A_826 : i32 to vector<16xi32>
        %max3A_829 = arith.maxsi %max3A_828, %sub3A_825 : vector<16xi32>
        %min3A_830 = vector.broadcast %jit3A_827 : i32 to vector<16xi32>
        %min3A_831 = arith.minsi %min3A_830, %max3A_829 : vector<16xi32>
        %broadcast_in_dim3A_832 = arith.constant 0 : i32
        %broadcast_in_dim3A_833 = vector.broadcast %broadcast_in_dim3A_832 : i32 to vector<16xi32>
        %gather3A_834 = tpu.vector_load_idx %arg13[%min3A_831, %broadcast_in_dim3A_833] : memref<5120x4xf32, #tpu.memory_space<vmem>>[vector<16xi32>, vector<16xi32>], vector<16xf32>,
        %swap3A_835 = arith.constant 0 : i32
        %swap3A_836 = arith.index_cast %swap3A_835 : i32 to index
        %swap3A_837 = arith.constant 208 : index
        %swap3A_838 = tpu.vector_load %arg14[%swap3A_836, %swap3A_837] {strides = array<i32>} : memref<4x256xf32, #tpu.memory_space<vmem>>, vector<16xf32>,
        tpu.vector_store %arg14[%swap3A_836, %swap3A_837], %gather3A_834 {strides = array<i32>} : memref<4x256xf32, #tpu.memory_space<vmem>>, vector<16xf32>,
        %broadcast_in_dim3A_839 = arith.constant 1 : i32
        %broadcast_in_dim3A_840 = vector.broadcast %broadcast_in_dim3A_839 : i32 to vector<16xi32>
        %gather3A_841 = tpu.vector_load_idx %arg13[%min3A_831, %broadcast_in_dim3A_840] : memref<5120x4xf32, #tpu.memory_space<vmem>>[vector<16xi32>, vector<16xi32>], vector<16xf32>,
        %swap3A_842 = arith.constant 1 : i32
        %swap3A_843 = arith.index_cast %swap3A_842 : i32 to index
        %swap3A_844 = arith.constant 208 : index
        %swap3A_845 = tpu.vector_load %arg14[%swap3A_843, %swap3A_844] {strides = array<i32>} : memref<4x256xf32, #tpu.memory_space<vmem>>, vector<16xf32>,
        tpu.vector_store %arg14[%swap3A_843, %swap3A_844], %gather3A_841 {strides = array<i32>} : memref<4x256xf32, #tpu.memory_space<vmem>>, vector<16xf32>,
        %broadcast_in_dim3A_846 = arith.constant 2 : i32
        %broadcast_in_dim3A_847 = vector.broadcast %broadcast_in_dim3A_846 : i32 to vector<16xi32>
        %gather3A_848 = tpu.vector_load_idx %arg13[%min3A_831, %broadcast_in_dim3A_847] : memref<5120x4xf32, #tpu.memory_space<vmem>>[vector<16xi32>, vector<16xi32>], vector<16xf32>,
        %swap3A_849 = arith.constant 2 : i32
        %swap3A_850 = arith.index_cast %swap3A_849 : i32 to index
        %swap3A_851 = arith.constant 208 : index
        %swap3A_852 = tpu.vector_load %arg14[%swap3A_850, %swap3A_851] {strides = array<i32>} : memref<4x256xf32, #tpu.memory_space<vmem>>, vector<16xf32>,
        tpu.vector_store %arg14[%swap3A_850, %swap3A_851], %gather3A_848 {strides = array<i32>} : memref<4x256xf32, #tpu.memory_space<vmem>>, vector<16xf32>,
        %broadcast_in_dim3A_853 = arith.constant 3 : i32
        %broadcast_in_dim3A_854 = vector.broadcast %broadcast_in_dim3A_853 : i32 to vector<16xi32>
        %gather3A_855 = tpu.vector_load_idx %arg13[%min3A_831, %broadcast_in_dim3A_854] : memref<5120x4xf32, #tpu.memory_space<vmem>>[vector<16xi32>, vector<16xi32>], vector<16xf32>,
        %swap3A_856 = arith.constant 3 : i32
        %swap3A_857 = arith.index_cast %swap3A_856 : i32 to index
        %swap3A_858 = arith.constant 208 : index
        %swap3A_859 = tpu.vector_load %arg14[%swap3A_857, %swap3A_858] {strides = array<i32>} : memref<4x256xf32, #tpu.memory_space<vmem>>, vector<16xf32>,
        tpu.vector_store %arg14[%swap3A_857, %swap3A_858], %gather3A_855 {strides = array<i32>} : memref<4x256xf32, #tpu.memory_space<vmem>>, vector<16xf32>,
        %get3A_860 = arith.constant 1 : i32
        %get3A_861 = arith.index_cast %get3A_860 : i32 to index
        %get3A_862 = arith.constant 96 : index
        %get3A_863 = tpu.vector_load %arg16[%get3A_861, %get3A_862] {strides = array<i32>} : memref<2x128xi32, #tpu.memory_space<vmem>>, vector<16xi32>,
        %sub3A_864 = vector.broadcast %mul3A_268 : i32 to vector<16xi32>
        %sub3A_865 = arith.subi %get3A_863, %sub3A_864 : vector<16xi32>
        %jit3A_866 = arith.constant 0 : i32
        %jit3A_867 = arith.constant 5119 : i32
        %max3A_868 = vector.broadcast %jit3A_866 : i32 to vector<16xi32>
        %max3A_869 = arith.maxsi %max3A_868, %sub3A_865 : vector<16xi32>
        %min3A_870 = vector.broadcast %jit3A_867 : i32 to vector<16xi32>
        %min3A_871 = arith.minsi %min3A_870, %max3A_869 : vector<16xi32>
        %broadcast_in_dim3A_872 = arith.constant 0 : i32
        %broadcast_in_dim3A_873 = vector.broadcast %broadcast_in_dim3A_872 : i32 to vector<16xi32>
        %gather3A_874 = tpu.vector_load_idx %arg13[%min3A_871, %broadcast_in_dim3A_873] : memref<5120x4xf32, #tpu.memory_space<vmem>>[vector<16xi32>, vector<16xi32>], vector<16xf32>,
        %swap3A_875 = arith.constant 0 : i32
        %swap3A_876 = arith.index_cast %swap3A_875 : i32 to index
        %swap3A_877 = arith.constant 224 : index
        %swap3A_878 = tpu.vector_load %arg14[%swap3A_876, %swap3A_877] {strides = array<i32>} : memref<4x256xf32, #tpu.memory_space<vmem>>, vector<16xf32>,
        tpu.vector_store %arg14[%swap3A_876, %swap3A_877], %gather3A_874 {strides = array<i32>} : memref<4x256xf32, #tpu.memory_space<vmem>>, vector<16xf32>,
        %broadcast_in_dim3A_879 = arith.constant 1 : i32
        %broadcast_in_dim3A_880 = vector.broadcast %broadcast_in_dim3A_879 : i32 to vector<16xi32>
        %gather3A_881 = tpu.vector_load_idx %arg13[%min3A_871, %broadcast_in_dim3A_880] : memref<5120x4xf32, #tpu.memory_space<vmem>>[vector<16xi32>, vector<16xi32>], vector<16xf32>,
        %swap3A_882 = arith.constant 1 : i32
        %swap3A_883 = arith.index_cast %swap3A_882 : i32 to index
        %swap3A_884 = arith.constant 224 : index
        %swap3A_885 = tpu.vector_load %arg14[%swap3A_883, %swap3A_884] {strides = array<i32>} : memref<4x256xf32, #tpu.memory_space<vmem>>, vector<16xf32>,
        tpu.vector_store %arg14[%swap3A_883, %swap3A_884], %gather3A_881 {strides = array<i32>} : memref<4x256xf32, #tpu.memory_space<vmem>>, vector<16xf32>,
        %broadcast_in_dim3A_886 = arith.constant 2 : i32
        %broadcast_in_dim3A_887 = vector.broadcast %broadcast_in_dim3A_886 : i32 to vector<16xi32>
        %gather3A_888 = tpu.vector_load_idx %arg13[%min3A_871, %broadcast_in_dim3A_887] : memref<5120x4xf32, #tpu.memory_space<vmem>>[vector<16xi32>, vector<16xi32>], vector<16xf32>,
        %swap3A_889 = arith.constant 2 : i32
        %swap3A_890 = arith.index_cast %swap3A_889 : i32 to index
        %swap3A_891 = arith.constant 224 : index
        %swap3A_892 = tpu.vector_load %arg14[%swap3A_890, %swap3A_891] {strides = array<i32>} : memref<4x256xf32, #tpu.memory_space<vmem>>, vector<16xf32>,
        tpu.vector_store %arg14[%swap3A_890, %swap3A_891], %gather3A_888 {strides = array<i32>} : memref<4x256xf32, #tpu.memory_space<vmem>>, vector<16xf32>,
        %broadcast_in_dim3A_893 = arith.constant 3 : i32
        %broadcast_in_dim3A_894 = vector.broadcast %broadcast_in_dim3A_893 : i32 to vector<16xi32>
        %gather3A_895 = tpu.vector_load_idx %arg13[%min3A_871, %broadcast_in_dim3A_894] : memref<5120x4xf32, #tpu.memory_space<vmem>>[vector<16xi32>, vector<16xi32>], vector<16xf32>,
        %swap3A_896 = arith.constant 3 : i32
        %swap3A_897 = arith.index_cast %swap3A_896 : i32 to index
        %swap3A_898 = arith.constant 224 : index
        %swap3A_899 = tpu.vector_load %arg14[%swap3A_897, %swap3A_898] {strides = array<i32>} : memref<4x256xf32, #tpu.memory_space<vmem>>, vector<16xf32>,
        tpu.vector_store %arg14[%swap3A_897, %swap3A_898], %gather3A_895 {strides = array<i32>} : memref<4x256xf32, #tpu.memory_space<vmem>>, vector<16xf32>,
        %get3A_900 = arith.constant 1 : i32
        %get3A_901 = arith.index_cast %get3A_900 : i32 to index
        %get3A_902 = arith.constant 112 : index
        %get3A_903 = tpu.vector_load %arg16[%get3A_901, %get3A_902] {strides = array<i32>} : memref<2x128xi32, #tpu.memory_space<vmem>>, vector<16xi32>,
        %sub3A_904 = vector.broadcast %mul3A_268 : i32 to vector<16xi32>
        %sub3A_905 = arith.subi %get3A_903, %sub3A_904 : vector<16xi32>
        %jit3A_906 = arith.constant 0 : i32
        %jit3A_907 = arith.constant 5119 : i32
        %max3A_908 = vector.broadcast %jit3A_906 : i32 to vector<16xi32>
        %max3A_909 = arith.maxsi %max3A_908, %sub3A_905 : vector<16xi32>
        %min3A_910 = vector.broadcast %jit3A_907 : i32 to vector<16xi32>
        %min3A_911 = arith.minsi %min3A_910, %max3A_909 : vector<16xi32>
        %broadcast_in_dim3A_912 = arith.constant 0 : i32
        %broadcast_in_dim3A_913 = vector.broadcast %broadcast_in_dim3A_912 : i32 to vector<16xi32>
        %gather3A_914 = tpu.vector_load_idx %arg13[%min3A_911, %broadcast_in_dim3A_913] : memref<5120x4xf32, #tpu.memory_space<vmem>>[vector<16xi32>, vector<16xi32>], vector<16xf32>,
        %swap3A_915 = arith.constant 0 : i32
        %swap3A_916 = arith.index_cast %swap3A_915 : i32 to index
        %swap3A_917 = arith.constant 240 : index
        %swap3A_918 = tpu.vector_load %arg14[%swap3A_916, %swap3A_917] {strides = array<i32>} : memref<4x256xf32, #tpu.memory_space<vmem>>, vector<16xf32>,
        tpu.vector_store %arg14[%swap3A_916, %swap3A_917], %gather3A_914 {strides = array<i32>} : memref<4x256xf32, #tpu.memory_space<vmem>>, vector<16xf32>,
        %broadcast_in_dim3A_919 = arith.constant 1 : i32
        %broadcast_in_dim3A_920 = vector.broadcast %broadcast_in_dim3A_919 : i32 to vector<16xi32>
        %gather3A_921 = tpu.vector_load_idx %arg13[%min3A_911, %broadcast_in_dim3A_920] : memref<5120x4xf32, #tpu.memory_space<vmem>>[vector<16xi32>, vector<16xi32>], vector<16xf32>,
        %swap3A_922 = arith.constant 1 : i32
        %swap3A_923 = arith.index_cast %swap3A_922 : i32 to index
        %swap3A_924 = arith.constant 240 : index
        %swap3A_925 = tpu.vector_load %arg14[%swap3A_923, %swap3A_924] {strides = array<i32>} : memref<4x256xf32, #tpu.memory_space<vmem>>, vector<16xf32>,
        tpu.vector_store %arg14[%swap3A_923, %swap3A_924], %gather3A_921 {strides = array<i32>} : memref<4x256xf32, #tpu.memory_space<vmem>>, vector<16xf32>,
        %broadcast_in_dim3A_926 = arith.constant 2 : i32
        %broadcast_in_dim3A_927 = vector.broadcast %broadcast_in_dim3A_926 : i32 to vector<16xi32>
        %gather3A_928 = tpu.vector_load_idx %arg13[%min3A_911, %broadcast_in_dim3A_927] : memref<5120x4xf32, #tpu.memory_space<vmem>>[vector<16xi32>, vector<16xi32>], vector<16xf32>,
        %swap3A_929 = arith.constant 2 : i32
        %swap3A_930 = arith.index_cast %swap3A_929 : i32 to index
        %swap3A_931 = arith.constant 240 : index
        %swap3A_932 = tpu.vector_load %arg14[%swap3A_930, %swap3A_931] {strides = array<i32>} : memref<4x256xf32, #tpu.memory_space<vmem>>, vector<16xf32>,
        tpu.vector_store %arg14[%swap3A_930, %swap3A_931], %gather3A_928 {strides = array<i32>} : memref<4x256xf32, #tpu.memory_space<vmem>>, vector<16xf32>,
        %broadcast_in_dim3A_933 = arith.constant 3 : i32
        %broadcast_in_dim3A_934 = vector.broadcast %broadcast_in_dim3A_933 : i32 to vector<16xi32>
        %gather3A_935 = tpu.vector_load_idx %arg13[%min3A_911, %broadcast_in_dim3A_934] : memref<5120x4xf32, #tpu.memory_space<vmem>>[vector<16xi32>, vector<16xi32>], vector<16xf32>,
        %swap3A_936 = arith.constant 3 : i32
        %swap3A_937 = arith.index_cast %swap3A_936 : i32 to index
        %swap3A_938 = arith.constant 240 : index
        %swap3A_939 = tpu.vector_load %arg14[%swap3A_937, %swap3A_938] {strides = array<i32>} : memref<4x256xf32, #tpu.memory_space<vmem>>, vector<16xf32>,
        tpu.vector_store %arg14[%swap3A_937, %swap3A_938], %gather3A_935 {strides = array<i32>} : memref<4x256xf32, #tpu.memory_space<vmem>>, vector<16xf32>,
        "tpu.region"() ({
          %run_scoped3A = tpu.sem_alloc : memref<!tpu.dma_semaphore, #tpu.memory_space<semaphore_mem>>
          %dma_start3A = arith.constant 0 : i32
          %dma_start3A_940 = arith.constant 0 : i32
          %dma_start3A_941 = tpu.memref_slice %arg6[%add3A_11, %dma_start3A, %dma_start3A_940] : memref<8x2x128xf32, #tpu.memory_space<hbm>> -> memref<1x2x128xf32, #tpu.memory_space<hbm>>
          %dma_start3A_942 = tpu.memref_squeeze %dma_start3A_941 : memref<1x2x128xf32, #tpu.memory_space<hbm>> -> memref<2x128xf32, #tpu.memory_space<hbm>>
          %dma_start3A_943 = arith.constant 0 : i32
          %dma_start3A_944 = arith.constant 0 : i32
          %dma_start3A_945 = tpu.memref_slice %arg6[%add3A_11, %dma_start3A_943, %dma_start3A_944] : memref<8x2x128xf32, #tpu.memory_space<hbm>> -> memref<1x2x128xf32, #tpu.memory_space<hbm>>
          %dma_start3A_946 = tpu.memref_squeeze %dma_start3A_945 : memref<1x2x128xf32, #tpu.memory_space<hbm>> -> memref<2x128xf32, #tpu.memory_space<hbm>>
          tpu.enqueue_dma source(%arg11 : memref<2x128xf32, #tpu.memory_space<vmem>>) target(%dma_start3A_946 : memref<2x128xf32, #tpu.memory_space<hbm>>) target_semaphore(%run_scoped3A : memref<!tpu.dma_semaphore, #tpu.memory_space<semaphore_mem>>)
          %dma_wait3A = arith.constant 0 : i32
          %dma_wait3A_947 = arith.constant 0 : i32
          %dma_wait3A_948 = tpu.memref_slice %arg6[%add3A_11, %dma_wait3A, %dma_wait3A_947] : memref<8x2x128xf32, #tpu.memory_space<hbm>> -> memref<1x2x128xf32, #tpu.memory_space<hbm>>
          %dma_wait3A_949 = tpu.memref_squeeze %dma_wait3A_948 : memref<1x2x128xf32, #tpu.memory_space<hbm>> -> memref<2x128xf32, #tpu.memory_space<hbm>>
          %dma_wait3A_950 = arith.constant 0 : i32
          %dma_wait3A_951 = arith.constant 0 : i32
          %dma_wait3A_952 = tpu.memref_slice %arg6[%add3A_11, %dma_wait3A_950, %dma_wait3A_951] : memref<8x2x128xf32, #tpu.memory_space<hbm>> -> memref<1x2x128xf32, #tpu.memory_space<hbm>>
          %dma_wait3A_953 = tpu.memref_squeeze %dma_wait3A_952 : memref<1x2x128xf32, #tpu.memory_space<hbm>> -> memref<2x128xf32, #tpu.memory_space<hbm>>
          tpu.wait_dma2 semaphore(%run_scoped3A : memref<!tpu.dma_semaphore, #tpu.memory_space<semaphore_mem>>) src(%arg11 : memref<2x128xf32, #tpu.memory_space<vmem>>) dst(%dma_wait3A_953 : memref<2x128xf32, #tpu.memory_space<hbm>>)
          tpu.yield
        }) : () -> ()
        "tpu.region"() ({
          %run_scoped3A = tpu.sem_alloc : memref<!tpu.dma_semaphore, #tpu.memory_space<semaphore_mem>>
          %dma_start3A = arith.constant 0 : i32
          %dma_start3A_940 = arith.constant 0 : i32
          %dma_start3A_941 = tpu.memref_slice %arg7[%add3A_11, %dma_start3A, %dma_start3A_940] : memref<8x2x128xi32, #tpu.memory_space<hbm>> -> memref<1x2x128xi32, #tpu.memory_space<hbm>>
          %dma_start3A_942 = tpu.memref_squeeze %dma_start3A_941 : memref<1x2x128xi32, #tpu.memory_space<hbm>> -> memref<2x128xi32, #tpu.memory_space<hbm>>
          %dma_start3A_943 = arith.constant 0 : i32
          %dma_start3A_944 = arith.constant 0 : i32
          %dma_start3A_945 = tpu.memref_slice %arg7[%add3A_11, %dma_start3A_943, %dma_start3A_944] : memref<8x2x128xi32, #tpu.memory_space<hbm>> -> memref<1x2x128xi32, #tpu.memory_space<hbm>>
          %dma_start3A_946 = tpu.memref_squeeze %dma_start3A_945 : memref<1x2x128xi32, #tpu.memory_space<hbm>> -> memref<2x128xi32, #tpu.memory_space<hbm>>
          tpu.enqueue_dma source(%arg12 : memref<2x128xi32, #tpu.memory_space<vmem>>) target(%dma_start3A_946 : memref<2x128xi32, #tpu.memory_space<hbm>>) target_semaphore(%run_scoped3A : memref<!tpu.dma_semaphore, #tpu.memory_space<semaphore_mem>>)
          %dma_wait3A = arith.constant 0 : i32
          %dma_wait3A_947 = arith.constant 0 : i32
          %dma_wait3A_948 = tpu.memref_slice %arg7[%add3A_11, %dma_wait3A, %dma_wait3A_947] : memref<8x2x128xi32, #tpu.memory_space<hbm>> -> memref<1x2x128xi32, #tpu.memory_space<hbm>>
          %dma_wait3A_949 = tpu.memref_squeeze %dma_wait3A_948 : memref<1x2x128xi32, #tpu.memory_space<hbm>> -> memref<2x128xi32, #tpu.memory_space<hbm>>
          %dma_wait3A_950 = arith.constant 0 : i32
          %dma_wait3A_951 = arith.constant 0 : i32
          %dma_wait3A_952 = tpu.memref_slice %arg7[%add3A_11, %dma_wait3A_950, %dma_wait3A_951] : memref<8x2x128xi32, #tpu.memory_space<hbm>> -> memref<1x2x128xi32, #tpu.memory_space<hbm>>
          %dma_wait3A_953 = tpu.memref_squeeze %dma_wait3A_952 : memref<1x2x128xi32, #tpu.memory_space<hbm>> -> memref<2x128xi32, #tpu.memory_space<hbm>>
          tpu.wait_dma2 semaphore(%run_scoped3A : memref<!tpu.dma_semaphore, #tpu.memory_space<semaphore_mem>>) src(%arg12 : memref<2x128xi32, #tpu.memory_space<vmem>>) dst(%dma_wait3A_953 : memref<2x128xi32, #tpu.memory_space<hbm>>)
          tpu.yield
        }) : () -> ()
        "tpu.region"() ({
          %run_scoped3A = tpu.sem_alloc : memref<!tpu.dma_semaphore, #tpu.memory_space<semaphore_mem>>
          %dma_start3A = arith.constant 0 : i32
          %dma_start3A_940 = arith.constant 0 : i32
          %dma_start3A_941 = tpu.memref_slice %arg8[%add3A_11, %dma_start3A, %dma_start3A_940] : memref<8x4x256xf32, #tpu.memory_space<hbm>> -> memref<1x4x256xf32, #tpu.memory_space<hbm>>
          %dma_start3A_942 = tpu.memref_squeeze %dma_start3A_941 : memref<1x4x256xf32, #tpu.memory_space<hbm>> -> memref<4x256xf32, #tpu.memory_space<hbm>>
          %dma_start3A_943 = arith.constant 0 : i32
          %dma_start3A_944 = arith.constant 0 : i32
          %dma_start3A_945 = tpu.memref_slice %arg8[%add3A_11, %dma_start3A_943, %dma_start3A_944] : memref<8x4x256xf32, #tpu.memory_space<hbm>> -> memref<1x4x256xf32, #tpu.memory_space<hbm>>
          %dma_start3A_946 = tpu.memref_squeeze %dma_start3A_945 : memref<1x4x256xf32, #tpu.memory_space<hbm>> -> memref<4x256xf32, #tpu.memory_space<hbm>>
          tpu.enqueue_dma source(%arg14 : memref<4x256xf32, #tpu.memory_space<vmem>>) target(%dma_start3A_946 : memref<4x256xf32, #tpu.memory_space<hbm>>) target_semaphore(%run_scoped3A : memref<!tpu.dma_semaphore, #tpu.memory_space<semaphore_mem>>)
          %dma_wait3A = arith.constant 0 : i32
          %dma_wait3A_947 = arith.constant 0 : i32
          %dma_wait3A_948 = tpu.memref_slice %arg8[%add3A_11, %dma_wait3A, %dma_wait3A_947] : memref<8x4x256xf32, #tpu.memory_space<hbm>> -> memref<1x4x256xf32, #tpu.memory_space<hbm>>
          %dma_wait3A_949 = tpu.memref_squeeze %dma_wait3A_948 : memref<1x4x256xf32, #tpu.memory_space<hbm>> -> memref<4x256xf32, #tpu.memory_space<hbm>>
          %dma_wait3A_950 = arith.constant 0 : i32
          %dma_wait3A_951 = arith.constant 0 : i32
          %dma_wait3A_952 = tpu.memref_slice %arg8[%add3A_11, %dma_wait3A_950, %dma_wait3A_951] : memref<8x4x256xf32, #tpu.memory_space<hbm>> -> memref<1x4x256xf32, #tpu.memory_space<hbm>>
          %dma_wait3A_953 = tpu.memref_squeeze %dma_wait3A_952 : memref<1x4x256xf32, #tpu.memory_space<hbm>> -> memref<4x256xf32, #tpu.memory_space<hbm>>
          tpu.wait_dma2 semaphore(%run_scoped3A : memref<!tpu.dma_semaphore, #tpu.memory_space<semaphore_mem>>) src(%arg14 : memref<4x256xf32, #tpu.memory_space<vmem>>) dst(%dma_wait3A_953 : memref<4x256xf32, #tpu.memory_space<hbm>>)
          tpu.yield
        }) : () -> ()
      } else {
      }
      %scan3A_17 = arith.constant 0 : i32
      %scan3A_18 = arith.constant 1 : i32
    } else {
    }
    return
  }
}

module attributes {stable_mosaic.version = 14 : i64} {
  func.func @_tc_a_body(%arg0: i32, %arg1: memref<1x80x5120xi32, #tpu.memory_space<vmem>>, %arg2: memref<1x80x5120xi32, #tpu.memory_space<vmem>>) attributes {dimension_semantics = [#tpu.dimension_semantics<arbitrary>], iteration_bounds = array<i64: 8>, scalar_prefetch = 0 : i64, scratch_operands = 0 : i64, tpu.core_type = #tpu.core_type<tc>, window_params = [{transform_indices = @transform_0, window_bounds = array<i64: 1, 80, 5120>}, {transform_indices = @transform_1, window_bounds = array<i64: 1, 80, 5120>}]} {
    %get3A = arith.constant 0 : index
    %get3A_0 = arith.constant 0 : index
    %get3A_1 = arith.constant 0 : index
    %get3A_2 = vector.load %arg1[%get3A, %get3A_0, %get3A_1] : memref<1x80x5120xi32, #tpu.memory_space<vmem>>, vector<1x80x5120xi32>
    %get3A_3 = vector.shape_cast %get3A_2 : vector<1x80x5120xi32> to vector<80x5120xi32>
    %broadcast_in_dim3A = arith.constant 0 : i32
    %broadcast_in_dim3A_4 = vector.broadcast %broadcast_in_dim3A : i32 to vector<80x1xi32>
    %broadcast_in_dim3A_5 = arith.constant 1065353216 : i32
    %broadcast_in_dim3A_6 = vector.broadcast %broadcast_in_dim3A_5 : i32 to vector<80x1xi32>
    %scan3A = arith.constant 0 : i32
    %scan3A_7 = arith.constant 31 : i32
    %scan3A_8 = arith.addi %scan3A, %scan3A_7 : i32
    %scan3A_9 = arith.constant 1 : i32
    %scan3A_10:2 = scf.for %scan3A_59 = %scan3A to %scan3A_8 step %scan3A_9 iter_args(%scan3A_60 = %broadcast_in_dim3A_4, %scan3A_61 = %broadcast_in_dim3A_6) -> (vector<80x1xi32>, vector<80x1xi32>)  : i32 {
      %add3A_62 = arith.addi %scan3A_60, %scan3A_61 : vector<80x1xi32>
      %add3A_63 = arith.constant 1 : i32
      %add3A_64 = vector.broadcast %add3A_63 : i32 to vector<80x1xi32>
      %add3A_65 = arith.addi %add3A_62, %add3A_64 : vector<80x1xi32>
      %jit3A_66 = arith.constant 2 : i32
      %div3A = vector.broadcast %jit3A_66 : i32 to vector<80x1xi32>
      %div3A_67 = arith.divsi %add3A_65, %div3A : vector<80x1xi32>
      %sign3A = arith.constant 0 : i32
      %sign3A_68 = vector.broadcast %sign3A : i32 to vector<80x1xi32>
      %sign3A_69 = arith.cmpi sgt, %add3A_65, %sign3A_68 : vector<80x1xi32>
      %sign3A_70 = arith.extui %sign3A_69 : vector<80x1xi1> to vector<80x1xi32>
      %sign3A_71 = arith.constant 0 : i32
      %sign3A_72 = vector.broadcast %sign3A_71 : i32 to vector<80x1xi32>
      %sign3A_73 = arith.cmpi slt, %add3A_65, %sign3A_72 : vector<80x1xi32>
      %sign3A_74 = arith.extui %sign3A_73 : vector<80x1xi1> to vector<80x1xi32>
      %sign3A_75 = arith.subi %sign3A_70, %sign3A_74 : vector<80x1xi32>
      %sign3A_76 = arith.constant 0 : i32
      %sign3A_77 = arith.cmpi sgt, %jit3A_66, %sign3A_76 : i32
      %sign3A_78 = arith.extui %sign3A_77 : i1 to i32
      %sign3A_79 = arith.constant 0 : i32
      %sign3A_80 = arith.cmpi slt, %jit3A_66, %sign3A_79 : i32
      %sign3A_81 = arith.extui %sign3A_80 : i1 to i32
      %sign3A_82 = arith.subi %sign3A_78, %sign3A_81 : i32
      %ne3A = vector.broadcast %sign3A_82 : i32 to vector<80x1xi32>
      %ne3A_83 = arith.cmpi ne, %sign3A_75, %ne3A : vector<80x1xi32>
      %rem3A = vector.broadcast %jit3A_66 : i32 to vector<80x1xi32>
      %rem3A_84 = arith.remsi %add3A_65, %rem3A : vector<80x1xi32>
      %ne3A_85 = arith.constant 0 : i32
      %ne3A_86 = vector.broadcast %ne3A_85 : i32 to vector<80x1xi32>
      %ne3A_87 = arith.cmpi ne, %rem3A_84, %ne3A_86 : vector<80x1xi32>
      %and3A_88 = arith.andi %ne3A_83, %ne3A_87 : vector<80x1xi1>
      %sub3A_89 = arith.constant 1 : i32
      %sub3A_90 = vector.broadcast %sub3A_89 : i32 to vector<80x1xi32>
      %sub3A_91 = arith.subi %div3A_67, %sub3A_90 : vector<80x1xi32>
      %select_n3A_92 = arith.select %and3A_88, %sub3A_91, %div3A_67 : vector<80x1xi1>, vector<80x1xi32>
      %ge3A = vector.broadcast %select_n3A_92 : vector<80x1xi32> to vector<80x5120xi32>
      %ge3A_93 = arith.cmpi sge, %get3A_3, %ge3A : vector<80x5120xi32>
      %convert_element_type3A_94 = arith.extui %ge3A_93 : vector<80x5120xi1> to vector<80x5120xi32>
      %convert_element_type3A_95 = arith.sitofp %convert_element_type3A_94 : vector<80x5120xi32> to vector<80x5120xf32>
      %reduce_sum3A_96 = arith.constant dense<0.000000e+00> : vector<80xf32>
      %reduce_sum3A_97 = vector.multi_reduction <add>, %convert_element_type3A_95, %reduce_sum3A_96 [1] : vector<80x5120xf32> to vector<80xf32>
      %broadcast_in_dim3A_98 = vector.shape_cast %reduce_sum3A_97 : vector<80xf32> to vector<80x1xf32>
      %ge3A_99 = arith.constant 3.000000e+02 : f32
      %ge3A_100 = vector.broadcast %ge3A_99 : f32 to vector<80x1xf32>
      %ge3A_101 = arith.cmpf oge, %broadcast_in_dim3A_98, %ge3A_100 : vector<80x1xf32>
      %select_n3A_102 = arith.select %ge3A_101, %select_n3A_92, %scan3A_60 : vector<80x1xi1>, vector<80x1xi32>
      %sub3A_103 = arith.constant 1 : i32
      %sub3A_104 = vector.broadcast %sub3A_103 : i32 to vector<80x1xi32>
      %sub3A_105 = arith.subi %select_n3A_92, %sub3A_104 : vector<80x1xi32>
      %select_n3A_106 = arith.select %ge3A_101, %scan3A_61, %sub3A_105 : vector<80x1xi1>, vector<80x1xi32>
      scf.yield %select_n3A_102, %select_n3A_106 : vector<80x1xi32>, vector<80x1xi32>
    }
    %gt3A = vector.broadcast %scan3A_10#0 : vector<80x1xi32> to vector<80x5120xi32>
    %gt3A_11 = arith.cmpi sgt, %get3A_3, %gt3A : vector<80x5120xi32>
    %convert_element_type3A = arith.extui %gt3A_11 : vector<80x5120xi1> to vector<80x5120xi32>
    %convert_element_type3A_12 = arith.sitofp %convert_element_type3A : vector<80x5120xi32> to vector<80x5120xf32>
    %reduce_sum3A = arith.constant dense<0.000000e+00> : vector<80xf32>
    %reduce_sum3A_13 = vector.multi_reduction <add>, %convert_element_type3A_12, %reduce_sum3A [1] : vector<80x5120xf32> to vector<80xf32>
    %broadcast_in_dim3A_14 = vector.shape_cast %reduce_sum3A_13 : vector<80xf32> to vector<80x1xf32>
    %sub3A = arith.constant 3.000000e+02 : f32
    %sub3A_15 = vector.broadcast %sub3A : f32 to vector<80x1xf32>
    %sub3A_16 = arith.subf %sub3A_15, %broadcast_in_dim3A_14 : vector<80x1xf32>
    %eq3A = vector.broadcast %scan3A_10#0 : vector<80x1xi32> to vector<80x5120xi32>
    %eq3A_17 = arith.cmpi eq, %get3A_3, %eq3A : vector<80x5120xi32>
    %iota3A = tpu.iota {dimensions = array<i32: 1>} : vector<80x5120xi32>
    %broadcast_in_dim3A_18 = arith.constant 0 : i32
    %broadcast_in_dim3A_19 = vector.broadcast %broadcast_in_dim3A_18 : i32 to vector<80x1xi32>
    %broadcast_in_dim3A_20 = arith.constant 5120 : i32
    %broadcast_in_dim3A_21 = vector.broadcast %broadcast_in_dim3A_20 : i32 to vector<80x1xi32>
    %scan3A_22 = arith.constant 0 : i32
    %scan3A_23 = arith.constant 15 : i32
    %scan3A_24 = arith.addi %scan3A_22, %scan3A_23 : i32
    %scan3A_25 = arith.constant 1 : i32
    %scan3A_26:2 = scf.for %scan3A_59 = %scan3A_22 to %scan3A_24 step %scan3A_25 iter_args(%scan3A_60 = %broadcast_in_dim3A_19, %scan3A_61 = %broadcast_in_dim3A_21) -> (vector<80x1xi32>, vector<80x1xi32>)  : i32 {
      %add3A_62 = arith.addi %scan3A_60, %scan3A_61 : vector<80x1xi32>
      %jit3A_63 = arith.constant 2 : i32
      %div3A = vector.broadcast %jit3A_63 : i32 to vector<80x1xi32>
      %div3A_64 = arith.divsi %add3A_62, %div3A : vector<80x1xi32>
      %sign3A = arith.constant 0 : i32
      %sign3A_65 = vector.broadcast %sign3A : i32 to vector<80x1xi32>
      %sign3A_66 = arith.cmpi sgt, %add3A_62, %sign3A_65 : vector<80x1xi32>
      %sign3A_67 = arith.extui %sign3A_66 : vector<80x1xi1> to vector<80x1xi32>
      %sign3A_68 = arith.constant 0 : i32
      %sign3A_69 = vector.broadcast %sign3A_68 : i32 to vector<80x1xi32>
      %sign3A_70 = arith.cmpi slt, %add3A_62, %sign3A_69 : vector<80x1xi32>
      %sign3A_71 = arith.extui %sign3A_70 : vector<80x1xi1> to vector<80x1xi32>
      %sign3A_72 = arith.subi %sign3A_67, %sign3A_71 : vector<80x1xi32>
      %sign3A_73 = arith.constant 0 : i32
      %sign3A_74 = arith.cmpi sgt, %jit3A_63, %sign3A_73 : i32
      %sign3A_75 = arith.extui %sign3A_74 : i1 to i32
      %sign3A_76 = arith.constant 0 : i32
      %sign3A_77 = arith.cmpi slt, %jit3A_63, %sign3A_76 : i32
      %sign3A_78 = arith.extui %sign3A_77 : i1 to i32
      %sign3A_79 = arith.subi %sign3A_75, %sign3A_78 : i32
      %ne3A = vector.broadcast %sign3A_79 : i32 to vector<80x1xi32>
      %ne3A_80 = arith.cmpi ne, %sign3A_72, %ne3A : vector<80x1xi32>
      %rem3A = vector.broadcast %jit3A_63 : i32 to vector<80x1xi32>
      %rem3A_81 = arith.remsi %add3A_62, %rem3A : vector<80x1xi32>
      %ne3A_82 = arith.constant 0 : i32
      %ne3A_83 = vector.broadcast %ne3A_82 : i32 to vector<80x1xi32>
      %ne3A_84 = arith.cmpi ne, %rem3A_81, %ne3A_83 : vector<80x1xi32>
      %and3A_85 = arith.andi %ne3A_80, %ne3A_84 : vector<80x1xi1>
      %sub3A_86 = arith.constant 1 : i32
      %sub3A_87 = vector.broadcast %sub3A_86 : i32 to vector<80x1xi32>
      %sub3A_88 = arith.subi %div3A_64, %sub3A_87 : vector<80x1xi32>
      %select_n3A_89 = arith.select %and3A_85, %sub3A_88, %div3A_64 : vector<80x1xi1>, vector<80x1xi32>
      %lt3A_90 = vector.broadcast %select_n3A_89 : vector<80x1xi32> to vector<80x5120xi32>
      %lt3A_91 = arith.cmpi slt, %iota3A, %lt3A_90 : vector<80x5120xi32>
      %and3A_92 = arith.andi %eq3A_17, %lt3A_91 : vector<80x5120xi1>
      %convert_element_type3A_93 = arith.extui %and3A_92 : vector<80x5120xi1> to vector<80x5120xi32>
      %convert_element_type3A_94 = arith.sitofp %convert_element_type3A_93 : vector<80x5120xi32> to vector<80x5120xf32>
      %reduce_sum3A_95 = arith.constant dense<0.000000e+00> : vector<80xf32>
      %reduce_sum3A_96 = vector.multi_reduction <add>, %convert_element_type3A_94, %reduce_sum3A_95 [1] : vector<80x5120xf32> to vector<80xf32>
      %broadcast_in_dim3A_97 = vector.shape_cast %reduce_sum3A_96 : vector<80xf32> to vector<80x1xf32>
      %ge3A = arith.cmpf oge, %broadcast_in_dim3A_97, %sub3A_16 : vector<80x1xf32>
      %add3A_98 = arith.constant 1 : i32
      %add3A_99 = vector.broadcast %add3A_98 : i32 to vector<80x1xi32>
      %add3A_100 = arith.addi %select_n3A_89, %add3A_99 : vector<80x1xi32>
      %select_n3A_101 = arith.select %ge3A, %scan3A_60, %add3A_100 : vector<80x1xi1>, vector<80x1xi32>
      %select_n3A_102 = arith.select %ge3A, %select_n3A_89, %scan3A_61 : vector<80x1xi1>, vector<80x1xi32>
      scf.yield %select_n3A_101, %select_n3A_102 : vector<80x1xi32>, vector<80x1xi32>
    }
    %gt3A_27 = vector.broadcast %scan3A_10#0 : vector<80x1xi32> to vector<80x5120xi32>
    %gt3A_28 = arith.cmpi sgt, %get3A_3, %gt3A_27 : vector<80x5120xi32>
    %lt3A = vector.broadcast %scan3A_26#1 : vector<80x1xi32> to vector<80x5120xi32>
    %lt3A_29 = arith.cmpi slt, %iota3A, %lt3A : vector<80x5120xi32>
    %and3A = arith.andi %eq3A_17, %lt3A_29 : vector<80x5120xi1>
    %or3A = arith.ori %gt3A_28, %and3A : vector<80x5120xi1>
    %convert_element_type3A_30 = arith.extui %or3A : vector<80x5120xi1> to vector<80x5120xi32>
    %convert_element_type3A_31 = arith.sitofp %convert_element_type3A_30 : vector<80x5120xi32> to vector<80x5120xf32>
    %reshape3A = vector.shape_cast %convert_element_type3A_31 : vector<80x5120xf32> to vector<3200x128xf32>
    %iota3A_32 = tpu.iota {dimensions = array<i32: 0>} : vector<128x128xi32>
    %iota3A_33 = tpu.iota {dimensions = array<i32: 1>} : vector<128x128xi32>
    %lt3A_34 = arith.cmpi slt, %iota3A_32, %iota3A_33 : vector<128x128xi32>
    %convert_element_type3A_35 = arith.extui %lt3A_34 : vector<128x128xi1> to vector<128x128xi32>
    %convert_element_type3A_36 = arith.sitofp %convert_element_type3A_35 : vector<128x128xi32> to vector<128x128xf32>
    %dot_general3A = arith.constant dense<0.000000e+00> : vector<3200x128xf32>
    %dot_general3A_37 = tpu.matmul %reshape3A, %convert_element_type3A_36, %dot_general3A {dimension_numbers = #tpu.dot_dimension_numbers<[1], [0], [0], [1], [0, 0, 1, 1], [], []>, transpose_lhs_hint = false} : vector<3200x128xf32>, vector<128x128xf32>, vector<3200x128xf32> -> vector<3200x128xf32>
    %reshape3A_38 = vector.shape_cast %reshape3A : vector<3200x128xf32> to vector<80x40x128xf32>
    %reduce_sum3A_39 = arith.constant dense<0.000000e+00> : vector<80x40xf32>
    %reduce_sum3A_40 = vector.multi_reduction <add>, %reshape3A_38, %reduce_sum3A_39 [2] : vector<80x40x128xf32> to vector<80x40xf32>
    %iota3A_41 = tpu.iota {dimensions = array<i32: 0>} : vector<40x40xi32>
    %iota3A_42 = tpu.iota {dimensions = array<i32: 1>} : vector<40x40xi32>
    %lt3A_43 = arith.cmpi slt, %iota3A_41, %iota3A_42 : vector<40x40xi32>
    %convert_element_type3A_44 = arith.extui %lt3A_43 : vector<40x40xi1> to vector<40x40xi32>
    %convert_element_type3A_45 = arith.sitofp %convert_element_type3A_44 : vector<40x40xi32> to vector<40x40xf32>
    %dot_general3A_46 = arith.constant dense<0.000000e+00> : vector<80x40xf32>
    %dot_general3A_47 = tpu.matmul %reduce_sum3A_40, %convert_element_type3A_45, %dot_general3A_46 {dimension_numbers = #tpu.dot_dimension_numbers<[1], [0], [0], [1], [0, 0, 1, 1], [], []>, transpose_lhs_hint = false} : vector<80x40xf32>, vector<40x40xf32>, vector<80x40xf32> -> vector<80x40xf32>
    %reshape3A_48 = vector.shape_cast %dot_general3A_37 : vector<3200x128xf32> to vector<80x40x128xf32>
    %broadcast_in_dim3A_49 = vector.shape_cast %dot_general3A_47 : vector<80x40xf32> to vector<80x40x1xf32>
    %add3A = vector.broadcast %broadcast_in_dim3A_49 : vector<80x40x1xf32> to vector<80x40x128xf32>
    %add3A_50 = arith.addf %reshape3A_48, %add3A : vector<80x40x128xf32>
    %reshape3A_51 = vector.shape_cast %add3A_50 : vector<80x40x128xf32> to vector<80x5120xf32>
    %convert_element_type3A_52 = arith.fptosi %reshape3A_51 : vector<80x5120xf32> to vector<80x5120xi32>
    %jit3A = arith.constant -1 : i32
    %broadcast_in_dim3A_53 = vector.broadcast %jit3A : i32 to vector<80x5120xi32>
    %select_n3A = arith.select %or3A, %convert_element_type3A_52, %broadcast_in_dim3A_53 : vector<80x5120xi1>, vector<80x5120xi32>
    %swap3A = arith.constant 0 : index
    %swap3A_54 = arith.constant 0 : index
    %swap3A_55 = arith.constant 0 : index
    %swap3A_56 = vector.load %arg2[%swap3A, %swap3A_54, %swap3A_55] : memref<1x80x5120xi32, #tpu.memory_space<vmem>>, vector<1x80x5120xi32>
    %swap3A_57 = vector.shape_cast %swap3A_56 : vector<1x80x5120xi32> to vector<80x5120xi32>
    %swap3A_58 = vector.shape_cast %select_n3A : vector<80x5120xi32> to vector<1x80x5120xi32>
    tpu.vector_store %arg2[%swap3A, %swap3A_54, %swap3A_55], %swap3A_58 {strides = array<i32>} : memref<1x80x5120xi32, #tpu.memory_space<vmem>>, vector<1x80x5120xi32>,
    return
  }
  func.func @transform_0(%arg0: i32) -> (i32, i32, i32) {
    %c0_i32 = arith.constant 0 : i32
    %c0_i32_0 = arith.constant 0 : i32
    %c0_i32_1 = arith.constant 0 : i32
    return %arg0, %c0_i32, %c0_i32_0 : i32, i32, i32
  }
  func.func @transform_1(%arg0: i32) -> (i32, i32, i32) {
    %c0_i32 = arith.constant 0 : i32
    %c0_i32_0 = arith.constant 0 : i32
    %c0_i32_1 = arith.constant 0 : i32
    return %arg0, %c0_i32, %c0_i32_0 : i32, i32, i32
  }
}

module attributes {stable_mosaic.version = 14 : i64} {
  func.func @_tc_b_body(%arg0: i32, %arg1: i32, %arg2: memref<1x8x384xf32, #tpu.memory_space<vmem>>, %arg3: memref<1x8x384xi32, #tpu.memory_space<vmem>>, %arg4: memref<1x8x4x384xf32, #tpu.memory_space<vmem>>, %arg5: memref<1x8x384xf32, #tpu.memory_space<vmem>>, %arg6: memref<1x8x4x384xf32, #tpu.memory_space<vmem>>, %arg7: memref<1x8x384xi32, #tpu.memory_space<vmem>>, %arg8: memref<8x384x384xf32, #tpu.memory_space<vmem>>, %arg9: memref<8x384x128xf32, #tpu.memory_space<vmem>>) attributes {dimension_semantics = [#tpu.dimension_semantics<arbitrary>, #tpu.dimension_semantics<arbitrary>], iteration_bounds = array<i64: 8, 10>, scalar_prefetch = 0 : i64, scratch_operands = 2 : i64, tpu.core_type = #tpu.core_type<tc>, window_params = [{transform_indices = @transform_0, window_bounds = array<i64: 1, 8, 384>}, {transform_indices = @transform_1, window_bounds = array<i64: 1, 8, 384>}, {transform_indices = @transform_2, window_bounds = array<i64: 1, 8, 4, 384>}, {transform_indices = @transform_3, window_bounds = array<i64: 1, 8, 384>}, {transform_indices = @transform_4, window_bounds = array<i64: 1, 8, 4, 384>}, {transform_indices = @transform_5, window_bounds = array<i64: 1, 8, 384>}]} {
    %get3A = arith.constant 0 : index
    %get3A_0 = arith.constant 0 : index
    %get3A_1 = arith.constant 0 : index
    %get3A_2 = vector.load %arg2[%get3A, %get3A_0, %get3A_1] : memref<1x8x384xf32, #tpu.memory_space<vmem>>, vector<1x8x384xf32>
    %get3A_3 = vector.shape_cast %get3A_2 : vector<1x8x384xf32> to vector<8x384xf32>
    %get3A_4 = arith.constant 0 : index
    %get3A_5 = arith.constant 0 : index
    %get3A_6 = arith.constant 0 : index
    %get3A_7 = vector.load %arg3[%get3A_4, %get3A_5, %get3A_6] : memref<1x8x384xi32, #tpu.memory_space<vmem>>, vector<1x8x384xi32>
    %get3A_8 = vector.shape_cast %get3A_7 : vector<1x8x384xi32> to vector<8x384xi32>
    %get3A_9 = arith.constant 0 : index
    %get3A_10 = arith.constant 0 : index
    %get3A_11 = arith.constant 0 : index
    %get3A_12 = arith.constant 0 : index
    %get3A_13 = vector.load %arg4[%get3A_9, %get3A_10, %get3A_11, %get3A_12] : memref<1x8x4x384xf32, #tpu.memory_space<vmem>>, vector<1x8x4x384xf32>
    %get3A_14 = vector.shape_cast %get3A_13 : vector<1x8x4x384xf32> to vector<8x4x384xf32>
    %convert_element_type3A = arith.sitofp %get3A_8 : vector<8x384xi32> to vector<8x384xf32>
    %slice3A = vector.extract_strided_slice %get3A_14 {offsets = [0, 0, 0], sizes = [8, 1, 384], strides = [1, 1, 1]} : vector<8x4x384xf32> to vector<8x1x384xf32>
    %squeeze3A = vector.shape_cast %slice3A : vector<8x1x384xf32> to vector<8x384xf32>
    %slice3A_15 = vector.extract_strided_slice %get3A_14 {offsets = [0, 1, 0], sizes = [8, 1, 384], strides = [1, 1, 1]} : vector<8x4x384xf32> to vector<8x1x384xf32>
    %squeeze3A_16 = vector.shape_cast %slice3A_15 : vector<8x1x384xf32> to vector<8x384xf32>
    %slice3A_17 = vector.extract_strided_slice %get3A_14 {offsets = [0, 2, 0], sizes = [8, 1, 384], strides = [1, 1, 1]} : vector<8x4x384xf32> to vector<8x1x384xf32>
    %squeeze3A_18 = vector.shape_cast %slice3A_17 : vector<8x1x384xf32> to vector<8x384xf32>
    %slice3A_19 = vector.extract_strided_slice %get3A_14 {offsets = [0, 3, 0], sizes = [8, 1, 384], strides = [1, 1, 1]} : vector<8x4x384xf32> to vector<8x1x384xf32>
    %squeeze3A_20 = vector.shape_cast %slice3A_19 : vector<8x1x384xf32> to vector<8x384xf32>
    %iota3A = tpu.iota {dimensions = array<i32: 2>} : vector<8x384x384xi32>
    %broadcast_in_dim3A = vector.shape_cast %get3A_3 : vector<8x384xf32> to vector<8x384x1xf32>
    %broadcast_in_dim3A_21 = vector.shape_cast %get3A_3 : vector<8x384xf32> to vector<8x1x384xf32>
    %broadcast_in_dim3A_22 = vector.shape_cast %get3A_8 : vector<8x384xi32> to vector<8x384x1xi32>
    %broadcast_in_dim3A_23 = vector.shape_cast %get3A_8 : vector<8x384xi32> to vector<8x1x384xi32>
    %gt3A = vector.broadcast %broadcast_in_dim3A : vector<8x384x1xf32> to vector<8x384x384xf32>
    %gt3A_24 = vector.broadcast %broadcast_in_dim3A_21 : vector<8x1x384xf32> to vector<8x384x384xf32>
    %gt3A_25 = arith.cmpf ogt, %gt3A, %gt3A_24 : vector<8x384x384xf32>
    %eq3A = vector.broadcast %broadcast_in_dim3A : vector<8x384x1xf32> to vector<8x384x384xf32>
    %eq3A_26 = vector.broadcast %broadcast_in_dim3A_21 : vector<8x1x384xf32> to vector<8x384x384xf32>
    %eq3A_27 = arith.cmpf oeq, %eq3A, %eq3A_26 : vector<8x384x384xf32>
    %lt3A = vector.broadcast %broadcast_in_dim3A_22 : vector<8x384x1xi32> to vector<8x384x384xi32>
    %lt3A_28 = vector.broadcast %broadcast_in_dim3A_23 : vector<8x1x384xi32> to vector<8x384x384xi32>
    %lt3A_29 = arith.cmpi slt, %lt3A, %lt3A_28 : vector<8x384x384xi32>
    %and3A = arith.andi %eq3A_27, %lt3A_29 : vector<8x384x384xi1>
    %or3A = arith.ori %gt3A_25, %and3A : vector<8x384x384xi1>
    %convert_element_type3A_30 = arith.extui %or3A : vector<8x384x384xi1> to vector<8x384x384xi32>
    %convert_element_type3A_31 = arith.sitofp %convert_element_type3A_30 : vector<8x384x384xi32> to vector<8x384x384xf32>
    %reduce_sum3A = arith.constant dense<0.000000e+00> : vector<8x384xf32>
    %reduce_sum3A_32 = vector.multi_reduction <add>, %convert_element_type3A_31, %reduce_sum3A [1] : vector<8x384x384xf32> to vector<8x384xf32>
    %convert_element_type3A_33 = arith.fptosi %reduce_sum3A_32 : vector<8x384xf32> to vector<8x384xi32>
    %broadcast_in_dim3A_34 = vector.shape_cast %convert_element_type3A_33 : vector<8x384xi32> to vector<8x384x1xi32>
    %eq3A_35 = vector.broadcast %broadcast_in_dim3A_34 : vector<8x384x1xi32> to vector<8x384x384xi32>
    %eq3A_36 = arith.cmpi eq, %eq3A_35, %iota3A : vector<8x384x384xi32>
    %convert_element_type3A_37 = arith.extui %eq3A_36 : vector<8x384x384xi1> to vector<8x384x384xi32>
    %convert_element_type3A_38 = arith.sitofp %convert_element_type3A_37 : vector<8x384x384xi32> to vector<8x384x384xf32>
    %broadcast_in_dim3A_39 = vector.shape_cast %get3A_3 : vector<8x384xf32> to vector<8x384x1xf32>
    %mul3A = vector.broadcast %broadcast_in_dim3A_39 : vector<8x384x1xf32> to vector<8x384x384xf32>
    %mul3A_40 = arith.mulf %convert_element_type3A_38, %mul3A : vector<8x384x384xf32>
    %reduce_sum3A_41 = arith.constant dense<0.000000e+00> : vector<8x384xf32>
    %reduce_sum3A_42 = vector.multi_reduction <add>, %mul3A_40, %reduce_sum3A_41 [1] : vector<8x384x384xf32> to vector<8x384xf32>
    %broadcast_in_dim3A_43 = vector.shape_cast %convert_element_type3A : vector<8x384xf32> to vector<8x384x1xf32>
    %mul3A_44 = vector.broadcast %broadcast_in_dim3A_43 : vector<8x384x1xf32> to vector<8x384x384xf32>
    %mul3A_45 = arith.mulf %convert_element_type3A_38, %mul3A_44 : vector<8x384x384xf32>
    %reduce_sum3A_46 = arith.constant dense<0.000000e+00> : vector<8x384xf32>
    %reduce_sum3A_47 = vector.multi_reduction <add>, %mul3A_45, %reduce_sum3A_46 [1] : vector<8x384x384xf32> to vector<8x384xf32>
    %broadcast_in_dim3A_48 = vector.shape_cast %squeeze3A : vector<8x384xf32> to vector<8x384x1xf32>
    %mul3A_49 = vector.broadcast %broadcast_in_dim3A_48 : vector<8x384x1xf32> to vector<8x384x384xf32>
    %mul3A_50 = arith.mulf %convert_element_type3A_38, %mul3A_49 : vector<8x384x384xf32>
    %reduce_sum3A_51 = arith.constant dense<0.000000e+00> : vector<8x384xf32>
    %reduce_sum3A_52 = vector.multi_reduction <add>, %mul3A_50, %reduce_sum3A_51 [1] : vector<8x384x384xf32> to vector<8x384xf32>
    %broadcast_in_dim3A_53 = vector.shape_cast %squeeze3A_16 : vector<8x384xf32> to vector<8x384x1xf32>
    %mul3A_54 = vector.broadcast %broadcast_in_dim3A_53 : vector<8x384x1xf32> to vector<8x384x384xf32>
    %mul3A_55 = arith.mulf %convert_element_type3A_38, %mul3A_54 : vector<8x384x384xf32>
    %reduce_sum3A_56 = arith.constant dense<0.000000e+00> : vector<8x384xf32>
    %reduce_sum3A_57 = vector.multi_reduction <add>, %mul3A_55, %reduce_sum3A_56 [1] : vector<8x384x384xf32> to vector<8x384xf32>
    %broadcast_in_dim3A_58 = vector.shape_cast %squeeze3A_18 : vector<8x384xf32> to vector<8x384x1xf32>
    %mul3A_59 = vector.broadcast %broadcast_in_dim3A_58 : vector<8x384x1xf32> to vector<8x384x384xf32>
    %mul3A_60 = arith.mulf %convert_element_type3A_38, %mul3A_59 : vector<8x384x384xf32>
    %reduce_sum3A_61 = arith.constant dense<0.000000e+00> : vector<8x384xf32>
    %reduce_sum3A_62 = vector.multi_reduction <add>, %mul3A_60, %reduce_sum3A_61 [1] : vector<8x384x384xf32> to vector<8x384xf32>
    %broadcast_in_dim3A_63 = vector.shape_cast %squeeze3A_20 : vector<8x384xf32> to vector<8x384x1xf32>
    %mul3A_64 = vector.broadcast %broadcast_in_dim3A_63 : vector<8x384x1xf32> to vector<8x384x384xf32>
    %mul3A_65 = arith.mulf %convert_element_type3A_38, %mul3A_64 : vector<8x384x384xf32>
    %reduce_sum3A_66 = arith.constant dense<0.000000e+00> : vector<8x384xf32>
    %reduce_sum3A_67 = vector.multi_reduction <add>, %mul3A_65, %reduce_sum3A_66 [1] : vector<8x384x384xf32> to vector<8x384xf32>
    %convert_element_type3A_68 = arith.fptosi %reduce_sum3A_47 : vector<8x384xf32> to vector<8x384xi32>
    %swap3A = arith.constant 0 : index
    %swap3A_69 = arith.constant 0 : index
    %swap3A_70 = arith.constant 0 : index
    %swap3A_71 = vector.load %arg7[%swap3A, %swap3A_69, %swap3A_70] : memref<1x8x384xi32, #tpu.memory_space<vmem>>, vector<1x8x384xi32>
    %swap3A_72 = vector.shape_cast %swap3A_71 : vector<1x8x384xi32> to vector<8x384xi32>
    %swap3A_73 = vector.shape_cast %convert_element_type3A_68 : vector<8x384xi32> to vector<1x8x384xi32>
    tpu.vector_store %arg7[%swap3A, %swap3A_69, %swap3A_70], %swap3A_73 {strides = array<i32>} : memref<1x8x384xi32, #tpu.memory_space<vmem>>, vector<1x8x384xi32>,
    %min3A = arith.minimumf %reduce_sum3A_52, %reduce_sum3A_62 : vector<8x384xf32>
    %min3A_74 = arith.minimumf %reduce_sum3A_57, %reduce_sum3A_67 : vector<8x384xf32>
    %max3A = arith.maximumf %reduce_sum3A_52, %reduce_sum3A_62 : vector<8x384xf32>
    %max3A_75 = arith.maximumf %reduce_sum3A_57, %reduce_sum3A_67 : vector<8x384xf32>
    %sub3A = arith.subf %max3A, %min3A : vector<8x384xf32>
    %sub3A_76 = arith.subf %max3A_75, %min3A_74 : vector<8x384xf32>
    %mul3A_77 = arith.mulf %sub3A, %sub3A_76 : vector<8x384xf32>
    %broadcast_in_dim3A_78 = vector.shape_cast %min3A : vector<8x384xf32> to vector<8x384x1xf32>
    %broadcast_in_dim3A_79 = vector.shape_cast %min3A : vector<8x384xf32> to vector<8x1x384xf32>
    %max3A_80 = vector.broadcast %broadcast_in_dim3A_78 : vector<8x384x1xf32> to vector<8x384x384xf32>
    %max3A_81 = vector.broadcast %broadcast_in_dim3A_79 : vector<8x1x384xf32> to vector<8x384x384xf32>
    %max3A_82 = arith.maximumf %max3A_80, %max3A_81 : vector<8x384x384xf32>
    %broadcast_in_dim3A_83 = vector.shape_cast %min3A_74 : vector<8x384xf32> to vector<8x384x1xf32>
    %broadcast_in_dim3A_84 = vector.shape_cast %min3A_74 : vector<8x384xf32> to vector<8x1x384xf32>
    %max3A_85 = vector.broadcast %broadcast_in_dim3A_83 : vector<8x384x1xf32> to vector<8x384x384xf32>
    %max3A_86 = vector.broadcast %broadcast_in_dim3A_84 : vector<8x1x384xf32> to vector<8x384x384xf32>
    %max3A_87 = arith.maximumf %max3A_85, %max3A_86 : vector<8x384x384xf32>
    %broadcast_in_dim3A_88 = vector.shape_cast %max3A : vector<8x384xf32> to vector<8x384x1xf32>
    %broadcast_in_dim3A_89 = vector.shape_cast %max3A : vector<8x384xf32> to vector<8x1x384xf32>
    %min3A_90 = vector.broadcast %broadcast_in_dim3A_88 : vector<8x384x1xf32> to vector<8x384x384xf32>
    %min3A_91 = vector.broadcast %broadcast_in_dim3A_89 : vector<8x1x384xf32> to vector<8x384x384xf32>
    %min3A_92 = arith.minimumf %min3A_90, %min3A_91 : vector<8x384x384xf32>
    %broadcast_in_dim3A_93 = vector.shape_cast %max3A_75 : vector<8x384xf32> to vector<8x384x1xf32>
    %broadcast_in_dim3A_94 = vector.shape_cast %max3A_75 : vector<8x384xf32> to vector<8x1x384xf32>
    %min3A_95 = vector.broadcast %broadcast_in_dim3A_93 : vector<8x384x1xf32> to vector<8x384x384xf32>
    %min3A_96 = vector.broadcast %broadcast_in_dim3A_94 : vector<8x1x384xf32> to vector<8x384x384xf32>
    %min3A_97 = arith.minimumf %min3A_95, %min3A_96 : vector<8x384x384xf32>
    %sub3A_98 = arith.subf %min3A_92, %max3A_82 : vector<8x384x384xf32>
    %max3A_99 = arith.constant 0.000000e+00 : f32
    %max3A_100 = vector.broadcast %max3A_99 : f32 to vector<8x384x384xf32>
    %max3A_101 = arith.maximumf %sub3A_98, %max3A_100 : vector<8x384x384xf32>
    %sub3A_102 = arith.subf %min3A_97, %max3A_87 : vector<8x384x384xf32>
    %max3A_103 = arith.constant 0.000000e+00 : f32
    %max3A_104 = vector.broadcast %max3A_103 : f32 to vector<8x384x384xf32>
    %max3A_105 = arith.maximumf %sub3A_102, %max3A_104 : vector<8x384x384xf32>
    %mul3A_106 = arith.mulf %max3A_101, %max3A_105 : vector<8x384x384xf32>
    %broadcast_in_dim3A_107 = vector.shape_cast %mul3A_77 : vector<8x384xf32> to vector<8x384x1xf32>
    %broadcast_in_dim3A_108 = vector.shape_cast %mul3A_77 : vector<8x384xf32> to vector<8x1x384xf32>
    %add3A = vector.broadcast %broadcast_in_dim3A_107 : vector<8x384x1xf32> to vector<8x384x384xf32>
    %add3A_109 = vector.broadcast %broadcast_in_dim3A_108 : vector<8x1x384xf32> to vector<8x384x384xf32>
    %add3A_110 = arith.addf %add3A, %add3A_109 : vector<8x384x384xf32>
    %sub3A_111 = arith.subf %add3A_110, %mul3A_106 : vector<8x384x384xf32>
    %max3A_112 = arith.constant 9.99999971E-10 : f32
    %max3A_113 = vector.broadcast %max3A_112 : f32 to vector<8x384x384xf32>
    %max3A_114 = arith.maximumf %sub3A_111, %max3A_113 : vector<8x384x384xf32>
    %div3A = arith.divf %mul3A_106, %max3A_114 : vector<8x384x384xf32>
    %gt3A_115 = arith.constant 4.500000e-01 : f32
    %gt3A_116 = vector.broadcast %gt3A_115 : f32 to vector<8x384x384xf32>
    %gt3A_117 = arith.cmpf ogt, %div3A, %gt3A_116 : vector<8x384x384xf32>
    %convert_element_type3A_118 = arith.extui %gt3A_117 : vector<8x384x384xi1> to vector<8x384x384xi32>
    %convert_element_type3A_119 = arith.sitofp %convert_element_type3A_118 : vector<8x384x384xi32> to vector<8x384x384xf32>
    %swap3A_120 = arith.constant 0 : index
    %swap3A_121 = arith.constant 0 : index
    %swap3A_122 = arith.constant 0 : index
    %swap3A_123 = vector.load %arg8[%swap3A_120, %swap3A_121, %swap3A_122] : memref<8x384x384xf32, #tpu.memory_space<vmem>>, vector<8x384x384xf32>
    tpu.vector_store %arg8[%swap3A_120, %swap3A_121, %swap3A_122], %convert_element_type3A_119 {strides = array<i32>} : memref<8x384x384xf32, #tpu.memory_space<vmem>>, vector<8x384x384xf32>,
    %gt3A_124 = arith.constant 0.00999999977 : f32
    %gt3A_125 = vector.broadcast %gt3A_124 : f32 to vector<8x384xf32>
    %gt3A_126 = arith.cmpf ogt, %reduce_sum3A_42, %gt3A_125 : vector<8x384xf32>
    %convert_element_type3A_127 = arith.extui %gt3A_126 : vector<8x384xi1> to vector<8x384xi32>
    %convert_element_type3A_128 = arith.sitofp %convert_element_type3A_127 : vector<8x384xi32> to vector<8x384xf32>
    %broadcast_in_dim3A_129 = vector.shape_cast %convert_element_type3A_128 : vector<8x384xf32> to vector<8x384x1xf32>
    %broadcast_in_dim3A_130 = vector.shape_cast %broadcast_in_dim3A_129 : vector<8x384x1xf32> to vector<8x384x1xf32>
    %broadcast_in_dim3A_131 = vector.broadcast %broadcast_in_dim3A_130 : vector<8x384x1xf32> to vector<8x384x128xf32>
    %swap3A_132 = arith.constant 0 : index
    %swap3A_133 = arith.constant 0 : index
    %swap3A_134 = arith.constant 0 : index
    %swap3A_135 = vector.load %arg9[%swap3A_132, %swap3A_133, %swap3A_134] : memref<8x384x128xf32, #tpu.memory_space<vmem>>, vector<8x384x128xf32>
    tpu.vector_store %arg9[%swap3A_132, %swap3A_133, %swap3A_134], %broadcast_in_dim3A_131 {strides = array<i32>} : memref<8x384x128xf32, #tpu.memory_space<vmem>>, vector<8x384x128xf32>,
    %iota3A_136 = tpu.iota {dimensions = array<i32: 1>} : vector<8x384xi32>
    %broadcast_in_dim3A_137 = arith.constant 0.000000e+00 : f32
    %broadcast_in_dim3A_138 = vector.broadcast %broadcast_in_dim3A_137 : f32 to vector<8x384xf32>
    %scan3A = arith.constant 0 : i32
    %scan3A_139 = arith.constant 304 : i32
    %scan3A_140 = arith.addi %scan3A, %scan3A_139 : i32
    %scan3A_141 = arith.constant 1 : i32
    %scan3A_142 = scf.for %scan3A_183 = %scan3A to %scan3A_140 step %scan3A_141 iter_args(%scan3A_184 = %broadcast_in_dim3A_138) -> (vector<8x384xf32>)  : i32 {
      %get3A_185 = arith.constant 0 : index
      %get3A_186 = arith.index_cast %scan3A_183 : i32 to index
      %get3A_187 = arith.constant 0 : index
      %get3A_188 = vector.load %arg8[%get3A_185, %get3A_186, %get3A_187] : memref<8x384x384xf32, #tpu.memory_space<vmem>>, vector<8x1x384xf32>
      %squeeze3A_189 = vector.shape_cast %get3A_188 : vector<8x1x384xf32> to vector<8x384xf32>
      %mul3A_190 = arith.mulf %scan3A_184, %squeeze3A_189 : vector<8x384xf32>
      %reduce_sum3A_191 = arith.constant dense<0.000000e+00> : vector<8xf32>
      %reduce_sum3A_192 = vector.multi_reduction <add>, %mul3A_190, %reduce_sum3A_191 [1] : vector<8x384xf32> to vector<8xf32>
      %broadcast_in_dim3A_193 = vector.shape_cast %reduce_sum3A_192 : vector<8xf32> to vector<8x1xf32>
      %get3A_194 = arith.constant 0 : index
      %get3A_195 = arith.index_cast %scan3A_183 : i32 to index
      %get3A_196 = arith.constant 0 : index
      %get3A_197 = vector.load %arg9[%get3A_194, %get3A_195, %get3A_196] : memref<8x384x128xf32, #tpu.memory_space<vmem>>, vector<8x1x128xf32>
      %slice3A_198 = vector.extract_strided_slice %get3A_197 {offsets = [0, 0, 0], sizes = [8, 1, 1], strides = [1, 1, 1]} : vector<8x1x128xf32> to vector<8x1x1xf32>
      %squeeze3A_199 = vector.shape_cast %slice3A_198 : vector<8x1x1xf32> to vector<8x1xf32>
      %gt3A_200 = arith.constant 0.000000e+00 : f32
      %gt3A_201 = vector.broadcast %gt3A_200 : f32 to vector<8x1xf32>
      %gt3A_202 = arith.cmpf ogt, %broadcast_in_dim3A_193, %gt3A_201 : vector<8x1xf32>
      %jit3A = arith.constant 0.000000e+00 : f32
      %broadcast_in_dim3A_203 = vector.broadcast %jit3A : f32 to vector<8x1xf32>
      %select_n3A = arith.select %gt3A_202, %broadcast_in_dim3A_203, %squeeze3A_199 : vector<8x1xi1>, vector<8x1xf32>
      %eq3A_204 = vector.broadcast %scan3A_183 : i32 to vector<8x384xi32>
      %eq3A_205 = arith.cmpi eq, %iota3A_136, %eq3A_204 : vector<8x384xi32>
      %convert_element_type3A_206 = arith.extui %eq3A_205 : vector<8x384xi1> to vector<8x384xi32>
      %convert_element_type3A_207 = arith.sitofp %convert_element_type3A_206 : vector<8x384xi32> to vector<8x384xf32>
      %mul3A_208 = vector.broadcast %select_n3A : vector<8x1xf32> to vector<8x384xf32>
      %mul3A_209 = arith.mulf %mul3A_208, %convert_element_type3A_207 : vector<8x384xf32>
      %add3A_210 = arith.addf %scan3A_184, %mul3A_209 : vector<8x384xf32>
      scf.yield %add3A_210 : vector<8x384xf32>
    }
    %scan3A_143 = arith.constant 304 : i32
    %mul3A_144 = arith.mulf %reduce_sum3A_42, %scan3A_142 : vector<8x384xf32>
    %swap3A_145 = arith.constant 0 : index
    %swap3A_146 = arith.constant 0 : index
    %swap3A_147 = arith.constant 0 : index
    %swap3A_148 = vector.load %arg5[%swap3A_145, %swap3A_146, %swap3A_147] : memref<1x8x384xf32, #tpu.memory_space<vmem>>, vector<1x8x384xf32>
    %swap3A_149 = vector.shape_cast %swap3A_148 : vector<1x8x384xf32> to vector<8x384xf32>
    %swap3A_150 = vector.shape_cast %mul3A_144 : vector<8x384xf32> to vector<1x8x384xf32>
    tpu.vector_store %arg5[%swap3A_145, %swap3A_146, %swap3A_147], %swap3A_150 {strides = array<i32>} : memref<1x8x384xf32, #tpu.memory_space<vmem>>, vector<1x8x384xf32>,
    %mul3A_151 = arith.mulf %reduce_sum3A_52, %scan3A_142 : vector<8x384xf32>
    %swap3A_152 = arith.constant 0 : index
    %swap3A_153 = arith.constant 0 : index
    %swap3A_154 = arith.constant 0 : index
    %swap3A_155 = arith.constant 0 : index
    %swap3A_156 = vector.load %arg6[%swap3A_152, %swap3A_153, %swap3A_154, %swap3A_155] : memref<1x8x4x384xf32, #tpu.memory_space<vmem>>, vector<1x8x1x384xf32>
    %swap3A_157 = vector.shape_cast %swap3A_156 : vector<1x8x1x384xf32> to vector<8x384xf32>
    %swap3A_158 = vector.shape_cast %mul3A_151 : vector<8x384xf32> to vector<1x8x1x384xf32>
    tpu.vector_store %arg6[%swap3A_152, %swap3A_153, %swap3A_154, %swap3A_155], %swap3A_158 {strides = array<i32>} : memref<1x8x4x384xf32, #tpu.memory_space<vmem>>, vector<1x8x1x384xf32>,
    %mul3A_159 = arith.mulf %reduce_sum3A_57, %scan3A_142 : vector<8x384xf32>
    %swap3A_160 = arith.constant 0 : index
    %swap3A_161 = arith.constant 0 : index
    %swap3A_162 = arith.constant 1 : index
    %swap3A_163 = arith.constant 0 : index
    %swap3A_164 = vector.load %arg6[%swap3A_160, %swap3A_161, %swap3A_162, %swap3A_163] : memref<1x8x4x384xf32, #tpu.memory_space<vmem>>, vector<1x8x1x384xf32>
    %swap3A_165 = vector.shape_cast %swap3A_164 : vector<1x8x1x384xf32> to vector<8x384xf32>
    %swap3A_166 = vector.shape_cast %mul3A_159 : vector<8x384xf32> to vector<1x8x1x384xf32>
    tpu.vector_store %arg6[%swap3A_160, %swap3A_161, %swap3A_162, %swap3A_163], %swap3A_166 {strides = array<i32>} : memref<1x8x4x384xf32, #tpu.memory_space<vmem>>, vector<1x8x1x384xf32>,
    %mul3A_167 = arith.mulf %reduce_sum3A_62, %scan3A_142 : vector<8x384xf32>
    %swap3A_168 = arith.constant 0 : index
    %swap3A_169 = arith.constant 0 : index
    %swap3A_170 = arith.constant 2 : index
    %swap3A_171 = arith.constant 0 : index
    %swap3A_172 = vector.load %arg6[%swap3A_168, %swap3A_169, %swap3A_170, %swap3A_171] : memref<1x8x4x384xf32, #tpu.memory_space<vmem>>, vector<1x8x1x384xf32>
    %swap3A_173 = vector.shape_cast %swap3A_172 : vector<1x8x1x384xf32> to vector<8x384xf32>
    %swap3A_174 = vector.shape_cast %mul3A_167 : vector<8x384xf32> to vector<1x8x1x384xf32>
    tpu.vector_store %arg6[%swap3A_168, %swap3A_169, %swap3A_170, %swap3A_171], %swap3A_174 {strides = array<i32>} : memref<1x8x4x384xf32, #tpu.memory_space<vmem>>, vector<1x8x1x384xf32>,
    %mul3A_175 = arith.mulf %reduce_sum3A_67, %scan3A_142 : vector<8x384xf32>
    %swap3A_176 = arith.constant 0 : index
    %swap3A_177 = arith.constant 0 : index
    %swap3A_178 = arith.constant 3 : index
    %swap3A_179 = arith.constant 0 : index
    %swap3A_180 = vector.load %arg6[%swap3A_176, %swap3A_177, %swap3A_178, %swap3A_179] : memref<1x8x4x384xf32, #tpu.memory_space<vmem>>, vector<1x8x1x384xf32>
    %swap3A_181 = vector.shape_cast %swap3A_180 : vector<1x8x1x384xf32> to vector<8x384xf32>
    %swap3A_182 = vector.shape_cast %mul3A_175 : vector<8x384xf32> to vector<1x8x1x384xf32>
    tpu.vector_store %arg6[%swap3A_176, %swap3A_177, %swap3A_178, %swap3A_179], %swap3A_182 {strides = array<i32>} : memref<1x8x4x384xf32, #tpu.memory_space<vmem>>, vector<1x8x1x384xf32>,
    return
  }
  func.func @transform_0(%arg0: i32, %arg1: i32) -> (i32, i32, i32) {
    %c0_i32 = arith.constant 0 : i32
    %c0_i32_0 = arith.constant 0 : i32
    return %arg0, %arg1, %c0_i32 : i32, i32, i32
  }
  func.func @transform_1(%arg0: i32, %arg1: i32) -> (i32, i32, i32) {
    %c0_i32 = arith.constant 0 : i32
    %c0_i32_0 = arith.constant 0 : i32
    return %arg0, %arg1, %c0_i32 : i32, i32, i32
  }
  func.func @transform_2(%arg0: i32, %arg1: i32) -> (i32, i32, i32, i32) {
    %c0_i32 = arith.constant 0 : i32
    %c0_i32_0 = arith.constant 0 : i32
    %c0_i32_1 = arith.constant 0 : i32
    return %arg0, %arg1, %c0_i32, %c0_i32_0 : i32, i32, i32, i32
  }
  func.func @transform_3(%arg0: i32, %arg1: i32) -> (i32, i32, i32) {
    %c0_i32 = arith.constant 0 : i32
    %c0_i32_0 = arith.constant 0 : i32
    return %arg0, %arg1, %c0_i32 : i32, i32, i32
  }
  func.func @transform_4(%arg0: i32, %arg1: i32) -> (i32, i32, i32, i32) {
    %c0_i32 = arith.constant 0 : i32
    %c0_i32_0 = arith.constant 0 : i32
    %c0_i32_1 = arith.constant 0 : i32
    return %arg0, %arg1, %c0_i32, %c0_i32_0 : i32, i32, i32, i32
  }
  func.func @transform_5(%arg0: i32, %arg1: i32) -> (i32, i32, i32) {
    %c0_i32 = arith.constant 0 : i32
    %c0_i32_0 = arith.constant 0 : i32
    return %arg0, %arg1, %c0_i32 : i32, i32, i32
  }
}

module attributes {stable_mosaic.version = 14 : i64} {
  func.func @_tc_c_body(%arg0: i32, %arg1: memref<1x1x30720xi32, #tpu.memory_space<vmem>>, %arg2: memref<1x1x30720xi32, #tpu.memory_space<vmem>>) attributes {dimension_semantics = [#tpu.dimension_semantics<arbitrary>], iteration_bounds = array<i64: 8>, scalar_prefetch = 0 : i64, scratch_operands = 0 : i64, tpu.core_type = #tpu.core_type<tc>, window_params = [{transform_indices = @transform_0, window_bounds = array<i64: 1, 1, 30720>}, {transform_indices = @transform_1, window_bounds = array<i64: 1, 1, 30720>}]} {
    %get3A = arith.constant 0 : index
    %get3A_0 = arith.constant 0 : index
    %get3A_1 = arith.constant 0 : index
    %get3A_2 = vector.load %arg1[%get3A, %get3A_0, %get3A_1] : memref<1x1x30720xi32, #tpu.memory_space<vmem>>, vector<1x1x30720xi32>
    %get3A_3 = vector.shape_cast %get3A_2 : vector<1x1x30720xi32> to vector<1x30720xi32>
    %broadcast_in_dim3A = arith.constant 0 : i32
    %broadcast_in_dim3A_4 = vector.broadcast %broadcast_in_dim3A : i32 to vector<1x1xi32>
    %broadcast_in_dim3A_5 = arith.constant 1065353216 : i32
    %broadcast_in_dim3A_6 = vector.broadcast %broadcast_in_dim3A_5 : i32 to vector<1x1xi32>
    %scan3A = arith.constant 0 : i32
    %scan3A_7 = arith.constant 31 : i32
    %scan3A_8 = arith.addi %scan3A, %scan3A_7 : i32
    %scan3A_9 = arith.constant 1 : i32
    %scan3A_10:2 = scf.for %scan3A_59 = %scan3A to %scan3A_8 step %scan3A_9 iter_args(%scan3A_60 = %broadcast_in_dim3A_4, %scan3A_61 = %broadcast_in_dim3A_6) -> (vector<1x1xi32>, vector<1x1xi32>)  : i32 {
      %add3A_62 = arith.addi %scan3A_60, %scan3A_61 : vector<1x1xi32>
      %add3A_63 = arith.constant 1 : i32
      %add3A_64 = vector.broadcast %add3A_63 : i32 to vector<1x1xi32>
      %add3A_65 = arith.addi %add3A_62, %add3A_64 : vector<1x1xi32>
      %jit3A_66 = arith.constant 2 : i32
      %div3A = vector.broadcast %jit3A_66 : i32 to vector<1x1xi32>
      %div3A_67 = arith.divsi %add3A_65, %div3A : vector<1x1xi32>
      %sign3A = arith.constant 0 : i32
      %sign3A_68 = vector.broadcast %sign3A : i32 to vector<1x1xi32>
      %sign3A_69 = arith.cmpi sgt, %add3A_65, %sign3A_68 : vector<1x1xi32>
      %sign3A_70 = arith.extui %sign3A_69 : vector<1x1xi1> to vector<1x1xi32>
      %sign3A_71 = arith.constant 0 : i32
      %sign3A_72 = vector.broadcast %sign3A_71 : i32 to vector<1x1xi32>
      %sign3A_73 = arith.cmpi slt, %add3A_65, %sign3A_72 : vector<1x1xi32>
      %sign3A_74 = arith.extui %sign3A_73 : vector<1x1xi1> to vector<1x1xi32>
      %sign3A_75 = arith.subi %sign3A_70, %sign3A_74 : vector<1x1xi32>
      %sign3A_76 = arith.constant 0 : i32
      %sign3A_77 = arith.cmpi sgt, %jit3A_66, %sign3A_76 : i32
      %sign3A_78 = arith.extui %sign3A_77 : i1 to i32
      %sign3A_79 = arith.constant 0 : i32
      %sign3A_80 = arith.cmpi slt, %jit3A_66, %sign3A_79 : i32
      %sign3A_81 = arith.extui %sign3A_80 : i1 to i32
      %sign3A_82 = arith.subi %sign3A_78, %sign3A_81 : i32
      %ne3A = vector.broadcast %sign3A_82 : i32 to vector<1x1xi32>
      %ne3A_83 = arith.cmpi ne, %sign3A_75, %ne3A : vector<1x1xi32>
      %rem3A = vector.broadcast %jit3A_66 : i32 to vector<1x1xi32>
      %rem3A_84 = arith.remsi %add3A_65, %rem3A : vector<1x1xi32>
      %ne3A_85 = arith.constant 0 : i32
      %ne3A_86 = vector.broadcast %ne3A_85 : i32 to vector<1x1xi32>
      %ne3A_87 = arith.cmpi ne, %rem3A_84, %ne3A_86 : vector<1x1xi32>
      %and3A_88 = arith.andi %ne3A_83, %ne3A_87 : vector<1x1xi1>
      %sub3A_89 = arith.constant 1 : i32
      %sub3A_90 = vector.broadcast %sub3A_89 : i32 to vector<1x1xi32>
      %sub3A_91 = arith.subi %div3A_67, %sub3A_90 : vector<1x1xi32>
      %select_n3A_92 = arith.select %and3A_88, %sub3A_91, %div3A_67 : vector<1x1xi1>, vector<1x1xi32>
      %ge3A = vector.broadcast %select_n3A_92 : vector<1x1xi32> to vector<1x30720xi32>
      %ge3A_93 = arith.cmpi sge, %get3A_3, %ge3A : vector<1x30720xi32>
      %convert_element_type3A_94 = arith.extui %ge3A_93 : vector<1x30720xi1> to vector<1x30720xi32>
      %convert_element_type3A_95 = arith.sitofp %convert_element_type3A_94 : vector<1x30720xi32> to vector<1x30720xf32>
      %reduce_sum3A_96 = arith.constant dense<0.000000e+00> : vector<1xf32>
      %reduce_sum3A_97 = vector.multi_reduction <add>, %convert_element_type3A_95, %reduce_sum3A_96 [1] : vector<1x30720xf32> to vector<1xf32>
      %broadcast_in_dim3A_98 = vector.shape_cast %reduce_sum3A_97 : vector<1xf32> to vector<1x1xf32>
      %ge3A_99 = arith.constant 2.080000e+02 : f32
      %ge3A_100 = vector.broadcast %ge3A_99 : f32 to vector<1x1xf32>
      %ge3A_101 = arith.cmpf oge, %broadcast_in_dim3A_98, %ge3A_100 : vector<1x1xf32>
      %select_n3A_102 = arith.select %ge3A_101, %select_n3A_92, %scan3A_60 : vector<1x1xi1>, vector<1x1xi32>
      %sub3A_103 = arith.constant 1 : i32
      %sub3A_104 = vector.broadcast %sub3A_103 : i32 to vector<1x1xi32>
      %sub3A_105 = arith.subi %select_n3A_92, %sub3A_104 : vector<1x1xi32>
      %select_n3A_106 = arith.select %ge3A_101, %scan3A_61, %sub3A_105 : vector<1x1xi1>, vector<1x1xi32>
      scf.yield %select_n3A_102, %select_n3A_106 : vector<1x1xi32>, vector<1x1xi32>
    }
    %gt3A = vector.broadcast %scan3A_10#0 : vector<1x1xi32> to vector<1x30720xi32>
    %gt3A_11 = arith.cmpi sgt, %get3A_3, %gt3A : vector<1x30720xi32>
    %convert_element_type3A = arith.extui %gt3A_11 : vector<1x30720xi1> to vector<1x30720xi32>
    %convert_element_type3A_12 = arith.sitofp %convert_element_type3A : vector<1x30720xi32> to vector<1x30720xf32>
    %reduce_sum3A = arith.constant dense<0.000000e+00> : vector<1xf32>
    %reduce_sum3A_13 = vector.multi_reduction <add>, %convert_element_type3A_12, %reduce_sum3A [1] : vector<1x30720xf32> to vector<1xf32>
    %broadcast_in_dim3A_14 = vector.shape_cast %reduce_sum3A_13 : vector<1xf32> to vector<1x1xf32>
    %sub3A = arith.constant 2.080000e+02 : f32
    %sub3A_15 = vector.broadcast %sub3A : f32 to vector<1x1xf32>
    %sub3A_16 = arith.subf %sub3A_15, %broadcast_in_dim3A_14 : vector<1x1xf32>
    %eq3A = vector.broadcast %scan3A_10#0 : vector<1x1xi32> to vector<1x30720xi32>
    %eq3A_17 = arith.cmpi eq, %get3A_3, %eq3A : vector<1x30720xi32>
    %iota3A = tpu.iota {dimensions = array<i32: 1>} : vector<1x30720xi32>
    %broadcast_in_dim3A_18 = arith.constant 0 : i32
    %broadcast_in_dim3A_19 = vector.broadcast %broadcast_in_dim3A_18 : i32 to vector<1x1xi32>
    %broadcast_in_dim3A_20 = arith.constant 30720 : i32
    %broadcast_in_dim3A_21 = vector.broadcast %broadcast_in_dim3A_20 : i32 to vector<1x1xi32>
    %scan3A_22 = arith.constant 0 : i32
    %scan3A_23 = arith.constant 15 : i32
    %scan3A_24 = arith.addi %scan3A_22, %scan3A_23 : i32
    %scan3A_25 = arith.constant 1 : i32
    %scan3A_26:2 = scf.for %scan3A_59 = %scan3A_22 to %scan3A_24 step %scan3A_25 iter_args(%scan3A_60 = %broadcast_in_dim3A_19, %scan3A_61 = %broadcast_in_dim3A_21) -> (vector<1x1xi32>, vector<1x1xi32>)  : i32 {
      %add3A_62 = arith.addi %scan3A_60, %scan3A_61 : vector<1x1xi32>
      %jit3A_63 = arith.constant 2 : i32
      %div3A = vector.broadcast %jit3A_63 : i32 to vector<1x1xi32>
      %div3A_64 = arith.divsi %add3A_62, %div3A : vector<1x1xi32>
      %sign3A = arith.constant 0 : i32
      %sign3A_65 = vector.broadcast %sign3A : i32 to vector<1x1xi32>
      %sign3A_66 = arith.cmpi sgt, %add3A_62, %sign3A_65 : vector<1x1xi32>
      %sign3A_67 = arith.extui %sign3A_66 : vector<1x1xi1> to vector<1x1xi32>
      %sign3A_68 = arith.constant 0 : i32
      %sign3A_69 = vector.broadcast %sign3A_68 : i32 to vector<1x1xi32>
      %sign3A_70 = arith.cmpi slt, %add3A_62, %sign3A_69 : vector<1x1xi32>
      %sign3A_71 = arith.extui %sign3A_70 : vector<1x1xi1> to vector<1x1xi32>
      %sign3A_72 = arith.subi %sign3A_67, %sign3A_71 : vector<1x1xi32>
      %sign3A_73 = arith.constant 0 : i32
      %sign3A_74 = arith.cmpi sgt, %jit3A_63, %sign3A_73 : i32
      %sign3A_75 = arith.extui %sign3A_74 : i1 to i32
      %sign3A_76 = arith.constant 0 : i32
      %sign3A_77 = arith.cmpi slt, %jit3A_63, %sign3A_76 : i32
      %sign3A_78 = arith.extui %sign3A_77 : i1 to i32
      %sign3A_79 = arith.subi %sign3A_75, %sign3A_78 : i32
      %ne3A = vector.broadcast %sign3A_79 : i32 to vector<1x1xi32>
      %ne3A_80 = arith.cmpi ne, %sign3A_72, %ne3A : vector<1x1xi32>
      %rem3A = vector.broadcast %jit3A_63 : i32 to vector<1x1xi32>
      %rem3A_81 = arith.remsi %add3A_62, %rem3A : vector<1x1xi32>
      %ne3A_82 = arith.constant 0 : i32
      %ne3A_83 = vector.broadcast %ne3A_82 : i32 to vector<1x1xi32>
      %ne3A_84 = arith.cmpi ne, %rem3A_81, %ne3A_83 : vector<1x1xi32>
      %and3A_85 = arith.andi %ne3A_80, %ne3A_84 : vector<1x1xi1>
      %sub3A_86 = arith.constant 1 : i32
      %sub3A_87 = vector.broadcast %sub3A_86 : i32 to vector<1x1xi32>
      %sub3A_88 = arith.subi %div3A_64, %sub3A_87 : vector<1x1xi32>
      %select_n3A_89 = arith.select %and3A_85, %sub3A_88, %div3A_64 : vector<1x1xi1>, vector<1x1xi32>
      %lt3A_90 = vector.broadcast %select_n3A_89 : vector<1x1xi32> to vector<1x30720xi32>
      %lt3A_91 = arith.cmpi slt, %iota3A, %lt3A_90 : vector<1x30720xi32>
      %and3A_92 = arith.andi %eq3A_17, %lt3A_91 : vector<1x30720xi1>
      %convert_element_type3A_93 = arith.extui %and3A_92 : vector<1x30720xi1> to vector<1x30720xi32>
      %convert_element_type3A_94 = arith.sitofp %convert_element_type3A_93 : vector<1x30720xi32> to vector<1x30720xf32>
      %reduce_sum3A_95 = arith.constant dense<0.000000e+00> : vector<1xf32>
      %reduce_sum3A_96 = vector.multi_reduction <add>, %convert_element_type3A_94, %reduce_sum3A_95 [1] : vector<1x30720xf32> to vector<1xf32>
      %broadcast_in_dim3A_97 = vector.shape_cast %reduce_sum3A_96 : vector<1xf32> to vector<1x1xf32>
      %ge3A = arith.cmpf oge, %broadcast_in_dim3A_97, %sub3A_16 : vector<1x1xf32>
      %add3A_98 = arith.constant 1 : i32
      %add3A_99 = vector.broadcast %add3A_98 : i32 to vector<1x1xi32>
      %add3A_100 = arith.addi %select_n3A_89, %add3A_99 : vector<1x1xi32>
      %select_n3A_101 = arith.select %ge3A, %scan3A_60, %add3A_100 : vector<1x1xi1>, vector<1x1xi32>
      %select_n3A_102 = arith.select %ge3A, %select_n3A_89, %scan3A_61 : vector<1x1xi1>, vector<1x1xi32>
      scf.yield %select_n3A_101, %select_n3A_102 : vector<1x1xi32>, vector<1x1xi32>
    }
    %gt3A_27 = vector.broadcast %scan3A_10#0 : vector<1x1xi32> to vector<1x30720xi32>
    %gt3A_28 = arith.cmpi sgt, %get3A_3, %gt3A_27 : vector<1x30720xi32>
    %lt3A = vector.broadcast %scan3A_26#1 : vector<1x1xi32> to vector<1x30720xi32>
    %lt3A_29 = arith.cmpi slt, %iota3A, %lt3A : vector<1x30720xi32>
    %and3A = arith.andi %eq3A_17, %lt3A_29 : vector<1x30720xi1>
    %or3A = arith.ori %gt3A_28, %and3A : vector<1x30720xi1>
    %convert_element_type3A_30 = arith.extui %or3A : vector<1x30720xi1> to vector<1x30720xi32>
    %convert_element_type3A_31 = arith.sitofp %convert_element_type3A_30 : vector<1x30720xi32> to vector<1x30720xf32>
    %reshape3A = vector.shape_cast %convert_element_type3A_31 : vector<1x30720xf32> to vector<240x128xf32>
    %iota3A_32 = tpu.iota {dimensions = array<i32: 0>} : vector<128x128xi32>
    %iota3A_33 = tpu.iota {dimensions = array<i32: 1>} : vector<128x128xi32>
    %lt3A_34 = arith.cmpi slt, %iota3A_32, %iota3A_33 : vector<128x128xi32>
    %convert_element_type3A_35 = arith.extui %lt3A_34 : vector<128x128xi1> to vector<128x128xi32>
    %convert_element_type3A_36 = arith.sitofp %convert_element_type3A_35 : vector<128x128xi32> to vector<128x128xf32>
    %dot_general3A = arith.constant dense<0.000000e+00> : vector<240x128xf32>
    %dot_general3A_37 = tpu.matmul %reshape3A, %convert_element_type3A_36, %dot_general3A {dimension_numbers = #tpu.dot_dimension_numbers<[1], [0], [0], [1], [0, 0, 1, 1], [], []>, transpose_lhs_hint = false} : vector<240x128xf32>, vector<128x128xf32>, vector<240x128xf32> -> vector<240x128xf32>
    %reshape3A_38 = vector.shape_cast %reshape3A : vector<240x128xf32> to vector<1x240x128xf32>
    %reduce_sum3A_39 = arith.constant dense<0.000000e+00> : vector<1x240xf32>
    %reduce_sum3A_40 = vector.multi_reduction <add>, %reshape3A_38, %reduce_sum3A_39 [2] : vector<1x240x128xf32> to vector<1x240xf32>
    %iota3A_41 = tpu.iota {dimensions = array<i32: 0>} : vector<240x240xi32>
    %iota3A_42 = tpu.iota {dimensions = array<i32: 1>} : vector<240x240xi32>
    %lt3A_43 = arith.cmpi slt, %iota3A_41, %iota3A_42 : vector<240x240xi32>
    %convert_element_type3A_44 = arith.extui %lt3A_43 : vector<240x240xi1> to vector<240x240xi32>
    %convert_element_type3A_45 = arith.sitofp %convert_element_type3A_44 : vector<240x240xi32> to vector<240x240xf32>
    %dot_general3A_46 = arith.constant dense<0.000000e+00> : vector<1x240xf32>
    %dot_general3A_47 = tpu.matmul %reduce_sum3A_40, %convert_element_type3A_45, %dot_general3A_46 {dimension_numbers = #tpu.dot_dimension_numbers<[1], [0], [0], [1], [0, 0, 1, 1], [], []>, transpose_lhs_hint = false} : vector<1x240xf32>, vector<240x240xf32>, vector<1x240xf32> -> vector<1x240xf32>
    %reshape3A_48 = vector.shape_cast %dot_general3A_37 : vector<240x128xf32> to vector<1x240x128xf32>
    %broadcast_in_dim3A_49 = vector.shape_cast %dot_general3A_47 : vector<1x240xf32> to vector<1x240x1xf32>
    %add3A = vector.broadcast %broadcast_in_dim3A_49 : vector<1x240x1xf32> to vector<1x240x128xf32>
    %add3A_50 = arith.addf %reshape3A_48, %add3A : vector<1x240x128xf32>
    %reshape3A_51 = vector.shape_cast %add3A_50 : vector<1x240x128xf32> to vector<1x30720xf32>
    %convert_element_type3A_52 = arith.fptosi %reshape3A_51 : vector<1x30720xf32> to vector<1x30720xi32>
    %jit3A = arith.constant -1 : i32
    %broadcast_in_dim3A_53 = vector.broadcast %jit3A : i32 to vector<1x30720xi32>
    %select_n3A = arith.select %or3A, %convert_element_type3A_52, %broadcast_in_dim3A_53 : vector<1x30720xi1>, vector<1x30720xi32>
    %swap3A = arith.constant 0 : index
    %swap3A_54 = arith.constant 0 : index
    %swap3A_55 = arith.constant 0 : index
    %swap3A_56 = vector.load %arg2[%swap3A, %swap3A_54, %swap3A_55] : memref<1x1x30720xi32, #tpu.memory_space<vmem>>, vector<1x1x30720xi32>
    %swap3A_57 = vector.shape_cast %swap3A_56 : vector<1x1x30720xi32> to vector<1x30720xi32>
    %swap3A_58 = vector.shape_cast %select_n3A : vector<1x30720xi32> to vector<1x1x30720xi32>
    tpu.vector_store %arg2[%swap3A, %swap3A_54, %swap3A_55], %swap3A_58 {strides = array<i32>} : memref<1x1x30720xi32, #tpu.memory_space<vmem>>, vector<1x1x30720xi32>,
    return
  }
  func.func @transform_0(%arg0: i32) -> (i32, i32, i32) {
    %c0_i32 = arith.constant 0 : i32
    %c0_i32_0 = arith.constant 0 : i32
    %c0_i32_1 = arith.constant 0 : i32
    return %arg0, %c0_i32, %c0_i32_0 : i32, i32, i32
  }
  func.func @transform_1(%arg0: i32) -> (i32, i32, i32) {
    %c0_i32 = arith.constant 0 : i32
    %c0_i32_0 = arith.constant 0 : i32
    %c0_i32_1 = arith.constant 0 : i32
    return %arg0, %c0_i32, %c0_i32_0 : i32, i32, i32
  }
}

module attributes {stable_mosaic.version = 14 : i64} {
  func.func @_tc_d_body(%arg0: i32, %arg1: memref<1x1x224xf32, #tpu.memory_space<vmem>>, %arg2: memref<1x1x224xi32, #tpu.memory_space<vmem>>, %arg3: memref<1x4x224xf32, #tpu.memory_space<vmem>>, %arg4: memref<1x6x200xf32, #tpu.memory_space<vmem>>) attributes {dimension_semantics = [#tpu.dimension_semantics<arbitrary>], iteration_bounds = array<i64: 8>, scalar_prefetch = 0 : i64, scratch_operands = 0 : i64, tpu.core_type = #tpu.core_type<tc>, window_params = [{transform_indices = @transform_0, window_bounds = array<i64: 1, 1, 224>}, {transform_indices = @transform_1, window_bounds = array<i64: 1, 1, 224>}, {transform_indices = @transform_2, window_bounds = array<i64: 1, 4, 224>}, {transform_indices = @transform_3, window_bounds = array<i64: 1, 6, 200>}]} {
    %get3A = arith.constant 0 : index
    %get3A_0 = arith.constant 0 : index
    %get3A_1 = arith.constant 0 : index
    %get3A_2 = vector.load %arg1[%get3A, %get3A_0, %get3A_1] : memref<1x1x224xf32, #tpu.memory_space<vmem>>, vector<1x1x224xf32>
    %get3A_3 = vector.shape_cast %get3A_2 : vector<1x1x224xf32> to vector<1x224xf32>
    %get3A_4 = arith.constant 0 : index
    %get3A_5 = arith.constant 0 : index
    %get3A_6 = arith.constant 0 : index
    %get3A_7 = vector.load %arg2[%get3A_4, %get3A_5, %get3A_6] : memref<1x1x224xi32, #tpu.memory_space<vmem>>, vector<1x1x224xi32>
    %get3A_8 = vector.shape_cast %get3A_7 : vector<1x1x224xi32> to vector<1x224xi32>
    %get3A_9 = arith.constant 0 : index
    %get3A_10 = arith.constant 0 : index
    %get3A_11 = arith.constant 0 : index
    %get3A_12 = vector.load %arg3[%get3A_9, %get3A_10, %get3A_11] : memref<1x4x224xf32, #tpu.memory_space<vmem>>, vector<1x4x224xf32>
    %get3A_13 = vector.shape_cast %get3A_12 : vector<1x4x224xf32> to vector<4x224xf32>
    %convert_element_type3A = arith.sitofp %get3A_8 : vector<1x224xi32> to vector<1x224xf32>
    %slice3A = vector.extract_strided_slice %get3A_13 {offsets = [0, 0], sizes = [1, 224], strides = [1, 1]} : vector<4x224xf32> to vector<1x224xf32>
    %squeeze3A = vector.shape_cast %slice3A : vector<1x224xf32> to vector<224xf32>
    %broadcast_in_dim3A = vector.shape_cast %squeeze3A : vector<224xf32> to vector<1x224xf32>
    %slice3A_14 = vector.extract_strided_slice %get3A_13 {offsets = [1, 0], sizes = [1, 224], strides = [1, 1]} : vector<4x224xf32> to vector<1x224xf32>
    %squeeze3A_15 = vector.shape_cast %slice3A_14 : vector<1x224xf32> to vector<224xf32>
    %broadcast_in_dim3A_16 = vector.shape_cast %squeeze3A_15 : vector<224xf32> to vector<1x224xf32>
    %slice3A_17 = vector.extract_strided_slice %get3A_13 {offsets = [2, 0], sizes = [1, 224], strides = [1, 1]} : vector<4x224xf32> to vector<1x224xf32>
    %squeeze3A_18 = vector.shape_cast %slice3A_17 : vector<1x224xf32> to vector<224xf32>
    %broadcast_in_dim3A_19 = vector.shape_cast %squeeze3A_18 : vector<224xf32> to vector<1x224xf32>
    %slice3A_20 = vector.extract_strided_slice %get3A_13 {offsets = [3, 0], sizes = [1, 224], strides = [1, 1]} : vector<4x224xf32> to vector<1x224xf32>
    %squeeze3A_21 = vector.shape_cast %slice3A_20 : vector<1x224xf32> to vector<224xf32>
    %broadcast_in_dim3A_22 = vector.shape_cast %squeeze3A_21 : vector<224xf32> to vector<1x224xf32>
    %iota3A = tpu.iota {dimensions = array<i32: 2>} : vector<1x224x224xi32>
    %broadcast_in_dim3A_23 = vector.shape_cast %get3A_3 : vector<1x224xf32> to vector<1x224x1xf32>
    %broadcast_in_dim3A_24 = vector.shape_cast %get3A_3 : vector<1x224xf32> to vector<1x1x224xf32>
    %broadcast_in_dim3A_25 = vector.shape_cast %get3A_8 : vector<1x224xi32> to vector<1x224x1xi32>
    %broadcast_in_dim3A_26 = vector.shape_cast %get3A_8 : vector<1x224xi32> to vector<1x1x224xi32>
    %gt3A = vector.broadcast %broadcast_in_dim3A_23 : vector<1x224x1xf32> to vector<1x224x224xf32>
    %gt3A_27 = vector.broadcast %broadcast_in_dim3A_24 : vector<1x1x224xf32> to vector<1x224x224xf32>
    %gt3A_28 = arith.cmpf ogt, %gt3A, %gt3A_27 : vector<1x224x224xf32>
    %eq3A = vector.broadcast %broadcast_in_dim3A_23 : vector<1x224x1xf32> to vector<1x224x224xf32>
    %eq3A_29 = vector.broadcast %broadcast_in_dim3A_24 : vector<1x1x224xf32> to vector<1x224x224xf32>
    %eq3A_30 = arith.cmpf oeq, %eq3A, %eq3A_29 : vector<1x224x224xf32>
    %lt3A = vector.broadcast %broadcast_in_dim3A_25 : vector<1x224x1xi32> to vector<1x224x224xi32>
    %lt3A_31 = vector.broadcast %broadcast_in_dim3A_26 : vector<1x1x224xi32> to vector<1x224x224xi32>
    %lt3A_32 = arith.cmpi slt, %lt3A, %lt3A_31 : vector<1x224x224xi32>
    %and3A = arith.andi %eq3A_30, %lt3A_32 : vector<1x224x224xi1>
    %or3A = arith.ori %gt3A_28, %and3A : vector<1x224x224xi1>
    %convert_element_type3A_33 = arith.extui %or3A : vector<1x224x224xi1> to vector<1x224x224xi32>
    %convert_element_type3A_34 = arith.sitofp %convert_element_type3A_33 : vector<1x224x224xi32> to vector<1x224x224xf32>
    %reduce_sum3A = arith.constant dense<0.000000e+00> : vector<1x224xf32>
    %reduce_sum3A_35 = vector.multi_reduction <add>, %convert_element_type3A_34, %reduce_sum3A [1] : vector<1x224x224xf32> to vector<1x224xf32>
    %convert_element_type3A_36 = arith.fptosi %reduce_sum3A_35 : vector<1x224xf32> to vector<1x224xi32>
    %broadcast_in_dim3A_37 = vector.shape_cast %convert_element_type3A_36 : vector<1x224xi32> to vector<1x224x1xi32>
    %eq3A_38 = vector.broadcast %broadcast_in_dim3A_37 : vector<1x224x1xi32> to vector<1x224x224xi32>
    %eq3A_39 = arith.cmpi eq, %eq3A_38, %iota3A : vector<1x224x224xi32>
    %convert_element_type3A_40 = arith.extui %eq3A_39 : vector<1x224x224xi1> to vector<1x224x224xi32>
    %convert_element_type3A_41 = arith.sitofp %convert_element_type3A_40 : vector<1x224x224xi32> to vector<1x224x224xf32>
    %broadcast_in_dim3A_42 = vector.shape_cast %get3A_3 : vector<1x224xf32> to vector<1x224x1xf32>
    %mul3A = vector.broadcast %broadcast_in_dim3A_42 : vector<1x224x1xf32> to vector<1x224x224xf32>
    %mul3A_43 = arith.mulf %convert_element_type3A_41, %mul3A : vector<1x224x224xf32>
    %reduce_sum3A_44 = arith.constant dense<0.000000e+00> : vector<1x224xf32>
    %reduce_sum3A_45 = vector.multi_reduction <add>, %mul3A_43, %reduce_sum3A_44 [1] : vector<1x224x224xf32> to vector<1x224xf32>
    %broadcast_in_dim3A_46 = vector.shape_cast %convert_element_type3A : vector<1x224xf32> to vector<1x224x1xf32>
    %mul3A_47 = vector.broadcast %broadcast_in_dim3A_46 : vector<1x224x1xf32> to vector<1x224x224xf32>
    %mul3A_48 = arith.mulf %convert_element_type3A_41, %mul3A_47 : vector<1x224x224xf32>
    %reduce_sum3A_49 = arith.constant dense<0.000000e+00> : vector<1x224xf32>
    %reduce_sum3A_50 = vector.multi_reduction <add>, %mul3A_48, %reduce_sum3A_49 [1] : vector<1x224x224xf32> to vector<1x224xf32>
    %broadcast_in_dim3A_51 = vector.shape_cast %broadcast_in_dim3A : vector<1x224xf32> to vector<1x224x1xf32>
    %mul3A_52 = vector.broadcast %broadcast_in_dim3A_51 : vector<1x224x1xf32> to vector<1x224x224xf32>
    %mul3A_53 = arith.mulf %convert_element_type3A_41, %mul3A_52 : vector<1x224x224xf32>
    %reduce_sum3A_54 = arith.constant dense<0.000000e+00> : vector<1x224xf32>
    %reduce_sum3A_55 = vector.multi_reduction <add>, %mul3A_53, %reduce_sum3A_54 [1] : vector<1x224x224xf32> to vector<1x224xf32>
    %broadcast_in_dim3A_56 = vector.shape_cast %broadcast_in_dim3A_16 : vector<1x224xf32> to vector<1x224x1xf32>
    %mul3A_57 = vector.broadcast %broadcast_in_dim3A_56 : vector<1x224x1xf32> to vector<1x224x224xf32>
    %mul3A_58 = arith.mulf %convert_element_type3A_41, %mul3A_57 : vector<1x224x224xf32>
    %reduce_sum3A_59 = arith.constant dense<0.000000e+00> : vector<1x224xf32>
    %reduce_sum3A_60 = vector.multi_reduction <add>, %mul3A_58, %reduce_sum3A_59 [1] : vector<1x224x224xf32> to vector<1x224xf32>
    %broadcast_in_dim3A_61 = vector.shape_cast %broadcast_in_dim3A_19 : vector<1x224xf32> to vector<1x224x1xf32>
    %mul3A_62 = vector.broadcast %broadcast_in_dim3A_61 : vector<1x224x1xf32> to vector<1x224x224xf32>
    %mul3A_63 = arith.mulf %convert_element_type3A_41, %mul3A_62 : vector<1x224x224xf32>
    %reduce_sum3A_64 = arith.constant dense<0.000000e+00> : vector<1x224xf32>
    %reduce_sum3A_65 = vector.multi_reduction <add>, %mul3A_63, %reduce_sum3A_64 [1] : vector<1x224x224xf32> to vector<1x224xf32>
    %broadcast_in_dim3A_66 = vector.shape_cast %broadcast_in_dim3A_22 : vector<1x224xf32> to vector<1x224x1xf32>
    %mul3A_67 = vector.broadcast %broadcast_in_dim3A_66 : vector<1x224x1xf32> to vector<1x224x224xf32>
    %mul3A_68 = arith.mulf %convert_element_type3A_41, %mul3A_67 : vector<1x224x224xf32>
    %reduce_sum3A_69 = arith.constant dense<0.000000e+00> : vector<1x224xf32>
    %reduce_sum3A_70 = vector.multi_reduction <add>, %mul3A_68, %reduce_sum3A_69 [1] : vector<1x224x224xf32> to vector<1x224xf32>
    %convert_element_type3A_71 = arith.fptosi %reduce_sum3A_50 : vector<1x224xf32> to vector<1x224xi32>
    %mul3A_72 = arith.constant 30720 : i32
    %mul3A_73 = arith.muli %arg0, %mul3A_72 : i32
    %sub3A = vector.broadcast %mul3A_73 : i32 to vector<1x224xi32>
    %sub3A_74 = arith.subi %convert_element_type3A_71, %sub3A : vector<1x224xi32>
    %div3A = arith.constant 384 : i32
    %div3A_75 = vector.broadcast %div3A : i32 to vector<1x224xi32>
    %div3A_76 = arith.divsi %sub3A_74, %div3A_75 : vector<1x224xi32>
    %gt3A_77 = arith.constant 0.000000e+00 : f32
    %gt3A_78 = vector.broadcast %gt3A_77 : f32 to vector<1x224xf32>
    %gt3A_79 = arith.cmpf ogt, %reduce_sum3A_45, %gt3A_78 : vector<1x224xf32>
    %jit3A = arith.constant 0 : i32
    %broadcast_in_dim3A_80 = vector.broadcast %jit3A : i32 to vector<1x224xi32>
    %select_n3A = arith.select %gt3A_79, %div3A_76, %broadcast_in_dim3A_80 : vector<1x224xi1>, vector<1x224xi32>
    %convert_element_type3A_81 = arith.sitofp %select_n3A : vector<1x224xi32> to vector<1x224xf32>
    %add3A = arith.constant 1.000000e+00 : f32
    %add3A_82 = vector.broadcast %add3A : f32 to vector<1x224xf32>
    %add3A_83 = arith.addf %convert_element_type3A_81, %add3A_82 : vector<1x224xf32>
    %slice3A_84 = vector.extract_strided_slice %add3A_83 {offsets = [0, 0], sizes = [1, 200], strides = [1, 1]} : vector<1x224xf32> to vector<1x200xf32>
    %squeeze3A_85 = vector.shape_cast %slice3A_84 : vector<1x200xf32> to vector<200xf32>
    %swap3A = arith.constant 0 : index
    %swap3A_86 = arith.constant 0 : index
    %swap3A_87 = arith.constant 0 : index
    %swap3A_88 = vector.load %arg4[%swap3A, %swap3A_86, %swap3A_87] : memref<1x6x200xf32, #tpu.memory_space<vmem>>, vector<1x1x200xf32>
    %swap3A_89 = vector.shape_cast %swap3A_88 : vector<1x1x200xf32> to vector<200xf32>
    %swap3A_90 = vector.shape_cast %squeeze3A_85 : vector<200xf32> to vector<1x1x200xf32>
    tpu.vector_store %arg4[%swap3A, %swap3A_86, %swap3A_87], %swap3A_90 {strides = array<i32>} : memref<1x6x200xf32, #tpu.memory_space<vmem>>, vector<1x1x200xf32>,
    %slice3A_91 = vector.extract_strided_slice %reduce_sum3A_45 {offsets = [0, 0], sizes = [1, 200], strides = [1, 1]} : vector<1x224xf32> to vector<1x200xf32>
    %squeeze3A_92 = vector.shape_cast %slice3A_91 : vector<1x200xf32> to vector<200xf32>
    %swap3A_93 = arith.constant 0 : index
    %swap3A_94 = arith.constant 1 : index
    %swap3A_95 = arith.constant 0 : index
    %swap3A_96 = vector.load %arg4[%swap3A_93, %swap3A_94, %swap3A_95] : memref<1x6x200xf32, #tpu.memory_space<vmem>>, vector<1x1x200xf32>
    %swap3A_97 = vector.shape_cast %swap3A_96 : vector<1x1x200xf32> to vector<200xf32>
    %swap3A_98 = vector.shape_cast %squeeze3A_92 : vector<200xf32> to vector<1x1x200xf32>
    tpu.vector_store %arg4[%swap3A_93, %swap3A_94, %swap3A_95], %swap3A_98 {strides = array<i32>} : memref<1x6x200xf32, #tpu.memory_space<vmem>>, vector<1x1x200xf32>,
    %jit3A_99 = arith.constant 0.000000e+00 : f32
    %jit3A_100 = arith.constant 1.000000e+00 : f32
    %max3A = vector.broadcast %jit3A_99 : f32 to vector<1x224xf32>
    %max3A_101 = arith.maximumf %max3A, %reduce_sum3A_55 : vector<1x224xf32>
    %min3A = vector.broadcast %jit3A_100 : f32 to vector<1x224xf32>
    %min3A_102 = arith.minimumf %min3A, %max3A_101 : vector<1x224xf32>
    %jit3A_103 = arith.constant 0.000000e+00 : f32
    %broadcast_in_dim3A_104 = vector.broadcast %jit3A_103 : f32 to vector<1x224xf32>
    %select_n3A_105 = arith.select %gt3A_79, %min3A_102, %broadcast_in_dim3A_104 : vector<1x224xi1>, vector<1x224xf32>
    %slice3A_106 = vector.extract_strided_slice %select_n3A_105 {offsets = [0, 0], sizes = [1, 200], strides = [1, 1]} : vector<1x224xf32> to vector<1x200xf32>
    %squeeze3A_107 = vector.shape_cast %slice3A_106 : vector<1x200xf32> to vector<200xf32>
    %swap3A_108 = arith.constant 0 : index
    %swap3A_109 = arith.constant 2 : index
    %swap3A_110 = arith.constant 0 : index
    %swap3A_111 = vector.load %arg4[%swap3A_108, %swap3A_109, %swap3A_110] : memref<1x6x200xf32, #tpu.memory_space<vmem>>, vector<1x1x200xf32>
    %swap3A_112 = vector.shape_cast %swap3A_111 : vector<1x1x200xf32> to vector<200xf32>
    %swap3A_113 = vector.shape_cast %squeeze3A_107 : vector<200xf32> to vector<1x1x200xf32>
    tpu.vector_store %arg4[%swap3A_108, %swap3A_109, %swap3A_110], %swap3A_113 {strides = array<i32>} : memref<1x6x200xf32, #tpu.memory_space<vmem>>, vector<1x1x200xf32>,
    %jit3A_114 = arith.constant 0.000000e+00 : f32
    %jit3A_115 = arith.constant 1.000000e+00 : f32
    %max3A_116 = vector.broadcast %jit3A_114 : f32 to vector<1x224xf32>
    %max3A_117 = arith.maximumf %max3A_116, %reduce_sum3A_60 : vector<1x224xf32>
    %min3A_118 = vector.broadcast %jit3A_115 : f32 to vector<1x224xf32>
    %min3A_119 = arith.minimumf %min3A_118, %max3A_117 : vector<1x224xf32>
    %jit3A_120 = arith.constant 0.000000e+00 : f32
    %broadcast_in_dim3A_121 = vector.broadcast %jit3A_120 : f32 to vector<1x224xf32>
    %select_n3A_122 = arith.select %gt3A_79, %min3A_119, %broadcast_in_dim3A_121 : vector<1x224xi1>, vector<1x224xf32>
    %slice3A_123 = vector.extract_strided_slice %select_n3A_122 {offsets = [0, 0], sizes = [1, 200], strides = [1, 1]} : vector<1x224xf32> to vector<1x200xf32>
    %squeeze3A_124 = vector.shape_cast %slice3A_123 : vector<1x200xf32> to vector<200xf32>
    %swap3A_125 = arith.constant 0 : index
    %swap3A_126 = arith.constant 3 : index
    %swap3A_127 = arith.constant 0 : index
    %swap3A_128 = vector.load %arg4[%swap3A_125, %swap3A_126, %swap3A_127] : memref<1x6x200xf32, #tpu.memory_space<vmem>>, vector<1x1x200xf32>
    %swap3A_129 = vector.shape_cast %swap3A_128 : vector<1x1x200xf32> to vector<200xf32>
    %swap3A_130 = vector.shape_cast %squeeze3A_124 : vector<200xf32> to vector<1x1x200xf32>
    tpu.vector_store %arg4[%swap3A_125, %swap3A_126, %swap3A_127], %swap3A_130 {strides = array<i32>} : memref<1x6x200xf32, #tpu.memory_space<vmem>>, vector<1x1x200xf32>,
    %jit3A_131 = arith.constant 0.000000e+00 : f32
    %jit3A_132 = arith.constant 1.000000e+00 : f32
    %max3A_133 = vector.broadcast %jit3A_131 : f32 to vector<1x224xf32>
    %max3A_134 = arith.maximumf %max3A_133, %reduce_sum3A_65 : vector<1x224xf32>
    %min3A_135 = vector.broadcast %jit3A_132 : f32 to vector<1x224xf32>
    %min3A_136 = arith.minimumf %min3A_135, %max3A_134 : vector<1x224xf32>
    %jit3A_137 = arith.constant 0.000000e+00 : f32
    %broadcast_in_dim3A_138 = vector.broadcast %jit3A_137 : f32 to vector<1x224xf32>
    %select_n3A_139 = arith.select %gt3A_79, %min3A_136, %broadcast_in_dim3A_138 : vector<1x224xi1>, vector<1x224xf32>
    %slice3A_140 = vector.extract_strided_slice %select_n3A_139 {offsets = [0, 0], sizes = [1, 200], strides = [1, 1]} : vector<1x224xf32> to vector<1x200xf32>
    %squeeze3A_141 = vector.shape_cast %slice3A_140 : vector<1x200xf32> to vector<200xf32>
    %swap3A_142 = arith.constant 0 : index
    %swap3A_143 = arith.constant 4 : index
    %swap3A_144 = arith.constant 0 : index
    %swap3A_145 = vector.load %arg4[%swap3A_142, %swap3A_143, %swap3A_144] : memref<1x6x200xf32, #tpu.memory_space<vmem>>, vector<1x1x200xf32>
    %swap3A_146 = vector.shape_cast %swap3A_145 : vector<1x1x200xf32> to vector<200xf32>
    %swap3A_147 = vector.shape_cast %squeeze3A_141 : vector<200xf32> to vector<1x1x200xf32>
    tpu.vector_store %arg4[%swap3A_142, %swap3A_143, %swap3A_144], %swap3A_147 {strides = array<i32>} : memref<1x6x200xf32, #tpu.memory_space<vmem>>, vector<1x1x200xf32>,
    %jit3A_148 = arith.constant 0.000000e+00 : f32
    %jit3A_149 = arith.constant 1.000000e+00 : f32
    %max3A_150 = vector.broadcast %jit3A_148 : f32 to vector<1x224xf32>
    %max3A_151 = arith.maximumf %max3A_150, %reduce_sum3A_70 : vector<1x224xf32>
    %min3A_152 = vector.broadcast %jit3A_149 : f32 to vector<1x224xf32>
    %min3A_153 = arith.minimumf %min3A_152, %max3A_151 : vector<1x224xf32>
    %jit3A_154 = arith.constant 0.000000e+00 : f32
    %broadcast_in_dim3A_155 = vector.broadcast %jit3A_154 : f32 to vector<1x224xf32>
    %select_n3A_156 = arith.select %gt3A_79, %min3A_153, %broadcast_in_dim3A_155 : vector<1x224xi1>, vector<1x224xf32>
    %slice3A_157 = vector.extract_strided_slice %select_n3A_156 {offsets = [0, 0], sizes = [1, 200], strides = [1, 1]} : vector<1x224xf32> to vector<1x200xf32>
    %squeeze3A_158 = vector.shape_cast %slice3A_157 : vector<1x200xf32> to vector<200xf32>
    %swap3A_159 = arith.constant 0 : index
    %swap3A_160 = arith.constant 5 : index
    %swap3A_161 = arith.constant 0 : index
    %swap3A_162 = vector.load %arg4[%swap3A_159, %swap3A_160, %swap3A_161] : memref<1x6x200xf32, #tpu.memory_space<vmem>>, vector<1x1x200xf32>
    %swap3A_163 = vector.shape_cast %swap3A_162 : vector<1x1x200xf32> to vector<200xf32>
    %swap3A_164 = vector.shape_cast %squeeze3A_158 : vector<200xf32> to vector<1x1x200xf32>
    tpu.vector_store %arg4[%swap3A_159, %swap3A_160, %swap3A_161], %swap3A_164 {strides = array<i32>} : memref<1x6x200xf32, #tpu.memory_space<vmem>>, vector<1x1x200xf32>,
    return
  }
  func.func @transform_0(%arg0: i32) -> (i32, i32, i32) {
    %c0_i32 = arith.constant 0 : i32
    %c0_i32_0 = arith.constant 0 : i32
    %c0_i32_1 = arith.constant 0 : i32
    return %arg0, %c0_i32, %c0_i32_0 : i32, i32, i32
  }
  func.func @transform_1(%arg0: i32) -> (i32, i32, i32) {
    %c0_i32 = arith.constant 0 : i32
    %c0_i32_0 = arith.constant 0 : i32
    %c0_i32_1 = arith.constant 0 : i32
    return %arg0, %c0_i32, %c0_i32_0 : i32, i32, i32
  }
  func.func @transform_2(%arg0: i32) -> (i32, i32, i32) {
    %c0_i32 = arith.constant 0 : i32
    %c0_i32_0 = arith.constant 0 : i32
    %c0_i32_1 = arith.constant 0 : i32
    return %arg0, %c0_i32, %c0_i32_0 : i32, i32, i32
  }
  func.func @transform_3(%arg0: i32) -> (i32, i32, i32) {
    %c0_i32 = arith.constant 0 : i32
    %c0_i32_0 = arith.constant 0 : i32
    %c0_i32_1 = arith.constant 0 : i32
    return %arg0, %c0_i32, %c0_i32_0 : i32, i32, i32
  }
}

</mosaic_0001>

<sc_bundles>
// kernel: kernel.11.cloned.1.call-start
scs
__scs_entry_jumppad:
0x0: {  	(pc) =	sbr.rel $0x88, $3  }
0x1: {  	(tag) =	ssettag $0x0;
	lr =	simm.s32 $0x1  }
0x2: {  	[smem:$0x3FA0] =	sst lr;
	_ =	strace $0xD0000000  }
0x3: {  	_ = 	snop  }
0x4: {  	_ = 	snop  }
0x5: {  	_ = 	snop  }
0x6: {  	_ = 	snop  }
0x7: {  	_ = 	snop  }
__scs_overlays_trampoline_lowered:
0x8: {  	[smem:$0x3FAF] =	sst s0  }
0x9: {  	[smem:$0x3FB0] =	sst s1  }
0xa: {  	[smem:$0x3FB1] =	sst s2  }
0xb: {  	[smem:$0x3FB2] =	sst s3  }
0xc: {  	[smem:$0x3FB3] =	sst s4  }
0xd: {  	[smem:$0x3FB4] =	sst s5  }
0xe: {  	[smem:$0x3FB5] =	sst s6  }
0xf: {  	[smem:$0x3FB6] =	sst s7  }
0x10: {  	[smem:$0x3FB7] =	sst s8  }
0x11: {  	[smem:$0x3FB8] =	sst s9;
	s0 =	simm.s32 @!p0 $0x0  }
0x12: {  	s1 =	sld [smem:$0x3F9E];
	s0 =	simm.s32 @p0 $0x1  }
0x13: {  	[smem:$0x3FB9] =	sst s0;
	s0 =	simm.s32 @!p1 $0x0  }
0x14: {  	s2 =	sld [smem:$0x3F9D];
	s0 =	simm.s32 @p1 $0x1  }
0x15: {  	[smem:$0x3FBA] =	sst s0;
	s0 =	simm.s32 @!p2 $0x0  }
0x16: {  	s3 =	sld [smem:$0x3FDB];
	s0 =	simm.s32 @p2 $0x1  }
0x17: {  	s4 =	simm.s32 $0x1BF5;
	[smem:$0x3FBC] =	sst s0  }
0x18: {  	s0 =	sld [smem:$0x3F9F];
	_ =	swait.ge [sflag:s4], $0x0  }
0x19: {  	s7 =	sld [smem:$0x3FA0]  }
0x1a: {  	s8 =	sadd.s32 $0xFFFFE003, lr  }
0x1b: {  	s9 =	sadd.s32 $0xFFFFFEF7, lr;
	s5 =	simm.s32 $0xFFFFFFFF;
	p2 =	slt.u32 s8, $0xFFFFF086  }
0x1c: {  	p1 =	slt.u32 s9, $0xF7A;
	s5 =	simm.s32 @!p2 $0x0  }
0x1d: {  	s5 =	simm.s32 @p1 $0x1;
	p0 =	seq.s32 s7, s2  }
0x1e: {  	s7 =	smul.u32 @!p0 $0xF7A, s2;
	p2 =	seq.s32 @!p0 s5, $0x0  }
0x1f: {  	s9 =	smul.u32 $0xF7A, s1;
	s8 =	simm.s32 @!p0 $0x1BF5;
	p2 =	por !p2, p0  }
0x20: {  	[sflag:s8] =	ssyncset.s32 @!p0 $0xFFFFF086;
	s6 =	sadd.s32 @!p0 s3, s7;
	s7 =	simm.s32 @!p0 $0x108  }
0x21: {  	s3 =	sadd.s32 s3, s9;
	s6 =	sadd.s32 @!p0 $0x88, s6;
	s7 =	simm.s32 @p2 $0x1082  }
0x22: {  	[simem:s7], [sflag:s8] =	dma.local @!p0 [hbm:s6], $0xF7A  }
0x23: {  	s9 =	sor.u32 $0xD0000000, s2;
	s6 =	simm.s32 $0x108;
	_ =	swait.ge @!p0 [sflag:s8], $0x0  }
0x24: {  	s3 =	sadd.s32 $0x88, s3;
	s6 =	simm.s32 @!p1 $0x1082;
	[sflag:s4] =	ssyncset.s32 $0xFFFFF086  }
0x25: {  	[simem:s6], [sflag:s4] =	dma.local [hbm:s3], $0xF7A  }
0x26: {  	[smem:$0x3FA0] =	sst s1;
	(tag) =	ssettag s2;
	_ =	strace s9  }
0x27: {  	s1 =	sld [smem:$0x3FB0]  }
0x28: {  	s2 =	sld [smem:$0x3FB1]  }
0x29: {  	s4 =	sld [smem:$0x3FB3]  }
0x2a: {  	p0 =	seq.s32 s5, $0x0;
	s5 =	sld [smem:$0x3FB4]  }
0x2b: {  	s6 =	sld [smem:$0x3FB5]  }
0x2c: {  	s7 =	sld [smem:$0x3FB6]  }
0x2d: {  	s3 =	simm.s32 $0x108;
	s8 =	sld [smem:$0x3FB7]  }
0x2e: {  	s3 =	simm.s32 @!p0 $0x1082;
	s9 =	sld [smem:$0x3FB8]  }
0x2f: {  	lr =	sadd.s32 s0, s3;
	s0 =	sld [smem:$0x3FAF]  }
0x30: {  	s3 =	sld [smem:$0x3FB2]  }
0x31: {  	[smem:$0x3FBB] =	sst s10  }
0x32: {  	s10 =	sld [smem:$0x3FB9];
	_ =	sdelay $0x3  }
0x33: {  	p0 =	seq.s32 s10, $0x1;
	s10 =	sld [smem:$0x3FBB];
	_ =	sdelay $0x3  }
0x34: {  	[smem:$0x3FBB] =	sst s10  }
0x35: {  	s10 =	sld [smem:$0x3FBA];
	_ =	sdelay $0x3  }
0x36: {  	p1 =	seq.s32 s10, $0x1;
	s10 =	sld [smem:$0x3FBB];
	_ =	sdelay $0x3  }
0x37: {  	[smem:$0x3FBB] =	sst s10  }
0x38: {  	s10 =	sld [smem:$0x3FBC]  }
0x39: {  	_ = 	snop;
	(pc) =	sbr.ind lr, $3  }
0x3a: {  	_ = 	snop  }
0x3b: {  	_ = 	snop  }
0x3c: {  	p2 =	seq.s32 s10, $0x1;
	s10 =	sld [smem:$0x3FBB]  }
0x3d: {  	_ =	shalt  }
0x3e: {  	_ =	shalt  }
0x3f: {  	_ =	shalt  }
0x40: {  	_ =	shalt  }
0x41: {  	_ =	shalt  }
0x42: {  	_ =	shalt  }
0x43: {  	_ =	shalt  }
0x44: {  	_ =	shalt  }
0x45: {  	_ =	shalt  }
0x46: {  	_ =	shalt  }
0x47: {  	_ =	shalt  }
0x48: {  	_ =	shalt  }
0x49: {  	_ =	shalt  }
0x4a: {  	_ =	shalt  }
0x4b: {  	_ =	shalt  }
0x4c: {  	_ =	shalt  }
0x4d: {  	_ =	shalt  }
0x4e: {  	_ =	shalt  }
0x4f: {  	_ =	shalt  }
0x50: {  	_ =	shalt  }
0x51: {  	_ =	shalt  }
0x52: {  	_ =	shalt  }
0x53: {  	_ =	shalt  }
0x54: {  	_ =	shalt  }
0x55: {  	_ =	shalt  }
0x56: {  	_ =	shalt  }
0x57: {  	_ =	shalt  }
0x58: {  	_ =	shalt  }
0x59: {  	_ =	shalt  }
0x5a: {  	_ =	shalt  }
0x5b: {  	_ =	shalt  }
0x5c: {  	_ =	shalt  }
0x5d: {  	_ =	shalt  }
0x5e: {  	_ =	shalt  }
0x5f: {  	_ =	shalt  }
0x60: {  	_ =	shalt  }
0x61: {  	_ =	shalt  }
0x62: {  	_ =	shalt  }
0x63: {  	_ =	shalt  }
0x64: {  	_ =	shalt  }
0x65: {  	_ =	shalt  }
0x66: {  	_ =	shalt  }
0x67: {  	_ =	shalt  }
0x68: {  	_ =	shalt  }
0x69: {  	_ =	shalt  }
0x6a: {  	_ =	shalt  }
0x6b: {  	_ =	shalt  }
0x6c: {  	_ =	shalt  }
0x6d: {  	_ =	shalt  }
0x6e: {  	_ =	shalt  }
0x6f: {  	_ =	shalt  }
0x70: {  	_ =	shalt  }
0x71: {  	_ =	shalt  }
0x72: {  	_ =	shalt  }
0x73: {  	_ =	shalt  }
0x74: {  	_ =	shalt  }
0x75: {  	_ =	shalt  }
0x76: {  	_ =	shalt  }
0x77: {  	_ =	shalt  }
0x78: {  	_ =	shalt  }
0x79: {  	_ =	shalt  }
0x7a: {  	_ =	shalt  }
0x7b: {  	_ =	shalt  }
0x7c: {  	_ =	shalt  }
0x7d: {  	_ =	shalt  }
0x7e: {  	_ =	shalt  }
0x7f: {  	_ =	shalt  }
0x80: {  	_ =	shalt  }
0x81: {  	_ =	shalt  }
0x82: {  	_ =	shalt  }
0x83: {  	_ =	shalt  }
0x84: {  	_ =	shalt  }
0x85: {  	_ =	shalt  }
0x86: {  	_ =	shalt  }
0x87: {  	_ =	shalt  }
.Lfunc_end0:
.L_simem_size_0:
called_computation.1_lowered:
.L_overlay_start_0:
0x88: {  	s2 =	sld [smem:$0x3FD9]  }
0x89: {  	s3 =	sld [smem:$0x3FFE];
	_ =	sdelay $0x1  }
0x8a: {  	s1 =	srdreg.scid  }
0x8b: {  	s0 =	sand.u32 $0x1, s1  }
0x8c: {  	s17 =	sshll.u32 s0, $0xA;
	s2 =	sadd.s32 s3, s2  }
0x8d: {  	s2 =	sadd.s32 s2, s17  }
0x8e: {  	[smem:$0x3FC7] =	sst s2  }
0x8f: {  	_ = 	snop  }
0x90: {  	s2 =	sld [smem:$0x3FD0];
	(tm) =	ssettm $0x1  }
0x91: {  	s18 =	sld [smem:$0x3FFB];
	_ =	sdelay $0x3  }
0x92: {  	_ =	strace s18  }
0x93: {  	s3 =	sld [smem:$0x3FFC];
	_ =	sdelay $0x3  }
0x94: {  	_ =	strace s3  }
0x95: {  	s3 =	sld [smem:$0x3FFD];
	_ =	sdelay $0x3  }
0x96: {  	_ =	strace s3  }
0x97: {  	_ =	strace $0x8FFFFFFF  }
0x98: {  	s19 =	sld [smem:$0x3FDB];
	_ =	sdelay $0x1  }
0x99: {  	s4 =	simm.s32 $_scs_section_size  }
0x9a: {  	s5 =	simm.s32 $_size__tile_overlayer_lowered;
	s6 =	simm.s32 $_tile_overlayer_lowered  }
0x9b: {  	s22 =	simm.s32 $0x1BFF;
	s21 =	sshll.u32 s6, $0x1;
	s3 =	sadd.s32 s4, s19  }
0x9c: {  	s7 =	simm.s32 $0x0;
	s20 =	sshll.u32 s5, $0x1;
	s5 =	sadd.s32 s21, s3  }
0x9d: {  	[timem:s7], [sflag:s22] =	dma.local [hbm:s5], s20  }
0x9e: {  	_ =	swait.ge [sflag:s22], s20  }
0x9f: {  	s4 =	ssub.s32 $0x0, s20;
	[sflag:s22] =	ssyncset.done $0x0  }
0xa0: {  	[sflag:s22] =	ssyncadd.s32 s4;
	_ =	sdelay $0x1  }
0xa1: {  	s23 =	simm.s32 $0x1B8B  }
0xa2: {  	_ =	swait.ge [sflag:s23], $0x1  }
0xa3: {  	[sflag:s23] =	ssyncset.done $0x0  }
0xa4: {  	s25 =	simm.s32 $0x1B8E;
	s24 =	sld [smem:$0x3FFE];
	[sflag:s23] =	ssyncadd.s32 $0xFFFFFFFF  }
0xa5: {  	s26 =	simm.s32 $execute0_lowered;
	[smem:$0x3FD2] =	sst s25  }
0xa6: {  	s5 =	sshll.u32 s26, $0x1;
	_ =	strace $0x80000049;
	[dreg:$0x1] =	wrdreg $0xFFFFFFFF  }
0xa7: {  	s28 =	simm.s32 $_size_execute0_lowered;
	s3 =	sadd.s32 s3, s5;
	[dreg:$0x0] =	wrdreg $0x0  }
0xa8: {  	s5 =	sshll.u32 s28, $0x1;
	[dreg:$0x2] =	wrdreg s3  }
0xa9: {  	[dreg:$0x3] =	wrdreg s5  }
0xaa: {  	[dreg:$0x4] =	wrdreg $0xC0  }
0xab: {  	_ =	task [dreg:s7], $0x5FFFF  }
0xac: {  	[dreg:$0x1] =	wrdreg $0xFFFFFFFF  }
0xad: {  	[dreg:$0x0] =	wrdreg $0x60  }
0xae: {  	[dreg:$0x2] =	wrdreg s24  }
0xaf: {  	[dreg:$0x3] =	wrdreg s2  }
0xb0: {  	[dreg:$0x4] =	wrdreg $0x9  }
0xb1: {  	_ =	task.clear_ibuf [dreg:s7], $0x5FFFF;
	_ =	strace $0x90000049  }
0xb2: {  	s29 =	simm.s32 $0x9;
	_ =	strace $0x8000004B  }
0xb3: {  	_ =	swait.ge [sflag:s29], $0x1  }
0xb4: {  	[sflag:s29] =	ssyncadd.s32 $0xFFFFFFFF  }
0xb5: {  	_ =	strace $0x9000004B  }
0xb6: {  	_ =	sfence  }
0xb7: {  	s30 =	sld [smem:$0x0];
	_ =	sdelay $0x2  }
0xb8: {  	s31 =	sshll.u32 s1, $0xD;
	s1 =	sshrl.u32 s1, $0x2  }
0xb9: {  	s3 =	sand.u32 $0x4000, s31;
	s1 =	sadd.s32 s1, s30  }
0xba: {  	s0 =	sor.u32 s3, s0;
	s1 =	sshll.u32 s1, $0x11  }
0xbb: {  	s0 =	sor.u32 s1, s0  }
0xbc: {  	s0 =	sadd.s32 $0x8F2B, s0  }
0xbd: {  	[sflag:s0] =	ssyncadd.remote.s32 $0x1  }
0xbe: {  	_ =	sfence.sel $0xFFFF  }
0xbf: {  	[dreg:$0x0] =	wrdreg $0xFFFFFFFF;
	(pc) =	sbr.abs _section_cstart, $3  }
0xc0: {  	[dreg:$0x1] =	wrdreg $0xFFFFFFFF  }
0xc1: {  	_ =	task.clear_ibuf [dreg:s7], $0x2FFFF;
	_ =	strace $0x9FFFFFFF  }
0xc2: {  	(tm) =	ssettm $0x7FFFFFFF  }
0xc3: {  	_ =	shalt  }
tec
execute0_lowered:
.L_overlay_start_1:
0x0: {  	(tag) =	ssettag $0x1  }
0x1: {  	s3 =	stileid.u32  }
0x2: {  	p0 =	sgt.u32 s3, $0x3  }
.Ltmp0:
0x3: {  	_ = 	snop;
	(pc) =	sbr.rel @p0 .LBB2_11-.Ltmp0, $4  }
0x4: {  	_ = 	snop  }
0x5: {  	s0 =	rddreg [dreg:$0x0];
	s2 =	simm.s32 $0x0  }
0x6: {  	[smem:$0x7FF] =	sst s2  }
0x7: {  	s1 =	rddreg [dreg:$0x1];
	_ =	strace $0x8000004A  }
0x8: {  	s3 =	srdreg.scid;
	s9 =	stileid.u32;
	s13 =	sadd.s32 $0x10C00, s0  }
0x9: {  	s19 =	sadd.s32 $0x1C00, s0;
	s20 =	sadd.s32 $0x9400, s0;
	s22 =	sadd.s32 $0xC9C00, s0  }
0xa: {  	s28 =	simm.s32 $0xE200;
	s29 =	simm.s32 $0x3C00;
	s30 =	simm.s32 $0x3D00  }
0xb: {  	s3 =	sand.u32 $0x1, s3;
	s4 =	sshll.u32 s9, $0x1;
	s14 =	smul.u32 $0xF000, s9  }
0xc: {  	s31 =	simm.s32 $0x10000;
	s4 =	sor.u32 s3, s4;
	s15 =	smul.u32 $0x7800, s3  }
0xd: {  	s3 =	ssub.s32 $0x2, s3;
	s5 =	smul.u32 $0x7800, s4;
	s21 =	sshll.u32 s4, $0x5  }
0xe: {  	s6 =	sshll.u32 s4, $0x7;
	s4 =	smul.u32 $0x1400, s4;
	s26 =	sshrl.u32 s3, $0x1  }
0xf: {  	s11 =	sadd.s32 s21, s0;
	s18 =	sadd.s32 s6, s0;
	s0 =	sadd.s32 s15, s14  }
0x10: {  	s3 =	ssub.s32 s3, s26;
	s21 =	sadd.s32 s1, s21;
	s26 =	simm.s32 $0x1E00  }
0x11: {  	s1 =	simm.s32 $0x0;
	s12 =	sshrl.u32 s5, $0x3;
	s11 =	sadd.s32 $0x18400, s11  }
0x12: {  	s14 =	sadd.s32 $0x1E00, s0;
	s15 =	sadd.s32 $0x3C00, s0;
	s5 =	sadd.s32 s13, s12  }
0x13: {  	v0 =	vlaneseq.u32;
	s16 =	sadd.s32 $0x5A00, s0;
	s23 =	sadd.s32 s19, s12;
	[dreg:$0x3] =	wrdreg s5  }
0x14: {  	v1 =	vor.u32 $0x400010, v0;
	v2 =	vor.u32 $0x400020, v0;
	s22 =	sadd.s32 s22, s4;
	s24 =	sadd.s32 s20, s12;
	[dreg:$0x4] =	wrdreg s23  }
0x15: {  	v3 =	vor.u32 $0x400030, v0;
	v4 =	vor.u32 $0x400040, v0;
	s8 =	sadd.s32 $0x3C0, s12;
	s17 =	sadd.s32 $0x780, s12;
	[dreg:$0x5] =	wrdreg s24  }
0x16: {  	v5 =	vor.u32 $0x400050, v0;
	v6 =	vor.u32 $0x400060, v0;
	v7 =	vor.u32 $0x400070, v0;
	s25 =	sadd.s32 s13, s8;
	s7 =	sadd.s32 s19, s8;
	s8 =	sadd.s32 s20, s8  }
0x17: {  	v14 =	vimm.f32 $0.0e+00;
	v8 =	vor.u32 $0x400080, v0;
	v9 =	vor.u32 $0x400090, v0;
	s9 =	sadd.s32 s13, s17;
	s10 =	sadd.s32 s19, s17;
	s23 =	sadd.s32 $0xB40, s12  }
0x18: {  	v17 =	vimm.s32 $0x0;
	v10 =	vor.u32 $0x4000A0, v0;
	v12 =	vor.u32 $0x4000B0, v0;
	s12 =	sadd.s32 $0x18600, s18;
	s17 =	sadd.s32 s20, s17;
	s24 =	simm.s32 $0x3E00  }
0x19: {  	v13 =	vor.u32 $0x4000C0, v0;
	v15 =	vor.u32 $0x400000, v0;
	v16 =	vor.u32 $0x4000D0, v0;
	[dreg:$0x6] =	wrdreg s25;
	s18 =	sadd.s32 s13, s23;
	s19 =	sadd.s32 s19, s23  }
0x1a: {  	v18 =	vor.u32 $0x4000E0, v0;
	v19 =	vor.u32 $0x4000F0, v0;
	v11 =	vmov s4;
	s20 =	sadd.s32 s20, s23;
	s23 =	smax.u32 s3, $0x1;
	s25 =	simm.s32 $0x1  }
.LBB2_2:
0x1b: {  	s3 =	simm.s32 $0x0  }
0x1c: {  	[tilespmem:s24], [sflag:$0x1] =	stream.linear.gather [hbm4b:s22+s3], $0xA000, $0x38;
	[tilespmem:$0x10100] =	vst v63  }
0x1d: {  	_ =	swait.ge [sflag:s25], $0xA000  }
0x1e: {  	[sflag:s25] =	ssyncset.done $0x0  }
0x1f: {  	[sflag:s25] =	ssyncadd.s32 $0xFFFF6000  }
0x20: {  	[tilespmem:$0x3C00] =	vst v14  }
0x21: {  	[tilespmem:$0x3D00] =	vst v15  }
0x22: {  	[tilespmem:$0x10000] =	vst v17  }
0x23: {  	[tilespmem:$0x3C10] =	vst v14  }
0x24: {  	[tilespmem:$0x3D10] =	vst v1  }
0x25: {  	[tilespmem:$0x10010] =	vst v17  }
0x26: {  	[tilespmem:$0x3C20] =	vst v14  }
0x27: {  	[tilespmem:$0x3D20] =	vst v2  }
0x28: {  	[tilespmem:$0x10020] =	vst v17  }
0x29: {  	[tilespmem:$0x3C30] =	vst v14  }
0x2a: {  	[tilespmem:$0x3D30] =	vst v3  }
0x2b: {  	[tilespmem:$0x10030] =	vst v17  }
0x2c: {  	[tilespmem:$0x3C40] =	vst v14  }
0x2d: {  	[tilespmem:$0x3D40] =	vst v4  }
0x2e: {  	[tilespmem:$0x10040] =	vst v17  }
0x2f: {  	[tilespmem:$0x3C50] =	vst v14  }
0x30: {  	[tilespmem:$0x3D50] =	vst v5  }
0x31: {  	[tilespmem:$0x10050] =	vst v17  }
0x32: {  	[tilespmem:$0x3C60] =	vst v14  }
0x33: {  	[tilespmem:$0x3D60] =	vst v6  }
0x34: {  	[tilespmem:$0x10060] =	vst v17  }
0x35: {  	[tilespmem:$0x3C70] =	vst v14  }
0x36: {  	[tilespmem:$0x3D70] =	vst v7  }
0x37: {  	[tilespmem:$0x10070] =	vst v17  }
0x38: {  	[tilespmem:$0x3C80] =	vst v14  }
0x39: {  	[tilespmem:$0x3D80] =	vst v8  }
0x3a: {  	[tilespmem:$0x10080] =	vst v17  }
0x3b: {  	[tilespmem:$0x3C90] =	vst v14  }
0x3c: {  	[tilespmem:$0x3D90] =	vst v9  }
0x3d: {  	[tilespmem:$0x10090] =	vst v17  }
0x3e: {  	[tilespmem:$0x3CA0] =	vst v14  }
0x3f: {  	[tilespmem:$0x3DA0] =	vst v10  }
0x40: {  	[tilespmem:$0x100A0] =	vst v17  }
0x41: {  	[tilespmem:$0x3CB0] =	vst v14  }
0x42: {  	[tilespmem:$0x3DB0] =	vst v12  }
0x43: {  	[tilespmem:$0x100B0] =	vst v17  }
0x44: {  	[tilespmem:$0x3CC0] =	vst v14  }
0x45: {  	[tilespmem:$0x3DC0] =	vst v13  }
0x46: {  	[tilespmem:$0x100C0] =	vst v17  }
0x47: {  	[tilespmem:$0x3CD0] =	vst v14  }
0x48: {  	[tilespmem:$0x3DD0] =	vst v16  }
0x49: {  	[tilespmem:$0x100D0] =	vst v17  }
0x4a: {  	[tilespmem:$0x3CE0] =	vst v14  }
0x4b: {  	[tilespmem:$0x3DE0] =	vst v18  }
0x4c: {  	[tilespmem:$0x100E0] =	vst v17  }
0x4d: {  	[tilespmem:$0x3CF0] =	vst v14  }
0x4e: {  	[tilespmem:$0x3DF0] =	vst v19  }
0x4f: {  	s4 =	rddreg [dreg:$0x3];
	[tilespmem:$0x100F0] =	vst v17  }
0x50: {  	[tilespmem:s3], [sflag:$0x1] =	stream.linear.gather [hbm4b:s4+s3], $0x1E00, $0x38;
	[tilespmem:$0x10100] =	vst v63  }
0x51: {  	_ =	swait.ge [sflag:s25], $0x1E00  }
0x52: {  	[sflag:s25] =	ssyncset.done $0x0  }
0x53: {  	s6 =	rddreg [dreg:$0x4];
	[sflag:s25] =	ssyncadd.s32 $0xFFFFE200  }
0x54: {  	[tilespmem:s26], [sflag:$0x1] =	stream.linear.gather [hbm4b:s6+s3], $0x1E00, $0x38;
	[tilespmem:$0x10100] =	vst v63  }
0x55: {  	_ =	swait.ge [sflag:s25], $0x1E00  }
0x56: {  	[sflag:s25] =	ssyncset.done $0x0  }
0x57: {  	s13 =	rddreg [dreg:$0x5];
	[sflag:s25] =	ssyncadd.s32 $0xFFFFE200  }
0x58: {  	[tilespmem:s28], [sflag:$0x1] =	stream.linear.gather [hbm4b:s13+s3], $0x1E00, $0x38;
	[tilespmem:$0x10100] =	vst v63  }
0x59: {  	_ =	swait.ge [sflag:s25], $0x1E00  }
0x5a: {  	[sflag:s25] =	ssyncset.done $0x0  }
0x5b: {  	s13 =	simm.s32 $0x0;
	[sflag:s25] =	ssyncadd.s32 $0xFFFFE200  }
0x5c: {  	v20 =	vld [tilespmem:s13+$0x0];
	_ =	sdelay $0x4  }
0x5d: {  	vm0 =	vgt.s32 v20, $0xFFFFFFFF;
	vm1 =	vgt.s32 v20, $0x0  }
0x5e: {  	v21 =	vld [tilespmem:s13+$0x1E00];
	v20 =	vnsel vm1, $0x0, v20;
	_ =	sdelay $0x4  }
0x5f: {  	v22 =	vor.u32 s0, v0;
	[tilespmem:v20+s29+$0x0] =	vst.idx.msk vm0, v21  }
0x60: {  	[tilespmem:v20+s30+$0x0] =	vst.idx.msk vm0, v22  }
0x61: {  	s4 =	simm.s32 $0x80;
	s3 =	simm.s32 $0x40;
	v21 =	vld [tilespmem:s13+$0xE200];
	s13 =	smov.u32 s0  }
.LBB2_3:
0x62: {  	_ =	sdelay $0x2  }
0x63: {  	s5 =	sshra.s32 s3, $0x2  }
0x64: {  	s13 =	sadd.s32 $0x10, s13;
	s3 =	smov.u32 s4;
	s6 =	sadd.s32 $0x40, s4;
	[tilespmem:v20+s31+$0x0] =	vst.idx.msk vm0, v21  }
0x65: {  	p0 =	sne.s32 s4, $0x77C0;
	v20 =	vld [tilespmem:s5+$0x0];
	_ =	sdelay $0x4  }
0x66: {  	vm0 =	vgt.s32 v20, $0xFFFFFFFF;
	vm1 =	vgt.s32 v20, $0x0  }
0x67: {  	v21 =	vld [tilespmem:s5+$0x1E00];
	v20 =	vnsel vm1, $0x0, v20;
	_ =	sdelay $0x2  }
.Ltmp1:
0x68: {  	(pc) =	sbr.rel @p0 .LBB2_3-.Ltmp1, $4  }
0x69: {  	_ = 	snop  }
0x6a: {  	v22 =	vor.u32 s13, v0;
	[tilespmem:v20+s29+$0x0] =	vst.idx.msk vm0, v21  }
0x6b: {  	[tilespmem:v20+s30+$0x0] =	vst.idx.msk vm0, v22  }
0x6c: {  	s4 =	smov.u32 s6;
	v21 =	vld [tilespmem:s5+$0xE200]  }
0x6d: {  	_ =	sdelay $0x4  }
0x6e: {  	s3 =	sshra.s32 s3, $0x2;
	[tilespmem:v20+s31+$0x0] =	vst.idx.msk vm0, v21  }
0x6f: {  	v20 =	vld [tilespmem:s3+$0x0];
	_ =	sdelay $0x4  }
0x70: {  	vm0 =	vgt.s32 v20, $0xFFFFFFFF;
	vm1 =	vgt.s32 v20, $0x0  }
0x71: {  	v21 =	vld [tilespmem:s3+$0x1E00];
	v20 =	vnsel vm1, $0x0, v20;
	_ =	sdelay $0x3  }
0x72: {  	s4 =	sadd.s32 $0x10, s13  }
0x73: {  	v22 =	vor.u32 s4, v0;
	[tilespmem:v20+s29+$0x0] =	vst.idx.msk vm0, v21  }
0x74: {  	[tilespmem:v20+s30+$0x0] =	vst.idx.msk vm0, v22  }
0x75: {  	v21 =	vld [tilespmem:s3+$0xE200];
	_ =	sdelay $0x4  }
0x76: {  	s6 =	simm.s32 $0x0;
	s13 =	rddreg [dreg:$0x6];
	[tilespmem:v20+s31+$0x0] =	vst.idx.msk vm0, v21  }
0x77: {  	[tilespmem:s6], [sflag:$0x1] =	stream.linear.gather [hbm4b:s13+s6], $0x1E00, $0x38;
	[tilespmem:$0x10100] =	vst v63  }
0x78: {  	_ =	swait.ge [sflag:s25], $0x1E00  }
0x79: {  	[sflag:s25] =	ssyncset.done $0x0  }
0x7a: {  	[sflag:s25] =	ssyncadd.s32 $0xFFFFE200  }
0x7b: {  	[tilespmem:s26], [sflag:$0x1] =	stream.linear.gather [hbm4b:s7+s6], $0x1E00, $0x38;
	[tilespmem:$0x10100] =	vst v63  }
0x7c: {  	_ =	swait.ge [sflag:s25], $0x1E00  }
0x7d: {  	[sflag:s25] =	ssyncset.done $0x0  }
0x7e: {  	[sflag:s25] =	ssyncadd.s32 $0xFFFFE200  }
0x7f: {  	[tilespmem:s28], [sflag:$0x1] =	stream.linear.gather [hbm4b:s8+s6], $0x1E00, $0x38;
	[tilespmem:$0x10100] =	vst v63  }
0x80: {  	_ =	swait.ge [sflag:s25], $0x1E00  }
0x81: {  	[sflag:s25] =	ssyncset.done $0x0  }
0x82: {  	s5 =	simm.s32 $0x0;
	[sflag:s25] =	ssyncadd.s32 $0xFFFFE200  }
0x83: {  	v20 =	vld [tilespmem:s5+$0x0];
	_ =	sdelay $0x4  }
0x84: {  	vm0 =	vgt.s32 v20, $0xFFFFFFFF;
	vm1 =	vgt.s32 v20, $0x0  }
0x85: {  	v21 =	vld [tilespmem:s5+$0x1E00];
	v20 =	vnsel vm1, $0x0, v20;
	_ =	sdelay $0x4  }
0x86: {  	v22 =	vor.u32 s14, v0;
	[tilespmem:v20+s29+$0x0] =	vst.idx.msk vm0, v21  }
0x87: {  	[tilespmem:v20+s30+$0x0] =	vst.idx.msk vm0, v22  }
0x88: {  	s4 =	simm.s32 $0x80;
	s3 =	simm.s32 $0x40;
	s13 =	smov.u32 s14;
	v21 =	vld [tilespmem:s5+$0xE200]  }
.LBB2_5:
0x89: {  	_ =	sdelay $0x2  }
0x8a: {  	s5 =	sshra.s32 s3, $0x2  }
0x8b: {  	s13 =	sadd.s32 $0x10, s13;
	s3 =	smov.u32 s4;
	s6 =	sadd.s32 $0x40, s4;
	[tilespmem:v20+s31+$0x0] =	vst.idx.msk vm0, v21  }
0x8c: {  	p0 =	sne.s32 s4, $0x77C0;
	v20 =	vld [tilespmem:s5+$0x0];
	_ =	sdelay $0x4  }
0x8d: {  	vm0 =	vgt.s32 v20, $0xFFFFFFFF;
	vm1 =	vgt.s32 v20, $0x0  }
0x8e: {  	v21 =	vld [tilespmem:s5+$0x1E00];
	v20 =	vnsel vm1, $0x0, v20;
	_ =	sdelay $0x2  }
.Ltmp2:
0x8f: {  	(pc) =	sbr.rel @p0 .LBB2_5-.Ltmp2, $4  }
0x90: {  	_ = 	snop  }
0x91: {  	v22 =	vor.u32 s13, v0;
	[tilespmem:v20+s29+$0x0] =	vst.idx.msk vm0, v21  }
0x92: {  	[tilespmem:v20+s30+$0x0] =	vst.idx.msk vm0, v22  }
0x93: {  	s4 =	smov.u32 s6;
	v21 =	vld [tilespmem:s5+$0xE200]  }
0x94: {  	_ =	sdelay $0x4  }
0x95: {  	s3 =	sshra.s32 s3, $0x2;
	[tilespmem:v20+s31+$0x0] =	vst.idx.msk vm0, v21  }
0x96: {  	v20 =	vld [tilespmem:s3+$0x0];
	_ =	sdelay $0x4  }
0x97: {  	vm0 =	vgt.s32 v20, $0xFFFFFFFF;
	vm1 =	vgt.s32 v20, $0x0  }
0x98: {  	v21 =	vld [tilespmem:s3+$0x1E00];
	v20 =	vnsel vm1, $0x0, v20;
	_ =	sdelay $0x3  }
0x99: {  	s4 =	sadd.s32 $0x10, s13  }
0x9a: {  	v22 =	vor.u32 s4, v0;
	[tilespmem:v20+s29+$0x0] =	vst.idx.msk vm0, v21  }
0x9b: {  	[tilespmem:v20+s30+$0x0] =	vst.idx.msk vm0, v22  }
0x9c: {  	v21 =	vld [tilespmem:s3+$0xE200];
	_ =	sdelay $0x4  }
0x9d: {  	s13 =	simm.s32 $0x0;
	[tilespmem:v20+s31+$0x0] =	vst.idx.msk vm0, v21  }
0x9e: {  	[tilespmem:s13], [sflag:$0x1] =	stream.linear.gather [hbm4b:s9+s13], $0x1E00, $0x38;
	[tilespmem:$0x10100] =	vst v63  }
0x9f: {  	_ =	swait.ge [sflag:s25], $0x1E00  }
0xa0: {  	[sflag:s25] =	ssyncset.done $0x0  }
0xa1: {  	[sflag:s25] =	ssyncadd.s32 $0xFFFFE200  }
0xa2: {  	[tilespmem:s26], [sflag:$0x1] =	stream.linear.gather [hbm4b:s10+s13], $0x1E00, $0x38;
	[tilespmem:$0x10100] =	vst v63  }
0xa3: {  	_ =	swait.ge [sflag:s25], $0x1E00  }
0xa4: {  	[sflag:s25] =	ssyncset.done $0x0  }
0xa5: {  	[sflag:s25] =	ssyncadd.s32 $0xFFFFE200  }
0xa6: {  	[tilespmem:s28], [sflag:$0x1] =	stream.linear.gather [hbm4b:s17+s13], $0x1E00, $0x38;
	[tilespmem:$0x10100] =	vst v63  }
0xa7: {  	_ =	swait.ge [sflag:s25], $0x1E00  }
0xa8: {  	[sflag:s25] =	ssyncset.done $0x0  }
0xa9: {  	s5 =	simm.s32 $0x0;
	[sflag:s25] =	ssyncadd.s32 $0xFFFFE200  }
0xaa: {  	v20 =	vld [tilespmem:s5+$0x0];
	_ =	sdelay $0x4  }
0xab: {  	vm0 =	vgt.s32 v20, $0xFFFFFFFF;
	vm1 =	vgt.s32 v20, $0x0  }
0xac: {  	v21 =	vld [tilespmem:s5+$0x1E00];
	v20 =	vnsel vm1, $0x0, v20;
	_ =	sdelay $0x4  }
0xad: {  	v22 =	vor.u32 s15, v0;
	[tilespmem:v20+s29+$0x0] =	vst.idx.msk vm0, v21  }
0xae: {  	[tilespmem:v20+s30+$0x0] =	vst.idx.msk vm0, v22  }
0xaf: {  	s4 =	simm.s32 $0x80;
	s3 =	simm.s32 $0x40;
	s13 =	smov.u32 s15;
	v21 =	vld [tilespmem:s5+$0xE200]  }
.LBB2_7:
0xb0: {  	_ =	sdelay $0x2  }
0xb1: {  	s5 =	sshra.s32 s3, $0x2  }
0xb2: {  	s13 =	sadd.s32 $0x10, s13;
	s3 =	smov.u32 s4;
	s6 =	sadd.s32 $0x40, s4;
	[tilespmem:v20+s31+$0x0] =	vst.idx.msk vm0, v21  }
0xb3: {  	p0 =	sne.s32 s4, $0x77C0;
	v20 =	vld [tilespmem:s5+$0x0];
	_ =	sdelay $0x4  }
0xb4: {  	vm0 =	vgt.s32 v20, $0xFFFFFFFF;
	vm1 =	vgt.s32 v20, $0x0  }
0xb5: {  	v21 =	vld [tilespmem:s5+$0x1E00];
	v20 =	vnsel vm1, $0x0, v20;
	_ =	sdelay $0x2  }
.Ltmp3:
0xb6: {  	(pc) =	sbr.rel @p0 .LBB2_7-.Ltmp3, $4  }
0xb7: {  	_ = 	snop  }
0xb8: {  	v22 =	vor.u32 s13, v0;
	[tilespmem:v20+s29+$0x0] =	vst.idx.msk vm0, v21  }
0xb9: {  	[tilespmem:v20+s30+$0x0] =	vst.idx.msk vm0, v22  }
0xba: {  	s4 =	smov.u32 s6;
	v21 =	vld [tilespmem:s5+$0xE200]  }
0xbb: {  	_ =	sdelay $0x4  }
0xbc: {  	s3 =	sshra.s32 s3, $0x2;
	[tilespmem:v20+s31+$0x0] =	vst.idx.msk vm0, v21  }
0xbd: {  	v20 =	vld [tilespmem:s3+$0x0];
	_ =	sdelay $0x4  }
0xbe: {  	vm0 =	vgt.s32 v20, $0xFFFFFFFF;
	vm1 =	vgt.s32 v20, $0x0  }
0xbf: {  	v21 =	vld [tilespmem:s3+$0x1E00];
	v20 =	vnsel vm1, $0x0, v20;
	_ =	sdelay $0x3  }
0xc0: {  	s4 =	sadd.s32 $0x10, s13  }
0xc1: {  	v22 =	vor.u32 s4, v0;
	[tilespmem:v20+s29+$0x0] =	vst.idx.msk vm0, v21  }
0xc2: {  	[tilespmem:v20+s30+$0x0] =	vst.idx.msk vm0, v22  }
0xc3: {  	v21 =	vld [tilespmem:s3+$0xE200];
	_ =	sdelay $0x4  }
0xc4: {  	s13 =	simm.s32 $0x0;
	[tilespmem:v20+s31+$0x0] =	vst.idx.msk vm0, v21  }
0xc5: {  	[tilespmem:s13], [sflag:$0x1] =	stream.linear.gather [hbm4b:s18+s13], $0x1E00, $0x38;
	[tilespmem:$0x10100] =	vst v63  }
0xc6: {  	_ =	swait.ge [sflag:s25], $0x1E00  }
0xc7: {  	[sflag:s25] =	ssyncset.done $0x0  }
0xc8: {  	[sflag:s25] =	ssyncadd.s32 $0xFFFFE200  }
0xc9: {  	[tilespmem:s26], [sflag:$0x1] =	stream.linear.gather [hbm4b:s19+s13], $0x1E00, $0x38;
	[tilespmem:$0x10100] =	vst v63  }
0xca: {  	_ =	swait.ge [sflag:s25], $0x1E00  }
0xcb: {  	[sflag:s25] =	ssyncset.done $0x0  }
0xcc: {  	[sflag:s25] =	ssyncadd.s32 $0xFFFFE200  }
0xcd: {  	[tilespmem:s28], [sflag:$0x1] =	stream.linear.gather [hbm4b:s20+s13], $0x1E00, $0x38;
	[tilespmem:$0x10100] =	vst v63  }
0xce: {  	_ =	swait.ge [sflag:s25], $0x1E00  }
0xcf: {  	[sflag:s25] =	ssyncset.done $0x0  }
0xd0: {  	s5 =	simm.s32 $0x0;
	[sflag:s25] =	ssyncadd.s32 $0xFFFFE200  }
0xd1: {  	v20 =	vld [tilespmem:s5+$0x0];
	_ =	sdelay $0x4  }
0xd2: {  	vm0 =	vgt.s32 v20, $0xFFFFFFFF;
	vm1 =	vgt.s32 v20, $0x0  }
0xd3: {  	v21 =	vld [tilespmem:s5+$0x1E00];
	v20 =	vnsel vm1, $0x0, v20;
	_ =	sdelay $0x4  }
0xd4: {  	v22 =	vor.u32 s16, v0;
	[tilespmem:v20+s29+$0x0] =	vst.idx.msk vm0, v21  }
0xd5: {  	[tilespmem:v20+s30+$0x0] =	vst.idx.msk vm0, v22  }
0xd6: {  	s4 =	simm.s32 $0x80;
	s3 =	simm.s32 $0x40;
	s13 =	smov.u32 s16;
	v21 =	vld [tilespmem:s5+$0xE200]  }
.LBB2_9:
0xd7: {  	_ =	sdelay $0x2  }
0xd8: {  	s5 =	sshra.s32 s3, $0x2  }
0xd9: {  	s13 =	sadd.s32 $0x10, s13;
	s3 =	smov.u32 s4;
	s6 =	sadd.s32 $0x40, s4;
	[tilespmem:v20+s31+$0x0] =	vst.idx.msk vm0, v21  }
0xda: {  	p0 =	sne.s32 s4, $0x77C0;
	v20 =	vld [tilespmem:s5+$0x0];
	_ =	sdelay $0x4  }
0xdb: {  	vm0 =	vgt.s32 v20, $0xFFFFFFFF;
	vm1 =	vgt.s32 v20, $0x0  }
0xdc: {  	v21 =	vld [tilespmem:s5+$0x1E00];
	v20 =	vnsel vm1, $0x0, v20;
	_ =	sdelay $0x2  }
.Ltmp4:
0xdd: {  	(pc) =	sbr.rel @p0 .LBB2_9-.Ltmp4, $4  }
0xde: {  	_ = 	snop  }
0xdf: {  	v22 =	vor.u32 s13, v0;
	[tilespmem:v20+s29+$0x0] =	vst.idx.msk vm0, v21  }
0xe0: {  	[tilespmem:v20+s30+$0x0] =	vst.idx.msk vm0, v22  }
0xe1: {  	s4 =	smov.u32 s6;
	v21 =	vld [tilespmem:s5+$0xE200]  }
0xe2: {  	_ =	sdelay $0x4  }
0xe3: {  	s3 =	sshra.s32 s3, $0x2;
	[tilespmem:v20+s31+$0x0] =	vst.idx.msk vm0, v21  }
0xe4: {  	v20 =	vld [tilespmem:s3+$0x0];
	_ =	sdelay $0x4  }
0xe5: {  	vm11 =	vgt.s32 v20, $0xFFFFFFFF;
	vm1 =	vgt.s32 v20, $0x0  }
0xe6: {  	v21 =	vld [tilespmem:s3+$0x1E00];
	v20 =	vnsel vm1, $0x0, v20;
	_ =	sdelay $0x3  }
0xe7: {  	s4 =	sadd.s32 $0x10, s13  }
0xe8: {  	v22 =	vor.u32 s4, v0;
	[tilespmem:v20+s29+$0x0] =	vst.idx.msk vm11, v21  }
0xe9: {  	[tilespmem:v20+s30+$0x0] =	vst.idx.msk vm11, v22  }
0xea: {  	v21 =	vld [tilespmem:s3+$0xE200];
	_ =	sdelay $0x4  }
0xeb: {  	[tilespmem:v20+s31+$0x0] =	vst.idx.msk vm11, v21  }
0xec: {  	v20 =	vld [tilespmem:$0x10000];
	_ =	sdelay $0x4  }
0xed: {  	v20 =	vsub.s32 v20, v11  }
0xee: {  	vm12 =	vgt.s32 v20, $0x0  }
0xef: {  	v20 =	vnsel vm12, $0x0, v20  }
0xf0: {  	v20 =	vmin.u32 v20, $0x13FF  }
0xf1: {  	v20 =	vshll.u32 v20, $0x3;
	_ =	sdelay $0x4  }
0xf2: {  	v21 =	vld.idx.msk [tilespmem:v20+s24+$0x0], $0xffff  }
0xf3: {  	v35 =	vor.u32 $0x1, v20;
	_ =	sdelay $0x3  }
0xf4: {  	[tilespmem:$0xDE00] =	vst v21  }
0xf5: {  	v21 =	vld.idx.msk [tilespmem:v35+s24+$0x0], $0xffff  }
0xf6: {  	v36 =	vor.u32 $0x2, v20;
	_ =	sdelay $0x2  }
0xf7: {  	v23 =	vld [tilespmem:$0x10010]  }
0xf8: {  	[tilespmem:$0xDF00] =	vst v21  }
0xf9: {  	v21 =	vld.idx.msk [tilespmem:v36+s24+$0x0], $0xffff  }
0xfa: {  	v20 =	vor.u32 $0x3, v20;
	_ =	sdelay $0x1  }
0xfb: {  	v37 =	vsub.s32 v23, v11  }
0xfc: {  	vm13 =	vgt.s32 v37, $0x0  }
0xfd: {  	v38 =	vnsel vm13, $0x0, v37;
	[tilespmem:$0xE000] =	vst v21  }
0xfe: {  	v21 =	vmin.u32 v38, $0x13FF;
	v20 =	vld.idx.msk [tilespmem:v20+s24+$0x0], $0xffff  }
0xff: {  	v21 =	vshll.u32 v21, $0x3;
	_ =	sdelay $0x3  }
0x100: {  	[tilespmem:$0xE100] =	vst v20  }
0x101: {  	v20 =	vld.idx.msk [tilespmem:v21+s24+$0x0], $0xffff  }
0x102: {  	v39 =	vor.u32 $0x1, v21;
	_ =	sdelay $0x3  }
0x103: {  	[tilespmem:$0xDE10] =	vst v20  }
0x104: {  	v20 =	vld.idx.msk [tilespmem:v39+s24+$0x0], $0xffff  }
0x105: {  	v40 =	vor.u32 $0x2, v21;
	_ =	sdelay $0x2  }
0x106: {  	v41 =	vld [tilespmem:$0x10020]  }
0x107: {  	[tilespmem:$0xDF10] =	vst v20  }
0x108: {  	v20 =	vld.idx.msk [tilespmem:v40+s24+$0x0], $0xffff  }
0x109: {  	v21 =	vor.u32 $0x3, v21;
	_ =	sdelay $0x1  }
0x10a: {  	v42 =	vsub.s32 v41, v11  }
0x10b: {  	vm14 =	vgt.s32 v42, $0x0  }
0x10c: {  	[tilespmem:$0xE010] =	vst v20;
	v20 =	vnsel vm14, $0x0, v42  }
0x10d: {  	v21 =	vld.idx.msk [tilespmem:v21+s24+$0x0], $0xffff;
	v20 =	vmin.u32 v20, $0x13FF  }
0x10e: {  	v20 =	vshll.u32 v20, $0x3;
	_ =	sdelay $0x3  }
0x10f: {  	[tilespmem:$0xE110] =	vst v21  }
0x110: {  	v21 =	vld.idx.msk [tilespmem:v20+s24+$0x0], $0xffff  }
0x111: {  	v43 =	vor.u32 $0x1, v20;
	_ =	sdelay $0x3  }
0x112: {  	[tilespmem:$0xDE20] =	vst v21  }
0x113: {  	v21 =	vld.idx.msk [tilespmem:v43+s24+$0x0], $0xffff  }
0x114: {  	v44 =	vor.u32 $0x2, v20;
	_ =	sdelay $0x2  }
0x115: {  	v45 =	vld [tilespmem:$0x10030]  }
0x116: {  	[tilespmem:$0xDF20] =	vst v21  }
0x117: {  	v21 =	vld.idx.msk [tilespmem:v44+s24+$0x0], $0xffff  }
0x118: {  	v20 =	vor.u32 $0x3, v20;
	_ =	sdelay $0x1  }
0x119: {  	v46 =	vsub.s32 v45, v11  }
0x11a: {  	vm15 =	vgt.s32 v46, $0x0  }
0x11b: {  	v47 =	vnsel vm15, $0x0, v46;
	[tilespmem:$0xE020] =	vst v21  }
0x11c: {  	v21 =	vmin.u32 v47, $0x13FF;
	v20 =	vld.idx.msk [tilespmem:v20+s24+$0x0], $0xffff  }
0x11d: {  	v21 =	vshll.u32 v21, $0x3;
	_ =	sdelay $0x3  }
0x11e: {  	[tilespmem:$0xE120] =	vst v20  }
0x11f: {  	v20 =	vld.idx.msk [tilespmem:v21+s24+$0x0], $0xffff  }
0x120: {  	v48 =	vor.u32 $0x1, v21;
	_ =	sdelay $0x3  }
0x121: {  	[tilespmem:$0xDE30] =	vst v20  }
0x122: {  	v20 =	vld.idx.msk [tilespmem:v48+s24+$0x0], $0xffff  }
0x123: {  	v49 =	vor.u32 $0x2, v21;
	_ =	sdelay $0x2  }
0x124: {  	v50 =	vld [tilespmem:$0x10040]  }
0x125: {  	[tilespmem:$0xDF30] =	vst v20  }
0x126: {  	v20 =	vld.idx.msk [tilespmem:v49+s24+$0x0], $0xffff  }
0x127: {  	v21 =	vor.u32 $0x3, v21;
	_ =	sdelay $0x1  }
0x128: {  	v51 =	vsub.s32 v50, v11  }
0x129: {  	vm4 =	vgt.s32 v51, $0x0  }
0x12a: {  	[tilespmem:$0xE030] =	vst v20;
	v20 =	vnsel vm4, $0x0, v51  }
0x12b: {  	v21 =	vld.idx.msk [tilespmem:v21+s24+$0x0], $0xffff;
	v20 =	vmin.u32 v20, $0x13FF  }
0x12c: {  	v20 =	vshll.u32 v20, $0x3;
	_ =	sdelay $0x3  }
0x12d: {  	[tilespmem:$0xE130] =	vst v21  }
0x12e: {  	v21 =	vld.idx.msk [tilespmem:v20+s24+$0x0], $0xffff  }
0x12f: {  	v52 =	vor.u32 $0x1, v20;
	_ =	sdelay $0x3  }
0x130: {  	[tilespmem:$0xDE40] =	vst v21  }
0x131: {  	v21 =	vld.idx.msk [tilespmem:v52+s24+$0x0], $0xffff  }
0x132: {  	v53 =	vor.u32 $0x2, v20;
	_ =	sdelay $0x2  }
0x133: {  	v54 =	vld [tilespmem:$0x10050]  }
0x134: {  	[tilespmem:$0xDF40] =	vst v21  }
0x135: {  	v21 =	vld.idx.msk [tilespmem:v53+s24+$0x0], $0xffff  }
0x136: {  	v20 =	vor.u32 $0x3, v20;
	_ =	sdelay $0x1  }
0x137: {  	v55 =	vsub.s32 v54, v11  }
0x138: {  	vm5 =	vgt.s32 v55, $0x0  }
0x139: {  	v56 =	vnsel vm5, $0x0, v55;
	[tilespmem:$0xE040] =	vst v21  }
0x13a: {  	v21 =	vmin.u32 v56, $0x13FF;
	v20 =	vld.idx.msk [tilespmem:v20+s24+$0x0], $0xffff  }
0x13b: {  	v21 =	vshll.u32 v21, $0x3;
	_ =	sdelay $0x3  }
0x13c: {  	[tilespmem:$0xE140] =	vst v20  }
0x13d: {  	v20 =	vld.idx.msk [tilespmem:v21+s24+$0x0], $0xffff  }
0x13e: {  	v57 =	vor.u32 $0x1, v21;
	_ =	sdelay $0x3  }
0x13f: {  	[tilespmem:$0xDE50] =	vst v20  }
0x140: {  	v20 =	vld.idx.msk [tilespmem:v57+s24+$0x0], $0xffff  }
0x141: {  	v58 =	vor.u32 $0x2, v21;
	_ =	sdelay $0x2  }
0x142: {  	v59 =	vld [tilespmem:$0x10060]  }
0x143: {  	[tilespmem:$0xDF50] =	vst v20  }
0x144: {  	v20 =	vld.idx.msk [tilespmem:v58+s24+$0x0], $0xffff  }
0x145: {  	v21 =	vor.u32 $0x3, v21;
	_ =	sdelay $0x1  }
0x146: {  	v60 =	vsub.s32 v59, v11  }
0x147: {  	vm6 =	vgt.s32 v60, $0x0  }
0x148: {  	[tilespmem:$0xE050] =	vst v20;
	v20 =	vnsel vm6, $0x0, v60  }
0x149: {  	v21 =	vld.idx.msk [tilespmem:v21+s24+$0x0], $0xffff;
	v20 =	vmin.u32 v20, $0x13FF  }
0x14a: {  	v20 =	vshll.u32 v20, $0x3;
	_ =	sdelay $0x3  }
0x14b: {  	[tilespmem:$0xE150] =	vst v21  }
0x14c: {  	v21 =	vld.idx.msk [tilespmem:v20+s24+$0x0], $0xffff  }
0x14d: {  	v61 =	vor.u32 $0x1, v20;
	_ =	sdelay $0x3  }
0x14e: {  	[tilespmem:$0xDE60] =	vst v21  }
0x14f: {  	v21 =	vld.idx.msk [tilespmem:v61+s24+$0x0], $0xffff  }
0x150: {  	v62 =	vor.u32 $0x2, v20;
	_ =	sdelay $0x2  }
0x151: {  	v63 =	vld [tilespmem:$0x10070]  }
0x152: {  	[tilespmem:$0xDF60] =	vst v21  }
0x153: {  	v21 =	vld.idx.msk [tilespmem:v62+s24+$0x0], $0xffff  }
0x154: {  	v20 =	vor.u32 $0x3, v20;
	_ =	sdelay $0x1  }
0x155: {  	v24 =	vsub.s32 v63, v11  }
0x156: {  	vm7 =	vgt.s32 v24, $0x0  }
0x157: {  	v25 =	vnsel vm7, $0x0, v24;
	[tilespmem:$0xE060] =	vst v21  }
0x158: {  	v21 =	vmin.u32 v25, $0x13FF;
	v20 =	vld.idx.msk [tilespmem:v20+s24+$0x0], $0xffff  }
0x159: {  	v21 =	vshll.u32 v21, $0x3;
	_ =	sdelay $0x3  }
0x15a: {  	[tilespmem:$0xE160] =	vst v20  }
0x15b: {  	v20 =	vld.idx.msk [tilespmem:v21+s24+$0x0], $0xffff  }
0x15c: {  	v26 =	vor.u32 $0x1, v21;
	_ =	sdelay $0x3  }
0x15d: {  	[tilespmem:$0xDE70] =	vst v20  }
0x15e: {  	v20 =	vld.idx.msk [tilespmem:v26+s24+$0x0], $0xffff  }
0x15f: {  	v27 =	vor.u32 $0x2, v21;
	_ =	sdelay $0x2  }
0x160: {  	v28 =	vld [tilespmem:$0x10080]  }
0x161: {  	[tilespmem:$0xDF70] =	vst v20  }
0x162: {  	v20 =	vld.idx.msk [tilespmem:v27+s24+$0x0], $0xffff  }
0x163: {  	v21 =	vor.u32 $0x3, v21;
	_ =	sdelay $0x1  }
0x164: {  	v29 =	vsub.s32 v28, v11  }
0x165: {  	vm8 =	vgt.s32 v29, $0x0  }
0x166: {  	[tilespmem:$0xE070] =	vst v20;
	v20 =	vnsel vm8, $0x0, v29  }
0x167: {  	v21 =	vld.idx.msk [tilespmem:v21+s24+$0x0], $0xffff;
	v20 =	vmin.u32 v20, $0x13FF  }
0x168: {  	v20 =	vshll.u32 v20, $0x3;
	_ =	sdelay $0x3  }
0x169: {  	[tilespmem:$0xE170] =	vst v21  }
0x16a: {  	v21 =	vld.idx.msk [tilespmem:v20+s24+$0x0], $0xffff  }
0x16b: {  	v30 =	vor.u32 $0x1, v20;
	_ =	sdelay $0x3  }
0x16c: {  	[tilespmem:$0xDE80] =	vst v21  }
0x16d: {  	v21 =	vld.idx.msk [tilespmem:v30+s24+$0x0], $0xffff  }
0x16e: {  	v31 =	vor.u32 $0x2, v20;
	_ =	sdelay $0x2  }
0x16f: {  	v32 =	vld [tilespmem:$0x10090]  }
0x170: {  	[tilespmem:$0xDF80] =	vst v21  }
0x171: {  	v21 =	vld.idx.msk [tilespmem:v31+s24+$0x0], $0xffff  }
0x172: {  	v20 =	vor.u32 $0x3, v20;
	_ =	sdelay $0x1  }
0x173: {  	v33 =	vsub.s32 v32, v11  }
0x174: {  	vm9 =	vgt.s32 v33, $0x0  }
0x175: {  	v34 =	vnsel vm9, $0x0, v33;
	[tilespmem:$0xE080] =	vst v21  }
0x176: {  	v21 =	vmin.u32 v34, $0x13FF;
	v20 =	vld.idx.msk [tilespmem:v20+s24+$0x0], $0xffff  }
0x177: {  	v21 =	vshll.u32 v21, $0x3;
	_ =	sdelay $0x3  }
0x178: {  	[tilespmem:$0xE180] =	vst v20  }
0x179: {  	v20 =	vld.idx.msk [tilespmem:v21+s24+$0x0], $0xffff  }
0x17a: {  	v35 =	vor.u32 $0x1, v21;
	_ =	sdelay $0x3  }
0x17b: {  	[tilespmem:$0xDE90] =	vst v20  }
0x17c: {  	v20 =	vld.idx.msk [tilespmem:v35+s24+$0x0], $0xffff  }
0x17d: {  	v36 =	vor.u32 $0x2, v21;
	_ =	sdelay $0x2  }
0x17e: {  	v37 =	vld [tilespmem:$0x100A0]  }
0x17f: {  	[tilespmem:$0xDF90] =	vst v20  }
0x180: {  	v20 =	vld.idx.msk [tilespmem:v36+s24+$0x0], $0xffff  }
0x181: {  	v21 =	vor.u32 $0x3, v21;
	_ =	sdelay $0x1  }
0x182: {  	v38 =	vsub.s32 v37, v11  }
0x183: {  	vm10 =	vgt.s32 v38, $0x0  }
0x184: {  	[tilespmem:$0xE090] =	vst v20;
	v20 =	vnsel vm10, $0x0, v38  }
0x185: {  	v21 =	vld.idx.msk [tilespmem:v21+s24+$0x0], $0xffff;
	v20 =	vmin.u32 v20, $0x13FF  }
0x186: {  	v20 =	vshll.u32 v20, $0x3;
	_ =	sdelay $0x3  }
0x187: {  	[tilespmem:$0xE190] =	vst v21  }
0x188: {  	v21 =	vld.idx.msk [tilespmem:v20+s24+$0x0], $0xffff  }
0x189: {  	v39 =	vor.u32 $0x1, v20;
	_ =	sdelay $0x3  }
0x18a: {  	[tilespmem:$0xDEA0] =	vst v21  }
0x18b: {  	v21 =	vld.idx.msk [tilespmem:v39+s24+$0x0], $0xffff  }
0x18c: {  	v40 =	vor.u32 $0x2, v20;
	_ =	sdelay $0x2  }
0x18d: {  	v41 =	vld [tilespmem:$0x100B0]  }
0x18e: {  	[tilespmem:$0xDFA0] =	vst v21  }
0x18f: {  	v21 =	vld.idx.msk [tilespmem:v40+s24+$0x0], $0xffff  }
0x190: {  	v20 =	vor.u32 $0x3, v20;
	_ =	sdelay $0x1  }
0x191: {  	v42 =	vsub.s32 v41, v11  }
0x192: {  	vm11 =	vgt.s32 v42, $0x0  }
0x193: {  	v43 =	vnsel vm11, $0x0, v42;
	[tilespmem:$0xE0A0] =	vst v21  }
0x194: {  	v21 =	vmin.u32 v43, $0x13FF;
	v20 =	vld.idx.msk [tilespmem:v20+s24+$0x0], $0xffff  }
0x195: {  	v21 =	vshll.u32 v21, $0x3;
	_ =	sdelay $0x3  }
0x196: {  	[tilespmem:$0xE1A0] =	vst v20  }
0x197: {  	v20 =	vld.idx.msk [tilespmem:v21+s24+$0x0], $0xffff  }
0x198: {  	v44 =	vor.u32 $0x1, v21;
	_ =	sdelay $0x3  }
0x199: {  	[tilespmem:$0xDEB0] =	vst v20  }
0x19a: {  	v20 =	vld.idx.msk [tilespmem:v44+s24+$0x0], $0xffff  }
0x19b: {  	v45 =	vor.u32 $0x2, v21;
	_ =	sdelay $0x2  }
0x19c: {  	v46 =	vld [tilespmem:$0x100C0]  }
0x19d: {  	[tilespmem:$0xDFB0] =	vst v20  }
0x19e: {  	v20 =	vld.idx.msk [tilespmem:v45+s24+$0x0], $0xffff  }
0x19f: {  	v21 =	vor.u32 $0x3, v21;
	_ =	sdelay $0x1  }
0x1a0: {  	v47 =	vsub.s32 v46, v11  }
0x1a1: {  	vm12 =	vgt.s32 v47, $0x0  }
0x1a2: {  	[tilespmem:$0xE0B0] =	vst v20;
	v20 =	vnsel vm12, $0x0, v47  }
0x1a3: {  	v21 =	vld.idx.msk [tilespmem:v21+s24+$0x0], $0xffff;
	v20 =	vmin.u32 v20, $0x13FF  }
0x1a4: {  	v20 =	vshll.u32 v20, $0x3;
	_ =	sdelay $0x3  }
0x1a5: {  	[tilespmem:$0xE1B0] =	vst v21  }
0x1a6: {  	v21 =	vld.idx.msk [tilespmem:v20+s24+$0x0], $0xffff  }
0x1a7: {  	v48 =	vor.u32 $0x1, v20;
	_ =	sdelay $0x3  }
0x1a8: {  	[tilespmem:$0xDEC0] =	vst v21  }
0x1a9: {  	v21 =	vld.idx.msk [tilespmem:v48+s24+$0x0], $0xffff  }
0x1aa: {  	v49 =	vor.u32 $0x2, v20;
	_ =	sdelay $0x2  }
0x1ab: {  	v50 =	vld [tilespmem:$0x100D0]  }
0x1ac: {  	[tilespmem:$0xDFC0] =	vst v21  }
0x1ad: {  	v21 =	vld.idx.msk [tilespmem:v49+s24+$0x0], $0xffff  }
0x1ae: {  	v20 =	vor.u32 $0x3, v20;
	_ =	sdelay $0x1  }
0x1af: {  	v51 =	vsub.s32 v50, v11  }
0x1b0: {  	vm13 =	vgt.s32 v51, $0x0  }
0x1b1: {  	v52 =	vnsel vm13, $0x0, v51;
	[tilespmem:$0xE0C0] =	vst v21  }
0x1b2: {  	v21 =	vmin.u32 v52, $0x13FF;
	v20 =	vld.idx.msk [tilespmem:v20+s24+$0x0], $0xffff  }
0x1b3: {  	v21 =	vshll.u32 v21, $0x3;
	_ =	sdelay $0x3  }
0x1b4: {  	[tilespmem:$0xE1C0] =	vst v20  }
0x1b5: {  	v20 =	vld.idx.msk [tilespmem:v21+s24+$0x0], $0xffff  }
0x1b6: {  	v53 =	vor.u32 $0x1, v21;
	_ =	sdelay $0x3  }
0x1b7: {  	[tilespmem:$0xDED0] =	vst v20  }
0x1b8: {  	v20 =	vld.idx.msk [tilespmem:v53+s24+$0x0], $0xffff  }
0x1b9: {  	v54 =	vor.u32 $0x2, v21;
	_ =	sdelay $0x2  }
0x1ba: {  	v55 =	vld [tilespmem:$0x100E0]  }
0x1bb: {  	[tilespmem:$0xDFD0] =	vst v20  }
0x1bc: {  	v20 =	vld.idx.msk [tilespmem:v54+s24+$0x0], $0xffff  }
0x1bd: {  	v21 =	vor.u32 $0x3, v21;
	_ =	sdelay $0x1  }
0x1be: {  	v56 =	vsub.s32 v55, v11  }
0x1bf: {  	vm14 =	vgt.s32 v56, $0x0  }
0x1c0: {  	[tilespmem:$0xE0D0] =	vst v20;
	v20 =	vnsel vm14, $0x0, v56  }
0x1c1: {  	v21 =	vld.idx.msk [tilespmem:v21+s24+$0x0], $0xffff;
	v20 =	vmin.u32 v20, $0x13FF  }
0x1c2: {  	v20 =	vshll.u32 v20, $0x3;
	_ =	sdelay $0x3  }
0x1c3: {  	[tilespmem:$0xE1D0] =	vst v21  }
0x1c4: {  	v21 =	vld.idx.msk [tilespmem:v20+s24+$0x0], $0xffff  }
0x1c5: {  	v57 =	vor.u32 $0x1, v20;
	_ =	sdelay $0x3  }
0x1c6: {  	[tilespmem:$0xDEE0] =	vst v21  }
0x1c7: {  	v21 =	vld.idx.msk [tilespmem:v57+s24+$0x0], $0xffff  }
0x1c8: {  	v58 =	vor.u32 $0x2, v20;
	_ =	sdelay $0x2  }
0x1c9: {  	v59 =	vld [tilespmem:$0x100F0]  }
0x1ca: {  	[tilespmem:$0xDFE0] =	vst v21  }
0x1cb: {  	v21 =	vld.idx.msk [tilespmem:v58+s24+$0x0], $0xffff  }
0x1cc: {  	v20 =	vor.u32 $0x3, v20;
	_ =	sdelay $0x1  }
0x1cd: {  	v60 =	vsub.s32 v59, v11  }
0x1ce: {  	vm15 =	vgt.s32 v60, $0x0  }
0x1cf: {  	v61 =	vnsel vm15, $0x0, v60;
	[tilespmem:$0xE0E0] =	vst v21  }
0x1d0: {  	v21 =	vmin.u32 v61, $0x13FF;
	v20 =	vld.idx.msk [tilespmem:v20+s24+$0x0], $0xffff  }
0x1d1: {  	v21 =	vshll.u32 v21, $0x3;
	_ =	sdelay $0x3  }
0x1d2: {  	[tilespmem:$0xE1E0] =	vst v20  }
0x1d3: {  	v20 =	vld.idx.msk [tilespmem:v21+s24+$0x0], $0xffff  }
0x1d4: {  	v62 =	vor.u32 $0x1, v21;
	_ =	sdelay $0x3  }
0x1d5: {  	[tilespmem:$0xDEF0] =	vst v20  }
0x1d6: {  	v20 =	vld.idx.msk [tilespmem:v62+s24+$0x0], $0xffff  }
0x1d7: {  	v63 =	vor.u32 $0x2, v21;
	_ =	sdelay $0x3  }
0x1d8: {  	[tilespmem:$0xDFF0] =	vst v20  }
0x1d9: {  	v20 =	vld.idx.msk [tilespmem:v63+s24+$0x0], $0xffff  }
0x1da: {  	v21 =	vor.u32 $0x3, v21;
	_ =	sdelay $0x3  }
0x1db: {  	[tilespmem:$0xE0F0] =	vst v20  }
0x1dc: {  	v20 =	vld.idx.msk [tilespmem:v21+s24+$0x0], $0xffff;
	_ =	sdelay $0x4  }
0x1dd: {  	[tilespmem:$0xE1F0] =	vst v20  }
0x1de: {  	[hbm4b:s21+s2] =	stream.linear.scatter [tilespmem:s29], [sflag:$0x1], $0x100, $0x38;
	[tilespmem:$0x10100] =	vst v63  }
0x1df: {  	_ =	swait.ge [sflag:s25], $0x100  }
0x1e0: {  	[sflag:s25] =	ssyncset.done $0x0  }
0x1e1: {  	[sflag:s25] =	ssyncadd.s32 $0xFFFFFF00  }
0x1e2: {  	[hbm4b:s11+s2] =	stream.linear.scatter [tilespmem:s30], [sflag:$0x1], $0x100, $0x38;
	[tilespmem:$0x10100] =	vst v63  }
0x1e3: {  	s1 =	sadd.s32 $0x1, s1;
	_ =	swait.ge [sflag:s25], $0x100  }
0x1e4: {  	p0 =	sne.s32 s1, s23;
	[sflag:s25] =	ssyncset.done $0x0  }
.Ltmp5:
0x1e5: {  	s13 =	simm.s32 $0xDE00;
	[sflag:s25] =	ssyncadd.s32 $0xFFFFFF00;
	(pc) =	sbr.rel @p0 .LBB2_2-.Ltmp5, $4  }
0x1e6: {  	[hbm4b:s12+s2] =	stream.linear.scatter [tilespmem:s13], [sflag:$0x1], $0x400, $0x38;
	[tilespmem:$0x10100] =	vst v63  }
0x1e7: {  	_ =	swait.ge [sflag:s25], $0x400  }
0x1e8: {  	[sflag:s25] =	ssyncset.done $0x0  }
0x1e9: {  	[sflag:s25] =	ssyncadd.s32 $0xFFFFFC00  }
.LBB2_11:
0x1ea: {  	_ =	sfence.sel $0x180000  }
0x1eb: {  	[bflag:$0x0] =	sbarrier.arrive $0xFFFF  }
0x1ec: {  	_ =	strace $0x9000004A  }
0x1ed: {  	s0 =	stileid.u32;
	[bflag:$0x2] =	sbarrier.arrive $0xFFFF  }
0x1ee: {  	p0 =	sne.s32 s0, $0x0;
	s0 =	rddreg [dreg:$0x2]  }
0x1ef: {  	s0 =	sadd.s32 @!p0 $0x100000, s0  }
0x1f0: {  	[sflag:s0] =	ssyncadd.tile.s32 @!p0 $0x1;
	_ =	shalt  }
.Lfunc_end2:
_tile_overlayer_lowered:
.L_overlay_start_2:
0x1f1: {  	(tag) =	ssettag $0x2  }
0x1f2: {  	s0 =	rddreg [dreg:$0x0];
	s2 =	stileid.u32  }
0x1f3: {  	s1 =	rddreg [dreg:$0x1];
	p0 =	sne.s32 s2, $0x0  }
0x1f4: {  	s3 =	rddreg [dreg:$0x2];
	[bflag:$0x3] =	sbarrier.arrive $0xFFFF;
	s2 =	simm.s32 @!p0 $0x1C01  }
0x1f5: {  	[timem:s3], [sflag:s2] =	dma.local @!p0 [hbm:s0], s1  }
0x1f6: {  	s0 =	simm.s32 @!p0 $0x1  }
0x1f7: {  	_ =	swait.ge @!p0 [sflag:s0], s1  }
0x1f8: {  	s1 =	ssub.s32 @!p0 $0x0, s1;
	[sflag:s0] =	ssyncset.done @!p0 $0x0  }
0x1f9: {  	[sflag:s0] =	ssyncadd.s32 @!p0 s1  }
0x1fa: {  	[bflag:$0x3] =	sbarrier.arrive $0xFFFF  }
0x1fb: {  	_ =	shalt  }

// kernel: kernel.8.cloned.1.call-start
scs
__scs_entry_jumppad:
0x0: {  	(pc) =	sbr.rel $0x88, $3  }
0x1: {  	(tag) =	ssettag $0x0;
	lr =	simm.s32 $0x1  }
0x2: {  	[smem:$0x3FA0] =	sst lr;
	_ =	strace $0xD0000000  }
0x3: {  	_ = 	snop  }
0x4: {  	_ = 	snop  }
0x5: {  	_ = 	snop  }
0x6: {  	_ = 	snop  }
0x7: {  	_ = 	snop  }
__scs_overlays_trampoline_lowered:
0x8: {  	[smem:$0x3FAF] =	sst s0  }
0x9: {  	[smem:$0x3FB0] =	sst s1  }
0xa: {  	[smem:$0x3FB1] =	sst s2  }
0xb: {  	[smem:$0x3FB2] =	sst s3  }
0xc: {  	[smem:$0x3FB3] =	sst s4  }
0xd: {  	[smem:$0x3FB4] =	sst s5  }
0xe: {  	[smem:$0x3FB5] =	sst s6  }
0xf: {  	[smem:$0x3FB6] =	sst s7  }
0x10: {  	[smem:$0x3FB7] =	sst s8  }
0x11: {  	[smem:$0x3FB8] =	sst s9;
	s0 =	simm.s32 @!p0 $0x0  }
0x12: {  	s1 =	sld [smem:$0x3F9E];
	s0 =	simm.s32 @p0 $0x1  }
0x13: {  	[smem:$0x3FB9] =	sst s0;
	s0 =	simm.s32 @!p1 $0x0  }
0x14: {  	s2 =	sld [smem:$0x3F9D];
	s0 =	simm.s32 @p1 $0x1  }
0x15: {  	[smem:$0x3FBA] =	sst s0;
	s0 =	simm.s32 @!p2 $0x0  }
0x16: {  	s3 =	sld [smem:$0x3FDB];
	s0 =	simm.s32 @p2 $0x1  }
0x17: {  	s4 =	simm.s32 $0x1BF5;
	[smem:$0x3FBC] =	sst s0  }
0x18: {  	s0 =	sld [smem:$0x3F9F];
	_ =	swait.ge [sflag:s4], $0x0  }
0x19: {  	s7 =	sld [smem:$0x3FA0]  }
0x1a: {  	s8 =	sadd.s32 $0xFFFFE003, lr  }
0x1b: {  	s9 =	sadd.s32 $0xFFFFFEF7, lr;
	s5 =	simm.s32 $0xFFFFFFFF;
	p2 =	slt.u32 s8, $0xFFFFF086  }
0x1c: {  	p1 =	slt.u32 s9, $0xF7A;
	s5 =	simm.s32 @!p2 $0x0  }
0x1d: {  	s5 =	simm.s32 @p1 $0x1;
	p0 =	seq.s32 s7, s2  }
0x1e: {  	s7 =	smul.u32 @!p0 $0xF7A, s2;
	p2 =	seq.s32 @!p0 s5, $0x0  }
0x1f: {  	s9 =	smul.u32 $0xF7A, s1;
	s8 =	simm.s32 @!p0 $0x1BF5;
	p2 =	por !p2, p0  }
0x20: {  	[sflag:s8] =	ssyncset.s32 @!p0 $0xFFFFF086;
	s6 =	sadd.s32 @!p0 s3, s7;
	s7 =	simm.s32 @!p0 $0x108  }
0x21: {  	s3 =	sadd.s32 s3, s9;
	s6 =	sadd.s32 @!p0 $0x88, s6;
	s7 =	simm.s32 @p2 $0x1082  }
0x22: {  	[simem:s7], [sflag:s8] =	dma.local @!p0 [hbm:s6], $0xF7A  }
0x23: {  	s9 =	sor.u32 $0xD0000000, s2;
	s6 =	simm.s32 $0x108;
	_ =	swait.ge @!p0 [sflag:s8], $0x0  }
0x24: {  	s3 =	sadd.s32 $0x88, s3;
	s6 =	simm.s32 @!p1 $0x1082;
	[sflag:s4] =	ssyncset.s32 $0xFFFFF086  }
0x25: {  	[simem:s6], [sflag:s4] =	dma.local [hbm:s3], $0xF7A  }
0x26: {  	[smem:$0x3FA0] =	sst s1;
	(tag) =	ssettag s2;
	_ =	strace s9  }
0x27: {  	s1 =	sld [smem:$0x3FB0]  }
0x28: {  	s2 =	sld [smem:$0x3FB1]  }
0x29: {  	s4 =	sld [smem:$0x3FB3]  }
0x2a: {  	p0 =	seq.s32 s5, $0x0;
	s5 =	sld [smem:$0x3FB4]  }
0x2b: {  	s6 =	sld [smem:$0x3FB5]  }
0x2c: {  	s7 =	sld [smem:$0x3FB6]  }
0x2d: {  	s3 =	simm.s32 $0x108;
	s8 =	sld [smem:$0x3FB7]  }
0x2e: {  	s3 =	simm.s32 @!p0 $0x1082;
	s9 =	sld [smem:$0x3FB8]  }
0x2f: {  	lr =	sadd.s32 s0, s3;
	s0 =	sld [smem:$0x3FAF]  }
0x30: {  	s3 =	sld [smem:$0x3FB2]  }
0x31: {  	[smem:$0x3FBB] =	sst s10  }
0x32: {  	s10 =	sld [smem:$0x3FB9];
	_ =	sdelay $0x3  }
0x33: {  	p0 =	seq.s32 s10, $0x1;
	s10 =	sld [smem:$0x3FBB];
	_ =	sdelay $0x3  }
0x34: {  	[smem:$0x3FBB] =	sst s10  }
0x35: {  	s10 =	sld [smem:$0x3FBA];
	_ =	sdelay $0x3  }
0x36: {  	p1 =	seq.s32 s10, $0x1;
	s10 =	sld [smem:$0x3FBB];
	_ =	sdelay $0x3  }
0x37: {  	[smem:$0x3FBB] =	sst s10  }
0x38: {  	s10 =	sld [smem:$0x3FBC]  }
0x39: {  	_ = 	snop;
	(pc) =	sbr.ind lr, $3  }
0x3a: {  	_ = 	snop  }
0x3b: {  	_ = 	snop  }
0x3c: {  	p2 =	seq.s32 s10, $0x1;
	s10 =	sld [smem:$0x3FBB]  }
0x3d: {  	_ =	shalt  }
0x3e: {  	_ =	shalt  }
0x3f: {  	_ =	shalt  }
0x40: {  	_ =	shalt  }
0x41: {  	_ =	shalt  }
0x42: {  	_ =	shalt  }
0x43: {  	_ =	shalt  }
0x44: {  	_ =	shalt  }
0x45: {  	_ =	shalt  }
0x46: {  	_ =	shalt  }
0x47: {  	_ =	shalt  }
0x48: {  	_ =	shalt  }
0x49: {  	_ =	shalt  }
0x4a: {  	_ =	shalt  }
0x4b: {  	_ =	shalt  }
0x4c: {  	_ =	shalt  }
0x4d: {  	_ =	shalt  }
0x4e: {  	_ =	shalt  }
0x4f: {  	_ =	shalt  }
0x50: {  	_ =	shalt  }
0x51: {  	_ =	shalt  }
0x52: {  	_ =	shalt  }
0x53: {  	_ =	shalt  }
0x54: {  	_ =	shalt  }
0x55: {  	_ =	shalt  }
0x56: {  	_ =	shalt  }
0x57: {  	_ =	shalt  }
0x58: {  	_ =	shalt  }
0x59: {  	_ =	shalt  }
0x5a: {  	_ =	shalt  }
0x5b: {  	_ =	shalt  }
0x5c: {  	_ =	shalt  }
0x5d: {  	_ =	shalt  }
0x5e: {  	_ =	shalt  }
0x5f: {  	_ =	shalt  }
0x60: {  	_ =	shalt  }
0x61: {  	_ =	shalt  }
0x62: {  	_ =	shalt  }
0x63: {  	_ =	shalt  }
0x64: {  	_ =	shalt  }
0x65: {  	_ =	shalt  }
0x66: {  	_ =	shalt  }
0x67: {  	_ =	shalt  }
0x68: {  	_ =	shalt  }
0x69: {  	_ =	shalt  }
0x6a: {  	_ =	shalt  }
0x6b: {  	_ =	shalt  }
0x6c: {  	_ =	shalt  }
0x6d: {  	_ =	shalt  }
0x6e: {  	_ =	shalt  }
0x6f: {  	_ =	shalt  }
0x70: {  	_ =	shalt  }
0x71: {  	_ =	shalt  }
0x72: {  	_ =	shalt  }
0x73: {  	_ =	shalt  }
0x74: {  	_ =	shalt  }
0x75: {  	_ =	shalt  }
0x76: {  	_ =	shalt  }
0x77: {  	_ =	shalt  }
0x78: {  	_ =	shalt  }
0x79: {  	_ =	shalt  }
0x7a: {  	_ =	shalt  }
0x7b: {  	_ =	shalt  }
0x7c: {  	_ =	shalt  }
0x7d: {  	_ =	shalt  }
0x7e: {  	_ =	shalt  }
0x7f: {  	_ =	shalt  }
0x80: {  	_ =	shalt  }
0x81: {  	_ =	shalt  }
0x82: {  	_ =	shalt  }
0x83: {  	_ =	shalt  }
0x84: {  	_ =	shalt  }
0x85: {  	_ =	shalt  }
0x86: {  	_ =	shalt  }
0x87: {  	_ =	shalt  }
.Lfunc_end0:
.L_simem_size_0:
called_computation_lowered:
.L_overlay_start_0:
0x88: {  	s2 =	sld [smem:$0x3FD9]  }
0x89: {  	s3 =	sld [smem:$0x3FFE];
	_ =	sdelay $0x1  }
0x8a: {  	s1 =	srdreg.scid  }
0x8b: {  	s0 =	sand.u32 $0x1, s1  }
0x8c: {  	s16 =	sshll.u32 s0, $0xA;
	s2 =	sadd.s32 s3, s2  }
0x8d: {  	s2 =	sadd.s32 s2, s16  }
0x8e: {  	[smem:$0x3FC7] =	sst s2  }
0x8f: {  	_ = 	snop  }
0x90: {  	(tm) =	ssettm $0x1  }
0x91: {  	s17 =	sld [smem:$0x3FFB];
	_ =	sdelay $0x3  }
0x92: {  	_ =	strace s17  }
0x93: {  	s2 =	sld [smem:$0x3FFC];
	_ =	sdelay $0x3  }
0x94: {  	_ =	strace s2  }
0x95: {  	s2 =	sld [smem:$0x3FFD];
	_ =	sdelay $0x3  }
0x96: {  	_ =	strace s2  }
0x97: {  	_ =	strace $0x8FFFFFFF  }
0x98: {  	s18 =	sld [smem:$0x3FDB];
	_ =	sdelay $0x1  }
0x99: {  	s19 =	simm.s32 $_scs_section_size  }
0x9a: {  	s4 =	simm.s32 $_size__tile_overlayer_lowered;
	s5 =	simm.s32 $_tile_overlayer_lowered  }
0x9b: {  	s22 =	simm.s32 $0x1BFF;
	s21 =	sshll.u32 s5, $0x1;
	s2 =	sadd.s32 s19, s18  }
0x9c: {  	s6 =	simm.s32 $0x0;
	s20 =	sshll.u32 s4, $0x1;
	s4 =	sadd.s32 s21, s2  }
0x9d: {  	[timem:s6], [sflag:s22] =	dma.local [hbm:s4], s20  }
0x9e: {  	_ =	swait.ge [sflag:s22], s20  }
0x9f: {  	s3 =	ssub.s32 $0x0, s20;
	[sflag:s22] =	ssyncset.done $0x0  }
0xa0: {  	[sflag:s22] =	ssyncadd.s32 s3;
	_ =	sdelay $0x1  }
0xa1: {  	s23 =	simm.s32 $0x1B8B  }
0xa2: {  	_ =	swait.ge [sflag:s23], $0x1  }
0xa3: {  	[sflag:s23] =	ssyncset.done $0x0  }
0xa4: {  	s25 =	simm.s32 $0x1B8E;
	s24 =	sld [smem:$0x3FFE];
	[sflag:s23] =	ssyncadd.s32 $0xFFFFFFFF  }
0xa5: {  	s26 =	simm.s32 $execute0_lowered;
	[smem:$0x3FD2] =	sst s25  }
0xa6: {  	s4 =	sshll.u32 s26, $0x1;
	_ =	strace $0x80000046;
	[dreg:$0x1] =	wrdreg $0xFFFFFFFF  }
0xa7: {  	s28 =	simm.s32 $_size_execute0_lowered;
	s2 =	sadd.s32 s2, s4;
	[dreg:$0x0] =	wrdreg $0x0  }
0xa8: {  	s4 =	sshll.u32 s28, $0x1;
	[dreg:$0x2] =	wrdreg s2  }
0xa9: {  	[dreg:$0x3] =	wrdreg s4  }
0xaa: {  	[dreg:$0x4] =	wrdreg $0xC0  }
0xab: {  	_ =	task [dreg:s6], $0x5FFFF  }
0xac: {  	[dreg:$0x1] =	wrdreg $0xFFFFFFFF  }
0xad: {  	[dreg:$0x0] =	wrdreg $0x60  }
0xae: {  	[dreg:$0x2] =	wrdreg s24  }
0xaf: {  	[dreg:$0x3] =	wrdreg $0x9  }
0xb0: {  	_ =	task.clear_ibuf [dreg:s6], $0x4FFFF;
	_ =	strace $0x90000046  }
0xb1: {  	s29 =	simm.s32 $0x9;
	_ =	strace $0x80000048  }
0xb2: {  	_ =	swait.ge [sflag:s29], $0x1  }
0xb3: {  	[sflag:s29] =	ssyncadd.s32 $0xFFFFFFFF  }
0xb4: {  	_ =	strace $0x90000048  }
0xb5: {  	_ =	sfence  }
0xb6: {  	s30 =	sld [smem:$0x0];
	_ =	sdelay $0x2  }
0xb7: {  	s31 =	sshll.u32 s1, $0xD;
	s1 =	sshrl.u32 s1, $0x2  }
0xb8: {  	s3 =	sand.u32 $0x4000, s31;
	s1 =	sadd.s32 s1, s30  }
0xb9: {  	s0 =	sor.u32 s3, s0;
	s1 =	sshll.u32 s1, $0x11  }
0xba: {  	s0 =	sor.u32 s1, s0  }
0xbb: {  	s0 =	sadd.s32 $0x8F2B, s0  }
0xbc: {  	[sflag:s0] =	ssyncadd.remote.s32 $0x1  }
0xbd: {  	_ =	sfence.sel $0xFFFF  }
0xbe: {  	[dreg:$0x0] =	wrdreg $0xFFFFFFFF;
	(pc) =	sbr.abs _section_cstart, $3  }
0xbf: {  	[dreg:$0x1] =	wrdreg $0xFFFFFFFF  }
0xc0: {  	_ =	task.clear_ibuf [dreg:s6], $0x2FFFF;
	_ =	strace $0x9FFFFFFF  }
0xc1: {  	(tm) =	ssettm $0x7FFFFFFF  }
tec
execute0_lowered:
.L_overlay_start_1:
0x0: {  	(tag) =	ssettag $0x1  }
0x1: {  	s8 =	rddreg [dreg:$0x0]  }
0x2: {  	s2 =	simm.s32 $0x0;
	s1 =	stileid.u32;
	s4 =	srdreg.scid  }
0x3: {  	s10 =	simm.s32 $0x2B00;
	s15 =	simm.s32 $0x1400;
	s16 =	simm.s32 $0x2800  }
0x4: {  	v0 =	vlaneseq.u32;
	s17 =	simm.s32 $0x2980;
	s18 =	simm.s32 $0xCB00;
	[smem:$0x7FF] =	sst s2  }
0x5: {  	s11 =	sand.u32 $0x1, s4;
	s4 =	sadd.s32 $0x65C00, s8;
	s12 =	smul.u32 $0x28, s1;
	v2 =	vor.u32 $0x400010, v0;
	v3 =	vor.u32 $0x400020, v0  }
0x6: {  	v4 =	vor.u32 $0x400030, v0;
	v5 =	vor.u32 $0x400040, v0;
	v6 =	vor.u32 $0x400050, v0  }
0x7: {  	s0 =	rddreg [dreg:$0x1];
	v7 =	vor.u32 $0x400060, v0;
	v8 =	vor.u32 $0x400070, v0;
	v9 =	vor.u32 $0x400080, v0  }
0x8: {  	s19 =	simm.s32 $0x0;
	s3 =	sshrl.u32 s1, $0x1;
	s6 =	sshll.u32 s1, $0x1;
	v10 =	vor.u32 $0x400090, v0;
	v11 =	vor.u32 $0x4000A0, v0;
	v12 =	vor.u32 $0x4000B0, v0  }
0x9: {  	s7 =	sadd.s32 $0xDB400, s8;
	v13 =	vor.u32 $0x4000C0, v0;
	_ =	strace $0x80000047;
	s5 =	smul.u32 $0x1400, s3  }
0xa: {  	v14 =	vor.u32 $0x4000D0, v0;
	v15 =	vor.u32 $0x4000E0, v0;
	s6 =	sor.u32 s11, s6;
	s13 =	smul.u32 $0x14, s11;
	s11 =	ssub.s32 $0x2, s11  }
0xb: {  	v16 =	vor.u32 $0x4000F0, v0;
	v17 =	vor.u32 $0x400100, v0;
	s3 =	sadd.s32 $0x1C00, s8;
	s6 =	smul.u32 $0x14, s6;
	s14 =	sshrl.u32 s11, $0x1  }
0xc: {  	v23 =	vimm.f32 $0.0e+00;
	v18 =	vor.u32 $0x400110, v0;
	v19 =	vor.u32 $0x400120, v0;
	s9 =	sadd.s32 s5, s8;
	s5 =	sadd.s32 $0xD3C00, s8;
	s8 =	sadd.s32 $0xE2C00, s8  }
0xd: {  	v20 =	vor.u32 $0x400130, v0;
	v21 =	vor.u32 $0x400140, v0;
	v22 =	vor.u32 $0x400150, v0;
	s11 =	ssub.s32 s11, s14;
	s12 =	sadd.s32 s13, s12;
	s13 =	simm.s32 $0x1  }
0xe: {  	v1 =	vor.u32 $0x400000, v0;
	v24 =	vor.u32 $0x400160, v0;
	v25 =	vor.u32 $0x400170, v0;
	s14 =	simm.s32 $0x2;
	s9 =	sadd.s32 $0xC9C00, s9;
	s11 =	smax.u32 s11, $0x1  }
.LBB2_1:
0xf: {  	[tilespmem:s10], [sflag:$0x1] =	stream.linear.gather [hbm4b:s9+s2], $0xA000, $0x38;
	[tilespmem:$0xD100] =	vst v63  }
0x10: {  	_ =	swait.ge [sflag:s13], $0xA000  }
0x11: {  	[sflag:s13] =	ssyncset.done $0x0  }
0x12: {  	s20 =	smov.u32 s12;
	s21 =	simm.s32 $0x0;
	[sflag:s13] =	ssyncadd.s32 $0xFFFF6000  }
.LBB2_2:
0x13: {  	[tilespmem:$0x2800] =	vst v23  }
0x14: {  	[tilespmem:$0x2980] =	vst v1  }
0x15: {  	[tilespmem:$0x2810] =	vst v23  }
0x16: {  	[tilespmem:$0x2990] =	vst v2  }
0x17: {  	[tilespmem:$0x2820] =	vst v23  }
0x18: {  	[tilespmem:$0x29A0] =	vst v3  }
0x19: {  	[tilespmem:$0x2830] =	vst v23  }
0x1a: {  	[tilespmem:$0x29B0] =	vst v4  }
0x1b: {  	[tilespmem:$0x2840] =	vst v23  }
0x1c: {  	[tilespmem:$0x29C0] =	vst v5  }
0x1d: {  	[tilespmem:$0x2850] =	vst v23  }
0x1e: {  	[tilespmem:$0x29D0] =	vst v6  }
0x1f: {  	[tilespmem:$0x2860] =	vst v23  }
0x20: {  	[tilespmem:$0x29E0] =	vst v7  }
0x21: {  	[tilespmem:$0x2870] =	vst v23  }
0x22: {  	[tilespmem:$0x29F0] =	vst v8  }
0x23: {  	[tilespmem:$0x2880] =	vst v23  }
0x24: {  	[tilespmem:$0x2A00] =	vst v9  }
0x25: {  	[tilespmem:$0x2890] =	vst v23  }
0x26: {  	[tilespmem:$0x2A10] =	vst v10  }
0x27: {  	[tilespmem:$0x28A0] =	vst v23  }
0x28: {  	[tilespmem:$0x2A20] =	vst v11  }
0x29: {  	[tilespmem:$0x28B0] =	vst v23  }
0x2a: {  	[tilespmem:$0x2A30] =	vst v12  }
0x2b: {  	[tilespmem:$0x28C0] =	vst v23  }
0x2c: {  	[tilespmem:$0x2A40] =	vst v13  }
0x2d: {  	[tilespmem:$0x28D0] =	vst v23  }
0x2e: {  	[tilespmem:$0x2A50] =	vst v14  }
0x2f: {  	[tilespmem:$0x28E0] =	vst v23  }
0x30: {  	[tilespmem:$0x2A60] =	vst v15  }
0x31: {  	[tilespmem:$0x28F0] =	vst v23  }
0x32: {  	[tilespmem:$0x2A70] =	vst v16  }
0x33: {  	[tilespmem:$0x2900] =	vst v23  }
0x34: {  	[tilespmem:$0x2A80] =	vst v17  }
0x35: {  	[tilespmem:$0x2910] =	vst v23  }
0x36: {  	[tilespmem:$0x2A90] =	vst v18  }
0x37: {  	[tilespmem:$0x2920] =	vst v23  }
0x38: {  	[tilespmem:$0x2AA0] =	vst v19  }
0x39: {  	[tilespmem:$0x2930] =	vst v23  }
0x3a: {  	[tilespmem:$0x2AB0] =	vst v20  }
0x3b: {  	[tilespmem:$0x2940] =	vst v23  }
0x3c: {  	[tilespmem:$0x2AC0] =	vst v21  }
0x3d: {  	[tilespmem:$0x2950] =	vst v23  }
0x3e: {  	[tilespmem:$0x2AD0] =	vst v22  }
0x3f: {  	s22 =	sadd.s32 s6, s21;
	[tilespmem:$0x2960] =	vst v23  }
0x40: {  	[tilespmem:$0x2AE0] =	vst v24;
	s23 =	smul.u32 $0x280, s22  }
0x41: {  	[tilespmem:$0x2970] =	vst v23  }
0x42: {  	[tilespmem:$0x2AF0] =	vst v25;
	s25 =	simm.s32 $0x0;
	s24 =	sadd.s32 s3, s23  }
0x43: {  	[tilespmem:s25], [sflag:$0x2] =	stream.linear.gather [hbm4b:s24+s25], $0x1400, $0x38;
	[tilespmem:$0xD100] =	vst v63  }
0x44: {  	_ =	swait.ge [sflag:s14], $0x1400  }
0x45: {  	[sflag:s14] =	ssyncset.done $0x0  }
0x46: {  	s23 =	sadd.s32 s4, s23;
	[sflag:s14] =	ssyncadd.s32 $0xFFFFEC00  }
0x47: {  	[tilespmem:s15], [sflag:$0x2] =	stream.linear.gather [hbm4b:s23+s25], $0x1400, $0x38;
	[tilespmem:$0xD100] =	vst v63  }
0x48: {  	_ =	swait.ge [sflag:s14], $0x1400  }
0x49: {  	[sflag:s14] =	ssyncset.done $0x0  }
0x4a: {  	s28 =	simm.s32 $0x0;
	[sflag:s14] =	ssyncadd.s32 $0xFFFFEC00  }
0x4b: {  	v26 =	vld [tilespmem:s28+$0x0];
	_ =	sdelay $0x4  }
0x4c: {  	vm0 =	vgt.s32 v26, $0xFFFFFFFF;
	vm1 =	vgt.s32 v26, $0x0  }
0x4d: {  	s29 =	smulhi.u32 $0xCCCCCCCD, s20;
	v27 =	vld [tilespmem:s28+$0x1400];
	v26 =	vnsel vm1, $0x0, v26;
	_ =	sdelay $0x1  }
0x4e: {  	s30 =	sshrl.u32 s29, $0x6  }
0x4f: {  	s23 =	smul.u32 $0x1400, s30  }
0x50: {  	s31 =	smulhi.u32 $0xCCCCCCCD, s22  }
0x51: {  	v28 =	vor.u32 s23, v0;
	[tilespmem:v26+s16+$0x0] =	vst.idx.msk vm0, v27  }
0x52: {  	s26 =	simm.s32 $0x10;
	s24 =	sshrl.u32 s31, $0x6;
	[tilespmem:v26+s17+$0x0] =	vst.idx.msk vm0, v28  }
0x53: {  	s24 =	smul.u32 $0x1400, s24;
	s25 =	simm.s32 $0x80;
	v26 =	vld [tilespmem:s26+$0x0]  }
.LBB2_3:
0x54: {  	p0 =	sne.s32 s25, $0x4FC0;
	_ =	sdelay $0x3  }
0x55: {  	vm0 =	vgt.s32 v26, $0xFFFFFFFF;
	vm1 =	vgt.s32 v26, $0x0  }
0x56: {  	v27 =	vld [tilespmem:s26+$0x1400];
	v26 =	vnsel vm1, $0x0, v26;
	_ =	sdelay $0x2  }
.Ltmp0:
0x57: {  	(pc) =	sbr.rel @p0 .LBB2_3-.Ltmp0, $4  }
0x58: {  	s23 =	sadd.s32 $0x10, s23  }
0x59: {  	v28 =	vor.u32 s23, v0;
	[tilespmem:v26+s16+$0x0] =	vst.idx.msk vm0, v27  }
0x5a: {  	s26 =	sshra.s32 s25, $0x2;
	[tilespmem:v26+s17+$0x0] =	vst.idx.msk vm0, v28  }
0x5b: {  	s25 =	sadd.s32 $0x40, s25;
	v26 =	vld [tilespmem:s26+$0x0]  }
0x5c: {  	_ =	sdelay $0x3  }
0x5d: {  	vm0 =	vgt.s32 v26, $0xFFFFFFFF;
	vm1 =	vgt.s32 v26, $0x0  }
0x5e: {  	v27 =	vld [tilespmem:s26+$0x1400];
	v26 =	vnsel vm1, $0x0, v26;
	_ =	sdelay $0x3  }
0x5f: {  	s23 =	sadd.s32 $0x10, s23  }
0x60: {  	v28 =	vor.u32 s23, v0;
	[tilespmem:v26+s16+$0x0] =	vst.idx.msk vm0, v27  }
0x61: {  	[tilespmem:v26+s17+$0x0] =	vst.idx.msk vm0, v28  }
0x62: {  	v27 =	vld [tilespmem:$0x2980];
	_ =	sdelay $0x3  }
0x63: {  	v26 =	vmov s24  }
0x64: {  	v27 =	vsub.s32 v27, v26  }
0x65: {  	vm4 =	vgt.s32 v27, $0x0  }
0x66: {  	v27 =	vnsel vm4, $0x0, v27  }
0x67: {  	v27 =	vmin.u32 v27, $0x13FF  }
0x68: {  	v27 =	vshll.u32 v27, $0x3;
	_ =	sdelay $0x4  }
0x69: {  	v28 =	vld.idx.msk [tilespmem:v27+s10+$0x0], $0xffff  }
0x6a: {  	v29 =	vor.u32 $0x1, v27;
	_ =	sdelay $0x3  }
0x6b: {  	[tilespmem:$0xCB00] =	vst v28  }
0x6c: {  	v28 =	vld.idx.msk [tilespmem:v29+s10+$0x0], $0xffff  }
0x6d: {  	v58 =	vor.u32 $0x2, v27;
	_ =	sdelay $0x2  }
0x6e: {  	v30 =	vld [tilespmem:$0x2990]  }
0x6f: {  	[tilespmem:$0xCC80] =	vst v28  }
0x70: {  	v28 =	vld.idx.msk [tilespmem:v58+s10+$0x0], $0xffff  }
0x71: {  	v27 =	vor.u32 $0x3, v27;
	_ =	sdelay $0x1  }
0x72: {  	v59 =	vsub.s32 v30, v26  }
0x73: {  	vm5 =	vgt.s32 v59, $0x0  }
0x74: {  	v60 =	vnsel vm5, $0x0, v59;
	[tilespmem:$0xCE00] =	vst v28  }
0x75: {  	v28 =	vmin.u32 v60, $0x13FF;
	v27 =	vld.idx.msk [tilespmem:v27+s10+$0x0], $0xffff  }
0x76: {  	v28 =	vshll.u32 v28, $0x3;
	_ =	sdelay $0x3  }
0x77: {  	[tilespmem:$0xCF80] =	vst v27  }
0x78: {  	v27 =	vld.idx.msk [tilespmem:v28+s10+$0x0], $0xffff  }
0x79: {  	v61 =	vor.u32 $0x1, v28;
	_ =	sdelay $0x3  }
0x7a: {  	[tilespmem:$0xCB10] =	vst v27  }
0x7b: {  	v27 =	vld.idx.msk [tilespmem:v61+s10+$0x0], $0xffff  }
0x7c: {  	v62 =	vor.u32 $0x2, v28;
	_ =	sdelay $0x2  }
0x7d: {  	v63 =	vld [tilespmem:$0x29A0]  }
0x7e: {  	[tilespmem:$0xCC90] =	vst v27  }
0x7f: {  	v27 =	vld.idx.msk [tilespmem:v62+s10+$0x0], $0xffff  }
0x80: {  	v28 =	vor.u32 $0x3, v28;
	_ =	sdelay $0x1  }
0x81: {  	v32 =	vsub.s32 v63, v26  }
0x82: {  	vm6 =	vgt.s32 v32, $0x0  }
0x83: {  	[tilespmem:$0xCE10] =	vst v27;
	v27 =	vnsel vm6, $0x0, v32  }
0x84: {  	v28 =	vld.idx.msk [tilespmem:v28+s10+$0x0], $0xffff;
	v27 =	vmin.u32 v27, $0x13FF  }
0x85: {  	v27 =	vshll.u32 v27, $0x3;
	_ =	sdelay $0x3  }
0x86: {  	[tilespmem:$0xCF90] =	vst v28  }
0x87: {  	v28 =	vld.idx.msk [tilespmem:v27+s10+$0x0], $0xffff  }
0x88: {  	v33 =	vor.u32 $0x1, v27;
	_ =	sdelay $0x3  }
0x89: {  	[tilespmem:$0xCB20] =	vst v28  }
0x8a: {  	v28 =	vld.idx.msk [tilespmem:v33+s10+$0x0], $0xffff  }
0x8b: {  	v34 =	vor.u32 $0x2, v27;
	_ =	sdelay $0x2  }
0x8c: {  	v35 =	vld [tilespmem:$0x29B0]  }
0x8d: {  	[tilespmem:$0xCCA0] =	vst v28  }
0x8e: {  	v28 =	vld.idx.msk [tilespmem:v34+s10+$0x0], $0xffff  }
0x8f: {  	v27 =	vor.u32 $0x3, v27;
	_ =	sdelay $0x1  }
0x90: {  	v36 =	vsub.s32 v35, v26  }
0x91: {  	vm7 =	vgt.s32 v36, $0x0  }
0x92: {  	v37 =	vnsel vm7, $0x0, v36;
	[tilespmem:$0xCE20] =	vst v28  }
0x93: {  	v28 =	vmin.u32 v37, $0x13FF;
	v27 =	vld.idx.msk [tilespmem:v27+s10+$0x0], $0xffff  }
0x94: {  	v28 =	vshll.u32 v28, $0x3;
	_ =	sdelay $0x3  }
0x95: {  	[tilespmem:$0xCFA0] =	vst v27  }
0x96: {  	v27 =	vld.idx.msk [tilespmem:v28+s10+$0x0], $0xffff  }
0x97: {  	v38 =	vor.u32 $0x1, v28;
	_ =	sdelay $0x3  }
0x98: {  	[tilespmem:$0xCB30] =	vst v27  }
0x99: {  	v27 =	vld.idx.msk [tilespmem:v38+s10+$0x0], $0xffff  }
0x9a: {  	v39 =	vor.u32 $0x2, v28;
	_ =	sdelay $0x2  }
0x9b: {  	v40 =	vld [tilespmem:$0x29C0]  }
0x9c: {  	[tilespmem:$0xCCB0] =	vst v27  }
0x9d: {  	v27 =	vld.idx.msk [tilespmem:v39+s10+$0x0], $0xffff  }
0x9e: {  	v28 =	vor.u32 $0x3, v28;
	_ =	sdelay $0x1  }
0x9f: {  	v41 =	vsub.s32 v40, v26  }
0xa0: {  	vm8 =	vgt.s32 v41, $0x0  }
0xa1: {  	[tilespmem:$0xCE30] =	vst v27;
	v27 =	vnsel vm8, $0x0, v41  }
0xa2: {  	v28 =	vld.idx.msk [tilespmem:v28+s10+$0x0], $0xffff;
	v27 =	vmin.u32 v27, $0x13FF  }
0xa3: {  	v27 =	vshll.u32 v27, $0x3;
	_ =	sdelay $0x3  }
0xa4: {  	[tilespmem:$0xCFB0] =	vst v28  }
0xa5: {  	v28 =	vld.idx.msk [tilespmem:v27+s10+$0x0], $0xffff  }
0xa6: {  	v42 =	vor.u32 $0x1, v27;
	_ =	sdelay $0x3  }
0xa7: {  	[tilespmem:$0xCB40] =	vst v28  }
0xa8: {  	v28 =	vld.idx.msk [tilespmem:v42+s10+$0x0], $0xffff  }
0xa9: {  	v43 =	vor.u32 $0x2, v27;
	_ =	sdelay $0x2  }
0xaa: {  	v44 =	vld [tilespmem:$0x29D0]  }
0xab: {  	[tilespmem:$0xCCC0] =	vst v28  }
0xac: {  	v28 =	vld.idx.msk [tilespmem:v43+s10+$0x0], $0xffff  }
0xad: {  	v27 =	vor.u32 $0x3, v27;
	_ =	sdelay $0x1  }
0xae: {  	v45 =	vsub.s32 v44, v26  }
0xaf: {  	vm9 =	vgt.s32 v45, $0x0  }
0xb0: {  	v46 =	vnsel vm9, $0x0, v45;
	[tilespmem:$0xCE40] =	vst v28  }
0xb1: {  	v28 =	vmin.u32 v46, $0x13FF;
	v27 =	vld.idx.msk [tilespmem:v27+s10+$0x0], $0xffff  }
0xb2: {  	v28 =	vshll.u32 v28, $0x3;
	_ =	sdelay $0x3  }
0xb3: {  	[tilespmem:$0xCFC0] =	vst v27  }
0xb4: {  	v27 =	vld.idx.msk [tilespmem:v28+s10+$0x0], $0xffff  }
0xb5: {  	v47 =	vor.u32 $0x1, v28;
	_ =	sdelay $0x3  }
0xb6: {  	[tilespmem:$0xCB50] =	vst v27  }
0xb7: {  	v27 =	vld.idx.msk [tilespmem:v47+s10+$0x0], $0xffff  }
0xb8: {  	v48 =	vor.u32 $0x2, v28;
	_ =	sdelay $0x2  }
0xb9: {  	v49 =	vld [tilespmem:$0x29E0]  }
0xba: {  	[tilespmem:$0xCCD0] =	vst v27  }
0xbb: {  	v27 =	vld.idx.msk [tilespmem:v48+s10+$0x0], $0xffff  }
0xbc: {  	v28 =	vor.u32 $0x3, v28;
	_ =	sdelay $0x1  }
0xbd: {  	v50 =	vsub.s32 v49, v26  }
0xbe: {  	vm10 =	vgt.s32 v50, $0x0  }
0xbf: {  	[tilespmem:$0xCE50] =	vst v27;
	v27 =	vnsel vm10, $0x0, v50  }
0xc0: {  	v28 =	vld.idx.msk [tilespmem:v28+s10+$0x0], $0xffff;
	v27 =	vmin.u32 v27, $0x13FF  }
0xc1: {  	v27 =	vshll.u32 v27, $0x3;
	_ =	sdelay $0x3  }
0xc2: {  	[tilespmem:$0xCFD0] =	vst v28  }
0xc3: {  	v28 =	vld.idx.msk [tilespmem:v27+s10+$0x0], $0xffff  }
0xc4: {  	v51 =	vor.u32 $0x1, v27;
	_ =	sdelay $0x3  }
0xc5: {  	[tilespmem:$0xCB60] =	vst v28  }
0xc6: {  	v28 =	vld.idx.msk [tilespmem:v51+s10+$0x0], $0xffff  }
0xc7: {  	v52 =	vor.u32 $0x2, v27;
	_ =	sdelay $0x2  }
0xc8: {  	v53 =	vld [tilespmem:$0x29F0]  }
0xc9: {  	[tilespmem:$0xCCE0] =	vst v28  }
0xca: {  	v28 =	vld.idx.msk [tilespmem:v52+s10+$0x0], $0xffff  }
0xcb: {  	v27 =	vor.u32 $0x3, v27;
	_ =	sdelay $0x1  }
0xcc: {  	v54 =	vsub.s32 v53, v26  }
0xcd: {  	vm11 =	vgt.s32 v54, $0x0  }
0xce: {  	v55 =	vnsel vm11, $0x0, v54;
	[tilespmem:$0xCE60] =	vst v28  }
0xcf: {  	v28 =	vmin.u32 v55, $0x13FF;
	v27 =	vld.idx.msk [tilespmem:v27+s10+$0x0], $0xffff  }
0xd0: {  	v28 =	vshll.u32 v28, $0x3;
	_ =	sdelay $0x3  }
0xd1: {  	[tilespmem:$0xCFE0] =	vst v27  }
0xd2: {  	v27 =	vld.idx.msk [tilespmem:v28+s10+$0x0], $0xffff  }
0xd3: {  	v56 =	vor.u32 $0x1, v28;
	_ =	sdelay $0x3  }
0xd4: {  	[tilespmem:$0xCB70] =	vst v27  }
0xd5: {  	v27 =	vld.idx.msk [tilespmem:v56+s10+$0x0], $0xffff  }
0xd6: {  	v57 =	vor.u32 $0x2, v28;
	_ =	sdelay $0x2  }
0xd7: {  	v58 =	vld [tilespmem:$0x2A00]  }
0xd8: {  	[tilespmem:$0xCCF0] =	vst v27  }
0xd9: {  	v27 =	vld.idx.msk [tilespmem:v57+s10+$0x0], $0xffff  }
0xda: {  	v28 =	vor.u32 $0x3, v28;
	_ =	sdelay $0x1  }
0xdb: {  	v59 =	vsub.s32 v58, v26  }
0xdc: {  	vm12 =	vgt.s32 v59, $0x0  }
0xdd: {  	[tilespmem:$0xCE70] =	vst v27;
	v27 =	vnsel vm12, $0x0, v59  }
0xde: {  	v28 =	vld.idx.msk [tilespmem:v28+s10+$0x0], $0xffff;
	v27 =	vmin.u32 v27, $0x13FF  }
0xdf: {  	v27 =	vshll.u32 v27, $0x3;
	_ =	sdelay $0x3  }
0xe0: {  	[tilespmem:$0xCFF0] =	vst v28  }
0xe1: {  	v28 =	vld.idx.msk [tilespmem:v27+s10+$0x0], $0xffff  }
0xe2: {  	v60 =	vor.u32 $0x1, v27;
	_ =	sdelay $0x3  }
0xe3: {  	[tilespmem:$0xCB80] =	vst v28  }
0xe4: {  	v28 =	vld.idx.msk [tilespmem:v60+s10+$0x0], $0xffff  }
0xe5: {  	v61 =	vor.u32 $0x2, v27;
	_ =	sdelay $0x2  }
0xe6: {  	v62 =	vld [tilespmem:$0x2A10]  }
0xe7: {  	[tilespmem:$0xCD00] =	vst v28  }
0xe8: {  	v28 =	vld.idx.msk [tilespmem:v61+s10+$0x0], $0xffff  }
0xe9: {  	v27 =	vor.u32 $0x3, v27;
	_ =	sdelay $0x1  }
0xea: {  	v63 =	vsub.s32 v62, v26  }
0xeb: {  	vm13 =	vgt.s32 v63, $0x0  }
0xec: {  	v32 =	vnsel vm13, $0x0, v63;
	[tilespmem:$0xCE80] =	vst v28  }
0xed: {  	v28 =	vmin.u32 v32, $0x13FF;
	v27 =	vld.idx.msk [tilespmem:v27+s10+$0x0], $0xffff  }
0xee: {  	v28 =	vshll.u32 v28, $0x3;
	_ =	sdelay $0x3  }
0xef: {  	[tilespmem:$0xD000] =	vst v27  }
0xf0: {  	v27 =	vld.idx.msk [tilespmem:v28+s10+$0x0], $0xffff  }
0xf1: {  	v33 =	vor.u32 $0x1, v28;
	_ =	sdelay $0x3  }
0xf2: {  	[tilespmem:$0xCB90] =	vst v27  }
0xf3: {  	v27 =	vld.idx.msk [tilespmem:v33+s10+$0x0], $0xffff  }
0xf4: {  	v34 =	vor.u32 $0x2, v28;
	_ =	sdelay $0x2  }
0xf5: {  	v35 =	vld [tilespmem:$0x2A20]  }
0xf6: {  	[tilespmem:$0xCD10] =	vst v27  }
0xf7: {  	v27 =	vld.idx.msk [tilespmem:v34+s10+$0x0], $0xffff  }
0xf8: {  	v28 =	vor.u32 $0x3, v28;
	_ =	sdelay $0x1  }
0xf9: {  	v36 =	vsub.s32 v35, v26  }
0xfa: {  	vm14 =	vgt.s32 v36, $0x0  }
0xfb: {  	[tilespmem:$0xCE90] =	vst v27;
	v27 =	vnsel vm14, $0x0, v36  }
0xfc: {  	v28 =	vld.idx.msk [tilespmem:v28+s10+$0x0], $0xffff;
	v27 =	vmin.u32 v27, $0x13FF  }
0xfd: {  	v27 =	vshll.u32 v27, $0x3;
	_ =	sdelay $0x3  }
0xfe: {  	[tilespmem:$0xD010] =	vst v28  }
0xff: {  	v28 =	vld.idx.msk [tilespmem:v27+s10+$0x0], $0xffff  }
0x100: {  	v37 =	vor.u32 $0x1, v27;
	_ =	sdelay $0x3  }
0x101: {  	[tilespmem:$0xCBA0] =	vst v28  }
0x102: {  	v28 =	vld.idx.msk [tilespmem:v37+s10+$0x0], $0xffff  }
0x103: {  	v38 =	vor.u32 $0x2, v27;
	_ =	sdelay $0x2  }
0x104: {  	v39 =	vld [tilespmem:$0x2A30]  }
0x105: {  	[tilespmem:$0xCD20] =	vst v28  }
0x106: {  	v28 =	vld.idx.msk [tilespmem:v38+s10+$0x0], $0xffff  }
0x107: {  	v27 =	vor.u32 $0x3, v27;
	_ =	sdelay $0x1  }
0x108: {  	v40 =	vsub.s32 v39, v26  }
0x109: {  	vm15 =	vgt.s32 v40, $0x0  }
0x10a: {  	v41 =	vnsel vm15, $0x0, v40;
	[tilespmem:$0xCEA0] =	vst v28  }
0x10b: {  	v28 =	vmin.u32 v41, $0x13FF;
	v27 =	vld.idx.msk [tilespmem:v27+s10+$0x0], $0xffff  }
0x10c: {  	v28 =	vshll.u32 v28, $0x3;
	_ =	sdelay $0x3  }
0x10d: {  	[tilespmem:$0xD020] =	vst v27  }
0x10e: {  	v27 =	vld.idx.msk [tilespmem:v28+s10+$0x0], $0xffff  }
0x10f: {  	v42 =	vor.u32 $0x1, v28;
	_ =	sdelay $0x3  }
0x110: {  	[tilespmem:$0xCBB0] =	vst v27  }
0x111: {  	v27 =	vld.idx.msk [tilespmem:v42+s10+$0x0], $0xffff  }
0x112: {  	v43 =	vor.u32 $0x2, v28;
	_ =	sdelay $0x2  }
0x113: {  	v44 =	vld [tilespmem:$0x2A40]  }
0x114: {  	[tilespmem:$0xCD30] =	vst v27  }
0x115: {  	v27 =	vld.idx.msk [tilespmem:v43+s10+$0x0], $0xffff  }
0x116: {  	v28 =	vor.u32 $0x3, v28;
	_ =	sdelay $0x1  }
0x117: {  	v45 =	vsub.s32 v44, v26  }
0x118: {  	vm4 =	vgt.s32 v45, $0x0  }
0x119: {  	[tilespmem:$0xCEB0] =	vst v27;
	v27 =	vnsel vm4, $0x0, v45  }
0x11a: {  	v28 =	vld.idx.msk [tilespmem:v28+s10+$0x0], $0xffff;
	v27 =	vmin.u32 v27, $0x13FF  }
0x11b: {  	v27 =	vshll.u32 v27, $0x3;
	_ =	sdelay $0x3  }
0x11c: {  	[tilespmem:$0xD030] =	vst v28  }
0x11d: {  	v28 =	vld.idx.msk [tilespmem:v27+s10+$0x0], $0xffff  }
0x11e: {  	v46 =	vor.u32 $0x1, v27;
	_ =	sdelay $0x3  }
0x11f: {  	[tilespmem:$0xCBC0] =	vst v28  }
0x120: {  	v28 =	vld.idx.msk [tilespmem:v46+s10+$0x0], $0xffff  }
0x121: {  	v47 =	vor.u32 $0x2, v27;
	_ =	sdelay $0x2  }
0x122: {  	v48 =	vld [tilespmem:$0x2A50]  }
0x123: {  	[tilespmem:$0xCD40] =	vst v28  }
0x124: {  	v28 =	vld.idx.msk [tilespmem:v47+s10+$0x0], $0xffff  }
0x125: {  	v27 =	vor.u32 $0x3, v27;
	_ =	sdelay $0x1  }
0x126: {  	v49 =	vsub.s32 v48, v26  }
0x127: {  	vm5 =	vgt.s32 v49, $0x0  }
0x128: {  	v50 =	vnsel vm5, $0x0, v49;
	[tilespmem:$0xCEC0] =	vst v28  }
0x129: {  	v28 =	vmin.u32 v50, $0x13FF;
	v27 =	vld.idx.msk [tilespmem:v27+s10+$0x0], $0xffff  }
0x12a: {  	v28 =	vshll.u32 v28, $0x3;
	_ =	sdelay $0x3  }
0x12b: {  	[tilespmem:$0xD040] =	vst v27  }
0x12c: {  	v27 =	vld.idx.msk [tilespmem:v28+s10+$0x0], $0xffff  }
0x12d: {  	v51 =	vor.u32 $0x1, v28;
	_ =	sdelay $0x3  }
0x12e: {  	[tilespmem:$0xCBD0] =	vst v27  }
0x12f: {  	v27 =	vld.idx.msk [tilespmem:v51+s10+$0x0], $0xffff  }
0x130: {  	v52 =	vor.u32 $0x2, v28;
	_ =	sdelay $0x2  }
0x131: {  	v53 =	vld [tilespmem:$0x2A60]  }
0x132: {  	[tilespmem:$0xCD50] =	vst v27  }
0x133: {  	v27 =	vld.idx.msk [tilespmem:v52+s10+$0x0], $0xffff  }
0x134: {  	v28 =	vor.u32 $0x3, v28;
	_ =	sdelay $0x1  }
0x135: {  	v54 =	vsub.s32 v53, v26  }
0x136: {  	vm6 =	vgt.s32 v54, $0x0  }
0x137: {  	[tilespmem:$0xCED0] =	vst v27;
	v27 =	vnsel vm6, $0x0, v54  }
0x138: {  	v28 =	vld.idx.msk [tilespmem:v28+s10+$0x0], $0xffff;
	v27 =	vmin.u32 v27, $0x13FF  }
0x139: {  	v27 =	vshll.u32 v27, $0x3;
	_ =	sdelay $0x3  }
0x13a: {  	[tilespmem:$0xD050] =	vst v28  }
0x13b: {  	v28 =	vld.idx.msk [tilespmem:v27+s10+$0x0], $0xffff  }
0x13c: {  	v55 =	vor.u32 $0x1, v27;
	_ =	sdelay $0x3  }
0x13d: {  	[tilespmem:$0xCBE0] =	vst v28  }
0x13e: {  	v28 =	vld.idx.msk [tilespmem:v55+s10+$0x0], $0xffff  }
0x13f: {  	v56 =	vor.u32 $0x2, v27;
	_ =	sdelay $0x2  }
0x140: {  	v57 =	vld [tilespmem:$0x2A70]  }
0x141: {  	[tilespmem:$0xCD60] =	vst v28  }
0x142: {  	v28 =	vld.idx.msk [tilespmem:v56+s10+$0x0], $0xffff  }
0x143: {  	v27 =	vor.u32 $0x3, v27;
	_ =	sdelay $0x1  }
0x144: {  	v58 =	vsub.s32 v57, v26  }
0x145: {  	vm7 =	vgt.s32 v58, $0x0  }
0x146: {  	v59 =	vnsel vm7, $0x0, v58;
	[tilespmem:$0xCEE0] =	vst v28  }
0x147: {  	v28 =	vmin.u32 v59, $0x13FF;
	v27 =	vld.idx.msk [tilespmem:v27+s10+$0x0], $0xffff  }
0x148: {  	v28 =	vshll.u32 v28, $0x3;
	_ =	sdelay $0x3  }
0x149: {  	[tilespmem:$0xD060] =	vst v27  }
0x14a: {  	v27 =	vld.idx.msk [tilespmem:v28+s10+$0x0], $0xffff  }
0x14b: {  	v60 =	vor.u32 $0x1, v28;
	_ =	sdelay $0x3  }
0x14c: {  	[tilespmem:$0xCBF0] =	vst v27  }
0x14d: {  	v27 =	vld.idx.msk [tilespmem:v60+s10+$0x0], $0xffff  }
0x14e: {  	v61 =	vor.u32 $0x2, v28;
	_ =	sdelay $0x2  }
0x14f: {  	v62 =	vld [tilespmem:$0x2A80]  }
0x150: {  	[tilespmem:$0xCD70] =	vst v27  }
0x151: {  	v27 =	vld.idx.msk [tilespmem:v61+s10+$0x0], $0xffff  }
0x152: {  	v28 =	vor.u32 $0x3, v28;
	_ =	sdelay $0x1  }
0x153: {  	v63 =	vsub.s32 v62, v26  }
0x154: {  	vm8 =	vgt.s32 v63, $0x0  }
0x155: {  	[tilespmem:$0xCEF0] =	vst v27;
	v27 =	vnsel vm8, $0x0, v63  }
0x156: {  	v28 =	vld.idx.msk [tilespmem:v28+s10+$0x0], $0xffff;
	v27 =	vmin.u32 v27, $0x13FF  }
0x157: {  	v27 =	vshll.u32 v27, $0x3;
	_ =	sdelay $0x3  }
0x158: {  	[tilespmem:$0xD070] =	vst v28  }
0x159: {  	v28 =	vld.idx.msk [tilespmem:v27+s10+$0x0], $0xffff  }
0x15a: {  	v32 =	vor.u32 $0x1, v27;
	_ =	sdelay $0x3  }
0x15b: {  	[tilespmem:$0xCC00] =	vst v28  }
0x15c: {  	v28 =	vld.idx.msk [tilespmem:v32+s10+$0x0], $0xffff  }
0x15d: {  	v33 =	vor.u32 $0x2, v27;
	_ =	sdelay $0x2  }
0x15e: {  	v34 =	vld [tilespmem:$0x2A90]  }
0x15f: {  	[tilespmem:$0xCD80] =	vst v28  }
0x160: {  	v28 =	vld.idx.msk [tilespmem:v33+s10+$0x0], $0xffff  }
0x161: {  	v27 =	vor.u32 $0x3, v27;
	_ =	sdelay $0x1  }
0x162: {  	v35 =	vsub.s32 v34, v26  }
0x163: {  	vm9 =	vgt.s32 v35, $0x0  }
0x164: {  	v36 =	vnsel vm9, $0x0, v35;
	[tilespmem:$0xCF00] =	vst v28  }
0x165: {  	v28 =	vmin.u32 v36, $0x13FF;
	v27 =	vld.idx.msk [tilespmem:v27+s10+$0x0], $0xffff  }
0x166: {  	v28 =	vshll.u32 v28, $0x3;
	_ =	sdelay $0x3  }
0x167: {  	[tilespmem:$0xD080] =	vst v27  }
0x168: {  	v27 =	vld.idx.msk [tilespmem:v28+s10+$0x0], $0xffff  }
0x169: {  	v37 =	vor.u32 $0x1, v28;
	_ =	sdelay $0x3  }
0x16a: {  	[tilespmem:$0xCC10] =	vst v27  }
0x16b: {  	v27 =	vld.idx.msk [tilespmem:v37+s10+$0x0], $0xffff  }
0x16c: {  	v38 =	vor.u32 $0x2, v28;
	_ =	sdelay $0x2  }
0x16d: {  	v39 =	vld [tilespmem:$0x2AA0]  }
0x16e: {  	[tilespmem:$0xCD90] =	vst v27  }
0x16f: {  	v27 =	vld.idx.msk [tilespmem:v38+s10+$0x0], $0xffff  }
0x170: {  	v28 =	vor.u32 $0x3, v28;
	_ =	sdelay $0x1  }
0x171: {  	v40 =	vsub.s32 v39, v26  }
0x172: {  	vm10 =	vgt.s32 v40, $0x0  }
0x173: {  	[tilespmem:$0xCF10] =	vst v27;
	v27 =	vnsel vm10, $0x0, v40  }
0x174: {  	v28 =	vld.idx.msk [tilespmem:v28+s10+$0x0], $0xffff;
	v27 =	vmin.u32 v27, $0x13FF  }
0x175: {  	v27 =	vshll.u32 v27, $0x3;
	_ =	sdelay $0x3  }
0x176: {  	[tilespmem:$0xD090] =	vst v28  }
0x177: {  	v28 =	vld.idx.msk [tilespmem:v27+s10+$0x0], $0xffff  }
0x178: {  	v41 =	vor.u32 $0x1, v27;
	_ =	sdelay $0x3  }
0x179: {  	[tilespmem:$0xCC20] =	vst v28  }
0x17a: {  	v28 =	vld.idx.msk [tilespmem:v41+s10+$0x0], $0xffff  }
0x17b: {  	v42 =	vor.u32 $0x2, v27;
	_ =	sdelay $0x2  }
0x17c: {  	v43 =	vld [tilespmem:$0x2AB0]  }
0x17d: {  	[tilespmem:$0xCDA0] =	vst v28  }
0x17e: {  	v28 =	vld.idx.msk [tilespmem:v42+s10+$0x0], $0xffff  }
0x17f: {  	v27 =	vor.u32 $0x3, v27;
	_ =	sdelay $0x1  }
0x180: {  	v44 =	vsub.s32 v43, v26  }
0x181: {  	vm11 =	vgt.s32 v44, $0x0  }
0x182: {  	v45 =	vnsel vm11, $0x0, v44;
	[tilespmem:$0xCF20] =	vst v28  }
0x183: {  	v28 =	vmin.u32 v45, $0x13FF;
	v27 =	vld.idx.msk [tilespmem:v27+s10+$0x0], $0xffff  }
0x184: {  	v28 =	vshll.u32 v28, $0x3;
	_ =	sdelay $0x3  }
0x185: {  	[tilespmem:$0xD0A0] =	vst v27  }
0x186: {  	v27 =	vld.idx.msk [tilespmem:v28+s10+$0x0], $0xffff  }
0x187: {  	v46 =	vor.u32 $0x1, v28;
	_ =	sdelay $0x3  }
0x188: {  	[tilespmem:$0xCC30] =	vst v27  }
0x189: {  	v27 =	vld.idx.msk [tilespmem:v46+s10+$0x0], $0xffff  }
0x18a: {  	v47 =	vor.u32 $0x2, v28;
	_ =	sdelay $0x2  }
0x18b: {  	v48 =	vld [tilespmem:$0x2AC0]  }
0x18c: {  	[tilespmem:$0xCDB0] =	vst v27  }
0x18d: {  	v27 =	vld.idx.msk [tilespmem:v47+s10+$0x0], $0xffff  }
0x18e: {  	v28 =	vor.u32 $0x3, v28;
	_ =	sdelay $0x1  }
0x18f: {  	v49 =	vsub.s32 v48, v26  }
0x190: {  	vm12 =	vgt.s32 v49, $0x0  }
0x191: {  	[tilespmem:$0xCF30] =	vst v27;
	v27 =	vnsel vm12, $0x0, v49  }
0x192: {  	v28 =	vld.idx.msk [tilespmem:v28+s10+$0x0], $0xffff;
	v27 =	vmin.u32 v27, $0x13FF  }
0x193: {  	v27 =	vshll.u32 v27, $0x3;
	_ =	sdelay $0x3  }
0x194: {  	[tilespmem:$0xD0B0] =	vst v28  }
0x195: {  	v28 =	vld.idx.msk [tilespmem:v27+s10+$0x0], $0xffff  }
0x196: {  	v50 =	vor.u32 $0x1, v27;
	_ =	sdelay $0x3  }
0x197: {  	[tilespmem:$0xCC40] =	vst v28  }
0x198: {  	v28 =	vld.idx.msk [tilespmem:v50+s10+$0x0], $0xffff  }
0x199: {  	v51 =	vor.u32 $0x2, v27;
	_ =	sdelay $0x2  }
0x19a: {  	v52 =	vld [tilespmem:$0x2AD0]  }
0x19b: {  	[tilespmem:$0xCDC0] =	vst v28  }
0x19c: {  	v28 =	vld.idx.msk [tilespmem:v51+s10+$0x0], $0xffff  }
0x19d: {  	v27 =	vor.u32 $0x3, v27;
	_ =	sdelay $0x1  }
0x19e: {  	v53 =	vsub.s32 v52, v26  }
0x19f: {  	vm13 =	vgt.s32 v53, $0x0  }
0x1a0: {  	v54 =	vnsel vm13, $0x0, v53;
	[tilespmem:$0xCF40] =	vst v28  }
0x1a1: {  	v28 =	vmin.u32 v54, $0x13FF;
	v27 =	vld.idx.msk [tilespmem:v27+s10+$0x0], $0xffff  }
0x1a2: {  	v28 =	vshll.u32 v28, $0x3;
	_ =	sdelay $0x3  }
0x1a3: {  	[tilespmem:$0xD0C0] =	vst v27  }
0x1a4: {  	v27 =	vld.idx.msk [tilespmem:v28+s10+$0x0], $0xffff  }
0x1a5: {  	v55 =	vor.u32 $0x1, v28;
	_ =	sdelay $0x3  }
0x1a6: {  	[tilespmem:$0xCC50] =	vst v27  }
0x1a7: {  	v27 =	vld.idx.msk [tilespmem:v55+s10+$0x0], $0xffff  }
0x1a8: {  	v56 =	vor.u32 $0x2, v28;
	_ =	sdelay $0x2  }
0x1a9: {  	v57 =	vld [tilespmem:$0x2AE0]  }
0x1aa: {  	[tilespmem:$0xCDD0] =	vst v27  }
0x1ab: {  	v27 =	vld.idx.msk [tilespmem:v56+s10+$0x0], $0xffff  }
0x1ac: {  	v28 =	vor.u32 $0x3, v28;
	_ =	sdelay $0x1  }
0x1ad: {  	v58 =	vsub.s32 v57, v26  }
0x1ae: {  	vm14 =	vgt.s32 v58, $0x0  }
0x1af: {  	[tilespmem:$0xCF50] =	vst v27;
	v27 =	vnsel vm14, $0x0, v58  }
0x1b0: {  	v28 =	vld.idx.msk [tilespmem:v28+s10+$0x0], $0xffff;
	v27 =	vmin.u32 v27, $0x13FF  }
0x1b1: {  	v27 =	vshll.u32 v27, $0x3;
	_ =	sdelay $0x3  }
0x1b2: {  	[tilespmem:$0xD0D0] =	vst v28  }
0x1b3: {  	v28 =	vld.idx.msk [tilespmem:v27+s10+$0x0], $0xffff  }
0x1b4: {  	v59 =	vor.u32 $0x1, v27;
	_ =	sdelay $0x3  }
0x1b5: {  	[tilespmem:$0xCC60] =	vst v28  }
0x1b6: {  	v28 =	vld.idx.msk [tilespmem:v59+s10+$0x0], $0xffff  }
0x1b7: {  	v60 =	vor.u32 $0x2, v27;
	_ =	sdelay $0x2  }
0x1b8: {  	v61 =	vld [tilespmem:$0x2AF0]  }
0x1b9: {  	[tilespmem:$0xCDE0] =	vst v28  }
0x1ba: {  	v28 =	vld.idx.msk [tilespmem:v60+s10+$0x0], $0xffff  }
0x1bb: {  	v27 =	vor.u32 $0x3, v27;
	_ =	sdelay $0x1  }
0x1bc: {  	v26 =	vsub.s32 v61, v26  }
0x1bd: {  	vm15 =	vgt.s32 v26, $0x0  }
0x1be: {  	v26 =	vnsel vm15, $0x0, v26;
	[tilespmem:$0xCF60] =	vst v28  }
0x1bf: {  	v26 =	vmin.u32 v26, $0x13FF;
	v27 =	vld.idx.msk [tilespmem:v27+s10+$0x0], $0xffff  }
0x1c0: {  	v26 =	vshll.u32 v26, $0x3;
	_ =	sdelay $0x3  }
0x1c1: {  	[tilespmem:$0xD0E0] =	vst v27  }
0x1c2: {  	v27 =	vld.idx.msk [tilespmem:v26+s10+$0x0], $0xffff  }
0x1c3: {  	v62 =	vor.u32 $0x1, v26;
	_ =	sdelay $0x3  }
0x1c4: {  	[tilespmem:$0xCC70] =	vst v27  }
0x1c5: {  	v27 =	vld.idx.msk [tilespmem:v62+s10+$0x0], $0xffff  }
0x1c6: {  	v63 =	vor.u32 $0x2, v26;
	_ =	sdelay $0x3  }
0x1c7: {  	[tilespmem:$0xCDF0] =	vst v27  }
0x1c8: {  	v27 =	vld.idx.msk [tilespmem:v63+s10+$0x0], $0xffff  }
0x1c9: {  	v26 =	vor.u32 $0x3, v26;
	_ =	sdelay $0x3  }
0x1ca: {  	[tilespmem:$0xCF70] =	vst v27  }
0x1cb: {  	v26 =	vld.idx.msk [tilespmem:v26+s10+$0x0], $0xffff;
	_ =	sdelay $0x2  }
0x1cc: {  	s29 =	smul.u32 $0x30, s22;
	_ =	sdelay $0x1  }
0x1cd: {  	s30 =	sadd.s32 s5, s29;
	[tilespmem:$0xD0F0] =	vst v26  }
0x1ce: {  	[hbm4b:s30+s2] =	stream.linear.scatter [tilespmem:s16], [sflag:$0x2], $0x180, $0x38;
	[tilespmem:$0xD100] =	vst v63  }
0x1cf: {  	_ =	swait.ge [sflag:s14], $0x180  }
0x1d0: {  	[sflag:s14] =	ssyncset.done $0x0  }
0x1d1: {  	s23 =	sadd.s32 s7, s29;
	[sflag:s14] =	ssyncadd.s32 $0xFFFFFE80  }
0x1d2: {  	[hbm4b:s23+s2] =	stream.linear.scatter [tilespmem:s17], [sflag:$0x2], $0x180, $0x38;
	[tilespmem:$0xD100] =	vst v63  }
0x1d3: {  	s31 =	smul.u32 $0xC0, s22;
	s21 =	sadd.s32 $0x1, s21;
	_ =	swait.ge [sflag:s14], $0x180  }
0x1d4: {  	p0 =	sne.s32 s21, $0x14;
	[sflag:s14] =	ssyncset.done $0x0  }
.Ltmp1:
0x1d5: {  	s22 =	sadd.s32 s8, s31;
	[sflag:s14] =	ssyncadd.s32 $0xFFFFFE80;
	(pc) =	sbr.rel @p0 .LBB2_2-.Ltmp1, $4  }
0x1d6: {  	[hbm4b:s22+s2] =	stream.linear.scatter [tilespmem:s18], [sflag:$0x1], $0x600, $0x38;
	[tilespmem:$0xD100] =	vst v63  }
0x1d7: {  	_ =	swait.ge [sflag:s13], $0x600  }
0x1d8: {  	[sflag:s13] =	ssyncset.done $0x0  }
0x1d9: {  	s20 =	sadd.s32 $0x1, s20;
	[sflag:s13] =	ssyncadd.s32 $0xFFFFFA00  }
0x1da: {  	s19 =	sadd.s32 $0x1, s19  }
0x1db: {  	p0 =	sne.s32 s19, s11  }
.Ltmp2:
0x1dc: {  	_ = 	snop;
	(pc) =	sbr.rel @p0 .LBB2_1-.Ltmp2, $1  }
0x1dd: {  	_ =	sdelay $0x3  }
0x1de: {  	_ =	sfence.sel $0x180000  }
0x1df: {  	[bflag:$0x0] =	sbarrier.arrive $0xFFFF  }
0x1e0: {  	p0 =	sne.s32 s1, $0x0;
	_ =	strace $0x90000047  }
0x1e1: {  	s0 =	sadd.s32 @!p0 $0x100000, s0;
	[bflag:$0x2] =	sbarrier.arrive $0xFFFF  }
0x1e2: {  	[sflag:s0] =	ssyncadd.tile.s32 @!p0 $0x1;
	_ =	shalt  }
.Lfunc_end2:
_tile_overlayer_lowered:
.L_overlay_start_2:
0x1e3: {  	(tag) =	ssettag $0x2  }
0x1e4: {  	s0 =	rddreg [dreg:$0x0];
	s2 =	stileid.u32  }
0x1e5: {  	s1 =	rddreg [dreg:$0x1];
	p0 =	sne.s32 s2, $0x0  }
0x1e6: {  	s3 =	rddreg [dreg:$0x2];
	[bflag:$0x3] =	sbarrier.arrive $0xFFFF;
	s2 =	simm.s32 @!p0 $0x1C01  }
0x1e7: {  	[timem:s3], [sflag:s2] =	dma.local @!p0 [hbm:s0], s1  }
0x1e8: {  	s0 =	simm.s32 @!p0 $0x1  }
0x1e9: {  	_ =	swait.ge @!p0 [sflag:s0], s1  }
0x1ea: {  	s1 =	ssub.s32 @!p0 $0x0, s1;
	[sflag:s0] =	ssyncset.done @!p0 $0x0  }
0x1eb: {  	[sflag:s0] =	ssyncadd.s32 @!p0 s1  }
0x1ec: {  	[bflag:$0x3] =	sbarrier.arrive $0xFFFF  }
0x1ed: {  	_ =	shalt  }

</sc_bundles>
